<compile_context>
chip_gen: v7x
topology: tpu7x:2x2x1
jax: 0.10.2.dev20260603
libtpu: 0.0.44.dev20260713+nightly
codegen_flags: <defaults>
</compile_context>

<pallas_src>
import functools

import jax
import jax.numpy as jnp
from jax import lax
from jax.experimental import pallas as pl
from jax.experimental.pallas import tpu as pltpu
from jax.experimental.pallas import tpu_sc as plsc

N = 10000
E = 320000
D_IN = 128
HID = 128
N_CLASSES = 64

NC = 2
NS = 16
NW = NC * NS
CH = 72
K = -(-E // (NW * CH))
C_TOT = NW * K
KA = (21 * C_TOT) // (40 * NS)
KB = C_TOT // NS - KA
E_PAD = C_TOT * CH
N_PAD = 10112
ROWS_PER_TILE = N_PAD // NS

_MESH = plsc.VectorSubcoreMesh(
    core_axis_name="c", subcore_axis_name="s", num_cores=NC, num_subcores=NS)


def _wid():
  return lax.axis_index("s") * NC + lax.axis_index("c")


def _deg_body(srcd_hbm, dstd_hbm, ones_hbm, zrow_hbm,
              dego0_out, dego1_out, degi0_out, degi1_out,
              sidx_v, didx_v, ones_v, dego_sh, degi_sh, sem):
  c = lax.axis_index("c")
  s = lax.axis_index("s")
  w = _wid()
  pltpu.sync_copy(srcd_hbm.at[w], sidx_v)
  pltpu.sync_copy(dstd_hbm.at[w], didx_v)
  pltpu.sync_copy(ones_hbm, ones_v)

  def on_slice(fn):
    @pl.when(s < 15)
    def _():
      fn(s * 640, 640)

    @pl.when(s == 15)
    def _():
      fn(9600, 512)

  def zero(off, n):
    pltpu.sync_copy(zrow_hbm.at[pl.ds(0, n)], dego_sh.at[pl.ds(off, n)])
    pltpu.sync_copy(zrow_hbm.at[pl.ds(0, n)], degi_sh.at[pl.ds(off, n)])

  on_slice(zero)
  plsc.subcore_barrier()

  def fire(j, carry):
    pltpu.async_copy(ones_v, dego_sh.at[sidx_v.at[j]], sem, add=True)
    pltpu.async_copy(ones_v, degi_sh.at[didx_v.at[j]], sem, add=True)
    return carry

  def drain(j, carry):
    pltpu.make_async_copy(ones_v, dego_sh.at[sidx_v.at[0]], sem).wait()
    pltpu.make_async_copy(ones_v, degi_sh.at[didx_v.at[0]], sem).wait()
    return carry

  lax.fori_loop(0, K, fire, 0)
  lax.fori_loop(0, K, drain, 0)
  plsc.subcore_barrier()

  def copy_out(off, n):
    sl = pl.ds(off, n)

    @pl.when(c == 0)
    def _():
      pltpu.sync_copy(dego_sh.at[sl], dego0_out.at[sl])
      pltpu.sync_copy(degi_sh.at[sl], degi0_out.at[sl])

    @pl.when(c == 1)
    def _():
      pltpu.sync_copy(dego_sh.at[sl], dego1_out.at[sl])
      pltpu.sync_copy(degi_sh.at[sl], degi1_out.at[sl])

  on_slice(copy_out)


_deg_kernel = functools.partial(
    pl.kernel,
    out_type=[jax.ShapeDtypeStruct((N_PAD,), jnp.float32),
              jax.ShapeDtypeStruct((N_PAD,), jnp.float32),
              jax.ShapeDtypeStruct((N_PAD,), jnp.float32),
              jax.ShapeDtypeStruct((N_PAD,), jnp.float32)],
    mesh=_MESH,
    scratch_types=[
        pltpu.VMEM((K, CH), jnp.int32),
        pltpu.VMEM((K, CH), jnp.int32),
        pltpu.VMEM((CH,), jnp.float32),
        pltpu.VMEM_SHARED((N_PAD,), jnp.float32),
        pltpu.VMEM_SHARED((N_PAD,), jnp.float32),
        pltpu.SemaphoreType.DMA,
    ])(_deg_body)


NB = 5
NIB = NB + 1


def _agg_body(h_hbm, eidx_hbm, zrows_hbm, parts_out,
              idx_v, rows_v, agg_sh, gsem, ssem, isem):
  c = lax.axis_index("c")
  s = lax.axis_index("s")
  base = s * ROWS_PER_TILE
  pltpu.sync_copy(zrows_hbm, agg_sh.at[pl.ds(base, ROWS_PER_TILE)])

  def idx_start(m, sl):
    pltpu.async_copy(eidx_hbm.at[m], idx_v.at[sl], isem.at[sl])

  def idx_wait(sl):
    pltpu.make_async_copy(eidx_hbm.at[0], idx_v.at[sl],
                          isem.at[sl]).wait()

  def g_start(hv, rb, sl):
    pltpu.async_copy(hv.at[idx_v.at[sl, 0]], rows_v.at[rb], gsem.at[rb])

  def g_wait(hv, rb):
    pltpu.make_async_copy(hv.at[idx_v.at[0, 0]], rows_v.at[rb],
                          gsem.at[rb]).wait()

  def s_start(rb, sl):
    pltpu.async_copy(rows_v.at[rb], agg_sh.at[idx_v.at[sl, 1]],
                     ssem.at[rb], add=True)

  def s_wait(rb):
    pltpu.make_async_copy(rows_v.at[0], agg_sh.at[idx_v.at[0, 1]],
                          ssem.at[rb]).wait()

  def run_chain(hv, start, kt):
    for m in range(NB):
      idx_start(start + m, m)
    for m in range(NB):
      idx_wait(m)
      g_start(hv, m, m)

    def step(j, carry):
      b = lax.rem(j, NB)
      sl = lax.rem(j, NIB)

      @pl.when(j >= 1)
      def _():
        s_wait(lax.rem(j + NB - 1, NB))

      g_wait(hv, b)
      s_start(b, sl)

      @pl.when(j + NB < kt)
      def _():
        idx_start(start + j + NB, lax.rem(j + NB, NIB))

      jg = j + NB - 1
      @pl.when((j >= 1) & (jg < kt))
      def _():
        idx_wait(lax.rem(jg, NIB))
        g_start(hv, lax.rem(jg, NB), lax.rem(jg, NIB))

      return carry

    lax.fori_loop(0, kt, step, 0)
    s_wait(lax.rem(kt - 1, NB))

  plsc.subcore_barrier()

  @pl.when(c == 0)
  def _():
    run_chain(h_hbm, s * KA, KA)

  @pl.when(c == 1)
  def _():
    run_chain(h_hbm, NS * KA + s * KB, KB)

  plsc.subcore_barrier()
  pltpu.sync_copy(agg_sh.at[pl.ds(base, ROWS_PER_TILE)],
                  parts_out.at[c, pl.ds(base, ROWS_PER_TILE)])


def _make_agg_kernel(dw):
  return functools.partial(
      pl.kernel,
      out_type=jax.ShapeDtypeStruct((NC, N_PAD, dw), jnp.float32),
      mesh=_MESH,
      scratch_types=[
          pltpu.VMEM((NIB, 2, CH), jnp.int32),
          pltpu.VMEM((NB, CH, dw), jnp.float32),
          pltpu.VMEM_SHARED((N_PAD, dw), jnp.float32),
          pltpu.SemaphoreType.DMA((NB,)),
          pltpu.SemaphoreType.DMA((NB,)),
          pltpu.SemaphoreType.DMA((NIB,)),
      ])(functools.partial(_agg_body))


_agg128 = _make_agg_kernel(HID)


_TC_R = 2528


def _norm(deg_ref):
  d = deg_ref[0] + deg_ref[1]
  return 1.0 / jnp.sqrt(jnp.maximum(d, 1.0))


def _tc_first_body(x_ref, dego_ref, w_ref, o_ref):
  o_ref[...] = jnp.dot(x_ref[...] * _norm(dego_ref), w_ref[...],
                       preferred_element_type=jnp.float32)


def _tc_mid_body(p_ref, degi_ref, dego_ref, b_ref, w_ref, o_ref):
  a = (p_ref[0] + p_ref[1]) * _norm(degi_ref) + b_ref[...]
  t = jnp.maximum(a, 0.0)
  o_ref[...] = jnp.dot(t * _norm(dego_ref), w_ref[...],
                       preferred_element_type=jnp.float32)


def _tc_scale_body(p_ref, degi_ref, dego_ref, b_ref, o_ref):
  a = (p_ref[0] + p_ref[1]) * _norm(degi_ref) + b_ref[...]
  o_ref[...] = jnp.maximum(a, 0.0) * _norm(dego_ref)


def _tc_last_body(p_ref, degi_ref, b_ref, w_ref, o_ref):
  o_ref[...] = (jnp.dot(p_ref[0] + p_ref[1], w_ref[...],
                        preferred_element_type=jnp.float32)
                * _norm(degi_ref) + b_ref[...])


def _row_spec(d):
  return pl.BlockSpec((_TC_R, d), lambda i: (i, 0))


def _parts_spec(d):
  return pl.BlockSpec((NC, _TC_R, d), lambda i: (0, i, 0))


def _full_spec(r, d):
  return pl.BlockSpec((r, d), lambda i: (0, 0))


_GRID = (N_PAD // _TC_R,)


def _tc_first(x, dego, w):
  return pl.pallas_call(
      _tc_first_body,
      grid=_GRID,
      in_specs=[_row_spec(D_IN), _parts_spec(1), _full_spec(D_IN, HID)],
      out_specs=_row_spec(HID),
      out_shape=jax.ShapeDtypeStruct((N_PAD, HID), jnp.float32),
  )(x, dego, w)


def _tc_mid(parts, degi, dego, b, w, dnext):
  return pl.pallas_call(
      _tc_mid_body,
      grid=_GRID,
      in_specs=[_parts_spec(HID), _parts_spec(1), _parts_spec(1),
                _full_spec(1, HID), _full_spec(HID, dnext)],
      out_specs=_row_spec(dnext),
      out_shape=jax.ShapeDtypeStruct((N_PAD, dnext), jnp.float32),
  )(parts, degi, dego, b, w)


def _tc_scale(parts, degi, dego, b):
  return pl.pallas_call(
      _tc_scale_body,
      grid=_GRID,
      in_specs=[_parts_spec(HID), _parts_spec(1), _parts_spec(1),
                _full_spec(1, HID)],
      out_specs=_row_spec(HID),
      out_shape=jax.ShapeDtypeStruct((N_PAD, HID), jnp.float32),
  )(parts, degi, dego, b)


def _tc_last(parts, degi, b, w):
  return pl.pallas_call(
      _tc_last_body,
      grid=_GRID,
      in_specs=[_parts_spec(HID), _parts_spec(1),
                _full_spec(1, N_CLASSES), _full_spec(HID, N_CLASSES)],
      out_specs=_row_spec(N_CLASSES),
      out_shape=jax.ShapeDtypeStruct((N_PAD, N_CLASSES), jnp.float32),
  )(parts, degi, b, w)


@jax.jit
def _run(x, edge_index, W1, b1, W2, b2, W3, b3):
  src = edge_index[0]
  dst = edge_index[1]
  pad = E_PAD - E
  src_g = jnp.concatenate([src, jnp.zeros((pad,), jnp.int32)])
  src_d = jnp.concatenate([src, jnp.full((pad,), N, jnp.int32)]
                          ).reshape(NW, K, CH)
  dst_flat = jnp.concatenate([dst, jnp.full((pad,), N, jnp.int32)])
  dst_d = dst_flat.reshape(NW, K, CH)
  ones = jnp.ones((CH,), jnp.float32)
  zrow = jnp.zeros((640,), jnp.float32)
  z128 = jnp.zeros((ROWS_PER_TILE, HID), jnp.float32)

  dego0, dego1, degi0, degi1 = _deg_kernel(src_d, dst_d, ones, zrow)
  dego = jnp.stack([dego0, dego1]).reshape(NC, N_PAD, 1)
  degi = jnp.stack([degi0, degi1]).reshape(NC, N_PAD, 1)

  eidx = jnp.stack([src_g.reshape(C_TOT, CH),
                    dst_flat.reshape(C_TOT, CH)], axis=1)

  h = _tc_first(x, dego, W1)
  p1 = _agg128(h, eidx, z128)
  h = _tc_mid(p1, degi, dego, b1.reshape(1, HID), W2, HID)
  p2 = _agg128(h, eidx, z128)
  h = _tc_scale(p2, degi, dego, b2.reshape(1, HID))
  p3 = _agg128(h, eidx, z128)
  out = _tc_last(p3, degi, b3.reshape(1, N_CLASSES), W3)
  return out[:N]


def kernel(x, edge_index, W1, b1, W2, b2, W3, b3):
  return _run(x, edge_index, W1, b1, W2, b2, W3, b3)

# --- scband reference (transcript-rebuilt; emitter-appended) ---
"""Pipeline reference for scband-cldgencoder-16037407884077 (READ-ONLY COPY).

The authoritative reference and input builder live on the scoring server;
editing this copy changes nothing except your own understanding.
"""

import jax, jax.numpy as jnp
import numpy as np

N = 10000
E = 320000
D_IN = 128
HID = 128
N_CLASSES = 64


def setup_inputs(seed: int = 0) -> dict:
    key = jax.random.key(seed)
    ks = jax.random.split(key, 10)
    x = jax.random.normal(ks[0], (N, D_IN), dtype=jnp.float32)
    edge_index = jax.random.randint(ks[1], (2, E), 0, N, dtype=jnp.int32)
    W1 = jax.random.normal(ks[2], (D_IN, HID), dtype=jnp.float32) * 0.1
    b1 = jnp.zeros((HID,), dtype=jnp.float32)
    W2 = jax.random.normal(ks[3], (HID, HID), dtype=jnp.float32) * 0.1
    b2 = jnp.zeros((HID,), dtype=jnp.float32)
    W3 = jax.random.normal(ks[4], (HID, N_CLASSES), dtype=jnp.float32) * 0.1
    b3 = jnp.zeros((N_CLASSES,), dtype=jnp.float32)
    return {"x": x, "edge_index": edge_index, "W1": W1, "b1": b1, "W2": W2, "b2": b2, "W3": W3, "b3": b3}


def _gcn_layer(x, src, dst, W, b, apply_relu):
    # DGL GraphConv with norm='both', allow_zero_in_degree=True:
    # scale src feats by out_degree^{-1/2}, linear transform, sum-aggregate
    # over edges, scale dst feats by in_degree^{-1/2}, add bias, activation.
    ones_e = jnp.ones((src.shape[0],), dtype=jnp.float32)
    deg_out = jax.ops.segment_sum(ones_e, src, num_segments=N)
    deg_in = jax.ops.segment_sum(ones_e, dst, num_segments=N)
    norm_src = jnp.power(jnp.clip(deg_out, 1.0, None), -0.5)
    norm_dst = jnp.power(jnp.clip(deg_in, 1.0, None), -0.5)
    h = x * norm_src[:, None]
    h = h @ W
    msgs = jnp.take(h, src, axis=0)
    agg = jax.ops.segment_sum(msgs, dst, num_segments=N)
    agg = agg * norm_dst[:, None]
    agg = agg + b
    if apply_relu:
        agg = jax.nn.relu(agg)
    return agg


def reference(x, edge_index, W1, b1, W2, b2, W3, b3):
    src = edge_index[0]
    dst = edge_index[1]
    h = _gcn_layer(x, src, dst, W1, b1, True)
    h = _gcn_layer(h, src, dst, W2, b2, True)
    h = _gcn_layer(h, src, dst, W3, b3, False)
    return h

if __name__ == "__main__":
    import jax
    _d = setup_inputs()
    print(jax.jit(kernel)(*tuple(_d.values())))

</pallas_src>

<mosaic_0001>
#map = affine_map<(d0, d1) -> (0, 0)>
#map1 = affine_map<(d0, d1) -> (0, 0, 0)>
module attributes {stable_mosaic.version = 14 : i64} {
  func.func @_agg_body(%arg0: i32, %arg1: i32, %arg2: memref<10112x128xf32, #tpu.memory_space<hbm>>, %arg3: memref<4448x2x72xi32, #tpu.memory_space<hbm>>, %arg4: memref<632x128xf32, #tpu.memory_space<hbm>>, %arg5: memref<2x10112x128xf32, #tpu.memory_space<hbm>>, %arg6: memref<6x2x72xi32, #tpu.memory_space<vmem>>, %arg7: memref<5x72x128xf32, #tpu.memory_space<vmem>>, %arg8: memref<10112x128xf32, #tpu.memory_space<vmem_shared>>, %arg9: memref<5x!tpu.dma_semaphore, #tpu.memory_space<semaphore_mem>>, %arg10: memref<5x!tpu.dma_semaphore, #tpu.memory_space<semaphore_mem>>, %arg11: memref<6x!tpu.dma_semaphore, #tpu.memory_space<semaphore_mem>>) attributes {dimension_semantics = [#tpu.dimension_semantics<core_parallel>, #tpu.dimension_semantics<subcore_parallel>], iteration_bounds = array<i64: 2, 16>, scalar_prefetch = 0 : i64, scratch_operands = 6 : i64, tpu.core_type = #tpu.core_type<sc_vector_subcore>, window_params = [{transform_indices = #map}, {transform_indices = #map1}, {transform_indices = #map}, {transform_indices = #map1}]} {
    %mul3A = arith.constant 632 : i32
    %mul3A_0 = arith.muli %arg1, %mul3A : i32
    "tpu.region"() ({
      %run_scoped3A = tpu.sem_alloc : memref<!tpu.dma_semaphore, #tpu.memory_space<semaphore_mem>>
      %dma_start3A = arith.constant 0 : i32
      %dma_start3A_9 = tpu.memref_slice %arg8[%mul3A_0, %dma_start3A] : memref<10112x128xf32, #tpu.memory_space<vmem_shared>> -> memref<632x128xf32, #tpu.memory_space<vmem_shared>>
      tpu.enqueue_dma source(%arg4 : memref<632x128xf32, #tpu.memory_space<hbm>>) target(%dma_start3A_9 : memref<632x128xf32, #tpu.memory_space<vmem_shared>>) target_semaphore(%run_scoped3A : memref<!tpu.dma_semaphore, #tpu.memory_space<semaphore_mem>>)
      %dma_wait3A = arith.constant 0 : i32
      %dma_wait3A_10 = tpu.memref_slice %arg8[%mul3A_0, %dma_wait3A] : memref<10112x128xf32, #tpu.memory_space<vmem_shared>> -> memref<632x128xf32, #tpu.memory_space<vmem_shared>>
      tpu.wait_dma2 semaphore(%run_scoped3A : memref<!tpu.dma_semaphore, #tpu.memory_space<semaphore_mem>>) src(%arg4 : memref<632x128xf32, #tpu.memory_space<hbm>>) dst(%dma_wait3A_10 : memref<632x128xf32, #tpu.memory_space<vmem_shared>>)
      tpu.yield
    }) : () -> ()
    %barrier3A = arith.constant 0 : index
    tpu.barrier barrier_id(%barrier3A)
    %eq3A = arith.constant 0 : i32
    %eq3A_1 = arith.cmpi eq, %arg0, %eq3A : i32
    %convert_element_type3A = arith.extui %eq3A_1 : i1 to i32
    %cond3A = arith.constant 0 : i32
    %cond3A_2 = arith.cmpi ne, %convert_element_type3A, %cond3A : i32
    scf.if %cond3A_2 {
      %mul3A_9 = arith.constant 145 : i32
      %mul3A_10 = arith.muli %arg1, %mul3A_9 : i32
      %add3A = arith.constant 0 : i32
      %add3A_11 = arith.addi %mul3A_10, %add3A : i32
      %dma_start3A = arith.constant 0 : i32
      %dma_start3A_12 = arith.constant 0 : i32
      %dma_start3A_13 = arith.constant 0 : i32
      %dma_start3A_14 = arith.constant 0 : i32
      %dma_start3A_15 = tpu.memref_slice %arg6[%dma_start3A, %dma_start3A_13, %dma_start3A_14] : memref<6x2x72xi32, #tpu.memory_space<vmem>> -> memref<1x2x72xi32, #tpu.memory_space<vmem>>
      %dma_start3A_16 = tpu.memref_squeeze %dma_start3A_15 : memref<1x2x72xi32, #tpu.memory_space<vmem>> -> memref<2x72xi32, #tpu.memory_space<vmem>>
      %dma_start3A_17 = arith.constant 0 : i32
      %dma_start3A_18 = arith.constant 0 : i32
      %dma_start3A_19 = tpu.memref_slice %arg3[%add3A_11, %dma_start3A_17, %dma_start3A_18] : memref<4448x2x72xi32, #tpu.memory_space<hbm>> -> memref<1x2x72xi32, #tpu.memory_space<hbm>>
      %dma_start3A_20 = tpu.memref_squeeze %dma_start3A_19 : memref<1x2x72xi32, #tpu.memory_space<hbm>> -> memref<2x72xi32, #tpu.memory_space<hbm>>
      %dma_start3A_21 = tpu.memref_slice %arg11[%dma_start3A_12] : memref<6x!tpu.dma_semaphore, #tpu.memory_space<semaphore_mem>> -> memref<1x!tpu.dma_semaphore, #tpu.memory_space<semaphore_mem>>
      %dma_start3A_22 = tpu.memref_squeeze %dma_start3A_21 : memref<1x!tpu.dma_semaphore, #tpu.memory_space<semaphore_mem>> -> memref<!tpu.dma_semaphore, #tpu.memory_space<semaphore_mem>>
      %dma_start3A_23 = arith.constant 0 : i32
      %dma_start3A_24 = arith.constant 0 : i32
      %dma_start3A_25 = tpu.memref_slice %arg6[%dma_start3A, %dma_start3A_23, %dma_start3A_24] : memref<6x2x72xi32, #tpu.memory_space<vmem>> -> memref<1x2x72xi32, #tpu.memory_space<vmem>>
      %dma_start3A_26 = tpu.memref_squeeze %dma_start3A_25 : memref<1x2x72xi32, #tpu.memory_space<vmem>> -> memref<2x72xi32, #tpu.memory_space<vmem>>
      %dma_start3A_27 = arith.constant 0 : i32
      %dma_start3A_28 = arith.constant 0 : i32
      %dma_start3A_29 = tpu.memref_slice %arg3[%add3A_11, %dma_start3A_27, %dma_start3A_28] : memref<4448x2x72xi32, #tpu.memory_space<hbm>> -> memref<1x2x72xi32, #tpu.memory_space<hbm>>
      %dma_start3A_30 = tpu.memref_squeeze %dma_start3A_29 : memref<1x2x72xi32, #tpu.memory_space<hbm>> -> memref<2x72xi32, #tpu.memory_space<hbm>>
      tpu.enqueue_dma source(%dma_start3A_30 : memref<2x72xi32, #tpu.memory_space<hbm>>) target(%dma_start3A_26 : memref<2x72xi32, #tpu.memory_space<vmem>>) target_semaphore(%dma_start3A_22 : memref<!tpu.dma_semaphore, #tpu.memory_space<semaphore_mem>>)
      %add3A_31 = arith.constant 1 : i32
      %add3A_32 = arith.addi %mul3A_10, %add3A_31 : i32
      %dma_start3A_33 = arith.constant 1 : i32
      %dma_start3A_34 = arith.constant 1 : i32
      %dma_start3A_35 = arith.constant 0 : i32
      %dma_start3A_36 = arith.constant 0 : i32
      %dma_start3A_37 = tpu.memref_slice %arg6[%dma_start3A_33, %dma_start3A_35, %dma_start3A_36] : memref<6x2x72xi32, #tpu.memory_space<vmem>> -> memref<1x2x72xi32, #tpu.memory_space<vmem>>
      %dma_start3A_38 = tpu.memref_squeeze %dma_start3A_37 : memref<1x2x72xi32, #tpu.memory_space<vmem>> -> memref<2x72xi32, #tpu.memory_space<vmem>>
      %dma_start3A_39 = arith.constant 0 : i32
      %dma_start3A_40 = arith.constant 0 : i32
      %dma_start3A_41 = tpu.memref_slice %arg3[%add3A_32, %dma_start3A_39, %dma_start3A_40] : memref<4448x2x72xi32, #tpu.memory_space<hbm>> -> memref<1x2x72xi32, #tpu.memory_space<hbm>>
      %dma_start3A_42 = tpu.memref_squeeze %dma_start3A_41 : memref<1x2x72xi32, #tpu.memory_space<hbm>> -> memref<2x72xi32, #tpu.memory_space<hbm>>
      %dma_start3A_43 = tpu.memref_slice %arg11[%dma_start3A_34] : memref<6x!tpu.dma_semaphore, #tpu.memory_space<semaphore_mem>> -> memref<1x!tpu.dma_semaphore, #tpu.memory_space<semaphore_mem>>
      %dma_start3A_44 = tpu.memref_squeeze %dma_start3A_43 : memref<1x!tpu.dma_semaphore, #tpu.memory_space<semaphore_mem>> -> memref<!tpu.dma_semaphore, #tpu.memory_space<semaphore_mem>>
      %dma_start3A_45 = arith.constant 0 : i32
      %dma_start3A_46 = arith.constant 0 : i32
      %dma_start3A_47 = tpu.memref_slice %arg6[%dma_start3A_33, %dma_start3A_45, %dma_start3A_46] : memref<6x2x72xi32, #tpu.memory_space<vmem>> -> memref<1x2x72xi32, #tpu.memory_space<vmem>>
      %dma_start3A_48 = tpu.memref_squeeze %dma_start3A_47 : memref<1x2x72xi32, #tpu.memory_space<vmem>> -> memref<2x72xi32, #tpu.memory_space<vmem>>
      %dma_start3A_49 = arith.constant 0 : i32
      %dma_start3A_50 = arith.constant 0 : i32
      %dma_start3A_51 = tpu.memref_slice %arg3[%add3A_32, %dma_start3A_49, %dma_start3A_50] : memref<4448x2x72xi32, #tpu.memory_space<hbm>> -> memref<1x2x72xi32, #tpu.memory_space<hbm>>
      %dma_start3A_52 = tpu.memref_squeeze %dma_start3A_51 : memref<1x2x72xi32, #tpu.memory_space<hbm>> -> memref<2x72xi32, #tpu.memory_space<hbm>>
      tpu.enqueue_dma source(%dma_start3A_52 : memref<2x72xi32, #tpu.memory_space<hbm>>) target(%dma_start3A_48 : memref<2x72xi32, #tpu.memory_space<vmem>>) target_semaphore(%dma_start3A_44 : memref<!tpu.dma_semaphore, #tpu.memory_space<semaphore_mem>>)
      %add3A_53 = arith.constant 2 : i32
      %add3A_54 = arith.addi %mul3A_10, %add3A_53 : i32
      %dma_start3A_55 = arith.constant 2 : i32
      %dma_start3A_56 = arith.constant 2 : i32
      %dma_start3A_57 = arith.constant 0 : i32
      %dma_start3A_58 = arith.constant 0 : i32
      %dma_start3A_59 = tpu.memref_slice %arg6[%dma_start3A_55, %dma_start3A_57, %dma_start3A_58] : memref<6x2x72xi32, #tpu.memory_space<vmem>> -> memref<1x2x72xi32, #tpu.memory_space<vmem>>
      %dma_start3A_60 = tpu.memref_squeeze %dma_start3A_59 : memref<1x2x72xi32, #tpu.memory_space<vmem>> -> memref<2x72xi32, #tpu.memory_space<vmem>>
      %dma_start3A_61 = arith.constant 0 : i32
      %dma_start3A_62 = arith.constant 0 : i32
      %dma_start3A_63 = tpu.memref_slice %arg3[%add3A_54, %dma_start3A_61, %dma_start3A_62] : memref<4448x2x72xi32, #tpu.memory_space<hbm>> -> memref<1x2x72xi32, #tpu.memory_space<hbm>>
      %dma_start3A_64 = tpu.memref_squeeze %dma_start3A_63 : memref<1x2x72xi32, #tpu.memory_space<hbm>> -> memref<2x72xi32, #tpu.memory_space<hbm>>
      %dma_start3A_65 = tpu.memref_slice %arg11[%dma_start3A_56] : memref<6x!tpu.dma_semaphore, #tpu.memory_space<semaphore_mem>> -> memref<1x!tpu.dma_semaphore, #tpu.memory_space<semaphore_mem>>
      %dma_start3A_66 = tpu.memref_squeeze %dma_start3A_65 : memref<1x!tpu.dma_semaphore, #tpu.memory_space<semaphore_mem>> -> memref<!tpu.dma_semaphore, #tpu.memory_space<semaphore_mem>>
      %dma_start3A_67 = arith.constant 0 : i32
      %dma_start3A_68 = arith.constant 0 : i32
      %dma_start3A_69 = tpu.memref_slice %arg6[%dma_start3A_55, %dma_start3A_67, %dma_start3A_68] : memref<6x2x72xi32, #tpu.memory_space<vmem>> -> memref<1x2x72xi32, #tpu.memory_space<vmem>>
      %dma_start3A_70 = tpu.memref_squeeze %dma_start3A_69 : memref<1x2x72xi32, #tpu.memory_space<vmem>> -> memref<2x72xi32, #tpu.memory_space<vmem>>
      %dma_start3A_71 = arith.constant 0 : i32
      %dma_start3A_72 = arith.constant 0 : i32
      %dma_start3A_73 = tpu.memref_slice %arg3[%add3A_54, %dma_start3A_71, %dma_start3A_72] : memref<4448x2x72xi32, #tpu.memory_space<hbm>> -> memref<1x2x72xi32, #tpu.memory_space<hbm>>
      %dma_start3A_74 = tpu.memref_squeeze %dma_start3A_73 : memref<1x2x72xi32, #tpu.memory_space<hbm>> -> memref<2x72xi32, #tpu.memory_space<hbm>>
      tpu.enqueue_dma source(%dma_start3A_74 : memref<2x72xi32, #tpu.memory_space<hbm>>) target(%dma_start3A_70 : memref<2x72xi32, #tpu.memory_space<vmem>>) target_semaphore(%dma_start3A_66 : memref<!tpu.dma_semaphore, #tpu.memory_space<semaphore_mem>>)
      %add3A_75 = arith.constant 3 : i32
      %add3A_76 = arith.addi %mul3A_10, %add3A_75 : i32
      %dma_start3A_77 = arith.constant 3 : i32
      %dma_start3A_78 = arith.constant 3 : i32
      %dma_start3A_79 = arith.constant 0 : i32
      %dma_start3A_80 = arith.constant 0 : i32
      %dma_start3A_81 = tpu.memref_slice %arg6[%dma_start3A_77, %dma_start3A_79, %dma_start3A_80] : memref<6x2x72xi32, #tpu.memory_space<vmem>> -> memref<1x2x72xi32, #tpu.memory_space<vmem>>
      %dma_start3A_82 = tpu.memref_squeeze %dma_start3A_81 : memref<1x2x72xi32, #tpu.memory_space<vmem>> -> memref<2x72xi32, #tpu.memory_space<vmem>>
      %dma_start3A_83 = arith.constant 0 : i32
      %dma_start3A_84 = arith.constant 0 : i32
      %dma_start3A_85 = tpu.memref_slice %arg3[%add3A_76, %dma_start3A_83, %dma_start3A_84] : memref<4448x2x72xi32, #tpu.memory_space<hbm>> -> memref<1x2x72xi32, #tpu.memory_space<hbm>>
      %dma_start3A_86 = tpu.memref_squeeze %dma_start3A_85 : memref<1x2x72xi32, #tpu.memory_space<hbm>> -> memref<2x72xi32, #tpu.memory_space<hbm>>
      %dma_start3A_87 = tpu.memref_slice %arg11[%dma_start3A_78] : memref<6x!tpu.dma_semaphore, #tpu.memory_space<semaphore_mem>> -> memref<1x!tpu.dma_semaphore, #tpu.memory_space<semaphore_mem>>
      %dma_start3A_88 = tpu.memref_squeeze %dma_start3A_87 : memref<1x!tpu.dma_semaphore, #tpu.memory_space<semaphore_mem>> -> memref<!tpu.dma_semaphore, #tpu.memory_space<semaphore_mem>>
      %dma_start3A_89 = arith.constant 0 : i32
      %dma_start3A_90 = arith.constant 0 : i32
      %dma_start3A_91 = tpu.memref_slice %arg6[%dma_start3A_77, %dma_start3A_89, %dma_start3A_90] : memref<6x2x72xi32, #tpu.memory_space<vmem>> -> memref<1x2x72xi32, #tpu.memory_space<vmem>>
      %dma_start3A_92 = tpu.memref_squeeze %dma_start3A_91 : memref<1x2x72xi32, #tpu.memory_space<vmem>> -> memref<2x72xi32, #tpu.memory_space<vmem>>
      %dma_start3A_93 = arith.constant 0 : i32
      %dma_start3A_94 = arith.constant 0 : i32
      %dma_start3A_95 = tpu.memref_slice %arg3[%add3A_76, %dma_start3A_93, %dma_start3A_94] : memref<4448x2x72xi32, #tpu.memory_space<hbm>> -> memref<1x2x72xi32, #tpu.memory_space<hbm>>
      %dma_start3A_96 = tpu.memref_squeeze %dma_start3A_95 : memref<1x2x72xi32, #tpu.memory_space<hbm>> -> memref<2x72xi32, #tpu.memory_space<hbm>>
      tpu.enqueue_dma source(%dma_start3A_96 : memref<2x72xi32, #tpu.memory_space<hbm>>) target(%dma_start3A_92 : memref<2x72xi32, #tpu.memory_space<vmem>>) target_semaphore(%dma_start3A_88 : memref<!tpu.dma_semaphore, #tpu.memory_space<semaphore_mem>>)
      %add3A_97 = arith.constant 4 : i32
      %add3A_98 = arith.addi %mul3A_10, %add3A_97 : i32
      %dma_start3A_99 = arith.constant 4 : i32
      %dma_start3A_100 = arith.constant 4 : i32
      %dma_start3A_101 = arith.constant 0 : i32
      %dma_start3A_102 = arith.constant 0 : i32
      %dma_start3A_103 = tpu.memref_slice %arg6[%dma_start3A_99, %dma_start3A_101, %dma_start3A_102] : memref<6x2x72xi32, #tpu.memory_space<vmem>> -> memref<1x2x72xi32, #tpu.memory_space<vmem>>
      %dma_start3A_104 = tpu.memref_squeeze %dma_start3A_103 : memref<1x2x72xi32, #tpu.memory_space<vmem>> -> memref<2x72xi32, #tpu.memory_space<vmem>>
      %dma_start3A_105 = arith.constant 0 : i32
      %dma_start3A_106 = arith.constant 0 : i32
      %dma_start3A_107 = tpu.memref_slice %arg3[%add3A_98, %dma_start3A_105, %dma_start3A_106] : memref<4448x2x72xi32, #tpu.memory_space<hbm>> -> memref<1x2x72xi32, #tpu.memory_space<hbm>>
      %dma_start3A_108 = tpu.memref_squeeze %dma_start3A_107 : memref<1x2x72xi32, #tpu.memory_space<hbm>> -> memref<2x72xi32, #tpu.memory_space<hbm>>
      %dma_start3A_109 = tpu.memref_slice %arg11[%dma_start3A_100] : memref<6x!tpu.dma_semaphore, #tpu.memory_space<semaphore_mem>> -> memref<1x!tpu.dma_semaphore, #tpu.memory_space<semaphore_mem>>
      %dma_start3A_110 = tpu.memref_squeeze %dma_start3A_109 : memref<1x!tpu.dma_semaphore, #tpu.memory_space<semaphore_mem>> -> memref<!tpu.dma_semaphore, #tpu.memory_space<semaphore_mem>>
      %dma_start3A_111 = arith.constant 0 : i32
      %dma_start3A_112 = arith.constant 0 : i32
      %dma_start3A_113 = tpu.memref_slice %arg6[%dma_start3A_99, %dma_start3A_111, %dma_start3A_112] : memref<6x2x72xi32, #tpu.memory_space<vmem>> -> memref<1x2x72xi32, #tpu.memory_space<vmem>>
      %dma_start3A_114 = tpu.memref_squeeze %dma_start3A_113 : memref<1x2x72xi32, #tpu.memory_space<vmem>> -> memref<2x72xi32, #tpu.memory_space<vmem>>
      %dma_start3A_115 = arith.constant 0 : i32
      %dma_start3A_116 = arith.constant 0 : i32
      %dma_start3A_117 = tpu.memref_slice %arg3[%add3A_98, %dma_start3A_115, %dma_start3A_116] : memref<4448x2x72xi32, #tpu.memory_space<hbm>> -> memref<1x2x72xi32, #tpu.memory_space<hbm>>
      %dma_start3A_118 = tpu.memref_squeeze %dma_start3A_117 : memref<1x2x72xi32, #tpu.memory_space<hbm>> -> memref<2x72xi32, #tpu.memory_space<hbm>>
      tpu.enqueue_dma source(%dma_start3A_118 : memref<2x72xi32, #tpu.memory_space<hbm>>) target(%dma_start3A_114 : memref<2x72xi32, #tpu.memory_space<vmem>>) target_semaphore(%dma_start3A_110 : memref<!tpu.dma_semaphore, #tpu.memory_space<semaphore_mem>>)
      %dma_wait3A = arith.constant 0 : i32
      %dma_wait3A_119 = arith.constant 0 : i32
      %dma_wait3A_120 = arith.constant 0 : i32
      %dma_wait3A_121 = arith.constant 0 : i32
      %dma_wait3A_122 = arith.constant 0 : i32
      %dma_wait3A_123 = tpu.memref_slice %arg6[%dma_wait3A_119, %dma_wait3A_121, %dma_wait3A_122] : memref<6x2x72xi32, #tpu.memory_space<vmem>> -> memref<1x2x72xi32, #tpu.memory_space<vmem>>
      %dma_wait3A_124 = tpu.memref_squeeze %dma_wait3A_123 : memref<1x2x72xi32, #tpu.memory_space<vmem>> -> memref<2x72xi32, #tpu.memory_space<vmem>>
      %dma_wait3A_125 = arith.constant 0 : i32
      %dma_wait3A_126 = arith.constant 0 : i32
      %dma_wait3A_127 = tpu.memref_slice %arg3[%dma_wait3A, %dma_wait3A_125, %dma_wait3A_126] : memref<4448x2x72xi32, #tpu.memory_space<hbm>> -> memref<1x2x72xi32, #tpu.memory_space<hbm>>
      %dma_wait3A_128 = tpu.memref_squeeze %dma_wait3A_127 : memref<1x2x72xi32, #tpu.memory_space<hbm>> -> memref<2x72xi32, #tpu.memory_space<hbm>>
      %dma_wait3A_129 = tpu.memref_slice %arg11[%dma_wait3A_120] : memref<6x!tpu.dma_semaphore, #tpu.memory_space<semaphore_mem>> -> memref<1x!tpu.dma_semaphore, #tpu.memory_space<semaphore_mem>>
      %dma_wait3A_130 = tpu.memref_squeeze %dma_wait3A_129 : memref<1x!tpu.dma_semaphore, #tpu.memory_space<semaphore_mem>> -> memref<!tpu.dma_semaphore, #tpu.memory_space<semaphore_mem>>
      %dma_wait3A_131 = arith.constant 0 : i32
      %dma_wait3A_132 = arith.constant 0 : i32
      %dma_wait3A_133 = tpu.memref_slice %arg6[%dma_wait3A_119, %dma_wait3A_131, %dma_wait3A_132] : memref<6x2x72xi32, #tpu.memory_space<vmem>> -> memref<1x2x72xi32, #tpu.memory_space<vmem>>
      %dma_wait3A_134 = tpu.memref_squeeze %dma_wait3A_133 : memref<1x2x72xi32, #tpu.memory_space<vmem>> -> memref<2x72xi32, #tpu.memory_space<vmem>>
      %dma_wait3A_135 = arith.constant 0 : i32
      %dma_wait3A_136 = arith.constant 0 : i32
      %dma_wait3A_137 = tpu.memref_slice %arg3[%dma_wait3A, %dma_wait3A_135, %dma_wait3A_136] : memref<4448x2x72xi32, #tpu.memory_space<hbm>> -> memref<1x2x72xi32, #tpu.memory_space<hbm>>
      %dma_wait3A_138 = tpu.memref_squeeze %dma_wait3A_137 : memref<1x2x72xi32, #tpu.memory_space<hbm>> -> memref<2x72xi32, #tpu.memory_space<hbm>>
      tpu.wait_dma2 semaphore(%dma_wait3A_130 : memref<!tpu.dma_semaphore, #tpu.memory_space<semaphore_mem>>) src(%dma_wait3A_138 : memref<2x72xi32, #tpu.memory_space<hbm>>) dst(%dma_wait3A_134 : memref<2x72xi32, #tpu.memory_space<vmem>>)
      %dma_start3A_139 = arith.constant 0 : i32
      %dma_start3A_140 = arith.constant 0 : i32
      %dma_start3A_141 = arith.constant 0 : i32
      %dma_start3A_142 = arith.constant 0 : i32
      %dma_start3A_143 = arith.constant 0 : i32
      %dma_start3A_144 = arith.constant 0 : i32
      %dma_start3A_145 = tpu.memref_slice %arg7[%dma_start3A_141, %dma_start3A_143, %dma_start3A_144] : memref<5x72x128xf32, #tpu.memory_space<vmem>> -> memref<1x72x128xf32, #tpu.memory_space<vmem>>
      %dma_start3A_146 = tpu.memref_squeeze %dma_start3A_145 : memref<1x72x128xf32, #tpu.memory_space<vmem>> -> memref<72x128xf32, #tpu.memory_space<vmem>>
      %dma_start3A_147 = arith.constant 0 : i32
      %dma_start3A_148 = tpu.memref_slice %arg6[%dma_start3A_139, %dma_start3A_140, %dma_start3A_147] : memref<6x2x72xi32, #tpu.memory_space<vmem>> -> memref<1x1x72xi32, #tpu.memory_space<vmem>>
      %dma_start3A_149 = tpu.memref_squeeze %dma_start3A_148 : memref<1x1x72xi32, #tpu.memory_space<vmem>> -> memref<72xi32, #tpu.memory_space<vmem>>
      %dma_start3A_150 = arith.constant 0 : i32
      %dma_start3A_151 = arith.constant 0 : i32
      %dma_start3A_152 = tpu.memref_slice %arg2[%dma_start3A_150, %dma_start3A_151] : memref<10112x128xf32, #tpu.memory_space<hbm>> -> memref<10112x128xf32, #tpu.memory_space<hbm>>
      %dma_start3A_153 = tpu.memref_slice %arg9[%dma_start3A_142] : memref<5x!tpu.dma_semaphore, #tpu.memory_space<semaphore_mem>> -> memref<1x!tpu.dma_semaphore, #tpu.memory_space<semaphore_mem>>
      %dma_start3A_154 = tpu.memref_squeeze %dma_start3A_153 : memref<1x!tpu.dma_semaphore, #tpu.memory_space<semaphore_mem>> -> memref<!tpu.dma_semaphore, #tpu.memory_space<semaphore_mem>>
      tpu.enqueue_indirect_dma source(%dma_start3A_152 : memref<10112x128xf32, #tpu.memory_space<hbm>>) target(%dma_start3A_146 : memref<72x128xf32, #tpu.memory_space<vmem>>) offsets(%dma_start3A_149 : memref<72xi32, #tpu.memory_space<vmem>>) semaphore(%dma_start3A_154 : memref<!tpu.dma_semaphore, #tpu.memory_space<semaphore_mem>>)
      %dma_wait3A_155 = arith.constant 0 : i32
      %dma_wait3A_156 = arith.constant 1 : i32
      %dma_wait3A_157 = arith.constant 1 : i32
      %dma_wait3A_158 = arith.constant 0 : i32
      %dma_wait3A_159 = arith.constant 0 : i32
      %dma_wait3A_160 = tpu.memref_slice %arg6[%dma_wait3A_156, %dma_wait3A_158, %dma_wait3A_159] : memref<6x2x72xi32, #tpu.memory_space<vmem>> -> memref<1x2x72xi32, #tpu.memory_space<vmem>>
      %dma_wait3A_161 = tpu.memref_squeeze %dma_wait3A_160 : memref<1x2x72xi32, #tpu.memory_space<vmem>> -> memref<2x72xi32, #tpu.memory_space<vmem>>
      %dma_wait3A_162 = arith.constant 0 : i32
      %dma_wait3A_163 = arith.constant 0 : i32
      %dma_wait3A_164 = tpu.memref_slice %arg3[%dma_wait3A_155, %dma_wait3A_162, %dma_wait3A_163] : memref<4448x2x72xi32, #tpu.memory_space<hbm>> -> memref<1x2x72xi32, #tpu.memory_space<hbm>>
      %dma_wait3A_165 = tpu.memref_squeeze %dma_wait3A_164 : memref<1x2x72xi32, #tpu.memory_space<hbm>> -> memref<2x72xi32, #tpu.memory_space<hbm>>
      %dma_wait3A_166 = tpu.memref_slice %arg11[%dma_wait3A_157] : memref<6x!tpu.dma_semaphore, #tpu.memory_space<semaphore_mem>> -> memref<1x!tpu.dma_semaphore, #tpu.memory_space<semaphore_mem>>
      %dma_wait3A_167 = tpu.memref_squeeze %dma_wait3A_166 : memref<1x!tpu.dma_semaphore, #tpu.memory_space<semaphore_mem>> -> memref<!tpu.dma_semaphore, #tpu.memory_space<semaphore_mem>>
      %dma_wait3A_168 = arith.constant 0 : i32
      %dma_wait3A_169 = arith.constant 0 : i32
      %dma_wait3A_170 = tpu.memref_slice %arg6[%dma_wait3A_156, %dma_wait3A_168, %dma_wait3A_169] : memref<6x2x72xi32, #tpu.memory_space<vmem>> -> memref<1x2x72xi32, #tpu.memory_space<vmem>>
      %dma_wait3A_171 = tpu.memref_squeeze %dma_wait3A_170 : memref<1x2x72xi32, #tpu.memory_space<vmem>> -> memref<2x72xi32, #tpu.memory_space<vmem>>
      %dma_wait3A_172 = arith.constant 0 : i32
      %dma_wait3A_173 = arith.constant 0 : i32
      %dma_wait3A_174 = tpu.memref_slice %arg3[%dma_wait3A_155, %dma_wait3A_172, %dma_wait3A_173] : memref<4448x2x72xi32, #tpu.memory_space<hbm>> -> memref<1x2x72xi32, #tpu.memory_space<hbm>>
      %dma_wait3A_175 = tpu.memref_squeeze %dma_wait3A_174 : memref<1x2x72xi32, #tpu.memory_space<hbm>> -> memref<2x72xi32, #tpu.memory_space<hbm>>
      tpu.wait_dma2 semaphore(%dma_wait3A_167 : memref<!tpu.dma_semaphore, #tpu.memory_space<semaphore_mem>>) src(%dma_wait3A_175 : memref<2x72xi32, #tpu.memory_space<hbm>>) dst(%dma_wait3A_171 : memref<2x72xi32, #tpu.memory_space<vmem>>)
      %dma_start3A_176 = arith.constant 1 : i32
      %dma_start3A_177 = arith.constant 0 : i32
      %dma_start3A_178 = arith.constant 1 : i32
      %dma_start3A_179 = arith.constant 1 : i32
      %dma_start3A_180 = arith.constant 0 : i32
      %dma_start3A_181 = arith.constant 0 : i32
      %dma_start3A_182 = tpu.memref_slice %arg7[%dma_start3A_178, %dma_start3A_180, %dma_start3A_181] : memref<5x72x128xf32, #tpu.memory_space<vmem>> -> memref<1x72x128xf32, #tpu.memory_space<vmem>>
      %dma_start3A_183 = tpu.memref_squeeze %dma_start3A_182 : memref<1x72x128xf32, #tpu.memory_space<vmem>> -> memref<72x128xf32, #tpu.memory_space<vmem>>
      %dma_start3A_184 = arith.constant 0 : i32
      %dma_start3A_185 = tpu.memref_slice %arg6[%dma_start3A_176, %dma_start3A_177, %dma_start3A_184] : memref<6x2x72xi32, #tpu.memory_space<vmem>> -> memref<1x1x72xi32, #tpu.memory_space<vmem>>
      %dma_start3A_186 = tpu.memref_squeeze %dma_start3A_185 : memref<1x1x72xi32, #tpu.memory_space<vmem>> -> memref<72xi32, #tpu.memory_space<vmem>>
      %dma_start3A_187 = arith.constant 0 : i32
      %dma_start3A_188 = arith.constant 0 : i32
      %dma_start3A_189 = tpu.memref_slice %arg2[%dma_start3A_187, %dma_start3A_188] : memref<10112x128xf32, #tpu.memory_space<hbm>> -> memref<10112x128xf32, #tpu.memory_space<hbm>>
      %dma_start3A_190 = tpu.memref_slice %arg9[%dma_start3A_179] : memref<5x!tpu.dma_semaphore, #tpu.memory_space<semaphore_mem>> -> memref<1x!tpu.dma_semaphore, #tpu.memory_space<semaphore_mem>>
      %dma_start3A_191 = tpu.memref_squeeze %dma_start3A_190 : memref<1x!tpu.dma_semaphore, #tpu.memory_space<semaphore_mem>> -> memref<!tpu.dma_semaphore, #tpu.memory_space<semaphore_mem>>
      tpu.enqueue_indirect_dma source(%dma_start3A_189 : memref<10112x128xf32, #tpu.memory_space<hbm>>) target(%dma_start3A_183 : memref<72x128xf32, #tpu.memory_space<vmem>>) offsets(%dma_start3A_186 : memref<72xi32, #tpu.memory_space<vmem>>) semaphore(%dma_start3A_191 : memref<!tpu.dma_semaphore, #tpu.memory_space<semaphore_mem>>)
      %dma_wait3A_192 = arith.constant 0 : i32
      %dma_wait3A_193 = arith.constant 2 : i32
      %dma_wait3A_194 = arith.constant 2 : i32
      %dma_wait3A_195 = arith.constant 0 : i32
      %dma_wait3A_196 = arith.constant 0 : i32
      %dma_wait3A_197 = tpu.memref_slice %arg6[%dma_wait3A_193, %dma_wait3A_195, %dma_wait3A_196] : memref<6x2x72xi32, #tpu.memory_space<vmem>> -> memref<1x2x72xi32, #tpu.memory_space<vmem>>
      %dma_wait3A_198 = tpu.memref_squeeze %dma_wait3A_197 : memref<1x2x72xi32, #tpu.memory_space<vmem>> -> memref<2x72xi32, #tpu.memory_space<vmem>>
      %dma_wait3A_199 = arith.constant 0 : i32
      %dma_wait3A_200 = arith.constant 0 : i32
      %dma_wait3A_201 = tpu.memref_slice %arg3[%dma_wait3A_192, %dma_wait3A_199, %dma_wait3A_200] : memref<4448x2x72xi32, #tpu.memory_space<hbm>> -> memref<1x2x72xi32, #tpu.memory_space<hbm>>
      %dma_wait3A_202 = tpu.memref_squeeze %dma_wait3A_201 : memref<1x2x72xi32, #tpu.memory_space<hbm>> -> memref<2x72xi32, #tpu.memory_space<hbm>>
      %dma_wait3A_203 = tpu.memref_slice %arg11[%dma_wait3A_194] : memref<6x!tpu.dma_semaphore, #tpu.memory_space<semaphore_mem>> -> memref<1x!tpu.dma_semaphore, #tpu.memory_space<semaphore_mem>>
      %dma_wait3A_204 = tpu.memref_squeeze %dma_wait3A_203 : memref<1x!tpu.dma_semaphore, #tpu.memory_space<semaphore_mem>> -> memref<!tpu.dma_semaphore, #tpu.memory_space<semaphore_mem>>
      %dma_wait3A_205 = arith.constant 0 : i32
      %dma_wait3A_206 = arith.constant 0 : i32
      %dma_wait3A_207 = tpu.memref_slice %arg6[%dma_wait3A_193, %dma_wait3A_205, %dma_wait3A_206] : memref<6x2x72xi32, #tpu.memory_space<vmem>> -> memref<1x2x72xi32, #tpu.memory_space<vmem>>
      %dma_wait3A_208 = tpu.memref_squeeze %dma_wait3A_207 : memref<1x2x72xi32, #tpu.memory_space<vmem>> -> memref<2x72xi32, #tpu.memory_space<vmem>>
      %dma_wait3A_209 = arith.constant 0 : i32
      %dma_wait3A_210 = arith.constant 0 : i32
      %dma_wait3A_211 = tpu.memref_slice %arg3[%dma_wait3A_192, %dma_wait3A_209, %dma_wait3A_210] : memref<4448x2x72xi32, #tpu.memory_space<hbm>> -> memref<1x2x72xi32, #tpu.memory_space<hbm>>
      %dma_wait3A_212 = tpu.memref_squeeze %dma_wait3A_211 : memref<1x2x72xi32, #tpu.memory_space<hbm>> -> memref<2x72xi32, #tpu.memory_space<hbm>>
      tpu.wait_dma2 semaphore(%dma_wait3A_204 : memref<!tpu.dma_semaphore, #tpu.memory_space<semaphore_mem>>) src(%dma_wait3A_212 : memref<2x72xi32, #tpu.memory_space<hbm>>) dst(%dma_wait3A_208 : memref<2x72xi32, #tpu.memory_space<vmem>>)
      %dma_start3A_213 = arith.constant 2 : i32
      %dma_start3A_214 = arith.constant 0 : i32
      %dma_start3A_215 = arith.constant 2 : i32
      %dma_start3A_216 = arith.constant 2 : i32
      %dma_start3A_217 = arith.constant 0 : i32
      %dma_start3A_218 = arith.constant 0 : i32
      %dma_start3A_219 = tpu.memref_slice %arg7[%dma_start3A_215, %dma_start3A_217, %dma_start3A_218] : memref<5x72x128xf32, #tpu.memory_space<vmem>> -> memref<1x72x128xf32, #tpu.memory_space<vmem>>
      %dma_start3A_220 = tpu.memref_squeeze %dma_start3A_219 : memref<1x72x128xf32, #tpu.memory_space<vmem>> -> memref<72x128xf32, #tpu.memory_space<vmem>>
      %dma_start3A_221 = arith.constant 0 : i32
      %dma_start3A_222 = tpu.memref_slice %arg6[%dma_start3A_213, %dma_start3A_214, %dma_start3A_221] : memref<6x2x72xi32, #tpu.memory_space<vmem>> -> memref<1x1x72xi32, #tpu.memory_space<vmem>>
      %dma_start3A_223 = tpu.memref_squeeze %dma_start3A_222 : memref<1x1x72xi32, #tpu.memory_space<vmem>> -> memref<72xi32, #tpu.memory_space<vmem>>
      %dma_start3A_224 = arith.constant 0 : i32
      %dma_start3A_225 = arith.constant 0 : i32
      %dma_start3A_226 = tpu.memref_slice %arg2[%dma_start3A_224, %dma_start3A_225] : memref<10112x128xf32, #tpu.memory_space<hbm>> -> memref<10112x128xf32, #tpu.memory_space<hbm>>
      %dma_start3A_227 = tpu.memref_slice %arg9[%dma_start3A_216] : memref<5x!tpu.dma_semaphore, #tpu.memory_space<semaphore_mem>> -> memref<1x!tpu.dma_semaphore, #tpu.memory_space<semaphore_mem>>
      %dma_start3A_228 = tpu.memref_squeeze %dma_start3A_227 : memref<1x!tpu.dma_semaphore, #tpu.memory_space<semaphore_mem>> -> memref<!tpu.dma_semaphore, #tpu.memory_space<semaphore_mem>>
      tpu.enqueue_indirect_dma source(%dma_start3A_226 : memref<10112x128xf32, #tpu.memory_space<hbm>>) target(%dma_start3A_220 : memref<72x128xf32, #tpu.memory_space<vmem>>) offsets(%dma_start3A_223 : memref<72xi32, #tpu.memory_space<vmem>>) semaphore(%dma_start3A_228 : memref<!tpu.dma_semaphore, #tpu.memory_space<semaphore_mem>>)
      %dma_wait3A_229 = arith.constant 0 : i32
      %dma_wait3A_230 = arith.constant 3 : i32
      %dma_wait3A_231 = arith.constant 3 : i32
      %dma_wait3A_232 = arith.constant 0 : i32
      %dma_wait3A_233 = arith.constant 0 : i32
      %dma_wait3A_234 = tpu.memref_slice %arg6[%dma_wait3A_230, %dma_wait3A_232, %dma_wait3A_233] : memref<6x2x72xi32, #tpu.memory_space<vmem>> -> memref<1x2x72xi32, #tpu.memory_space<vmem>>
      %dma_wait3A_235 = tpu.memref_squeeze %dma_wait3A_234 : memref<1x2x72xi32, #tpu.memory_space<vmem>> -> memref<2x72xi32, #tpu.memory_space<vmem>>
      %dma_wait3A_236 = arith.constant 0 : i32
      %dma_wait3A_237 = arith.constant 0 : i32
      %dma_wait3A_238 = tpu.memref_slice %arg3[%dma_wait3A_229, %dma_wait3A_236, %dma_wait3A_237] : memref<4448x2x72xi32, #tpu.memory_space<hbm>> -> memref<1x2x72xi32, #tpu.memory_space<hbm>>
      %dma_wait3A_239 = tpu.memref_squeeze %dma_wait3A_238 : memref<1x2x72xi32, #tpu.memory_space<hbm>> -> memref<2x72xi32, #tpu.memory_space<hbm>>
      %dma_wait3A_240 = tpu.memref_slice %arg11[%dma_wait3A_231] : memref<6x!tpu.dma_semaphore, #tpu.memory_space<semaphore_mem>> -> memref<1x!tpu.dma_semaphore, #tpu.memory_space<semaphore_mem>>
      %dma_wait3A_241 = tpu.memref_squeeze %dma_wait3A_240 : memref<1x!tpu.dma_semaphore, #tpu.memory_space<semaphore_mem>> -> memref<!tpu.dma_semaphore, #tpu.memory_space<semaphore_mem>>
      %dma_wait3A_242 = arith.constant 0 : i32
      %dma_wait3A_243 = arith.constant 0 : i32
      %dma_wait3A_244 = tpu.memref_slice %arg6[%dma_wait3A_230, %dma_wait3A_242, %dma_wait3A_243] : memref<6x2x72xi32, #tpu.memory_space<vmem>> -> memref<1x2x72xi32, #tpu.memory_space<vmem>>
      %dma_wait3A_245 = tpu.memref_squeeze %dma_wait3A_244 : memref<1x2x72xi32, #tpu.memory_space<vmem>> -> memref<2x72xi32, #tpu.memory_space<vmem>>
      %dma_wait3A_246 = arith.constant 0 : i32
      %dma_wait3A_247 = arith.constant 0 : i32
      %dma_wait3A_248 = tpu.memref_slice %arg3[%dma_wait3A_229, %dma_wait3A_246, %dma_wait3A_247] : memref<4448x2x72xi32, #tpu.memory_space<hbm>> -> memref<1x2x72xi32, #tpu.memory_space<hbm>>
      %dma_wait3A_249 = tpu.memref_squeeze %dma_wait3A_248 : memref<1x2x72xi32, #tpu.memory_space<hbm>> -> memref<2x72xi32, #tpu.memory_space<hbm>>
      tpu.wait_dma2 semaphore(%dma_wait3A_241 : memref<!tpu.dma_semaphore, #tpu.memory_space<semaphore_mem>>) src(%dma_wait3A_249 : memref<2x72xi32, #tpu.memory_space<hbm>>) dst(%dma_wait3A_245 : memref<2x72xi32, #tpu.memory_space<vmem>>)
      %dma_start3A_250 = arith.constant 3 : i32
      %dma_start3A_251 = arith.constant 0 : i32
      %dma_start3A_252 = arith.constant 3 : i32
      %dma_start3A_253 = arith.constant 3 : i32
      %dma_start3A_254 = arith.constant 0 : i32
      %dma_start3A_255 = arith.constant 0 : i32
      %dma_start3A_256 = tpu.memref_slice %arg7[%dma_start3A_252, %dma_start3A_254, %dma_start3A_255] : memref<5x72x128xf32, #tpu.memory_space<vmem>> -> memref<1x72x128xf32, #tpu.memory_space<vmem>>
      %dma_start3A_257 = tpu.memref_squeeze %dma_start3A_256 : memref<1x72x128xf32, #tpu.memory_space<vmem>> -> memref<72x128xf32, #tpu.memory_space<vmem>>
      %dma_start3A_258 = arith.constant 0 : i32
      %dma_start3A_259 = tpu.memref_slice %arg6[%dma_start3A_250, %dma_start3A_251, %dma_start3A_258] : memref<6x2x72xi32, #tpu.memory_space<vmem>> -> memref<1x1x72xi32, #tpu.memory_space<vmem>>
      %dma_start3A_260 = tpu.memref_squeeze %dma_start3A_259 : memref<1x1x72xi32, #tpu.memory_space<vmem>> -> memref<72xi32, #tpu.memory_space<vmem>>
      %dma_start3A_261 = arith.constant 0 : i32
      %dma_start3A_262 = arith.constant 0 : i32
      %dma_start3A_263 = tpu.memref_slice %arg2[%dma_start3A_261, %dma_start3A_262] : memref<10112x128xf32, #tpu.memory_space<hbm>> -> memref<10112x128xf32, #tpu.memory_space<hbm>>
      %dma_start3A_264 = tpu.memref_slice %arg9[%dma_start3A_253] : memref<5x!tpu.dma_semaphore, #tpu.memory_space<semaphore_mem>> -> memref<1x!tpu.dma_semaphore, #tpu.memory_space<semaphore_mem>>
      %dma_start3A_265 = tpu.memref_squeeze %dma_start3A_264 : memref<1x!tpu.dma_semaphore, #tpu.memory_space<semaphore_mem>> -> memref<!tpu.dma_semaphore, #tpu.memory_space<semaphore_mem>>
      tpu.enqueue_indirect_dma source(%dma_start3A_263 : memref<10112x128xf32, #tpu.memory_space<hbm>>) target(%dma_start3A_257 : memref<72x128xf32, #tpu.memory_space<vmem>>) offsets(%dma_start3A_260 : memref<72xi32, #tpu.memory_space<vmem>>) semaphore(%dma_start3A_265 : memref<!tpu.dma_semaphore, #tpu.memory_space<semaphore_mem>>)
      %dma_wait3A_266 = arith.constant 0 : i32
      %dma_wait3A_267 = arith.constant 4 : i32
      %dma_wait3A_268 = arith.constant 4 : i32
      %dma_wait3A_269 = arith.constant 0 : i32
      %dma_wait3A_270 = arith.constant 0 : i32
      %dma_wait3A_271 = tpu.memref_slice %arg6[%dma_wait3A_267, %dma_wait3A_269, %dma_wait3A_270] : memref<6x2x72xi32, #tpu.memory_space<vmem>> -> memref<1x2x72xi32, #tpu.memory_space<vmem>>
      %dma_wait3A_272 = tpu.memref_squeeze %dma_wait3A_271 : memref<1x2x72xi32, #tpu.memory_space<vmem>> -> memref<2x72xi32, #tpu.memory_space<vmem>>
      %dma_wait3A_273 = arith.constant 0 : i32
      %dma_wait3A_274 = arith.constant 0 : i32
      %dma_wait3A_275 = tpu.memref_slice %arg3[%dma_wait3A_266, %dma_wait3A_273, %dma_wait3A_274] : memref<4448x2x72xi32, #tpu.memory_space<hbm>> -> memref<1x2x72xi32, #tpu.memory_space<hbm>>
      %dma_wait3A_276 = tpu.memref_squeeze %dma_wait3A_275 : memref<1x2x72xi32, #tpu.memory_space<hbm>> -> memref<2x72xi32, #tpu.memory_space<hbm>>
      %dma_wait3A_277 = tpu.memref_slice %arg11[%dma_wait3A_268] : memref<6x!tpu.dma_semaphore, #tpu.memory_space<semaphore_mem>> -> memref<1x!tpu.dma_semaphore, #tpu.memory_space<semaphore_mem>>
      %dma_wait3A_278 = tpu.memref_squeeze %dma_wait3A_277 : memref<1x!tpu.dma_semaphore, #tpu.memory_space<semaphore_mem>> -> memref<!tpu.dma_semaphore, #tpu.memory_space<semaphore_mem>>
      %dma_wait3A_279 = arith.constant 0 : i32
      %dma_wait3A_280 = arith.constant 0 : i32
      %dma_wait3A_281 = tpu.memref_slice %arg6[%dma_wait3A_267, %dma_wait3A_279, %dma_wait3A_280] : memref<6x2x72xi32, #tpu.memory_space<vmem>> -> memref<1x2x72xi32, #tpu.memory_space<vmem>>
      %dma_wait3A_282 = tpu.memref_squeeze %dma_wait3A_281 : memref<1x2x72xi32, #tpu.memory_space<vmem>> -> memref<2x72xi32, #tpu.memory_space<vmem>>
      %dma_wait3A_283 = arith.constant 0 : i32
      %dma_wait3A_284 = arith.constant 0 : i32
      %dma_wait3A_285 = tpu.memref_slice %arg3[%dma_wait3A_266, %dma_wait3A_283, %dma_wait3A_284] : memref<4448x2x72xi32, #tpu.memory_space<hbm>> -> memref<1x2x72xi32, #tpu.memory_space<hbm>>
      %dma_wait3A_286 = tpu.memref_squeeze %dma_wait3A_285 : memref<1x2x72xi32, #tpu.memory_space<hbm>> -> memref<2x72xi32, #tpu.memory_space<hbm>>
      tpu.wait_dma2 semaphore(%dma_wait3A_278 : memref<!tpu.dma_semaphore, #tpu.memory_space<semaphore_mem>>) src(%dma_wait3A_286 : memref<2x72xi32, #tpu.memory_space<hbm>>) dst(%dma_wait3A_282 : memref<2x72xi32, #tpu.memory_space<vmem>>)
      %dma_start3A_287 = arith.constant 4 : i32
      %dma_start3A_288 = arith.constant 0 : i32
      %dma_start3A_289 = arith.constant 4 : i32
      %dma_start3A_290 = arith.constant 4 : i32
      %dma_start3A_291 = arith.constant 0 : i32
      %dma_start3A_292 = arith.constant 0 : i32
      %dma_start3A_293 = tpu.memref_slice %arg7[%dma_start3A_289, %dma_start3A_291, %dma_start3A_292] : memref<5x72x128xf32, #tpu.memory_space<vmem>> -> memref<1x72x128xf32, #tpu.memory_space<vmem>>
      %dma_start3A_294 = tpu.memref_squeeze %dma_start3A_293 : memref<1x72x128xf32, #tpu.memory_space<vmem>> -> memref<72x128xf32, #tpu.memory_space<vmem>>
      %dma_start3A_295 = arith.constant 0 : i32
      %dma_start3A_296 = tpu.memref_slice %arg6[%dma_start3A_287, %dma_start3A_288, %dma_start3A_295] : memref<6x2x72xi32, #tpu.memory_space<vmem>> -> memref<1x1x72xi32, #tpu.memory_space<vmem>>
      %dma_start3A_297 = tpu.memref_squeeze %dma_start3A_296 : memref<1x1x72xi32, #tpu.memory_space<vmem>> -> memref<72xi32, #tpu.memory_space<vmem>>
      %dma_start3A_298 = arith.constant 0 : i32
      %dma_start3A_299 = arith.constant 0 : i32
      %dma_start3A_300 = tpu.memref_slice %arg2[%dma_start3A_298, %dma_start3A_299] : memref<10112x128xf32, #tpu.memory_space<hbm>> -> memref<10112x128xf32, #tpu.memory_space<hbm>>
      %dma_start3A_301 = tpu.memref_slice %arg9[%dma_start3A_290] : memref<5x!tpu.dma_semaphore, #tpu.memory_space<semaphore_mem>> -> memref<1x!tpu.dma_semaphore, #tpu.memory_space<semaphore_mem>>
      %dma_start3A_302 = tpu.memref_squeeze %dma_start3A_301 : memref<1x!tpu.dma_semaphore, #tpu.memory_space<semaphore_mem>> -> memref<!tpu.dma_semaphore, #tpu.memory_space<semaphore_mem>>
      tpu.enqueue_indirect_dma source(%dma_start3A_300 : memref<10112x128xf32, #tpu.memory_space<hbm>>) target(%dma_start3A_294 : memref<72x128xf32, #tpu.memory_space<vmem>>) offsets(%dma_start3A_297 : memref<72xi32, #tpu.memory_space<vmem>>) semaphore(%dma_start3A_302 : memref<!tpu.dma_semaphore, #tpu.memory_space<semaphore_mem>>)
      %scan3A = arith.constant 0 : i32
      %scan3A_303 = arith.constant 0 : i32
      %scan3A_304 = arith.constant 145 : i32
      %scan3A_305 = arith.addi %scan3A_303, %scan3A_304 : i32
      %scan3A_306 = arith.constant 1 : i32
      scf.for %scan3A_325 = %scan3A_303 to %scan3A_305 step %scan3A_306  : i32 {
        %rem3A_326 = arith.constant 5 : i32
        %rem3A_327 = arith.remsi %scan3A_325, %rem3A_326 : i32
        %rem3A_328 = arith.constant 6 : i32
        %rem3A_329 = arith.remsi %scan3A_325, %rem3A_328 : i32
        %ge3A = arith.constant 1 : i32
        %ge3A_330 = arith.cmpi sge, %scan3A_325, %ge3A : i32
        %convert_element_type3A_331 = arith.extui %ge3A_330 : i1 to i32
        %cond3A_332 = arith.constant 0 : i32
        %cond3A_333 = arith.cmpi ne, %convert_element_type3A_331, %cond3A_332 : i32
        scf.if %cond3A_333 {
          %add3A_377 = arith.constant 5 : i32
          %add3A_378 = arith.addi %scan3A_325, %add3A_377 : i32
          %sub3A_379 = arith.constant 1 : i32
          %sub3A_380 = arith.subi %add3A_378, %sub3A_379 : i32
          %rem3A_381 = arith.constant 5 : i32
          %rem3A_382 = arith.remsi %sub3A_380, %rem3A_381 : i32
          %dma_wait3A_383 = arith.constant 0 : i32
          %dma_wait3A_384 = arith.constant 0 : i32
          %dma_wait3A_385 = arith.constant 1 : i32
          %dma_wait3A_386 = arith.constant 0 : i32
          %dma_wait3A_387 = arith.constant 0 : i32
          %dma_wait3A_388 = tpu.memref_slice %arg7[%dma_wait3A_383, %dma_wait3A_386, %dma_wait3A_387] : memref<5x72x128xf32, #tpu.memory_space<vmem>> -> memref<1x72x128xf32, #tpu.memory_space<vmem>>
          %dma_wait3A_389 = tpu.memref_squeeze %dma_wait3A_388 : memref<1x72x128xf32, #tpu.memory_space<vmem>> -> memref<72x128xf32, #tpu.memory_space<vmem>>
          %dma_wait3A_390 = arith.constant 0 : i32
          %dma_wait3A_391 = tpu.memref_slice %arg6[%dma_wait3A_384, %dma_wait3A_385, %dma_wait3A_390] : memref<6x2x72xi32, #tpu.memory_space<vmem>> -> memref<1x1x72xi32, #tpu.memory_space<vmem>>
          %dma_wait3A_392 = tpu.memref_squeeze %dma_wait3A_391 : memref<1x1x72xi32, #tpu.memory_space<vmem>> -> memref<72xi32, #tpu.memory_space<vmem>>
          %dma_wait3A_393 = arith.constant 0 : i32
          %dma_wait3A_394 = arith.constant 0 : i32
          %dma_wait3A_395 = tpu.memref_slice %arg8[%dma_wait3A_393, %dma_wait3A_394] : memref<10112x128xf32, #tpu.memory_space<vmem_shared>> -> memref<10112x128xf32, #tpu.memory_space<vmem_shared>>
          %dma_wait3A_396 = tpu.memref_slice %arg10[%rem3A_382] : memref<5x!tpu.dma_semaphore, #tpu.memory_space<semaphore_mem>> -> memref<1x!tpu.dma_semaphore, #tpu.memory_space<semaphore_mem>>
          %dma_wait3A_397 = tpu.memref_squeeze %dma_wait3A_396 : memref<1x!tpu.dma_semaphore, #tpu.memory_space<semaphore_mem>> -> memref<!tpu.dma_semaphore, #tpu.memory_space<semaphore_mem>>
          tpu.wait_indirect_dma semaphore(%dma_wait3A_397 : memref<!tpu.dma_semaphore, #tpu.memory_space<semaphore_mem>>) src(%dma_wait3A_389 : memref<72x128xf32, #tpu.memory_space<vmem>>) dst(%dma_wait3A_395 : memref<10112x128xf32, #tpu.memory_space<vmem_shared>>)
        } else {
        }
        %dma_wait3A_334 = arith.constant 0 : i32
        %dma_wait3A_335 = arith.constant 0 : i32
        %dma_wait3A_336 = arith.constant 0 : i32
        %dma_wait3A_337 = arith.constant 0 : i32
        %dma_wait3A_338 = tpu.memref_slice %arg7[%rem3A_327, %dma_wait3A_336, %dma_wait3A_337] : memref<5x72x128xf32, #tpu.memory_space<vmem>> -> memref<1x72x128xf32, #tpu.memory_space<vmem>>
        %dma_wait3A_339 = tpu.memref_squeeze %dma_wait3A_338 : memref<1x72x128xf32, #tpu.memory_space<vmem>> -> memref<72x128xf32, #tpu.memory_space<vmem>>
        %dma_wait3A_340 = arith.constant 0 : i32
        %dma_wait3A_341 = tpu.memref_slice %arg6[%dma_wait3A_334, %dma_wait3A_335, %dma_wait3A_340] : memref<6x2x72xi32, #tpu.memory_space<vmem>> -> memref<1x1x72xi32, #tpu.memory_space<vmem>>
        %dma_wait3A_342 = tpu.memref_squeeze %dma_wait3A_341 : memref<1x1x72xi32, #tpu.memory_space<vmem>> -> memref<72xi32, #tpu.memory_space<vmem>>
        %dma_wait3A_343 = arith.constant 0 : i32
        %dma_wait3A_344 = arith.constant 0 : i32
        %dma_wait3A_345 = tpu.memref_slice %arg2[%dma_wait3A_343, %dma_wait3A_344] : memref<10112x128xf32, #tpu.memory_space<hbm>> -> memref<10112x128xf32, #tpu.memory_space<hbm>>
        %dma_wait3A_346 = tpu.memref_slice %arg9[%rem3A_327] : memref<5x!tpu.dma_semaphore, #tpu.memory_space<semaphore_mem>> -> memref<1x!tpu.dma_semaphore, #tpu.memory_space<semaphore_mem>>
        %dma_wait3A_347 = tpu.memref_squeeze %dma_wait3A_346 : memref<1x!tpu.dma_semaphore, #tpu.memory_space<semaphore_mem>> -> memref<!tpu.dma_semaphore, #tpu.memory_space<semaphore_mem>>
        tpu.wait_indirect_dma semaphore(%dma_wait3A_347 : memref<!tpu.dma_semaphore, #tpu.memory_space<semaphore_mem>>) src(%dma_wait3A_345 : memref<10112x128xf32, #tpu.memory_space<hbm>>) dst(%dma_wait3A_339 : memref<72x128xf32, #tpu.memory_space<vmem>>)
        %dma_start3A_348 = arith.constant 1 : i32
        %dma_start3A_349 = arith.constant 0 : i32
        %dma_start3A_350 = arith.constant 0 : i32
        %dma_start3A_351 = tpu.memref_slice %arg7[%rem3A_327, %dma_start3A_349, %dma_start3A_350] : memref<5x72x128xf32, #tpu.memory_space<vmem>> -> memref<1x72x128xf32, #tpu.memory_space<vmem>>
        %dma_start3A_352 = tpu.memref_squeeze %dma_start3A_351 : memref<1x72x128xf32, #tpu.memory_space<vmem>> -> memref<72x128xf32, #tpu.memory_space<vmem>>
        %dma_start3A_353 = arith.constant 0 : i32
        %dma_start3A_354 = tpu.memref_slice %arg6[%rem3A_329, %dma_start3A_348, %dma_start3A_353] : memref<6x2x72xi32, #tpu.memory_space<vmem>> -> memref<1x1x72xi32, #tpu.memory_space<vmem>>
        %dma_start3A_355 = tpu.memref_squeeze %dma_start3A_354 : memref<1x1x72xi32, #tpu.memory_space<vmem>> -> memref<72xi32, #tpu.memory_space<vmem>>
        %dma_start3A_356 = arith.constant 0 : i32
        %dma_start3A_357 = arith.constant 0 : i32
        %dma_start3A_358 = tpu.memref_slice %arg8[%dma_start3A_356, %dma_start3A_357] : memref<10112x128xf32, #tpu.memory_space<vmem_shared>> -> memref<10112x128xf32, #tpu.memory_space<vmem_shared>>
        %dma_start3A_359 = tpu.memref_slice %arg10[%rem3A_327] : memref<5x!tpu.dma_semaphore, #tpu.memory_space<semaphore_mem>> -> memref<1x!tpu.dma_semaphore, #tpu.memory_space<semaphore_mem>>
        %dma_start3A_360 = tpu.memref_squeeze %dma_start3A_359 : memref<1x!tpu.dma_semaphore, #tpu.memory_space<semaphore_mem>> -> memref<!tpu.dma_semaphore, #tpu.memory_space<semaphore_mem>>
        tpu.enqueue_indirect_dma source(%dma_start3A_352 : memref<72x128xf32, #tpu.memory_space<vmem>>) target(%dma_start3A_358 : memref<10112x128xf32, #tpu.memory_space<vmem_shared>>) offsets(%dma_start3A_355 : memref<72xi32, #tpu.memory_space<vmem>>) semaphore(%dma_start3A_360 : memref<!tpu.dma_semaphore, #tpu.memory_space<semaphore_mem>>) {add = true}
        %add3A_361 = arith.constant 5 : i32
        %add3A_362 = arith.addi %scan3A_325, %add3A_361 : i32
        %lt3A = arith.constant 145 : i32
        %lt3A_363 = arith.cmpi slt, %add3A_362, %lt3A : i32
        %convert_element_type3A_364 = arith.extui %lt3A_363 : i1 to i32
        %cond3A_365 = arith.constant 0 : i32
        %cond3A_366 = arith.cmpi ne, %convert_element_type3A_364, %cond3A_365 : i32
        scf.if %cond3A_366 {
          %add3A_377 = arith.addi %mul3A_10, %scan3A_325 : i32
          %add3A_378 = arith.constant 5 : i32
          %add3A_379 = arith.addi %add3A_377, %add3A_378 : i32
          %add3A_380 = arith.constant 5 : i32
          %add3A_381 = arith.addi %scan3A_325, %add3A_380 : i32
          %rem3A_382 = arith.constant 6 : i32
          %rem3A_383 = arith.remsi %add3A_381, %rem3A_382 : i32
          %dma_start3A_384 = arith.constant 0 : i32
          %dma_start3A_385 = arith.constant 0 : i32
          %dma_start3A_386 = tpu.memref_slice %arg6[%rem3A_383, %dma_start3A_384, %dma_start3A_385] : memref<6x2x72xi32, #tpu.memory_space<vmem>> -> memref<1x2x72xi32, #tpu.memory_space<vmem>>
          %dma_start3A_387 = tpu.memref_squeeze %dma_start3A_386 : memref<1x2x72xi32, #tpu.memory_space<vmem>> -> memref<2x72xi32, #tpu.memory_space<vmem>>
          %dma_start3A_388 = arith.constant 0 : i32
          %dma_start3A_389 = arith.constant 0 : i32
          %dma_start3A_390 = tpu.memref_slice %arg3[%add3A_379, %dma_start3A_388, %dma_start3A_389] : memref<4448x2x72xi32, #tpu.memory_space<hbm>> -> memref<1x2x72xi32, #tpu.memory_space<hbm>>
          %dma_start3A_391 = tpu.memref_squeeze %dma_start3A_390 : memref<1x2x72xi32, #tpu.memory_space<hbm>> -> memref<2x72xi32, #tpu.memory_space<hbm>>
          %dma_start3A_392 = tpu.memref_slice %arg11[%rem3A_383] : memref<6x!tpu.dma_semaphore, #tpu.memory_space<semaphore_mem>> -> memref<1x!tpu.dma_semaphore, #tpu.memory_space<semaphore_mem>>
          %dma_start3A_393 = tpu.memref_squeeze %dma_start3A_392 : memref<1x!tpu.dma_semaphore, #tpu.memory_space<semaphore_mem>> -> memref<!tpu.dma_semaphore, #tpu.memory_space<semaphore_mem>>
          %dma_start3A_394 = arith.constant 0 : i32
          %dma_start3A_395 = arith.constant 0 : i32
          %dma_start3A_396 = tpu.memref_slice %arg6[%rem3A_383, %dma_start3A_394, %dma_start3A_395] : memref<6x2x72xi32, #tpu.memory_space<vmem>> -> memref<1x2x72xi32, #tpu.memory_space<vmem>>
          %dma_start3A_397 = tpu.memref_squeeze %dma_start3A_396 : memref<1x2x72xi32, #tpu.memory_space<vmem>> -> memref<2x72xi32, #tpu.memory_space<vmem>>
          %dma_start3A_398 = arith.constant 0 : i32
          %dma_start3A_399 = arith.constant 0 : i32
          %dma_start3A_400 = tpu.memref_slice %arg3[%add3A_379, %dma_start3A_398, %dma_start3A_399] : memref<4448x2x72xi32, #tpu.memory_space<hbm>> -> memref<1x2x72xi32, #tpu.memory_space<hbm>>
          %dma_start3A_401 = tpu.memref_squeeze %dma_start3A_400 : memref<1x2x72xi32, #tpu.memory_space<hbm>> -> memref<2x72xi32, #tpu.memory_space<hbm>>
          tpu.enqueue_dma source(%dma_start3A_401 : memref<2x72xi32, #tpu.memory_space<hbm>>) target(%dma_start3A_397 : memref<2x72xi32, #tpu.memory_space<vmem>>) target_semaphore(%dma_start3A_393 : memref<!tpu.dma_semaphore, #tpu.memory_space<semaphore_mem>>)
        } else {
        }
        %add3A_367 = arith.constant 5 : i32
        %add3A_368 = arith.addi %scan3A_325, %add3A_367 : i32
        %sub3A = arith.constant 1 : i32
        %sub3A_369 = arith.subi %add3A_368, %sub3A : i32
        %ge3A_370 = arith.constant 1 : i32
        %ge3A_371 = arith.cmpi sge, %scan3A_325, %ge3A_370 : i32
        %lt3A_372 = arith.constant 145 : i32
        %lt3A_373 = arith.cmpi slt, %sub3A_369, %lt3A_372 : i32
        %and3A = arith.andi %ge3A_371, %lt3A_373 : i1
        %convert_element_type3A_374 = arith.extui %and3A : i1 to i32
        %cond3A_375 = arith.constant 0 : i32
        %cond3A_376 = arith.cmpi ne, %convert_element_type3A_374, %cond3A_375 : i32
        scf.if %cond3A_376 {
          %rem3A_377 = arith.constant 6 : i32
          %rem3A_378 = arith.remsi %sub3A_369, %rem3A_377 : i32
          %dma_wait3A_379 = arith.constant 0 : i32
          %dma_wait3A_380 = arith.constant 0 : i32
          %dma_wait3A_381 = arith.constant 0 : i32
          %dma_wait3A_382 = tpu.memref_slice %arg6[%rem3A_378, %dma_wait3A_380, %dma_wait3A_381] : memref<6x2x72xi32, #tpu.memory_space<vmem>> -> memref<1x2x72xi32, #tpu.memory_space<vmem>>
          %dma_wait3A_383 = tpu.memref_squeeze %dma_wait3A_382 : memref<1x2x72xi32, #tpu.memory_space<vmem>> -> memref<2x72xi32, #tpu.memory_space<vmem>>
          %dma_wait3A_384 = arith.constant 0 : i32
          %dma_wait3A_385 = arith.constant 0 : i32
          %dma_wait3A_386 = tpu.memref_slice %arg3[%dma_wait3A_379, %dma_wait3A_384, %dma_wait3A_385] : memref<4448x2x72xi32, #tpu.memory_space<hbm>> -> memref<1x2x72xi32, #tpu.memory_space<hbm>>
          %dma_wait3A_387 = tpu.memref_squeeze %dma_wait3A_386 : memref<1x2x72xi32, #tpu.memory_space<hbm>> -> memref<2x72xi32, #tpu.memory_space<hbm>>
          %dma_wait3A_388 = tpu.memref_slice %arg11[%rem3A_378] : memref<6x!tpu.dma_semaphore, #tpu.memory_space<semaphore_mem>> -> memref<1x!tpu.dma_semaphore, #tpu.memory_space<semaphore_mem>>
          %dma_wait3A_389 = tpu.memref_squeeze %dma_wait3A_388 : memref<1x!tpu.dma_semaphore, #tpu.memory_space<semaphore_mem>> -> memref<!tpu.dma_semaphore, #tpu.memory_space<semaphore_mem>>
          %dma_wait3A_390 = arith.constant 0 : i32
          %dma_wait3A_391 = arith.constant 0 : i32
          %dma_wait3A_392 = tpu.memref_slice %arg6[%rem3A_378, %dma_wait3A_390, %dma_wait3A_391] : memref<6x2x72xi32, #tpu.memory_space<vmem>> -> memref<1x2x72xi32, #tpu.memory_space<vmem>>
          %dma_wait3A_393 = tpu.memref_squeeze %dma_wait3A_392 : memref<1x2x72xi32, #tpu.memory_space<vmem>> -> memref<2x72xi32, #tpu.memory_space<vmem>>
          %dma_wait3A_394 = arith.constant 0 : i32
          %dma_wait3A_395 = arith.constant 0 : i32
          %dma_wait3A_396 = tpu.memref_slice %arg3[%dma_wait3A_379, %dma_wait3A_394, %dma_wait3A_395] : memref<4448x2x72xi32, #tpu.memory_space<hbm>> -> memref<1x2x72xi32, #tpu.memory_space<hbm>>
          %dma_wait3A_397 = tpu.memref_squeeze %dma_wait3A_396 : memref<1x2x72xi32, #tpu.memory_space<hbm>> -> memref<2x72xi32, #tpu.memory_space<hbm>>
          tpu.wait_dma2 semaphore(%dma_wait3A_389 : memref<!tpu.dma_semaphore, #tpu.memory_space<semaphore_mem>>) src(%dma_wait3A_397 : memref<2x72xi32, #tpu.memory_space<hbm>>) dst(%dma_wait3A_393 : memref<2x72xi32, #tpu.memory_space<vmem>>)
          %rem3A_398 = arith.constant 5 : i32
          %rem3A_399 = arith.remsi %sub3A_369, %rem3A_398 : i32
          %rem3A_400 = arith.constant 6 : i32
          %rem3A_401 = arith.remsi %sub3A_369, %rem3A_400 : i32
          %dma_start3A_402 = arith.constant 0 : i32
          %dma_start3A_403 = arith.constant 0 : i32
          %dma_start3A_404 = arith.constant 0 : i32
          %dma_start3A_405 = tpu.memref_slice %arg7[%rem3A_399, %dma_start3A_403, %dma_start3A_404] : memref<5x72x128xf32, #tpu.memory_space<vmem>> -> memref<1x72x128xf32, #tpu.memory_space<vmem>>
          %dma_start3A_406 = tpu.memref_squeeze %dma_start3A_405 : memref<1x72x128xf32, #tpu.memory_space<vmem>> -> memref<72x128xf32, #tpu.memory_space<vmem>>
          %dma_start3A_407 = arith.constant 0 : i32
          %dma_start3A_408 = tpu.memref_slice %arg6[%rem3A_401, %dma_start3A_402, %dma_start3A_407] : memref<6x2x72xi32, #tpu.memory_space<vmem>> -> memref<1x1x72xi32, #tpu.memory_space<vmem>>
          %dma_start3A_409 = tpu.memref_squeeze %dma_start3A_408 : memref<1x1x72xi32, #tpu.memory_space<vmem>> -> memref<72xi32, #tpu.memory_space<vmem>>
          %dma_start3A_410 = arith.constant 0 : i32
          %dma_start3A_411 = arith.constant 0 : i32
          %dma_start3A_412 = tpu.memref_slice %arg2[%dma_start3A_410, %dma_start3A_411] : memref<10112x128xf32, #tpu.memory_space<hbm>> -> memref<10112x128xf32, #tpu.memory_space<hbm>>
          %dma_start3A_413 = tpu.memref_slice %arg9[%rem3A_399] : memref<5x!tpu.dma_semaphore, #tpu.memory_space<semaphore_mem>> -> memref<1x!tpu.dma_semaphore, #tpu.memory_space<semaphore_mem>>
          %dma_start3A_414 = tpu.memref_squeeze %dma_start3A_413 : memref<1x!tpu.dma_semaphore, #tpu.memory_space<semaphore_mem>> -> memref<!tpu.dma_semaphore, #tpu.memory_space<semaphore_mem>>
          tpu.enqueue_indirect_dma source(%dma_start3A_412 : memref<10112x128xf32, #tpu.memory_space<hbm>>) target(%dma_start3A_406 : memref<72x128xf32, #tpu.memory_space<vmem>>) offsets(%dma_start3A_409 : memref<72xi32, #tpu.memory_space<vmem>>) semaphore(%dma_start3A_414 : memref<!tpu.dma_semaphore, #tpu.memory_space<semaphore_mem>>)
        } else {
        }
      }
      %scan3A_307 = arith.constant 145 : i32
      %rem3A = arith.constant 144 : i32
      %rem3A_308 = arith.constant 5 : i32
      %rem3A_309 = arith.remsi %rem3A, %rem3A_308 : i32
      %dma_wait3A_310 = arith.constant 0 : i32
      %dma_wait3A_311 = arith.constant 0 : i32
      %dma_wait3A_312 = arith.constant 1 : i32
      %dma_wait3A_313 = arith.constant 0 : i32
      %dma_wait3A_314 = arith.constant 0 : i32
      %dma_wait3A_315 = tpu.memref_slice %arg7[%dma_wait3A_310, %dma_wait3A_313, %dma_wait3A_314] : memref<5x72x128xf32, #tpu.memory_space<vmem>> -> memref<1x72x128xf32, #tpu.memory_space<vmem>>
      %dma_wait3A_316 = tpu.memref_squeeze %dma_wait3A_315 : memref<1x72x128xf32, #tpu.memory_space<vmem>> -> memref<72x128xf32, #tpu.memory_space<vmem>>
      %dma_wait3A_317 = arith.constant 0 : i32
      %dma_wait3A_318 = tpu.memref_slice %arg6[%dma_wait3A_311, %dma_wait3A_312, %dma_wait3A_317] : memref<6x2x72xi32, #tpu.memory_space<vmem>> -> memref<1x1x72xi32, #tpu.memory_space<vmem>>
      %dma_wait3A_319 = tpu.memref_squeeze %dma_wait3A_318 : memref<1x1x72xi32, #tpu.memory_space<vmem>> -> memref<72xi32, #tpu.memory_space<vmem>>
      %dma_wait3A_320 = arith.constant 0 : i32
      %dma_wait3A_321 = arith.constant 0 : i32
      %dma_wait3A_322 = tpu.memref_slice %arg8[%dma_wait3A_320, %dma_wait3A_321] : memref<10112x128xf32, #tpu.memory_space<vmem_shared>> -> memref<10112x128xf32, #tpu.memory_space<vmem_shared>>
      %dma_wait3A_323 = tpu.memref_slice %arg10[%rem3A_309] : memref<5x!tpu.dma_semaphore, #tpu.memory_space<semaphore_mem>> -> memref<1x!tpu.dma_semaphore, #tpu.memory_space<semaphore_mem>>
      %dma_wait3A_324 = tpu.memref_squeeze %dma_wait3A_323 : memref<1x!tpu.dma_semaphore, #tpu.memory_space<semaphore_mem>> -> memref<!tpu.dma_semaphore, #tpu.memory_space<semaphore_mem>>
      tpu.wait_indirect_dma semaphore(%dma_wait3A_324 : memref<!tpu.dma_semaphore, #tpu.memory_space<semaphore_mem>>) src(%dma_wait3A_316 : memref<72x128xf32, #tpu.memory_space<vmem>>) dst(%dma_wait3A_322 : memref<10112x128xf32, #tpu.memory_space<vmem_shared>>)
    } else {
    }
    %eq3A_3 = arith.constant 1 : i32
    %eq3A_4 = arith.cmpi eq, %arg0, %eq3A_3 : i32
    %convert_element_type3A_5 = arith.extui %eq3A_4 : i1 to i32
    %cond3A_6 = arith.constant 0 : i32
    %cond3A_7 = arith.cmpi ne, %convert_element_type3A_5, %cond3A_6 : i32
    scf.if %cond3A_7 {
      %mul3A_9 = arith.constant 133 : i32
      %mul3A_10 = arith.muli %arg1, %mul3A_9 : i32
      %add3A = arith.constant 2320 : i32
      %add3A_11 = arith.addi %add3A, %mul3A_10 : i32
      %add3A_12 = arith.constant 0 : i32
      %add3A_13 = arith.addi %add3A_11, %add3A_12 : i32
      %dma_start3A = arith.constant 0 : i32
      %dma_start3A_14 = arith.constant 0 : i32
      %dma_start3A_15 = arith.constant 0 : i32
      %dma_start3A_16 = arith.constant 0 : i32
      %dma_start3A_17 = tpu.memref_slice %arg6[%dma_start3A, %dma_start3A_15, %dma_start3A_16] : memref<6x2x72xi32, #tpu.memory_space<vmem>> -> memref<1x2x72xi32, #tpu.memory_space<vmem>>
      %dma_start3A_18 = tpu.memref_squeeze %dma_start3A_17 : memref<1x2x72xi32, #tpu.memory_space<vmem>> -> memref<2x72xi32, #tpu.memory_space<vmem>>
      %dma_start3A_19 = arith.constant 0 : i32
      %dma_start3A_20 = arith.constant 0 : i32
      %dma_start3A_21 = tpu.memref_slice %arg3[%add3A_13, %dma_start3A_19, %dma_start3A_20] : memref<4448x2x72xi32, #tpu.memory_space<hbm>> -> memref<1x2x72xi32, #tpu.memory_space<hbm>>
      %dma_start3A_22 = tpu.memref_squeeze %dma_start3A_21 : memref<1x2x72xi32, #tpu.memory_space<hbm>> -> memref<2x72xi32, #tpu.memory_space<hbm>>
      %dma_start3A_23 = tpu.memref_slice %arg11[%dma_start3A_14] : memref<6x!tpu.dma_semaphore, #tpu.memory_space<semaphore_mem>> -> memref<1x!tpu.dma_semaphore, #tpu.memory_space<semaphore_mem>>
      %dma_start3A_24 = tpu.memref_squeeze %dma_start3A_23 : memref<1x!tpu.dma_semaphore, #tpu.memory_space<semaphore_mem>> -> memref<!tpu.dma_semaphore, #tpu.memory_space<semaphore_mem>>
      %dma_start3A_25 = arith.constant 0 : i32
      %dma_start3A_26 = arith.constant 0 : i32
      %dma_start3A_27 = tpu.memref_slice %arg6[%dma_start3A, %dma_start3A_25, %dma_start3A_26] : memref<6x2x72xi32, #tpu.memory_space<vmem>> -> memref<1x2x72xi32, #tpu.memory_space<vmem>>
      %dma_start3A_28 = tpu.memref_squeeze %dma_start3A_27 : memref<1x2x72xi32, #tpu.memory_space<vmem>> -> memref<2x72xi32, #tpu.memory_space<vmem>>
      %dma_start3A_29 = arith.constant 0 : i32
      %dma_start3A_30 = arith.constant 0 : i32
      %dma_start3A_31 = tpu.memref_slice %arg3[%add3A_13, %dma_start3A_29, %dma_start3A_30] : memref<4448x2x72xi32, #tpu.memory_space<hbm>> -> memref<1x2x72xi32, #tpu.memory_space<hbm>>
      %dma_start3A_32 = tpu.memref_squeeze %dma_start3A_31 : memref<1x2x72xi32, #tpu.memory_space<hbm>> -> memref<2x72xi32, #tpu.memory_space<hbm>>
      tpu.enqueue_dma source(%dma_start3A_32 : memref<2x72xi32, #tpu.memory_space<hbm>>) target(%dma_start3A_28 : memref<2x72xi32, #tpu.memory_space<vmem>>) target_semaphore(%dma_start3A_24 : memref<!tpu.dma_semaphore, #tpu.memory_space<semaphore_mem>>)
      %add3A_33 = arith.constant 1 : i32
      %add3A_34 = arith.addi %add3A_11, %add3A_33 : i32
      %dma_start3A_35 = arith.constant 1 : i32
      %dma_start3A_36 = arith.constant 1 : i32
      %dma_start3A_37 = arith.constant 0 : i32
      %dma_start3A_38 = arith.constant 0 : i32
      %dma_start3A_39 = tpu.memref_slice %arg6[%dma_start3A_35, %dma_start3A_37, %dma_start3A_38] : memref<6x2x72xi32, #tpu.memory_space<vmem>> -> memref<1x2x72xi32, #tpu.memory_space<vmem>>
      %dma_start3A_40 = tpu.memref_squeeze %dma_start3A_39 : memref<1x2x72xi32, #tpu.memory_space<vmem>> -> memref<2x72xi32, #tpu.memory_space<vmem>>
      %dma_start3A_41 = arith.constant 0 : i32
      %dma_start3A_42 = arith.constant 0 : i32
      %dma_start3A_43 = tpu.memref_slice %arg3[%add3A_34, %dma_start3A_41, %dma_start3A_42] : memref<4448x2x72xi32, #tpu.memory_space<hbm>> -> memref<1x2x72xi32, #tpu.memory_space<hbm>>
      %dma_start3A_44 = tpu.memref_squeeze %dma_start3A_43 : memref<1x2x72xi32, #tpu.memory_space<hbm>> -> memref<2x72xi32, #tpu.memory_space<hbm>>
      %dma_start3A_45 = tpu.memref_slice %arg11[%dma_start3A_36] : memref<6x!tpu.dma_semaphore, #tpu.memory_space<semaphore_mem>> -> memref<1x!tpu.dma_semaphore, #tpu.memory_space<semaphore_mem>>
      %dma_start3A_46 = tpu.memref_squeeze %dma_start3A_45 : memref<1x!tpu.dma_semaphore, #tpu.memory_space<semaphore_mem>> -> memref<!tpu.dma_semaphore, #tpu.memory_space<semaphore_mem>>
      %dma_start3A_47 = arith.constant 0 : i32
      %dma_start3A_48 = arith.constant 0 : i32
      %dma_start3A_49 = tpu.memref_slice %arg6[%dma_start3A_35, %dma_start3A_47, %dma_start3A_48] : memref<6x2x72xi32, #tpu.memory_space<vmem>> -> memref<1x2x72xi32, #tpu.memory_space<vmem>>
      %dma_start3A_50 = tpu.memref_squeeze %dma_start3A_49 : memref<1x2x72xi32, #tpu.memory_space<vmem>> -> memref<2x72xi32, #tpu.memory_space<vmem>>
      %dma_start3A_51 = arith.constant 0 : i32
      %dma_start3A_52 = arith.constant 0 : i32
      %dma_start3A_53 = tpu.memref_slice %arg3[%add3A_34, %dma_start3A_51, %dma_start3A_52] : memref<4448x2x72xi32, #tpu.memory_space<hbm>> -> memref<1x2x72xi32, #tpu.memory_space<hbm>>
      %dma_start3A_54 = tpu.memref_squeeze %dma_start3A_53 : memref<1x2x72xi32, #tpu.memory_space<hbm>> -> memref<2x72xi32, #tpu.memory_space<hbm>>
      tpu.enqueue_dma source(%dma_start3A_54 : memref<2x72xi32, #tpu.memory_space<hbm>>) target(%dma_start3A_50 : memref<2x72xi32, #tpu.memory_space<vmem>>) target_semaphore(%dma_start3A_46 : memref<!tpu.dma_semaphore, #tpu.memory_space<semaphore_mem>>)
      %add3A_55 = arith.constant 2 : i32
      %add3A_56 = arith.addi %add3A_11, %add3A_55 : i32
      %dma_start3A_57 = arith.constant 2 : i32
      %dma_start3A_58 = arith.constant 2 : i32
      %dma_start3A_59 = arith.constant 0 : i32
      %dma_start3A_60 = arith.constant 0 : i32
      %dma_start3A_61 = tpu.memref_slice %arg6[%dma_start3A_57, %dma_start3A_59, %dma_start3A_60] : memref<6x2x72xi32, #tpu.memory_space<vmem>> -> memref<1x2x72xi32, #tpu.memory_space<vmem>>
      %dma_start3A_62 = tpu.memref_squeeze %dma_start3A_61 : memref<1x2x72xi32, #tpu.memory_space<vmem>> -> memref<2x72xi32, #tpu.memory_space<vmem>>
      %dma_start3A_63 = arith.constant 0 : i32
      %dma_start3A_64 = arith.constant 0 : i32
      %dma_start3A_65 = tpu.memref_slice %arg3[%add3A_56, %dma_start3A_63, %dma_start3A_64] : memref<4448x2x72xi32, #tpu.memory_space<hbm>> -> memref<1x2x72xi32, #tpu.memory_space<hbm>>
      %dma_start3A_66 = tpu.memref_squeeze %dma_start3A_65 : memref<1x2x72xi32, #tpu.memory_space<hbm>> -> memref<2x72xi32, #tpu.memory_space<hbm>>
      %dma_start3A_67 = tpu.memref_slice %arg11[%dma_start3A_58] : memref<6x!tpu.dma_semaphore, #tpu.memory_space<semaphore_mem>> -> memref<1x!tpu.dma_semaphore, #tpu.memory_space<semaphore_mem>>
      %dma_start3A_68 = tpu.memref_squeeze %dma_start3A_67 : memref<1x!tpu.dma_semaphore, #tpu.memory_space<semaphore_mem>> -> memref<!tpu.dma_semaphore, #tpu.memory_space<semaphore_mem>>
      %dma_start3A_69 = arith.constant 0 : i32
      %dma_start3A_70 = arith.constant 0 : i32
      %dma_start3A_71 = tpu.memref_slice %arg6[%dma_start3A_57, %dma_start3A_69, %dma_start3A_70] : memref<6x2x72xi32, #tpu.memory_space<vmem>> -> memref<1x2x72xi32, #tpu.memory_space<vmem>>
      %dma_start3A_72 = tpu.memref_squeeze %dma_start3A_71 : memref<1x2x72xi32, #tpu.memory_space<vmem>> -> memref<2x72xi32, #tpu.memory_space<vmem>>
      %dma_start3A_73 = arith.constant 0 : i32
      %dma_start3A_74 = arith.constant 0 : i32
      %dma_start3A_75 = tpu.memref_slice %arg3[%add3A_56, %dma_start3A_73, %dma_start3A_74] : memref<4448x2x72xi32, #tpu.memory_space<hbm>> -> memref<1x2x72xi32, #tpu.memory_space<hbm>>
      %dma_start3A_76 = tpu.memref_squeeze %dma_start3A_75 : memref<1x2x72xi32, #tpu.memory_space<hbm>> -> memref<2x72xi32, #tpu.memory_space<hbm>>
      tpu.enqueue_dma source(%dma_start3A_76 : memref<2x72xi32, #tpu.memory_space<hbm>>) target(%dma_start3A_72 : memref<2x72xi32, #tpu.memory_space<vmem>>) target_semaphore(%dma_start3A_68 : memref<!tpu.dma_semaphore, #tpu.memory_space<semaphore_mem>>)
      %add3A_77 = arith.constant 3 : i32
      %add3A_78 = arith.addi %add3A_11, %add3A_77 : i32
      %dma_start3A_79 = arith.constant 3 : i32
      %dma_start3A_80 = arith.constant 3 : i32
      %dma_start3A_81 = arith.constant 0 : i32
      %dma_start3A_82 = arith.constant 0 : i32
      %dma_start3A_83 = tpu.memref_slice %arg6[%dma_start3A_79, %dma_start3A_81, %dma_start3A_82] : memref<6x2x72xi32, #tpu.memory_space<vmem>> -> memref<1x2x72xi32, #tpu.memory_space<vmem>>
      %dma_start3A_84 = tpu.memref_squeeze %dma_start3A_83 : memref<1x2x72xi32, #tpu.memory_space<vmem>> -> memref<2x72xi32, #tpu.memory_space<vmem>>
      %dma_start3A_85 = arith.constant 0 : i32
      %dma_start3A_86 = arith.constant 0 : i32
      %dma_start3A_87 = tpu.memref_slice %arg3[%add3A_78, %dma_start3A_85, %dma_start3A_86] : memref<4448x2x72xi32, #tpu.memory_space<hbm>> -> memref<1x2x72xi32, #tpu.memory_space<hbm>>
      %dma_start3A_88 = tpu.memref_squeeze %dma_start3A_87 : memref<1x2x72xi32, #tpu.memory_space<hbm>> -> memref<2x72xi32, #tpu.memory_space<hbm>>
      %dma_start3A_89 = tpu.memref_slice %arg11[%dma_start3A_80] : memref<6x!tpu.dma_semaphore, #tpu.memory_space<semaphore_mem>> -> memref<1x!tpu.dma_semaphore, #tpu.memory_space<semaphore_mem>>
      %dma_start3A_90 = tpu.memref_squeeze %dma_start3A_89 : memref<1x!tpu.dma_semaphore, #tpu.memory_space<semaphore_mem>> -> memref<!tpu.dma_semaphore, #tpu.memory_space<semaphore_mem>>
      %dma_start3A_91 = arith.constant 0 : i32
      %dma_start3A_92 = arith.constant 0 : i32
      %dma_start3A_93 = tpu.memref_slice %arg6[%dma_start3A_79, %dma_start3A_91, %dma_start3A_92] : memref<6x2x72xi32, #tpu.memory_space<vmem>> -> memref<1x2x72xi32, #tpu.memory_space<vmem>>
      %dma_start3A_94 = tpu.memref_squeeze %dma_start3A_93 : memref<1x2x72xi32, #tpu.memory_space<vmem>> -> memref<2x72xi32, #tpu.memory_space<vmem>>
      %dma_start3A_95 = arith.constant 0 : i32
      %dma_start3A_96 = arith.constant 0 : i32
      %dma_start3A_97 = tpu.memref_slice %arg3[%add3A_78, %dma_start3A_95, %dma_start3A_96] : memref<4448x2x72xi32, #tpu.memory_space<hbm>> -> memref<1x2x72xi32, #tpu.memory_space<hbm>>
      %dma_start3A_98 = tpu.memref_squeeze %dma_start3A_97 : memref<1x2x72xi32, #tpu.memory_space<hbm>> -> memref<2x72xi32, #tpu.memory_space<hbm>>
      tpu.enqueue_dma source(%dma_start3A_98 : memref<2x72xi32, #tpu.memory_space<hbm>>) target(%dma_start3A_94 : memref<2x72xi32, #tpu.memory_space<vmem>>) target_semaphore(%dma_start3A_90 : memref<!tpu.dma_semaphore, #tpu.memory_space<semaphore_mem>>)
      %add3A_99 = arith.constant 4 : i32
      %add3A_100 = arith.addi %add3A_11, %add3A_99 : i32
      %dma_start3A_101 = arith.constant 4 : i32
      %dma_start3A_102 = arith.constant 4 : i32
      %dma_start3A_103 = arith.constant 0 : i32
      %dma_start3A_104 = arith.constant 0 : i32
      %dma_start3A_105 = tpu.memref_slice %arg6[%dma_start3A_101, %dma_start3A_103, %dma_start3A_104] : memref<6x2x72xi32, #tpu.memory_space<vmem>> -> memref<1x2x72xi32, #tpu.memory_space<vmem>>
      %dma_start3A_106 = tpu.memref_squeeze %dma_start3A_105 : memref<1x2x72xi32, #tpu.memory_space<vmem>> -> memref<2x72xi32, #tpu.memory_space<vmem>>
      %dma_start3A_107 = arith.constant 0 : i32
      %dma_start3A_108 = arith.constant 0 : i32
      %dma_start3A_109 = tpu.memref_slice %arg3[%add3A_100, %dma_start3A_107, %dma_start3A_108] : memref<4448x2x72xi32, #tpu.memory_space<hbm>> -> memref<1x2x72xi32, #tpu.memory_space<hbm>>
      %dma_start3A_110 = tpu.memref_squeeze %dma_start3A_109 : memref<1x2x72xi32, #tpu.memory_space<hbm>> -> memref<2x72xi32, #tpu.memory_space<hbm>>
      %dma_start3A_111 = tpu.memref_slice %arg11[%dma_start3A_102] : memref<6x!tpu.dma_semaphore, #tpu.memory_space<semaphore_mem>> -> memref<1x!tpu.dma_semaphore, #tpu.memory_space<semaphore_mem>>
      %dma_start3A_112 = tpu.memref_squeeze %dma_start3A_111 : memref<1x!tpu.dma_semaphore, #tpu.memory_space<semaphore_mem>> -> memref<!tpu.dma_semaphore, #tpu.memory_space<semaphore_mem>>
      %dma_start3A_113 = arith.constant 0 : i32
      %dma_start3A_114 = arith.constant 0 : i32
      %dma_start3A_115 = tpu.memref_slice %arg6[%dma_start3A_101, %dma_start3A_113, %dma_start3A_114] : memref<6x2x72xi32, #tpu.memory_space<vmem>> -> memref<1x2x72xi32, #tpu.memory_space<vmem>>
      %dma_start3A_116 = tpu.memref_squeeze %dma_start3A_115 : memref<1x2x72xi32, #tpu.memory_space<vmem>> -> memref<2x72xi32, #tpu.memory_space<vmem>>
      %dma_start3A_117 = arith.constant 0 : i32
      %dma_start3A_118 = arith.constant 0 : i32
      %dma_start3A_119 = tpu.memref_slice %arg3[%add3A_100, %dma_start3A_117, %dma_start3A_118] : memref<4448x2x72xi32, #tpu.memory_space<hbm>> -> memref<1x2x72xi32, #tpu.memory_space<hbm>>
      %dma_start3A_120 = tpu.memref_squeeze %dma_start3A_119 : memref<1x2x72xi32, #tpu.memory_space<hbm>> -> memref<2x72xi32, #tpu.memory_space<hbm>>
      tpu.enqueue_dma source(%dma_start3A_120 : memref<2x72xi32, #tpu.memory_space<hbm>>) target(%dma_start3A_116 : memref<2x72xi32, #tpu.memory_space<vmem>>) target_semaphore(%dma_start3A_112 : memref<!tpu.dma_semaphore, #tpu.memory_space<semaphore_mem>>)
      %dma_wait3A = arith.constant 0 : i32
      %dma_wait3A_121 = arith.constant 0 : i32
      %dma_wait3A_122 = arith.constant 0 : i32
      %dma_wait3A_123 = arith.constant 0 : i32
      %dma_wait3A_124 = arith.constant 0 : i32
      %dma_wait3A_125 = tpu.memref_slice %arg6[%dma_wait3A_121, %dma_wait3A_123, %dma_wait3A_124] : memref<6x2x72xi32, #tpu.memory_space<vmem>> -> memref<1x2x72xi32, #tpu.memory_space<vmem>>
      %dma_wait3A_126 = tpu.memref_squeeze %dma_wait3A_125 : memref<1x2x72xi32, #tpu.memory_space<vmem>> -> memref<2x72xi32, #tpu.memory_space<vmem>>
      %dma_wait3A_127 = arith.constant 0 : i32
      %dma_wait3A_128 = arith.constant 0 : i32
      %dma_wait3A_129 = tpu.memref_slice %arg3[%dma_wait3A, %dma_wait3A_127, %dma_wait3A_128] : memref<4448x2x72xi32, #tpu.memory_space<hbm>> -> memref<1x2x72xi32, #tpu.memory_space<hbm>>
      %dma_wait3A_130 = tpu.memref_squeeze %dma_wait3A_129 : memref<1x2x72xi32, #tpu.memory_space<hbm>> -> memref<2x72xi32, #tpu.memory_space<hbm>>
      %dma_wait3A_131 = tpu.memref_slice %arg11[%dma_wait3A_122] : memref<6x!tpu.dma_semaphore, #tpu.memory_space<semaphore_mem>> -> memref<1x!tpu.dma_semaphore, #tpu.memory_space<semaphore_mem>>
      %dma_wait3A_132 = tpu.memref_squeeze %dma_wait3A_131 : memref<1x!tpu.dma_semaphore, #tpu.memory_space<semaphore_mem>> -> memref<!tpu.dma_semaphore, #tpu.memory_space<semaphore_mem>>
      %dma_wait3A_133 = arith.constant 0 : i32
      %dma_wait3A_134 = arith.constant 0 : i32
      %dma_wait3A_135 = tpu.memref_slice %arg6[%dma_wait3A_121, %dma_wait3A_133, %dma_wait3A_134] : memref<6x2x72xi32, #tpu.memory_space<vmem>> -> memref<1x2x72xi32, #tpu.memory_space<vmem>>
      %dma_wait3A_136 = tpu.memref_squeeze %dma_wait3A_135 : memref<1x2x72xi32, #tpu.memory_space<vmem>> -> memref<2x72xi32, #tpu.memory_space<vmem>>
      %dma_wait3A_137 = arith.constant 0 : i32
      %dma_wait3A_138 = arith.constant 0 : i32
      %dma_wait3A_139 = tpu.memref_slice %arg3[%dma_wait3A, %dma_wait3A_137, %dma_wait3A_138] : memref<4448x2x72xi32, #tpu.memory_space<hbm>> -> memref<1x2x72xi32, #tpu.memory_space<hbm>>
      %dma_wait3A_140 = tpu.memref_squeeze %dma_wait3A_139 : memref<1x2x72xi32, #tpu.memory_space<hbm>> -> memref<2x72xi32, #tpu.memory_space<hbm>>
      tpu.wait_dma2 semaphore(%dma_wait3A_132 : memref<!tpu.dma_semaphore, #tpu.memory_space<semaphore_mem>>) src(%dma_wait3A_140 : memref<2x72xi32, #tpu.memory_space<hbm>>) dst(%dma_wait3A_136 : memref<2x72xi32, #tpu.memory_space<vmem>>)
      %dma_start3A_141 = arith.constant 0 : i32
      %dma_start3A_142 = arith.constant 0 : i32
      %dma_start3A_143 = arith.constant 0 : i32
      %dma_start3A_144 = arith.constant 0 : i32
      %dma_start3A_145 = arith.constant 0 : i32
      %dma_start3A_146 = arith.constant 0 : i32
      %dma_start3A_147 = tpu.memref_slice %arg7[%dma_start3A_143, %dma_start3A_145, %dma_start3A_146] : memref<5x72x128xf32, #tpu.memory_space<vmem>> -> memref<1x72x128xf32, #tpu.memory_space<vmem>>
      %dma_start3A_148 = tpu.memref_squeeze %dma_start3A_147 : memref<1x72x128xf32, #tpu.memory_space<vmem>> -> memref<72x128xf32, #tpu.memory_space<vmem>>
      %dma_start3A_149 = arith.constant 0 : i32
      %dma_start3A_150 = tpu.memref_slice %arg6[%dma_start3A_141, %dma_start3A_142, %dma_start3A_149] : memref<6x2x72xi32, #tpu.memory_space<vmem>> -> memref<1x1x72xi32, #tpu.memory_space<vmem>>
      %dma_start3A_151 = tpu.memref_squeeze %dma_start3A_150 : memref<1x1x72xi32, #tpu.memory_space<vmem>> -> memref<72xi32, #tpu.memory_space<vmem>>
      %dma_start3A_152 = arith.constant 0 : i32
      %dma_start3A_153 = arith.constant 0 : i32
      %dma_start3A_154 = tpu.memref_slice %arg2[%dma_start3A_152, %dma_start3A_153] : memref<10112x128xf32, #tpu.memory_space<hbm>> -> memref<10112x128xf32, #tpu.memory_space<hbm>>
      %dma_start3A_155 = tpu.memref_slice %arg9[%dma_start3A_144] : memref<5x!tpu.dma_semaphore, #tpu.memory_space<semaphore_mem>> -> memref<1x!tpu.dma_semaphore, #tpu.memory_space<semaphore_mem>>
      %dma_start3A_156 = tpu.memref_squeeze %dma_start3A_155 : memref<1x!tpu.dma_semaphore, #tpu.memory_space<semaphore_mem>> -> memref<!tpu.dma_semaphore, #tpu.memory_space<semaphore_mem>>
      tpu.enqueue_indirect_dma source(%dma_start3A_154 : memref<10112x128xf32, #tpu.memory_space<hbm>>) target(%dma_start3A_148 : memref<72x128xf32, #tpu.memory_space<vmem>>) offsets(%dma_start3A_151 : memref<72xi32, #tpu.memory_space<vmem>>) semaphore(%dma_start3A_156 : memref<!tpu.dma_semaphore, #tpu.memory_space<semaphore_mem>>)
      %dma_wait3A_157 = arith.constant 0 : i32
      %dma_wait3A_158 = arith.constant 1 : i32
      %dma_wait3A_159 = arith.constant 1 : i32
      %dma_wait3A_160 = arith.constant 0 : i32
      %dma_wait3A_161 = arith.constant 0 : i32
      %dma_wait3A_162 = tpu.memref_slice %arg6[%dma_wait3A_158, %dma_wait3A_160, %dma_wait3A_161] : memref<6x2x72xi32, #tpu.memory_space<vmem>> -> memref<1x2x72xi32, #tpu.memory_space<vmem>>
      %dma_wait3A_163 = tpu.memref_squeeze %dma_wait3A_162 : memref<1x2x72xi32, #tpu.memory_space<vmem>> -> memref<2x72xi32, #tpu.memory_space<vmem>>
      %dma_wait3A_164 = arith.constant 0 : i32
      %dma_wait3A_165 = arith.constant 0 : i32
      %dma_wait3A_166 = tpu.memref_slice %arg3[%dma_wait3A_157, %dma_wait3A_164, %dma_wait3A_165] : memref<4448x2x72xi32, #tpu.memory_space<hbm>> -> memref<1x2x72xi32, #tpu.memory_space<hbm>>
      %dma_wait3A_167 = tpu.memref_squeeze %dma_wait3A_166 : memref<1x2x72xi32, #tpu.memory_space<hbm>> -> memref<2x72xi32, #tpu.memory_space<hbm>>
      %dma_wait3A_168 = tpu.memref_slice %arg11[%dma_wait3A_159] : memref<6x!tpu.dma_semaphore, #tpu.memory_space<semaphore_mem>> -> memref<1x!tpu.dma_semaphore, #tpu.memory_space<semaphore_mem>>
      %dma_wait3A_169 = tpu.memref_squeeze %dma_wait3A_168 : memref<1x!tpu.dma_semaphore, #tpu.memory_space<semaphore_mem>> -> memref<!tpu.dma_semaphore, #tpu.memory_space<semaphore_mem>>
      %dma_wait3A_170 = arith.constant 0 : i32
      %dma_wait3A_171 = arith.constant 0 : i32
      %dma_wait3A_172 = tpu.memref_slice %arg6[%dma_wait3A_158, %dma_wait3A_170, %dma_wait3A_171] : memref<6x2x72xi32, #tpu.memory_space<vmem>> -> memref<1x2x72xi32, #tpu.memory_space<vmem>>
      %dma_wait3A_173 = tpu.memref_squeeze %dma_wait3A_172 : memref<1x2x72xi32, #tpu.memory_space<vmem>> -> memref<2x72xi32, #tpu.memory_space<vmem>>
      %dma_wait3A_174 = arith.constant 0 : i32
      %dma_wait3A_175 = arith.constant 0 : i32
      %dma_wait3A_176 = tpu.memref_slice %arg3[%dma_wait3A_157, %dma_wait3A_174, %dma_wait3A_175] : memref<4448x2x72xi32, #tpu.memory_space<hbm>> -> memref<1x2x72xi32, #tpu.memory_space<hbm>>
      %dma_wait3A_177 = tpu.memref_squeeze %dma_wait3A_176 : memref<1x2x72xi32, #tpu.memory_space<hbm>> -> memref<2x72xi32, #tpu.memory_space<hbm>>
      tpu.wait_dma2 semaphore(%dma_wait3A_169 : memref<!tpu.dma_semaphore, #tpu.memory_space<semaphore_mem>>) src(%dma_wait3A_177 : memref<2x72xi32, #tpu.memory_space<hbm>>) dst(%dma_wait3A_173 : memref<2x72xi32, #tpu.memory_space<vmem>>)
      %dma_start3A_178 = arith.constant 1 : i32
      %dma_start3A_179 = arith.constant 0 : i32
      %dma_start3A_180 = arith.constant 1 : i32
      %dma_start3A_181 = arith.constant 1 : i32
      %dma_start3A_182 = arith.constant 0 : i32
      %dma_start3A_183 = arith.constant 0 : i32
      %dma_start3A_184 = tpu.memref_slice %arg7[%dma_start3A_180, %dma_start3A_182, %dma_start3A_183] : memref<5x72x128xf32, #tpu.memory_space<vmem>> -> memref<1x72x128xf32, #tpu.memory_space<vmem>>
      %dma_start3A_185 = tpu.memref_squeeze %dma_start3A_184 : memref<1x72x128xf32, #tpu.memory_space<vmem>> -> memref<72x128xf32, #tpu.memory_space<vmem>>
      %dma_start3A_186 = arith.constant 0 : i32
      %dma_start3A_187 = tpu.memref_slice %arg6[%dma_start3A_178, %dma_start3A_179, %dma_start3A_186] : memref<6x2x72xi32, #tpu.memory_space<vmem>> -> memref<1x1x72xi32, #tpu.memory_space<vmem>>
      %dma_start3A_188 = tpu.memref_squeeze %dma_start3A_187 : memref<1x1x72xi32, #tpu.memory_space<vmem>> -> memref<72xi32, #tpu.memory_space<vmem>>
      %dma_start3A_189 = arith.constant 0 : i32
      %dma_start3A_190 = arith.constant 0 : i32
      %dma_start3A_191 = tpu.memref_slice %arg2[%dma_start3A_189, %dma_start3A_190] : memref<10112x128xf32, #tpu.memory_space<hbm>> -> memref<10112x128xf32, #tpu.memory_space<hbm>>
      %dma_start3A_192 = tpu.memref_slice %arg9[%dma_start3A_181] : memref<5x!tpu.dma_semaphore, #tpu.memory_space<semaphore_mem>> -> memref<1x!tpu.dma_semaphore, #tpu.memory_space<semaphore_mem>>
      %dma_start3A_193 = tpu.memref_squeeze %dma_start3A_192 : memref<1x!tpu.dma_semaphore, #tpu.memory_space<semaphore_mem>> -> memref<!tpu.dma_semaphore, #tpu.memory_space<semaphore_mem>>
      tpu.enqueue_indirect_dma source(%dma_start3A_191 : memref<10112x128xf32, #tpu.memory_space<hbm>>) target(%dma_start3A_185 : memref<72x128xf32, #tpu.memory_space<vmem>>) offsets(%dma_start3A_188 : memref<72xi32, #tpu.memory_space<vmem>>) semaphore(%dma_start3A_193 : memref<!tpu.dma_semaphore, #tpu.memory_space<semaphore_mem>>)
      %dma_wait3A_194 = arith.constant 0 : i32
      %dma_wait3A_195 = arith.constant 2 : i32
      %dma_wait3A_196 = arith.constant 2 : i32
      %dma_wait3A_197 = arith.constant 0 : i32
      %dma_wait3A_198 = arith.constant 0 : i32
      %dma_wait3A_199 = tpu.memref_slice %arg6[%dma_wait3A_195, %dma_wait3A_197, %dma_wait3A_198] : memref<6x2x72xi32, #tpu.memory_space<vmem>> -> memref<1x2x72xi32, #tpu.memory_space<vmem>>
      %dma_wait3A_200 = tpu.memref_squeeze %dma_wait3A_199 : memref<1x2x72xi32, #tpu.memory_space<vmem>> -> memref<2x72xi32, #tpu.memory_space<vmem>>
      %dma_wait3A_201 = arith.constant 0 : i32
      %dma_wait3A_202 = arith.constant 0 : i32
      %dma_wait3A_203 = tpu.memref_slice %arg3[%dma_wait3A_194, %dma_wait3A_201, %dma_wait3A_202] : memref<4448x2x72xi32, #tpu.memory_space<hbm>> -> memref<1x2x72xi32, #tpu.memory_space<hbm>>
      %dma_wait3A_204 = tpu.memref_squeeze %dma_wait3A_203 : memref<1x2x72xi32, #tpu.memory_space<hbm>> -> memref<2x72xi32, #tpu.memory_space<hbm>>
      %dma_wait3A_205 = tpu.memref_slice %arg11[%dma_wait3A_196] : memref<6x!tpu.dma_semaphore, #tpu.memory_space<semaphore_mem>> -> memref<1x!tpu.dma_semaphore, #tpu.memory_space<semaphore_mem>>
      %dma_wait3A_206 = tpu.memref_squeeze %dma_wait3A_205 : memref<1x!tpu.dma_semaphore, #tpu.memory_space<semaphore_mem>> -> memref<!tpu.dma_semaphore, #tpu.memory_space<semaphore_mem>>
      %dma_wait3A_207 = arith.constant 0 : i32
      %dma_wait3A_208 = arith.constant 0 : i32
      %dma_wait3A_209 = tpu.memref_slice %arg6[%dma_wait3A_195, %dma_wait3A_207, %dma_wait3A_208] : memref<6x2x72xi32, #tpu.memory_space<vmem>> -> memref<1x2x72xi32, #tpu.memory_space<vmem>>
      %dma_wait3A_210 = tpu.memref_squeeze %dma_wait3A_209 : memref<1x2x72xi32, #tpu.memory_space<vmem>> -> memref<2x72xi32, #tpu.memory_space<vmem>>
      %dma_wait3A_211 = arith.constant 0 : i32
      %dma_wait3A_212 = arith.constant 0 : i32
      %dma_wait3A_213 = tpu.memref_slice %arg3[%dma_wait3A_194, %dma_wait3A_211, %dma_wait3A_212] : memref<4448x2x72xi32, #tpu.memory_space<hbm>> -> memref<1x2x72xi32, #tpu.memory_space<hbm>>
      %dma_wait3A_214 = tpu.memref_squeeze %dma_wait3A_213 : memref<1x2x72xi32, #tpu.memory_space<hbm>> -> memref<2x72xi32, #tpu.memory_space<hbm>>
      tpu.wait_dma2 semaphore(%dma_wait3A_206 : memref<!tpu.dma_semaphore, #tpu.memory_space<semaphore_mem>>) src(%dma_wait3A_214 : memref<2x72xi32, #tpu.memory_space<hbm>>) dst(%dma_wait3A_210 : memref<2x72xi32, #tpu.memory_space<vmem>>)
      %dma_start3A_215 = arith.constant 2 : i32
      %dma_start3A_216 = arith.constant 0 : i32
      %dma_start3A_217 = arith.constant 2 : i32
      %dma_start3A_218 = arith.constant 2 : i32
      %dma_start3A_219 = arith.constant 0 : i32
      %dma_start3A_220 = arith.constant 0 : i32
      %dma_start3A_221 = tpu.memref_slice %arg7[%dma_start3A_217, %dma_start3A_219, %dma_start3A_220] : memref<5x72x128xf32, #tpu.memory_space<vmem>> -> memref<1x72x128xf32, #tpu.memory_space<vmem>>
      %dma_start3A_222 = tpu.memref_squeeze %dma_start3A_221 : memref<1x72x128xf32, #tpu.memory_space<vmem>> -> memref<72x128xf32, #tpu.memory_space<vmem>>
      %dma_start3A_223 = arith.constant 0 : i32
      %dma_start3A_224 = tpu.memref_slice %arg6[%dma_start3A_215, %dma_start3A_216, %dma_start3A_223] : memref<6x2x72xi32, #tpu.memory_space<vmem>> -> memref<1x1x72xi32, #tpu.memory_space<vmem>>
      %dma_start3A_225 = tpu.memref_squeeze %dma_start3A_224 : memref<1x1x72xi32, #tpu.memory_space<vmem>> -> memref<72xi32, #tpu.memory_space<vmem>>
      %dma_start3A_226 = arith.constant 0 : i32
      %dma_start3A_227 = arith.constant 0 : i32
      %dma_start3A_228 = tpu.memref_slice %arg2[%dma_start3A_226, %dma_start3A_227] : memref<10112x128xf32, #tpu.memory_space<hbm>> -> memref<10112x128xf32, #tpu.memory_space<hbm>>
      %dma_start3A_229 = tpu.memref_slice %arg9[%dma_start3A_218] : memref<5x!tpu.dma_semaphore, #tpu.memory_space<semaphore_mem>> -> memref<1x!tpu.dma_semaphore, #tpu.memory_space<semaphore_mem>>
      %dma_start3A_230 = tpu.memref_squeeze %dma_start3A_229 : memref<1x!tpu.dma_semaphore, #tpu.memory_space<semaphore_mem>> -> memref<!tpu.dma_semaphore, #tpu.memory_space<semaphore_mem>>
      tpu.enqueue_indirect_dma source(%dma_start3A_228 : memref<10112x128xf32, #tpu.memory_space<hbm>>) target(%dma_start3A_222 : memref<72x128xf32, #tpu.memory_space<vmem>>) offsets(%dma_start3A_225 : memref<72xi32, #tpu.memory_space<vmem>>) semaphore(%dma_start3A_230 : memref<!tpu.dma_semaphore, #tpu.memory_space<semaphore_mem>>)
      %dma_wait3A_231 = arith.constant 0 : i32
      %dma_wait3A_232 = arith.constant 3 : i32
      %dma_wait3A_233 = arith.constant 3 : i32
      %dma_wait3A_234 = arith.constant 0 : i32
      %dma_wait3A_235 = arith.constant 0 : i32
      %dma_wait3A_236 = tpu.memref_slice %arg6[%dma_wait3A_232, %dma_wait3A_234, %dma_wait3A_235] : memref<6x2x72xi32, #tpu.memory_space<vmem>> -> memref<1x2x72xi32, #tpu.memory_space<vmem>>
      %dma_wait3A_237 = tpu.memref_squeeze %dma_wait3A_236 : memref<1x2x72xi32, #tpu.memory_space<vmem>> -> memref<2x72xi32, #tpu.memory_space<vmem>>
      %dma_wait3A_238 = arith.constant 0 : i32
      %dma_wait3A_239 = arith.constant 0 : i32
      %dma_wait3A_240 = tpu.memref_slice %arg3[%dma_wait3A_231, %dma_wait3A_238, %dma_wait3A_239] : memref<4448x2x72xi32, #tpu.memory_space<hbm>> -> memref<1x2x72xi32, #tpu.memory_space<hbm>>
      %dma_wait3A_241 = tpu.memref_squeeze %dma_wait3A_240 : memref<1x2x72xi32, #tpu.memory_space<hbm>> -> memref<2x72xi32, #tpu.memory_space<hbm>>
      %dma_wait3A_242 = tpu.memref_slice %arg11[%dma_wait3A_233] : memref<6x!tpu.dma_semaphore, #tpu.memory_space<semaphore_mem>> -> memref<1x!tpu.dma_semaphore, #tpu.memory_space<semaphore_mem>>
      %dma_wait3A_243 = tpu.memref_squeeze %dma_wait3A_242 : memref<1x!tpu.dma_semaphore, #tpu.memory_space<semaphore_mem>> -> memref<!tpu.dma_semaphore, #tpu.memory_space<semaphore_mem>>
      %dma_wait3A_244 = arith.constant 0 : i32
      %dma_wait3A_245 = arith.constant 0 : i32
      %dma_wait3A_246 = tpu.memref_slice %arg6[%dma_wait3A_232, %dma_wait3A_244, %dma_wait3A_245] : memref<6x2x72xi32, #tpu.memory_space<vmem>> -> memref<1x2x72xi32, #tpu.memory_space<vmem>>
      %dma_wait3A_247 = tpu.memref_squeeze %dma_wait3A_246 : memref<1x2x72xi32, #tpu.memory_space<vmem>> -> memref<2x72xi32, #tpu.memory_space<vmem>>
      %dma_wait3A_248 = arith.constant 0 : i32
      %dma_wait3A_249 = arith.constant 0 : i32
      %dma_wait3A_250 = tpu.memref_slice %arg3[%dma_wait3A_231, %dma_wait3A_248, %dma_wait3A_249] : memref<4448x2x72xi32, #tpu.memory_space<hbm>> -> memref<1x2x72xi32, #tpu.memory_space<hbm>>
      %dma_wait3A_251 = tpu.memref_squeeze %dma_wait3A_250 : memref<1x2x72xi32, #tpu.memory_space<hbm>> -> memref<2x72xi32, #tpu.memory_space<hbm>>
      tpu.wait_dma2 semaphore(%dma_wait3A_243 : memref<!tpu.dma_semaphore, #tpu.memory_space<semaphore_mem>>) src(%dma_wait3A_251 : memref<2x72xi32, #tpu.memory_space<hbm>>) dst(%dma_wait3A_247 : memref<2x72xi32, #tpu.memory_space<vmem>>)
      %dma_start3A_252 = arith.constant 3 : i32
      %dma_start3A_253 = arith.constant 0 : i32
      %dma_start3A_254 = arith.constant 3 : i32
      %dma_start3A_255 = arith.constant 3 : i32
      %dma_start3A_256 = arith.constant 0 : i32
      %dma_start3A_257 = arith.constant 0 : i32
      %dma_start3A_258 = tpu.memref_slice %arg7[%dma_start3A_254, %dma_start3A_256, %dma_start3A_257] : memref<5x72x128xf32, #tpu.memory_space<vmem>> -> memref<1x72x128xf32, #tpu.memory_space<vmem>>
      %dma_start3A_259 = tpu.memref_squeeze %dma_start3A_258 : memref<1x72x128xf32, #tpu.memory_space<vmem>> -> memref<72x128xf32, #tpu.memory_space<vmem>>
      %dma_start3A_260 = arith.constant 0 : i32
      %dma_start3A_261 = tpu.memref_slice %arg6[%dma_start3A_252, %dma_start3A_253, %dma_start3A_260] : memref<6x2x72xi32, #tpu.memory_space<vmem>> -> memref<1x1x72xi32, #tpu.memory_space<vmem>>
      %dma_start3A_262 = tpu.memref_squeeze %dma_start3A_261 : memref<1x1x72xi32, #tpu.memory_space<vmem>> -> memref<72xi32, #tpu.memory_space<vmem>>
      %dma_start3A_263 = arith.constant 0 : i32
      %dma_start3A_264 = arith.constant 0 : i32
      %dma_start3A_265 = tpu.memref_slice %arg2[%dma_start3A_263, %dma_start3A_264] : memref<10112x128xf32, #tpu.memory_space<hbm>> -> memref<10112x128xf32, #tpu.memory_space<hbm>>
      %dma_start3A_266 = tpu.memref_slice %arg9[%dma_start3A_255] : memref<5x!tpu.dma_semaphore, #tpu.memory_space<semaphore_mem>> -> memref<1x!tpu.dma_semaphore, #tpu.memory_space<semaphore_mem>>
      %dma_start3A_267 = tpu.memref_squeeze %dma_start3A_266 : memref<1x!tpu.dma_semaphore, #tpu.memory_space<semaphore_mem>> -> memref<!tpu.dma_semaphore, #tpu.memory_space<semaphore_mem>>
      tpu.enqueue_indirect_dma source(%dma_start3A_265 : memref<10112x128xf32, #tpu.memory_space<hbm>>) target(%dma_start3A_259 : memref<72x128xf32, #tpu.memory_space<vmem>>) offsets(%dma_start3A_262 : memref<72xi32, #tpu.memory_space<vmem>>) semaphore(%dma_start3A_267 : memref<!tpu.dma_semaphore, #tpu.memory_space<semaphore_mem>>)
      %dma_wait3A_268 = arith.constant 0 : i32
      %dma_wait3A_269 = arith.constant 4 : i32
      %dma_wait3A_270 = arith.constant 4 : i32
      %dma_wait3A_271 = arith.constant 0 : i32
      %dma_wait3A_272 = arith.constant 0 : i32
      %dma_wait3A_273 = tpu.memref_slice %arg6[%dma_wait3A_269, %dma_wait3A_271, %dma_wait3A_272] : memref<6x2x72xi32, #tpu.memory_space<vmem>> -> memref<1x2x72xi32, #tpu.memory_space<vmem>>
      %dma_wait3A_274 = tpu.memref_squeeze %dma_wait3A_273 : memref<1x2x72xi32, #tpu.memory_space<vmem>> -> memref<2x72xi32, #tpu.memory_space<vmem>>
      %dma_wait3A_275 = arith.constant 0 : i32
      %dma_wait3A_276 = arith.constant 0 : i32
      %dma_wait3A_277 = tpu.memref_slice %arg3[%dma_wait3A_268, %dma_wait3A_275, %dma_wait3A_276] : memref<4448x2x72xi32, #tpu.memory_space<hbm>> -> memref<1x2x72xi32, #tpu.memory_space<hbm>>
      %dma_wait3A_278 = tpu.memref_squeeze %dma_wait3A_277 : memref<1x2x72xi32, #tpu.memory_space<hbm>> -> memref<2x72xi32, #tpu.memory_space<hbm>>
      %dma_wait3A_279 = tpu.memref_slice %arg11[%dma_wait3A_270] : memref<6x!tpu.dma_semaphore, #tpu.memory_space<semaphore_mem>> -> memref<1x!tpu.dma_semaphore, #tpu.memory_space<semaphore_mem>>
      %dma_wait3A_280 = tpu.memref_squeeze %dma_wait3A_279 : memref<1x!tpu.dma_semaphore, #tpu.memory_space<semaphore_mem>> -> memref<!tpu.dma_semaphore, #tpu.memory_space<semaphore_mem>>
      %dma_wait3A_281 = arith.constant 0 : i32
      %dma_wait3A_282 = arith.constant 0 : i32
      %dma_wait3A_283 = tpu.memref_slice %arg6[%dma_wait3A_269, %dma_wait3A_281, %dma_wait3A_282] : memref<6x2x72xi32, #tpu.memory_space<vmem>> -> memref<1x2x72xi32, #tpu.memory_space<vmem>>
      %dma_wait3A_284 = tpu.memref_squeeze %dma_wait3A_283 : memref<1x2x72xi32, #tpu.memory_space<vmem>> -> memref<2x72xi32, #tpu.memory_space<vmem>>
      %dma_wait3A_285 = arith.constant 0 : i32
      %dma_wait3A_286 = arith.constant 0 : i32
      %dma_wait3A_287 = tpu.memref_slice %arg3[%dma_wait3A_268, %dma_wait3A_285, %dma_wait3A_286] : memref<4448x2x72xi32, #tpu.memory_space<hbm>> -> memref<1x2x72xi32, #tpu.memory_space<hbm>>
      %dma_wait3A_288 = tpu.memref_squeeze %dma_wait3A_287 : memref<1x2x72xi32, #tpu.memory_space<hbm>> -> memref<2x72xi32, #tpu.memory_space<hbm>>
      tpu.wait_dma2 semaphore(%dma_wait3A_280 : memref<!tpu.dma_semaphore, #tpu.memory_space<semaphore_mem>>) src(%dma_wait3A_288 : memref<2x72xi32, #tpu.memory_space<hbm>>) dst(%dma_wait3A_284 : memref<2x72xi32, #tpu.memory_space<vmem>>)
      %dma_start3A_289 = arith.constant 4 : i32
      %dma_start3A_290 = arith.constant 0 : i32
      %dma_start3A_291 = arith.constant 4 : i32
      %dma_start3A_292 = arith.constant 4 : i32
      %dma_start3A_293 = arith.constant 0 : i32
      %dma_start3A_294 = arith.constant 0 : i32
      %dma_start3A_295 = tpu.memref_slice %arg7[%dma_start3A_291, %dma_start3A_293, %dma_start3A_294] : memref<5x72x128xf32, #tpu.memory_space<vmem>> -> memref<1x72x128xf32, #tpu.memory_space<vmem>>
      %dma_start3A_296 = tpu.memref_squeeze %dma_start3A_295 : memref<1x72x128xf32, #tpu.memory_space<vmem>> -> memref<72x128xf32, #tpu.memory_space<vmem>>
      %dma_start3A_297 = arith.constant 0 : i32
      %dma_start3A_298 = tpu.memref_slice %arg6[%dma_start3A_289, %dma_start3A_290, %dma_start3A_297] : memref<6x2x72xi32, #tpu.memory_space<vmem>> -> memref<1x1x72xi32, #tpu.memory_space<vmem>>
      %dma_start3A_299 = tpu.memref_squeeze %dma_start3A_298 : memref<1x1x72xi32, #tpu.memory_space<vmem>> -> memref<72xi32, #tpu.memory_space<vmem>>
      %dma_start3A_300 = arith.constant 0 : i32
      %dma_start3A_301 = arith.constant 0 : i32
      %dma_start3A_302 = tpu.memref_slice %arg2[%dma_start3A_300, %dma_start3A_301] : memref<10112x128xf32, #tpu.memory_space<hbm>> -> memref<10112x128xf32, #tpu.memory_space<hbm>>
      %dma_start3A_303 = tpu.memref_slice %arg9[%dma_start3A_292] : memref<5x!tpu.dma_semaphore, #tpu.memory_space<semaphore_mem>> -> memref<1x!tpu.dma_semaphore, #tpu.memory_space<semaphore_mem>>
      %dma_start3A_304 = tpu.memref_squeeze %dma_start3A_303 : memref<1x!tpu.dma_semaphore, #tpu.memory_space<semaphore_mem>> -> memref<!tpu.dma_semaphore, #tpu.memory_space<semaphore_mem>>
      tpu.enqueue_indirect_dma source(%dma_start3A_302 : memref<10112x128xf32, #tpu.memory_space<hbm>>) target(%dma_start3A_296 : memref<72x128xf32, #tpu.memory_space<vmem>>) offsets(%dma_start3A_299 : memref<72xi32, #tpu.memory_space<vmem>>) semaphore(%dma_start3A_304 : memref<!tpu.dma_semaphore, #tpu.memory_space<semaphore_mem>>)
      %scan3A = arith.constant 0 : i32
      %scan3A_305 = arith.constant 0 : i32
      %scan3A_306 = arith.constant 133 : i32
      %scan3A_307 = arith.addi %scan3A_305, %scan3A_306 : i32
      %scan3A_308 = arith.constant 1 : i32
      scf.for %scan3A_327 = %scan3A_305 to %scan3A_307 step %scan3A_308  : i32 {
        %rem3A_328 = arith.constant 5 : i32
        %rem3A_329 = arith.remsi %scan3A_327, %rem3A_328 : i32
        %rem3A_330 = arith.constant 6 : i32
        %rem3A_331 = arith.remsi %scan3A_327, %rem3A_330 : i32
        %ge3A = arith.constant 1 : i32
        %ge3A_332 = arith.cmpi sge, %scan3A_327, %ge3A : i32
        %convert_element_type3A_333 = arith.extui %ge3A_332 : i1 to i32
        %cond3A_334 = arith.constant 0 : i32
        %cond3A_335 = arith.cmpi ne, %convert_element_type3A_333, %cond3A_334 : i32
        scf.if %cond3A_335 {
          %add3A_379 = arith.constant 5 : i32
          %add3A_380 = arith.addi %scan3A_327, %add3A_379 : i32
          %sub3A_381 = arith.constant 1 : i32
          %sub3A_382 = arith.subi %add3A_380, %sub3A_381 : i32
          %rem3A_383 = arith.constant 5 : i32
          %rem3A_384 = arith.remsi %sub3A_382, %rem3A_383 : i32
          %dma_wait3A_385 = arith.constant 0 : i32
          %dma_wait3A_386 = arith.constant 0 : i32
          %dma_wait3A_387 = arith.constant 1 : i32
          %dma_wait3A_388 = arith.constant 0 : i32
          %dma_wait3A_389 = arith.constant 0 : i32
          %dma_wait3A_390 = tpu.memref_slice %arg7[%dma_wait3A_385, %dma_wait3A_388, %dma_wait3A_389] : memref<5x72x128xf32, #tpu.memory_space<vmem>> -> memref<1x72x128xf32, #tpu.memory_space<vmem>>
          %dma_wait3A_391 = tpu.memref_squeeze %dma_wait3A_390 : memref<1x72x128xf32, #tpu.memory_space<vmem>> -> memref<72x128xf32, #tpu.memory_space<vmem>>
          %dma_wait3A_392 = arith.constant 0 : i32
          %dma_wait3A_393 = tpu.memref_slice %arg6[%dma_wait3A_386, %dma_wait3A_387, %dma_wait3A_392] : memref<6x2x72xi32, #tpu.memory_space<vmem>> -> memref<1x1x72xi32, #tpu.memory_space<vmem>>
          %dma_wait3A_394 = tpu.memref_squeeze %dma_wait3A_393 : memref<1x1x72xi32, #tpu.memory_space<vmem>> -> memref<72xi32, #tpu.memory_space<vmem>>
          %dma_wait3A_395 = arith.constant 0 : i32
          %dma_wait3A_396 = arith.constant 0 : i32
          %dma_wait3A_397 = tpu.memref_slice %arg8[%dma_wait3A_395, %dma_wait3A_396] : memref<10112x128xf32, #tpu.memory_space<vmem_shared>> -> memref<10112x128xf32, #tpu.memory_space<vmem_shared>>
          %dma_wait3A_398 = tpu.memref_slice %arg10[%rem3A_384] : memref<5x!tpu.dma_semaphore, #tpu.memory_space<semaphore_mem>> -> memref<1x!tpu.dma_semaphore, #tpu.memory_space<semaphore_mem>>
          %dma_wait3A_399 = tpu.memref_squeeze %dma_wait3A_398 : memref<1x!tpu.dma_semaphore, #tpu.memory_space<semaphore_mem>> -> memref<!tpu.dma_semaphore, #tpu.memory_space<semaphore_mem>>
          tpu.wait_indirect_dma semaphore(%dma_wait3A_399 : memref<!tpu.dma_semaphore, #tpu.memory_space<semaphore_mem>>) src(%dma_wait3A_391 : memref<72x128xf32, #tpu.memory_space<vmem>>) dst(%dma_wait3A_397 : memref<10112x128xf32, #tpu.memory_space<vmem_shared>>)
        } else {
        }
        %dma_wait3A_336 = arith.constant 0 : i32
        %dma_wait3A_337 = arith.constant 0 : i32
        %dma_wait3A_338 = arith.constant 0 : i32
        %dma_wait3A_339 = arith.constant 0 : i32
        %dma_wait3A_340 = tpu.memref_slice %arg7[%rem3A_329, %dma_wait3A_338, %dma_wait3A_339] : memref<5x72x128xf32, #tpu.memory_space<vmem>> -> memref<1x72x128xf32, #tpu.memory_space<vmem>>
        %dma_wait3A_341 = tpu.memref_squeeze %dma_wait3A_340 : memref<1x72x128xf32, #tpu.memory_space<vmem>> -> memref<72x128xf32, #tpu.memory_space<vmem>>
        %dma_wait3A_342 = arith.constant 0 : i32
        %dma_wait3A_343 = tpu.memref_slice %arg6[%dma_wait3A_336, %dma_wait3A_337, %dma_wait3A_342] : memref<6x2x72xi32, #tpu.memory_space<vmem>> -> memref<1x1x72xi32, #tpu.memory_space<vmem>>
        %dma_wait3A_344 = tpu.memref_squeeze %dma_wait3A_343 : memref<1x1x72xi32, #tpu.memory_space<vmem>> -> memref<72xi32, #tpu.memory_space<vmem>>
        %dma_wait3A_345 = arith.constant 0 : i32
        %dma_wait3A_346 = arith.constant 0 : i32
        %dma_wait3A_347 = tpu.memref_slice %arg2[%dma_wait3A_345, %dma_wait3A_346] : memref<10112x128xf32, #tpu.memory_space<hbm>> -> memref<10112x128xf32, #tpu.memory_space<hbm>>
        %dma_wait3A_348 = tpu.memref_slice %arg9[%rem3A_329] : memref<5x!tpu.dma_semaphore, #tpu.memory_space<semaphore_mem>> -> memref<1x!tpu.dma_semaphore, #tpu.memory_space<semaphore_mem>>
        %dma_wait3A_349 = tpu.memref_squeeze %dma_wait3A_348 : memref<1x!tpu.dma_semaphore, #tpu.memory_space<semaphore_mem>> -> memref<!tpu.dma_semaphore, #tpu.memory_space<semaphore_mem>>
        tpu.wait_indirect_dma semaphore(%dma_wait3A_349 : memref<!tpu.dma_semaphore, #tpu.memory_space<semaphore_mem>>) src(%dma_wait3A_347 : memref<10112x128xf32, #tpu.memory_space<hbm>>) dst(%dma_wait3A_341 : memref<72x128xf32, #tpu.memory_space<vmem>>)
        %dma_start3A_350 = arith.constant 1 : i32
        %dma_start3A_351 = arith.constant 0 : i32
        %dma_start3A_352 = arith.constant 0 : i32
        %dma_start3A_353 = tpu.memref_slice %arg7[%rem3A_329, %dma_start3A_351, %dma_start3A_352] : memref<5x72x128xf32, #tpu.memory_space<vmem>> -> memref<1x72x128xf32, #tpu.memory_space<vmem>>
        %dma_start3A_354 = tpu.memref_squeeze %dma_start3A_353 : memref<1x72x128xf32, #tpu.memory_space<vmem>> -> memref<72x128xf32, #tpu.memory_space<vmem>>
        %dma_start3A_355 = arith.constant 0 : i32
        %dma_start3A_356 = tpu.memref_slice %arg6[%rem3A_331, %dma_start3A_350, %dma_start3A_355] : memref<6x2x72xi32, #tpu.memory_space<vmem>> -> memref<1x1x72xi32, #tpu.memory_space<vmem>>
        %dma_start3A_357 = tpu.memref_squeeze %dma_start3A_356 : memref<1x1x72xi32, #tpu.memory_space<vmem>> -> memref<72xi32, #tpu.memory_space<vmem>>
        %dma_start3A_358 = arith.constant 0 : i32
        %dma_start3A_359 = arith.constant 0 : i32
        %dma_start3A_360 = tpu.memref_slice %arg8[%dma_start3A_358, %dma_start3A_359] : memref<10112x128xf32, #tpu.memory_space<vmem_shared>> -> memref<10112x128xf32, #tpu.memory_space<vmem_shared>>
        %dma_start3A_361 = tpu.memref_slice %arg10[%rem3A_329] : memref<5x!tpu.dma_semaphore, #tpu.memory_space<semaphore_mem>> -> memref<1x!tpu.dma_semaphore, #tpu.memory_space<semaphore_mem>>
        %dma_start3A_362 = tpu.memref_squeeze %dma_start3A_361 : memref<1x!tpu.dma_semaphore, #tpu.memory_space<semaphore_mem>> -> memref<!tpu.dma_semaphore, #tpu.memory_space<semaphore_mem>>
        tpu.enqueue_indirect_dma source(%dma_start3A_354 : memref<72x128xf32, #tpu.memory_space<vmem>>) target(%dma_start3A_360 : memref<10112x128xf32, #tpu.memory_space<vmem_shared>>) offsets(%dma_start3A_357 : memref<72xi32, #tpu.memory_space<vmem>>) semaphore(%dma_start3A_362 : memref<!tpu.dma_semaphore, #tpu.memory_space<semaphore_mem>>) {add = true}
        %add3A_363 = arith.constant 5 : i32
        %add3A_364 = arith.addi %scan3A_327, %add3A_363 : i32
        %lt3A = arith.constant 133 : i32
        %lt3A_365 = arith.cmpi slt, %add3A_364, %lt3A : i32
        %convert_element_type3A_366 = arith.extui %lt3A_365 : i1 to i32
        %cond3A_367 = arith.constant 0 : i32
        %cond3A_368 = arith.cmpi ne, %convert_element_type3A_366, %cond3A_367 : i32
        scf.if %cond3A_368 {
          %add3A_379 = arith.addi %add3A_11, %scan3A_327 : i32
          %add3A_380 = arith.constant 5 : i32
          %add3A_381 = arith.addi %add3A_379, %add3A_380 : i32
          %add3A_382 = arith.constant 5 : i32
          %add3A_383 = arith.addi %scan3A_327, %add3A_382 : i32
          %rem3A_384 = arith.constant 6 : i32
          %rem3A_385 = arith.remsi %add3A_383, %rem3A_384 : i32
          %dma_start3A_386 = arith.constant 0 : i32
          %dma_start3A_387 = arith.constant 0 : i32
          %dma_start3A_388 = tpu.memref_slice %arg6[%rem3A_385, %dma_start3A_386, %dma_start3A_387] : memref<6x2x72xi32, #tpu.memory_space<vmem>> -> memref<1x2x72xi32, #tpu.memory_space<vmem>>
          %dma_start3A_389 = tpu.memref_squeeze %dma_start3A_388 : memref<1x2x72xi32, #tpu.memory_space<vmem>> -> memref<2x72xi32, #tpu.memory_space<vmem>>
          %dma_start3A_390 = arith.constant 0 : i32
          %dma_start3A_391 = arith.constant 0 : i32
          %dma_start3A_392 = tpu.memref_slice %arg3[%add3A_381, %dma_start3A_390, %dma_start3A_391] : memref<4448x2x72xi32, #tpu.memory_space<hbm>> -> memref<1x2x72xi32, #tpu.memory_space<hbm>>
          %dma_start3A_393 = tpu.memref_squeeze %dma_start3A_392 : memref<1x2x72xi32, #tpu.memory_space<hbm>> -> memref<2x72xi32, #tpu.memory_space<hbm>>
          %dma_start3A_394 = tpu.memref_slice %arg11[%rem3A_385] : memref<6x!tpu.dma_semaphore, #tpu.memory_space<semaphore_mem>> -> memref<1x!tpu.dma_semaphore, #tpu.memory_space<semaphore_mem>>
          %dma_start3A_395 = tpu.memref_squeeze %dma_start3A_394 : memref<1x!tpu.dma_semaphore, #tpu.memory_space<semaphore_mem>> -> memref<!tpu.dma_semaphore, #tpu.memory_space<semaphore_mem>>
          %dma_start3A_396 = arith.constant 0 : i32
          %dma_start3A_397 = arith.constant 0 : i32
          %dma_start3A_398 = tpu.memref_slice %arg6[%rem3A_385, %dma_start3A_396, %dma_start3A_397] : memref<6x2x72xi32, #tpu.memory_space<vmem>> -> memref<1x2x72xi32, #tpu.memory_space<vmem>>
          %dma_start3A_399 = tpu.memref_squeeze %dma_start3A_398 : memref<1x2x72xi32, #tpu.memory_space<vmem>> -> memref<2x72xi32, #tpu.memory_space<vmem>>
          %dma_start3A_400 = arith.constant 0 : i32
          %dma_start3A_401 = arith.constant 0 : i32
          %dma_start3A_402 = tpu.memref_slice %arg3[%add3A_381, %dma_start3A_400, %dma_start3A_401] : memref<4448x2x72xi32, #tpu.memory_space<hbm>> -> memref<1x2x72xi32, #tpu.memory_space<hbm>>
          %dma_start3A_403 = tpu.memref_squeeze %dma_start3A_402 : memref<1x2x72xi32, #tpu.memory_space<hbm>> -> memref<2x72xi32, #tpu.memory_space<hbm>>
          tpu.enqueue_dma source(%dma_start3A_403 : memref<2x72xi32, #tpu.memory_space<hbm>>) target(%dma_start3A_399 : memref<2x72xi32, #tpu.memory_space<vmem>>) target_semaphore(%dma_start3A_395 : memref<!tpu.dma_semaphore, #tpu.memory_space<semaphore_mem>>)
        } else {
        }
        %add3A_369 = arith.constant 5 : i32
        %add3A_370 = arith.addi %scan3A_327, %add3A_369 : i32
        %sub3A = arith.constant 1 : i32
        %sub3A_371 = arith.subi %add3A_370, %sub3A : i32
        %ge3A_372 = arith.constant 1 : i32
        %ge3A_373 = arith.cmpi sge, %scan3A_327, %ge3A_372 : i32
        %lt3A_374 = arith.constant 133 : i32
        %lt3A_375 = arith.cmpi slt, %sub3A_371, %lt3A_374 : i32
        %and3A = arith.andi %ge3A_373, %lt3A_375 : i1
        %convert_element_type3A_376 = arith.extui %and3A : i1 to i32
        %cond3A_377 = arith.constant 0 : i32
        %cond3A_378 = arith.cmpi ne, %convert_element_type3A_376, %cond3A_377 : i32
        scf.if %cond3A_378 {
          %rem3A_379 = arith.constant 6 : i32
          %rem3A_380 = arith.remsi %sub3A_371, %rem3A_379 : i32
          %dma_wait3A_381 = arith.constant 0 : i32
          %dma_wait3A_382 = arith.constant 0 : i32
          %dma_wait3A_383 = arith.constant 0 : i32
          %dma_wait3A_384 = tpu.memref_slice %arg6[%rem3A_380, %dma_wait3A_382, %dma_wait3A_383] : memref<6x2x72xi32, #tpu.memory_space<vmem>> -> memref<1x2x72xi32, #tpu.memory_space<vmem>>
          %dma_wait3A_385 = tpu.memref_squeeze %dma_wait3A_384 : memref<1x2x72xi32, #tpu.memory_space<vmem>> -> memref<2x72xi32, #tpu.memory_space<vmem>>
          %dma_wait3A_386 = arith.constant 0 : i32
          %dma_wait3A_387 = arith.constant 0 : i32
          %dma_wait3A_388 = tpu.memref_slice %arg3[%dma_wait3A_381, %dma_wait3A_386, %dma_wait3A_387] : memref<4448x2x72xi32, #tpu.memory_space<hbm>> -> memref<1x2x72xi32, #tpu.memory_space<hbm>>
          %dma_wait3A_389 = tpu.memref_squeeze %dma_wait3A_388 : memref<1x2x72xi32, #tpu.memory_space<hbm>> -> memref<2x72xi32, #tpu.memory_space<hbm>>
          %dma_wait3A_390 = tpu.memref_slice %arg11[%rem3A_380] : memref<6x!tpu.dma_semaphore, #tpu.memory_space<semaphore_mem>> -> memref<1x!tpu.dma_semaphore, #tpu.memory_space<semaphore_mem>>
          %dma_wait3A_391 = tpu.memref_squeeze %dma_wait3A_390 : memref<1x!tpu.dma_semaphore, #tpu.memory_space<semaphore_mem>> -> memref<!tpu.dma_semaphore, #tpu.memory_space<semaphore_mem>>
          %dma_wait3A_392 = arith.constant 0 : i32
          %dma_wait3A_393 = arith.constant 0 : i32
          %dma_wait3A_394 = tpu.memref_slice %arg6[%rem3A_380, %dma_wait3A_392, %dma_wait3A_393] : memref<6x2x72xi32, #tpu.memory_space<vmem>> -> memref<1x2x72xi32, #tpu.memory_space<vmem>>
          %dma_wait3A_395 = tpu.memref_squeeze %dma_wait3A_394 : memref<1x2x72xi32, #tpu.memory_space<vmem>> -> memref<2x72xi32, #tpu.memory_space<vmem>>
          %dma_wait3A_396 = arith.constant 0 : i32
          %dma_wait3A_397 = arith.constant 0 : i32
          %dma_wait3A_398 = tpu.memref_slice %arg3[%dma_wait3A_381, %dma_wait3A_396, %dma_wait3A_397] : memref<4448x2x72xi32, #tpu.memory_space<hbm>> -> memref<1x2x72xi32, #tpu.memory_space<hbm>>
          %dma_wait3A_399 = tpu.memref_squeeze %dma_wait3A_398 : memref<1x2x72xi32, #tpu.memory_space<hbm>> -> memref<2x72xi32, #tpu.memory_space<hbm>>
          tpu.wait_dma2 semaphore(%dma_wait3A_391 : memref<!tpu.dma_semaphore, #tpu.memory_space<semaphore_mem>>) src(%dma_wait3A_399 : memref<2x72xi32, #tpu.memory_space<hbm>>) dst(%dma_wait3A_395 : memref<2x72xi32, #tpu.memory_space<vmem>>)
          %rem3A_400 = arith.constant 5 : i32
          %rem3A_401 = arith.remsi %sub3A_371, %rem3A_400 : i32
          %rem3A_402 = arith.constant 6 : i32
          %rem3A_403 = arith.remsi %sub3A_371, %rem3A_402 : i32
          %dma_start3A_404 = arith.constant 0 : i32
          %dma_start3A_405 = arith.constant 0 : i32
          %dma_start3A_406 = arith.constant 0 : i32
          %dma_start3A_407 = tpu.memref_slice %arg7[%rem3A_401, %dma_start3A_405, %dma_start3A_406] : memref<5x72x128xf32, #tpu.memory_space<vmem>> -> memref<1x72x128xf32, #tpu.memory_space<vmem>>
          %dma_start3A_408 = tpu.memref_squeeze %dma_start3A_407 : memref<1x72x128xf32, #tpu.memory_space<vmem>> -> memref<72x128xf32, #tpu.memory_space<vmem>>
          %dma_start3A_409 = arith.constant 0 : i32
          %dma_start3A_410 = tpu.memref_slice %arg6[%rem3A_403, %dma_start3A_404, %dma_start3A_409] : memref<6x2x72xi32, #tpu.memory_space<vmem>> -> memref<1x1x72xi32, #tpu.memory_space<vmem>>
          %dma_start3A_411 = tpu.memref_squeeze %dma_start3A_410 : memref<1x1x72xi32, #tpu.memory_space<vmem>> -> memref<72xi32, #tpu.memory_space<vmem>>
          %dma_start3A_412 = arith.constant 0 : i32
          %dma_start3A_413 = arith.constant 0 : i32
          %dma_start3A_414 = tpu.memref_slice %arg2[%dma_start3A_412, %dma_start3A_413] : memref<10112x128xf32, #tpu.memory_space<hbm>> -> memref<10112x128xf32, #tpu.memory_space<hbm>>
          %dma_start3A_415 = tpu.memref_slice %arg9[%rem3A_401] : memref<5x!tpu.dma_semaphore, #tpu.memory_space<semaphore_mem>> -> memref<1x!tpu.dma_semaphore, #tpu.memory_space<semaphore_mem>>
          %dma_start3A_416 = tpu.memref_squeeze %dma_start3A_415 : memref<1x!tpu.dma_semaphore, #tpu.memory_space<semaphore_mem>> -> memref<!tpu.dma_semaphore, #tpu.memory_space<semaphore_mem>>
          tpu.enqueue_indirect_dma source(%dma_start3A_414 : memref<10112x128xf32, #tpu.memory_space<hbm>>) target(%dma_start3A_408 : memref<72x128xf32, #tpu.memory_space<vmem>>) offsets(%dma_start3A_411 : memref<72xi32, #tpu.memory_space<vmem>>) semaphore(%dma_start3A_416 : memref<!tpu.dma_semaphore, #tpu.memory_space<semaphore_mem>>)
        } else {
        }
      }
      %scan3A_309 = arith.constant 133 : i32
      %rem3A = arith.constant 132 : i32
      %rem3A_310 = arith.constant 5 : i32
      %rem3A_311 = arith.remsi %rem3A, %rem3A_310 : i32
      %dma_wait3A_312 = arith.constant 0 : i32
      %dma_wait3A_313 = arith.constant 0 : i32
      %dma_wait3A_314 = arith.constant 1 : i32
      %dma_wait3A_315 = arith.constant 0 : i32
      %dma_wait3A_316 = arith.constant 0 : i32
      %dma_wait3A_317 = tpu.memref_slice %arg7[%dma_wait3A_312, %dma_wait3A_315, %dma_wait3A_316] : memref<5x72x128xf32, #tpu.memory_space<vmem>> -> memref<1x72x128xf32, #tpu.memory_space<vmem>>
      %dma_wait3A_318 = tpu.memref_squeeze %dma_wait3A_317 : memref<1x72x128xf32, #tpu.memory_space<vmem>> -> memref<72x128xf32, #tpu.memory_space<vmem>>
      %dma_wait3A_319 = arith.constant 0 : i32
      %dma_wait3A_320 = tpu.memref_slice %arg6[%dma_wait3A_313, %dma_wait3A_314, %dma_wait3A_319] : memref<6x2x72xi32, #tpu.memory_space<vmem>> -> memref<1x1x72xi32, #tpu.memory_space<vmem>>
      %dma_wait3A_321 = tpu.memref_squeeze %dma_wait3A_320 : memref<1x1x72xi32, #tpu.memory_space<vmem>> -> memref<72xi32, #tpu.memory_space<vmem>>
      %dma_wait3A_322 = arith.constant 0 : i32
      %dma_wait3A_323 = arith.constant 0 : i32
      %dma_wait3A_324 = tpu.memref_slice %arg8[%dma_wait3A_322, %dma_wait3A_323] : memref<10112x128xf32, #tpu.memory_space<vmem_shared>> -> memref<10112x128xf32, #tpu.memory_space<vmem_shared>>
      %dma_wait3A_325 = tpu.memref_slice %arg10[%rem3A_311] : memref<5x!tpu.dma_semaphore, #tpu.memory_space<semaphore_mem>> -> memref<1x!tpu.dma_semaphore, #tpu.memory_space<semaphore_mem>>
      %dma_wait3A_326 = tpu.memref_squeeze %dma_wait3A_325 : memref<1x!tpu.dma_semaphore, #tpu.memory_space<semaphore_mem>> -> memref<!tpu.dma_semaphore, #tpu.memory_space<semaphore_mem>>
      tpu.wait_indirect_dma semaphore(%dma_wait3A_326 : memref<!tpu.dma_semaphore, #tpu.memory_space<semaphore_mem>>) src(%dma_wait3A_318 : memref<72x128xf32, #tpu.memory_space<vmem>>) dst(%dma_wait3A_324 : memref<10112x128xf32, #tpu.memory_space<vmem_shared>>)
    } else {
    }
    %barrier3A_8 = arith.constant 0 : index
    tpu.barrier barrier_id(%barrier3A_8)
    "tpu.region"() ({
      %run_scoped3A = tpu.sem_alloc : memref<!tpu.dma_semaphore, #tpu.memory_space<semaphore_mem>>
      %dma_start3A = arith.constant 0 : i32
      %dma_start3A_9 = tpu.memref_slice %arg5[%arg0, %mul3A_0, %dma_start3A] : memref<2x10112x128xf32, #tpu.memory_space<hbm>> -> memref<1x632x128xf32, #tpu.memory_space<hbm>>
      %dma_start3A_10 = tpu.memref_squeeze %dma_start3A_9 : memref<1x632x128xf32, #tpu.memory_space<hbm>> -> memref<632x128xf32, #tpu.memory_space<hbm>>
      %dma_start3A_11 = arith.constant 0 : i32
      %dma_start3A_12 = tpu.memref_slice %arg8[%mul3A_0, %dma_start3A_11] : memref<10112x128xf32, #tpu.memory_space<vmem_shared>> -> memref<632x128xf32, #tpu.memory_space<vmem_shared>>
      tpu.enqueue_dma source(%dma_start3A_12 : memref<632x128xf32, #tpu.memory_space<vmem_shared>>) target(%dma_start3A_10 : memref<632x128xf32, #tpu.memory_space<hbm>>) target_semaphore(%run_scoped3A : memref<!tpu.dma_semaphore, #tpu.memory_space<semaphore_mem>>)
      %dma_wait3A = arith.constant 0 : i32
      %dma_wait3A_13 = tpu.memref_slice %arg5[%arg0, %mul3A_0, %dma_wait3A] : memref<2x10112x128xf32, #tpu.memory_space<hbm>> -> memref<1x632x128xf32, #tpu.memory_space<hbm>>
      %dma_wait3A_14 = tpu.memref_squeeze %dma_wait3A_13 : memref<1x632x128xf32, #tpu.memory_space<hbm>> -> memref<632x128xf32, #tpu.memory_space<hbm>>
      %dma_wait3A_15 = arith.constant 0 : i32
      %dma_wait3A_16 = tpu.memref_slice %arg8[%mul3A_0, %dma_wait3A_15] : memref<10112x128xf32, #tpu.memory_space<vmem_shared>> -> memref<632x128xf32, #tpu.memory_space<vmem_shared>>
      tpu.wait_dma2 semaphore(%run_scoped3A : memref<!tpu.dma_semaphore, #tpu.memory_space<semaphore_mem>>) src(%dma_wait3A_16 : memref<632x128xf32, #tpu.memory_space<vmem_shared>>) dst(%dma_wait3A_14 : memref<632x128xf32, #tpu.memory_space<hbm>>)
      tpu.yield
    }) : () -> ()
    return
  }
}

#map = affine_map<(d0, d1) -> (0, 0)>
#map1 = affine_map<(d0, d1) -> (0, 0, 0)>
module attributes {stable_mosaic.version = 14 : i64} {
  func.func @_agg_body(%arg0: i32, %arg1: i32, %arg2: memref<10112x128xf32, #tpu.memory_space<hbm>>, %arg3: memref<4448x2x72xi32, #tpu.memory_space<hbm>>, %arg4: memref<632x128xf32, #tpu.memory_space<hbm>>, %arg5: memref<2x10112x128xf32, #tpu.memory_space<hbm>>, %arg6: memref<6x2x72xi32, #tpu.memory_space<vmem>>, %arg7: memref<5x72x128xf32, #tpu.memory_space<vmem>>, %arg8: memref<10112x128xf32, #tpu.memory_space<vmem_shared>>, %arg9: memref<5x!tpu.dma_semaphore, #tpu.memory_space<semaphore_mem>>, %arg10: memref<5x!tpu.dma_semaphore, #tpu.memory_space<semaphore_mem>>, %arg11: memref<6x!tpu.dma_semaphore, #tpu.memory_space<semaphore_mem>>) attributes {dimension_semantics = [#tpu.dimension_semantics<core_parallel>, #tpu.dimension_semantics<subcore_parallel>], iteration_bounds = array<i64: 2, 16>, scalar_prefetch = 0 : i64, scratch_operands = 6 : i64, tpu.core_type = #tpu.core_type<sc_vector_subcore>, window_params = [{transform_indices = #map}, {transform_indices = #map1}, {transform_indices = #map}, {transform_indices = #map1}]} {
    %mul3A = arith.constant 632 : i32
    %mul3A_0 = arith.muli %arg1, %mul3A : i32
    "tpu.region"() ({
      %run_scoped3A = tpu.sem_alloc : memref<!tpu.dma_semaphore, #tpu.memory_space<semaphore_mem>>
      %dma_start3A = arith.constant 0 : i32
      %dma_start3A_9 = tpu.memref_slice %arg8[%mul3A_0, %dma_start3A] : memref<10112x128xf32, #tpu.memory_space<vmem_shared>> -> memref<632x128xf32, #tpu.memory_space<vmem_shared>>
      tpu.enqueue_dma source(%arg4 : memref<632x128xf32, #tpu.memory_space<hbm>>) target(%dma_start3A_9 : memref<632x128xf32, #tpu.memory_space<vmem_shared>>) target_semaphore(%run_scoped3A : memref<!tpu.dma_semaphore, #tpu.memory_space<semaphore_mem>>)
      %dma_wait3A = arith.constant 0 : i32
      %dma_wait3A_10 = tpu.memref_slice %arg8[%mul3A_0, %dma_wait3A] : memref<10112x128xf32, #tpu.memory_space<vmem_shared>> -> memref<632x128xf32, #tpu.memory_space<vmem_shared>>
      tpu.wait_dma2 semaphore(%run_scoped3A : memref<!tpu.dma_semaphore, #tpu.memory_space<semaphore_mem>>) src(%arg4 : memref<632x128xf32, #tpu.memory_space<hbm>>) dst(%dma_wait3A_10 : memref<632x128xf32, #tpu.memory_space<vmem_shared>>)
      tpu.yield
    }) : () -> ()
    %barrier3A = arith.constant 0 : index
    tpu.barrier barrier_id(%barrier3A)
    %eq3A = arith.constant 0 : i32
    %eq3A_1 = arith.cmpi eq, %arg0, %eq3A : i32
    %convert_element_type3A = arith.extui %eq3A_1 : i1 to i32
    %cond3A = arith.constant 0 : i32
    %cond3A_2 = arith.cmpi ne, %convert_element_type3A, %cond3A : i32
    scf.if %cond3A_2 {
      %mul3A_9 = arith.constant 145 : i32
      %mul3A_10 = arith.muli %arg1, %mul3A_9 : i32
      %add3A = arith.constant 0 : i32
      %add3A_11 = arith.addi %mul3A_10, %add3A : i32
      %dma_start3A = arith.constant 0 : i32
      %dma_start3A_12 = arith.constant 0 : i32
      %dma_start3A_13 = arith.constant 0 : i32
      %dma_start3A_14 = arith.constant 0 : i32
      %dma_start3A_15 = tpu.memref_slice %arg6[%dma_start3A, %dma_start3A_13, %dma_start3A_14] : memref<6x2x72xi32, #tpu.memory_space<vmem>> -> memref<1x2x72xi32, #tpu.memory_space<vmem>>
      %dma_start3A_16 = tpu.memref_squeeze %dma_start3A_15 : memref<1x2x72xi32, #tpu.memory_space<vmem>> -> memref<2x72xi32, #tpu.memory_space<vmem>>
      %dma_start3A_17 = arith.constant 0 : i32
      %dma_start3A_18 = arith.constant 0 : i32
      %dma_start3A_19 = tpu.memref_slice %arg3[%add3A_11, %dma_start3A_17, %dma_start3A_18] : memref<4448x2x72xi32, #tpu.memory_space<hbm>> -> memref<1x2x72xi32, #tpu.memory_space<hbm>>
      %dma_start3A_20 = tpu.memref_squeeze %dma_start3A_19 : memref<1x2x72xi32, #tpu.memory_space<hbm>> -> memref<2x72xi32, #tpu.memory_space<hbm>>
      %dma_start3A_21 = tpu.memref_slice %arg11[%dma_start3A_12] : memref<6x!tpu.dma_semaphore, #tpu.memory_space<semaphore_mem>> -> memref<1x!tpu.dma_semaphore, #tpu.memory_space<semaphore_mem>>
      %dma_start3A_22 = tpu.memref_squeeze %dma_start3A_21 : memref<1x!tpu.dma_semaphore, #tpu.memory_space<semaphore_mem>> -> memref<!tpu.dma_semaphore, #tpu.memory_space<semaphore_mem>>
      %dma_start3A_23 = arith.constant 0 : i32
      %dma_start3A_24 = arith.constant 0 : i32
      %dma_start3A_25 = tpu.memref_slice %arg6[%dma_start3A, %dma_start3A_23, %dma_start3A_24] : memref<6x2x72xi32, #tpu.memory_space<vmem>> -> memref<1x2x72xi32, #tpu.memory_space<vmem>>
      %dma_start3A_26 = tpu.memref_squeeze %dma_start3A_25 : memref<1x2x72xi32, #tpu.memory_space<vmem>> -> memref<2x72xi32, #tpu.memory_space<vmem>>
      %dma_start3A_27 = arith.constant 0 : i32
      %dma_start3A_28 = arith.constant 0 : i32
      %dma_start3A_29 = tpu.memref_slice %arg3[%add3A_11, %dma_start3A_27, %dma_start3A_28] : memref<4448x2x72xi32, #tpu.memory_space<hbm>> -> memref<1x2x72xi32, #tpu.memory_space<hbm>>
      %dma_start3A_30 = tpu.memref_squeeze %dma_start3A_29 : memref<1x2x72xi32, #tpu.memory_space<hbm>> -> memref<2x72xi32, #tpu.memory_space<hbm>>
      tpu.enqueue_dma source(%dma_start3A_30 : memref<2x72xi32, #tpu.memory_space<hbm>>) target(%dma_start3A_26 : memref<2x72xi32, #tpu.memory_space<vmem>>) target_semaphore(%dma_start3A_22 : memref<!tpu.dma_semaphore, #tpu.memory_space<semaphore_mem>>)
      %add3A_31 = arith.constant 1 : i32
      %add3A_32 = arith.addi %mul3A_10, %add3A_31 : i32
      %dma_start3A_33 = arith.constant 1 : i32
      %dma_start3A_34 = arith.constant 1 : i32
      %dma_start3A_35 = arith.constant 0 : i32
      %dma_start3A_36 = arith.constant 0 : i32
      %dma_start3A_37 = tpu.memref_slice %arg6[%dma_start3A_33, %dma_start3A_35, %dma_start3A_36] : memref<6x2x72xi32, #tpu.memory_space<vmem>> -> memref<1x2x72xi32, #tpu.memory_space<vmem>>
      %dma_start3A_38 = tpu.memref_squeeze %dma_start3A_37 : memref<1x2x72xi32, #tpu.memory_space<vmem>> -> memref<2x72xi32, #tpu.memory_space<vmem>>
      %dma_start3A_39 = arith.constant 0 : i32
      %dma_start3A_40 = arith.constant 0 : i32
      %dma_start3A_41 = tpu.memref_slice %arg3[%add3A_32, %dma_start3A_39, %dma_start3A_40] : memref<4448x2x72xi32, #tpu.memory_space<hbm>> -> memref<1x2x72xi32, #tpu.memory_space<hbm>>
      %dma_start3A_42 = tpu.memref_squeeze %dma_start3A_41 : memref<1x2x72xi32, #tpu.memory_space<hbm>> -> memref<2x72xi32, #tpu.memory_space<hbm>>
      %dma_start3A_43 = tpu.memref_slice %arg11[%dma_start3A_34] : memref<6x!tpu.dma_semaphore, #tpu.memory_space<semaphore_mem>> -> memref<1x!tpu.dma_semaphore, #tpu.memory_space<semaphore_mem>>
      %dma_start3A_44 = tpu.memref_squeeze %dma_start3A_43 : memref<1x!tpu.dma_semaphore, #tpu.memory_space<semaphore_mem>> -> memref<!tpu.dma_semaphore, #tpu.memory_space<semaphore_mem>>
      %dma_start3A_45 = arith.constant 0 : i32
      %dma_start3A_46 = arith.constant 0 : i32
      %dma_start3A_47 = tpu.memref_slice %arg6[%dma_start3A_33, %dma_start3A_45, %dma_start3A_46] : memref<6x2x72xi32, #tpu.memory_space<vmem>> -> memref<1x2x72xi32, #tpu.memory_space<vmem>>
      %dma_start3A_48 = tpu.memref_squeeze %dma_start3A_47 : memref<1x2x72xi32, #tpu.memory_space<vmem>> -> memref<2x72xi32, #tpu.memory_space<vmem>>
      %dma_start3A_49 = arith.constant 0 : i32
      %dma_start3A_50 = arith.constant 0 : i32
      %dma_start3A_51 = tpu.memref_slice %arg3[%add3A_32, %dma_start3A_49, %dma_start3A_50] : memref<4448x2x72xi32, #tpu.memory_space<hbm>> -> memref<1x2x72xi32, #tpu.memory_space<hbm>>
      %dma_start3A_52 = tpu.memref_squeeze %dma_start3A_51 : memref<1x2x72xi32, #tpu.memory_space<hbm>> -> memref<2x72xi32, #tpu.memory_space<hbm>>
      tpu.enqueue_dma source(%dma_start3A_52 : memref<2x72xi32, #tpu.memory_space<hbm>>) target(%dma_start3A_48 : memref<2x72xi32, #tpu.memory_space<vmem>>) target_semaphore(%dma_start3A_44 : memref<!tpu.dma_semaphore, #tpu.memory_space<semaphore_mem>>)
      %add3A_53 = arith.constant 2 : i32
      %add3A_54 = arith.addi %mul3A_10, %add3A_53 : i32
      %dma_start3A_55 = arith.constant 2 : i32
      %dma_start3A_56 = arith.constant 2 : i32
      %dma_start3A_57 = arith.constant 0 : i32
      %dma_start3A_58 = arith.constant 0 : i32
      %dma_start3A_59 = tpu.memref_slice %arg6[%dma_start3A_55, %dma_start3A_57, %dma_start3A_58] : memref<6x2x72xi32, #tpu.memory_space<vmem>> -> memref<1x2x72xi32, #tpu.memory_space<vmem>>
      %dma_start3A_60 = tpu.memref_squeeze %dma_start3A_59 : memref<1x2x72xi32, #tpu.memory_space<vmem>> -> memref<2x72xi32, #tpu.memory_space<vmem>>
      %dma_start3A_61 = arith.constant 0 : i32
      %dma_start3A_62 = arith.constant 0 : i32
      %dma_start3A_63 = tpu.memref_slice %arg3[%add3A_54, %dma_start3A_61, %dma_start3A_62] : memref<4448x2x72xi32, #tpu.memory_space<hbm>> -> memref<1x2x72xi32, #tpu.memory_space<hbm>>
      %dma_start3A_64 = tpu.memref_squeeze %dma_start3A_63 : memref<1x2x72xi32, #tpu.memory_space<hbm>> -> memref<2x72xi32, #tpu.memory_space<hbm>>
      %dma_start3A_65 = tpu.memref_slice %arg11[%dma_start3A_56] : memref<6x!tpu.dma_semaphore, #tpu.memory_space<semaphore_mem>> -> memref<1x!tpu.dma_semaphore, #tpu.memory_space<semaphore_mem>>
      %dma_start3A_66 = tpu.memref_squeeze %dma_start3A_65 : memref<1x!tpu.dma_semaphore, #tpu.memory_space<semaphore_mem>> -> memref<!tpu.dma_semaphore, #tpu.memory_space<semaphore_mem>>
      %dma_start3A_67 = arith.constant 0 : i32
      %dma_start3A_68 = arith.constant 0 : i32
      %dma_start3A_69 = tpu.memref_slice %arg6[%dma_start3A_55, %dma_start3A_67, %dma_start3A_68] : memref<6x2x72xi32, #tpu.memory_space<vmem>> -> memref<1x2x72xi32, #tpu.memory_space<vmem>>
      %dma_start3A_70 = tpu.memref_squeeze %dma_start3A_69 : memref<1x2x72xi32, #tpu.memory_space<vmem>> -> memref<2x72xi32, #tpu.memory_space<vmem>>
      %dma_start3A_71 = arith.constant 0 : i32
      %dma_start3A_72 = arith.constant 0 : i32
      %dma_start3A_73 = tpu.memref_slice %arg3[%add3A_54, %dma_start3A_71, %dma_start3A_72] : memref<4448x2x72xi32, #tpu.memory_space<hbm>> -> memref<1x2x72xi32, #tpu.memory_space<hbm>>
      %dma_start3A_74 = tpu.memref_squeeze %dma_start3A_73 : memref<1x2x72xi32, #tpu.memory_space<hbm>> -> memref<2x72xi32, #tpu.memory_space<hbm>>
      tpu.enqueue_dma source(%dma_start3A_74 : memref<2x72xi32, #tpu.memory_space<hbm>>) target(%dma_start3A_70 : memref<2x72xi32, #tpu.memory_space<vmem>>) target_semaphore(%dma_start3A_66 : memref<!tpu.dma_semaphore, #tpu.memory_space<semaphore_mem>>)
      %add3A_75 = arith.constant 3 : i32
      %add3A_76 = arith.addi %mul3A_10, %add3A_75 : i32
      %dma_start3A_77 = arith.constant 3 : i32
      %dma_start3A_78 = arith.constant 3 : i32
      %dma_start3A_79 = arith.constant 0 : i32
      %dma_start3A_80 = arith.constant 0 : i32
      %dma_start3A_81 = tpu.memref_slice %arg6[%dma_start3A_77, %dma_start3A_79, %dma_start3A_80] : memref<6x2x72xi32, #tpu.memory_space<vmem>> -> memref<1x2x72xi32, #tpu.memory_space<vmem>>
      %dma_start3A_82 = tpu.memref_squeeze %dma_start3A_81 : memref<1x2x72xi32, #tpu.memory_space<vmem>> -> memref<2x72xi32, #tpu.memory_space<vmem>>
      %dma_start3A_83 = arith.constant 0 : i32
      %dma_start3A_84 = arith.constant 0 : i32
      %dma_start3A_85 = tpu.memref_slice %arg3[%add3A_76, %dma_start3A_83, %dma_start3A_84] : memref<4448x2x72xi32, #tpu.memory_space<hbm>> -> memref<1x2x72xi32, #tpu.memory_space<hbm>>
      %dma_start3A_86 = tpu.memref_squeeze %dma_start3A_85 : memref<1x2x72xi32, #tpu.memory_space<hbm>> -> memref<2x72xi32, #tpu.memory_space<hbm>>
      %dma_start3A_87 = tpu.memref_slice %arg11[%dma_start3A_78] : memref<6x!tpu.dma_semaphore, #tpu.memory_space<semaphore_mem>> -> memref<1x!tpu.dma_semaphore, #tpu.memory_space<semaphore_mem>>
      %dma_start3A_88 = tpu.memref_squeeze %dma_start3A_87 : memref<1x!tpu.dma_semaphore, #tpu.memory_space<semaphore_mem>> -> memref<!tpu.dma_semaphore, #tpu.memory_space<semaphore_mem>>
      %dma_start3A_89 = arith.constant 0 : i32
      %dma_start3A_90 = arith.constant 0 : i32
      %dma_start3A_91 = tpu.memref_slice %arg6[%dma_start3A_77, %dma_start3A_89, %dma_start3A_90] : memref<6x2x72xi32, #tpu.memory_space<vmem>> -> memref<1x2x72xi32, #tpu.memory_space<vmem>>
      %dma_start3A_92 = tpu.memref_squeeze %dma_start3A_91 : memref<1x2x72xi32, #tpu.memory_space<vmem>> -> memref<2x72xi32, #tpu.memory_space<vmem>>
      %dma_start3A_93 = arith.constant 0 : i32
      %dma_start3A_94 = arith.constant 0 : i32
      %dma_start3A_95 = tpu.memref_slice %arg3[%add3A_76, %dma_start3A_93, %dma_start3A_94] : memref<4448x2x72xi32, #tpu.memory_space<hbm>> -> memref<1x2x72xi32, #tpu.memory_space<hbm>>
      %dma_start3A_96 = tpu.memref_squeeze %dma_start3A_95 : memref<1x2x72xi32, #tpu.memory_space<hbm>> -> memref<2x72xi32, #tpu.memory_space<hbm>>
      tpu.enqueue_dma source(%dma_start3A_96 : memref<2x72xi32, #tpu.memory_space<hbm>>) target(%dma_start3A_92 : memref<2x72xi32, #tpu.memory_space<vmem>>) target_semaphore(%dma_start3A_88 : memref<!tpu.dma_semaphore, #tpu.memory_space<semaphore_mem>>)
      %add3A_97 = arith.constant 4 : i32
      %add3A_98 = arith.addi %mul3A_10, %add3A_97 : i32
      %dma_start3A_99 = arith.constant 4 : i32
      %dma_start3A_100 = arith.constant 4 : i32
      %dma_start3A_101 = arith.constant 0 : i32
      %dma_start3A_102 = arith.constant 0 : i32
      %dma_start3A_103 = tpu.memref_slice %arg6[%dma_start3A_99, %dma_start3A_101, %dma_start3A_102] : memref<6x2x72xi32, #tpu.memory_space<vmem>> -> memref<1x2x72xi32, #tpu.memory_space<vmem>>
      %dma_start3A_104 = tpu.memref_squeeze %dma_start3A_103 : memref<1x2x72xi32, #tpu.memory_space<vmem>> -> memref<2x72xi32, #tpu.memory_space<vmem>>
      %dma_start3A_105 = arith.constant 0 : i32
      %dma_start3A_106 = arith.constant 0 : i32
      %dma_start3A_107 = tpu.memref_slice %arg3[%add3A_98, %dma_start3A_105, %dma_start3A_106] : memref<4448x2x72xi32, #tpu.memory_space<hbm>> -> memref<1x2x72xi32, #tpu.memory_space<hbm>>
      %dma_start3A_108 = tpu.memref_squeeze %dma_start3A_107 : memref<1x2x72xi32, #tpu.memory_space<hbm>> -> memref<2x72xi32, #tpu.memory_space<hbm>>
      %dma_start3A_109 = tpu.memref_slice %arg11[%dma_start3A_100] : memref<6x!tpu.dma_semaphore, #tpu.memory_space<semaphore_mem>> -> memref<1x!tpu.dma_semaphore, #tpu.memory_space<semaphore_mem>>
      %dma_start3A_110 = tpu.memref_squeeze %dma_start3A_109 : memref<1x!tpu.dma_semaphore, #tpu.memory_space<semaphore_mem>> -> memref<!tpu.dma_semaphore, #tpu.memory_space<semaphore_mem>>
      %dma_start3A_111 = arith.constant 0 : i32
      %dma_start3A_112 = arith.constant 0 : i32
      %dma_start3A_113 = tpu.memref_slice %arg6[%dma_start3A_99, %dma_start3A_111, %dma_start3A_112] : memref<6x2x72xi32, #tpu.memory_space<vmem>> -> memref<1x2x72xi32, #tpu.memory_space<vmem>>
      %dma_start3A_114 = tpu.memref_squeeze %dma_start3A_113 : memref<1x2x72xi32, #tpu.memory_space<vmem>> -> memref<2x72xi32, #tpu.memory_space<vmem>>
      %dma_start3A_115 = arith.constant 0 : i32
      %dma_start3A_116 = arith.constant 0 : i32
      %dma_start3A_117 = tpu.memref_slice %arg3[%add3A_98, %dma_start3A_115, %dma_start3A_116] : memref<4448x2x72xi32, #tpu.memory_space<hbm>> -> memref<1x2x72xi32, #tpu.memory_space<hbm>>
      %dma_start3A_118 = tpu.memref_squeeze %dma_start3A_117 : memref<1x2x72xi32, #tpu.memory_space<hbm>> -> memref<2x72xi32, #tpu.memory_space<hbm>>
      tpu.enqueue_dma source(%dma_start3A_118 : memref<2x72xi32, #tpu.memory_space<hbm>>) target(%dma_start3A_114 : memref<2x72xi32, #tpu.memory_space<vmem>>) target_semaphore(%dma_start3A_110 : memref<!tpu.dma_semaphore, #tpu.memory_space<semaphore_mem>>)
      %dma_wait3A = arith.constant 0 : i32
      %dma_wait3A_119 = arith.constant 0 : i32
      %dma_wait3A_120 = arith.constant 0 : i32
      %dma_wait3A_121 = arith.constant 0 : i32
      %dma_wait3A_122 = arith.constant 0 : i32
      %dma_wait3A_123 = tpu.memref_slice %arg6[%dma_wait3A_119, %dma_wait3A_121, %dma_wait3A_122] : memref<6x2x72xi32, #tpu.memory_space<vmem>> -> memref<1x2x72xi32, #tpu.memory_space<vmem>>
      %dma_wait3A_124 = tpu.memref_squeeze %dma_wait3A_123 : memref<1x2x72xi32, #tpu.memory_space<vmem>> -> memref<2x72xi32, #tpu.memory_space<vmem>>
      %dma_wait3A_125 = arith.constant 0 : i32
      %dma_wait3A_126 = arith.constant 0 : i32
      %dma_wait3A_127 = tpu.memref_slice %arg3[%dma_wait3A, %dma_wait3A_125, %dma_wait3A_126] : memref<4448x2x72xi32, #tpu.memory_space<hbm>> -> memref<1x2x72xi32, #tpu.memory_space<hbm>>
      %dma_wait3A_128 = tpu.memref_squeeze %dma_wait3A_127 : memref<1x2x72xi32, #tpu.memory_space<hbm>> -> memref<2x72xi32, #tpu.memory_space<hbm>>
      %dma_wait3A_129 = tpu.memref_slice %arg11[%dma_wait3A_120] : memref<6x!tpu.dma_semaphore, #tpu.memory_space<semaphore_mem>> -> memref<1x!tpu.dma_semaphore, #tpu.memory_space<semaphore_mem>>
      %dma_wait3A_130 = tpu.memref_squeeze %dma_wait3A_129 : memref<1x!tpu.dma_semaphore, #tpu.memory_space<semaphore_mem>> -> memref<!tpu.dma_semaphore, #tpu.memory_space<semaphore_mem>>
      %dma_wait3A_131 = arith.constant 0 : i32
      %dma_wait3A_132 = arith.constant 0 : i32
      %dma_wait3A_133 = tpu.memref_slice %arg6[%dma_wait3A_119, %dma_wait3A_131, %dma_wait3A_132] : memref<6x2x72xi32, #tpu.memory_space<vmem>> -> memref<1x2x72xi32, #tpu.memory_space<vmem>>
      %dma_wait3A_134 = tpu.memref_squeeze %dma_wait3A_133 : memref<1x2x72xi32, #tpu.memory_space<vmem>> -> memref<2x72xi32, #tpu.memory_space<vmem>>
      %dma_wait3A_135 = arith.constant 0 : i32
      %dma_wait3A_136 = arith.constant 0 : i32
      %dma_wait3A_137 = tpu.memref_slice %arg3[%dma_wait3A, %dma_wait3A_135, %dma_wait3A_136] : memref<4448x2x72xi32, #tpu.memory_space<hbm>> -> memref<1x2x72xi32, #tpu.memory_space<hbm>>
      %dma_wait3A_138 = tpu.memref_squeeze %dma_wait3A_137 : memref<1x2x72xi32, #tpu.memory_space<hbm>> -> memref<2x72xi32, #tpu.memory_space<hbm>>
      tpu.wait_dma2 semaphore(%dma_wait3A_130 : memref<!tpu.dma_semaphore, #tpu.memory_space<semaphore_mem>>) src(%dma_wait3A_138 : memref<2x72xi32, #tpu.memory_space<hbm>>) dst(%dma_wait3A_134 : memref<2x72xi32, #tpu.memory_space<vmem>>)
      %dma_start3A_139 = arith.constant 0 : i32
      %dma_start3A_140 = arith.constant 0 : i32
      %dma_start3A_141 = arith.constant 0 : i32
      %dma_start3A_142 = arith.constant 0 : i32
      %dma_start3A_143 = arith.constant 0 : i32
      %dma_start3A_144 = arith.constant 0 : i32
      %dma_start3A_145 = tpu.memref_slice %arg7[%dma_start3A_141, %dma_start3A_143, %dma_start3A_144] : memref<5x72x128xf32, #tpu.memory_space<vmem>> -> memref<1x72x128xf32, #tpu.memory_space<vmem>>
      %dma_start3A_146 = tpu.memref_squeeze %dma_start3A_145 : memref<1x72x128xf32, #tpu.memory_space<vmem>> -> memref<72x128xf32, #tpu.memory_space<vmem>>
      %dma_start3A_147 = arith.constant 0 : i32
      %dma_start3A_148 = tpu.memref_slice %arg6[%dma_start3A_139, %dma_start3A_140, %dma_start3A_147] : memref<6x2x72xi32, #tpu.memory_space<vmem>> -> memref<1x1x72xi32, #tpu.memory_space<vmem>>
      %dma_start3A_149 = tpu.memref_squeeze %dma_start3A_148 : memref<1x1x72xi32, #tpu.memory_space<vmem>> -> memref<72xi32, #tpu.memory_space<vmem>>
      %dma_start3A_150 = arith.constant 0 : i32
      %dma_start3A_151 = arith.constant 0 : i32
      %dma_start3A_152 = tpu.memref_slice %arg2[%dma_start3A_150, %dma_start3A_151] : memref<10112x128xf32, #tpu.memory_space<hbm>> -> memref<10112x128xf32, #tpu.memory_space<hbm>>
      %dma_start3A_153 = tpu.memref_slice %arg9[%dma_start3A_142] : memref<5x!tpu.dma_semaphore, #tpu.memory_space<semaphore_mem>> -> memref<1x!tpu.dma_semaphore, #tpu.memory_space<semaphore_mem>>
      %dma_start3A_154 = tpu.memref_squeeze %dma_start3A_153 : memref<1x!tpu.dma_semaphore, #tpu.memory_space<semaphore_mem>> -> memref<!tpu.dma_semaphore, #tpu.memory_space<semaphore_mem>>
      tpu.enqueue_indirect_dma source(%dma_start3A_152 : memref<10112x128xf32, #tpu.memory_space<hbm>>) target(%dma_start3A_146 : memref<72x128xf32, #tpu.memory_space<vmem>>) offsets(%dma_start3A_149 : memref<72xi32, #tpu.memory_space<vmem>>) semaphore(%dma_start3A_154 : memref<!tpu.dma_semaphore, #tpu.memory_space<semaphore_mem>>)
      %dma_wait3A_155 = arith.constant 0 : i32
      %dma_wait3A_156 = arith.constant 1 : i32
      %dma_wait3A_157 = arith.constant 1 : i32
      %dma_wait3A_158 = arith.constant 0 : i32
      %dma_wait3A_159 = arith.constant 0 : i32
      %dma_wait3A_160 = tpu.memref_slice %arg6[%dma_wait3A_156, %dma_wait3A_158, %dma_wait3A_159] : memref<6x2x72xi32, #tpu.memory_space<vmem>> -> memref<1x2x72xi32, #tpu.memory_space<vmem>>
      %dma_wait3A_161 = tpu.memref_squeeze %dma_wait3A_160 : memref<1x2x72xi32, #tpu.memory_space<vmem>> -> memref<2x72xi32, #tpu.memory_space<vmem>>
      %dma_wait3A_162 = arith.constant 0 : i32
      %dma_wait3A_163 = arith.constant 0 : i32
      %dma_wait3A_164 = tpu.memref_slice %arg3[%dma_wait3A_155, %dma_wait3A_162, %dma_wait3A_163] : memref<4448x2x72xi32, #tpu.memory_space<hbm>> -> memref<1x2x72xi32, #tpu.memory_space<hbm>>
      %dma_wait3A_165 = tpu.memref_squeeze %dma_wait3A_164 : memref<1x2x72xi32, #tpu.memory_space<hbm>> -> memref<2x72xi32, #tpu.memory_space<hbm>>
      %dma_wait3A_166 = tpu.memref_slice %arg11[%dma_wait3A_157] : memref<6x!tpu.dma_semaphore, #tpu.memory_space<semaphore_mem>> -> memref<1x!tpu.dma_semaphore, #tpu.memory_space<semaphore_mem>>
      %dma_wait3A_167 = tpu.memref_squeeze %dma_wait3A_166 : memref<1x!tpu.dma_semaphore, #tpu.memory_space<semaphore_mem>> -> memref<!tpu.dma_semaphore, #tpu.memory_space<semaphore_mem>>
      %dma_wait3A_168 = arith.constant 0 : i32
      %dma_wait3A_169 = arith.constant 0 : i32
      %dma_wait3A_170 = tpu.memref_slice %arg6[%dma_wait3A_156, %dma_wait3A_168, %dma_wait3A_169] : memref<6x2x72xi32, #tpu.memory_space<vmem>> -> memref<1x2x72xi32, #tpu.memory_space<vmem>>
      %dma_wait3A_171 = tpu.memref_squeeze %dma_wait3A_170 : memref<1x2x72xi32, #tpu.memory_space<vmem>> -> memref<2x72xi32, #tpu.memory_space<vmem>>
      %dma_wait3A_172 = arith.constant 0 : i32
      %dma_wait3A_173 = arith.constant 0 : i32
      %dma_wait3A_174 = tpu.memref_slice %arg3[%dma_wait3A_155, %dma_wait3A_172, %dma_wait3A_173] : memref<4448x2x72xi32, #tpu.memory_space<hbm>> -> memref<1x2x72xi32, #tpu.memory_space<hbm>>
      %dma_wait3A_175 = tpu.memref_squeeze %dma_wait3A_174 : memref<1x2x72xi32, #tpu.memory_space<hbm>> -> memref<2x72xi32, #tpu.memory_space<hbm>>
      tpu.wait_dma2 semaphore(%dma_wait3A_167 : memref<!tpu.dma_semaphore, #tpu.memory_space<semaphore_mem>>) src(%dma_wait3A_175 : memref<2x72xi32, #tpu.memory_space<hbm>>) dst(%dma_wait3A_171 : memref<2x72xi32, #tpu.memory_space<vmem>>)
      %dma_start3A_176 = arith.constant 1 : i32
      %dma_start3A_177 = arith.constant 0 : i32
      %dma_start3A_178 = arith.constant 1 : i32
      %dma_start3A_179 = arith.constant 1 : i32
      %dma_start3A_180 = arith.constant 0 : i32
      %dma_start3A_181 = arith.constant 0 : i32
      %dma_start3A_182 = tpu.memref_slice %arg7[%dma_start3A_178, %dma_start3A_180, %dma_start3A_181] : memref<5x72x128xf32, #tpu.memory_space<vmem>> -> memref<1x72x128xf32, #tpu.memory_space<vmem>>
      %dma_start3A_183 = tpu.memref_squeeze %dma_start3A_182 : memref<1x72x128xf32, #tpu.memory_space<vmem>> -> memref<72x128xf32, #tpu.memory_space<vmem>>
      %dma_start3A_184 = arith.constant 0 : i32
      %dma_start3A_185 = tpu.memref_slice %arg6[%dma_start3A_176, %dma_start3A_177, %dma_start3A_184] : memref<6x2x72xi32, #tpu.memory_space<vmem>> -> memref<1x1x72xi32, #tpu.memory_space<vmem>>
      %dma_start3A_186 = tpu.memref_squeeze %dma_start3A_185 : memref<1x1x72xi32, #tpu.memory_space<vmem>> -> memref<72xi32, #tpu.memory_space<vmem>>
      %dma_start3A_187 = arith.constant 0 : i32
      %dma_start3A_188 = arith.constant 0 : i32
      %dma_start3A_189 = tpu.memref_slice %arg2[%dma_start3A_187, %dma_start3A_188] : memref<10112x128xf32, #tpu.memory_space<hbm>> -> memref<10112x128xf32, #tpu.memory_space<hbm>>
      %dma_start3A_190 = tpu.memref_slice %arg9[%dma_start3A_179] : memref<5x!tpu.dma_semaphore, #tpu.memory_space<semaphore_mem>> -> memref<1x!tpu.dma_semaphore, #tpu.memory_space<semaphore_mem>>
      %dma_start3A_191 = tpu.memref_squeeze %dma_start3A_190 : memref<1x!tpu.dma_semaphore, #tpu.memory_space<semaphore_mem>> -> memref<!tpu.dma_semaphore, #tpu.memory_space<semaphore_mem>>
      tpu.enqueue_indirect_dma source(%dma_start3A_189 : memref<10112x128xf32, #tpu.memory_space<hbm>>) target(%dma_start3A_183 : memref<72x128xf32, #tpu.memory_space<vmem>>) offsets(%dma_start3A_186 : memref<72xi32, #tpu.memory_space<vmem>>) semaphore(%dma_start3A_191 : memref<!tpu.dma_semaphore, #tpu.memory_space<semaphore_mem>>)
      %dma_wait3A_192 = arith.constant 0 : i32
      %dma_wait3A_193 = arith.constant 2 : i32
      %dma_wait3A_194 = arith.constant 2 : i32
      %dma_wait3A_195 = arith.constant 0 : i32
      %dma_wait3A_196 = arith.constant 0 : i32
      %dma_wait3A_197 = tpu.memref_slice %arg6[%dma_wait3A_193, %dma_wait3A_195, %dma_wait3A_196] : memref<6x2x72xi32, #tpu.memory_space<vmem>> -> memref<1x2x72xi32, #tpu.memory_space<vmem>>
      %dma_wait3A_198 = tpu.memref_squeeze %dma_wait3A_197 : memref<1x2x72xi32, #tpu.memory_space<vmem>> -> memref<2x72xi32, #tpu.memory_space<vmem>>
      %dma_wait3A_199 = arith.constant 0 : i32
      %dma_wait3A_200 = arith.constant 0 : i32
      %dma_wait3A_201 = tpu.memref_slice %arg3[%dma_wait3A_192, %dma_wait3A_199, %dma_wait3A_200] : memref<4448x2x72xi32, #tpu.memory_space<hbm>> -> memref<1x2x72xi32, #tpu.memory_space<hbm>>
      %dma_wait3A_202 = tpu.memref_squeeze %dma_wait3A_201 : memref<1x2x72xi32, #tpu.memory_space<hbm>> -> memref<2x72xi32, #tpu.memory_space<hbm>>
      %dma_wait3A_203 = tpu.memref_slice %arg11[%dma_wait3A_194] : memref<6x!tpu.dma_semaphore, #tpu.memory_space<semaphore_mem>> -> memref<1x!tpu.dma_semaphore, #tpu.memory_space<semaphore_mem>>
      %dma_wait3A_204 = tpu.memref_squeeze %dma_wait3A_203 : memref<1x!tpu.dma_semaphore, #tpu.memory_space<semaphore_mem>> -> memref<!tpu.dma_semaphore, #tpu.memory_space<semaphore_mem>>
      %dma_wait3A_205 = arith.constant 0 : i32
      %dma_wait3A_206 = arith.constant 0 : i32
      %dma_wait3A_207 = tpu.memref_slice %arg6[%dma_wait3A_193, %dma_wait3A_205, %dma_wait3A_206] : memref<6x2x72xi32, #tpu.memory_space<vmem>> -> memref<1x2x72xi32, #tpu.memory_space<vmem>>
      %dma_wait3A_208 = tpu.memref_squeeze %dma_wait3A_207 : memref<1x2x72xi32, #tpu.memory_space<vmem>> -> memref<2x72xi32, #tpu.memory_space<vmem>>
      %dma_wait3A_209 = arith.constant 0 : i32
      %dma_wait3A_210 = arith.constant 0 : i32
      %dma_wait3A_211 = tpu.memref_slice %arg3[%dma_wait3A_192, %dma_wait3A_209, %dma_wait3A_210] : memref<4448x2x72xi32, #tpu.memory_space<hbm>> -> memref<1x2x72xi32, #tpu.memory_space<hbm>>
      %dma_wait3A_212 = tpu.memref_squeeze %dma_wait3A_211 : memref<1x2x72xi32, #tpu.memory_space<hbm>> -> memref<2x72xi32, #tpu.memory_space<hbm>>
      tpu.wait_dma2 semaphore(%dma_wait3A_204 : memref<!tpu.dma_semaphore, #tpu.memory_space<semaphore_mem>>) src(%dma_wait3A_212 : memref<2x72xi32, #tpu.memory_space<hbm>>) dst(%dma_wait3A_208 : memref<2x72xi32, #tpu.memory_space<vmem>>)
      %dma_start3A_213 = arith.constant 2 : i32
      %dma_start3A_214 = arith.constant 0 : i32
      %dma_start3A_215 = arith.constant 2 : i32
      %dma_start3A_216 = arith.constant 2 : i32
      %dma_start3A_217 = arith.constant 0 : i32
      %dma_start3A_218 = arith.constant 0 : i32
      %dma_start3A_219 = tpu.memref_slice %arg7[%dma_start3A_215, %dma_start3A_217, %dma_start3A_218] : memref<5x72x128xf32, #tpu.memory_space<vmem>> -> memref<1x72x128xf32, #tpu.memory_space<vmem>>
      %dma_start3A_220 = tpu.memref_squeeze %dma_start3A_219 : memref<1x72x128xf32, #tpu.memory_space<vmem>> -> memref<72x128xf32, #tpu.memory_space<vmem>>
      %dma_start3A_221 = arith.constant 0 : i32
      %dma_start3A_222 = tpu.memref_slice %arg6[%dma_start3A_213, %dma_start3A_214, %dma_start3A_221] : memref<6x2x72xi32, #tpu.memory_space<vmem>> -> memref<1x1x72xi32, #tpu.memory_space<vmem>>
      %dma_start3A_223 = tpu.memref_squeeze %dma_start3A_222 : memref<1x1x72xi32, #tpu.memory_space<vmem>> -> memref<72xi32, #tpu.memory_space<vmem>>
      %dma_start3A_224 = arith.constant 0 : i32
      %dma_start3A_225 = arith.constant 0 : i32
      %dma_start3A_226 = tpu.memref_slice %arg2[%dma_start3A_224, %dma_start3A_225] : memref<10112x128xf32, #tpu.memory_space<hbm>> -> memref<10112x128xf32, #tpu.memory_space<hbm>>
      %dma_start3A_227 = tpu.memref_slice %arg9[%dma_start3A_216] : memref<5x!tpu.dma_semaphore, #tpu.memory_space<semaphore_mem>> -> memref<1x!tpu.dma_semaphore, #tpu.memory_space<semaphore_mem>>
      %dma_start3A_228 = tpu.memref_squeeze %dma_start3A_227 : memref<1x!tpu.dma_semaphore, #tpu.memory_space<semaphore_mem>> -> memref<!tpu.dma_semaphore, #tpu.memory_space<semaphore_mem>>
      tpu.enqueue_indirect_dma source(%dma_start3A_226 : memref<10112x128xf32, #tpu.memory_space<hbm>>) target(%dma_start3A_220 : memref<72x128xf32, #tpu.memory_space<vmem>>) offsets(%dma_start3A_223 : memref<72xi32, #tpu.memory_space<vmem>>) semaphore(%dma_start3A_228 : memref<!tpu.dma_semaphore, #tpu.memory_space<semaphore_mem>>)
      %dma_wait3A_229 = arith.constant 0 : i32
      %dma_wait3A_230 = arith.constant 3 : i32
      %dma_wait3A_231 = arith.constant 3 : i32
      %dma_wait3A_232 = arith.constant 0 : i32
      %dma_wait3A_233 = arith.constant 0 : i32
      %dma_wait3A_234 = tpu.memref_slice %arg6[%dma_wait3A_230, %dma_wait3A_232, %dma_wait3A_233] : memref<6x2x72xi32, #tpu.memory_space<vmem>> -> memref<1x2x72xi32, #tpu.memory_space<vmem>>
      %dma_wait3A_235 = tpu.memref_squeeze %dma_wait3A_234 : memref<1x2x72xi32, #tpu.memory_space<vmem>> -> memref<2x72xi32, #tpu.memory_space<vmem>>
      %dma_wait3A_236 = arith.constant 0 : i32
      %dma_wait3A_237 = arith.constant 0 : i32
      %dma_wait3A_238 = tpu.memref_slice %arg3[%dma_wait3A_229, %dma_wait3A_236, %dma_wait3A_237] : memref<4448x2x72xi32, #tpu.memory_space<hbm>> -> memref<1x2x72xi32, #tpu.memory_space<hbm>>
      %dma_wait3A_239 = tpu.memref_squeeze %dma_wait3A_238 : memref<1x2x72xi32, #tpu.memory_space<hbm>> -> memref<2x72xi32, #tpu.memory_space<hbm>>
      %dma_wait3A_240 = tpu.memref_slice %arg11[%dma_wait3A_231] : memref<6x!tpu.dma_semaphore, #tpu.memory_space<semaphore_mem>> -> memref<1x!tpu.dma_semaphore, #tpu.memory_space<semaphore_mem>>
      %dma_wait3A_241 = tpu.memref_squeeze %dma_wait3A_240 : memref<1x!tpu.dma_semaphore, #tpu.memory_space<semaphore_mem>> -> memref<!tpu.dma_semaphore, #tpu.memory_space<semaphore_mem>>
      %dma_wait3A_242 = arith.constant 0 : i32
      %dma_wait3A_243 = arith.constant 0 : i32
      %dma_wait3A_244 = tpu.memref_slice %arg6[%dma_wait3A_230, %dma_wait3A_242, %dma_wait3A_243] : memref<6x2x72xi32, #tpu.memory_space<vmem>> -> memref<1x2x72xi32, #tpu.memory_space<vmem>>
      %dma_wait3A_245 = tpu.memref_squeeze %dma_wait3A_244 : memref<1x2x72xi32, #tpu.memory_space<vmem>> -> memref<2x72xi32, #tpu.memory_space<vmem>>
      %dma_wait3A_246 = arith.constant 0 : i32
      %dma_wait3A_247 = arith.constant 0 : i32
      %dma_wait3A_248 = tpu.memref_slice %arg3[%dma_wait3A_229, %dma_wait3A_246, %dma_wait3A_247] : memref<4448x2x72xi32, #tpu.memory_space<hbm>> -> memref<1x2x72xi32, #tpu.memory_space<hbm>>
      %dma_wait3A_249 = tpu.memref_squeeze %dma_wait3A_248 : memref<1x2x72xi32, #tpu.memory_space<hbm>> -> memref<2x72xi32, #tpu.memory_space<hbm>>
      tpu.wait_dma2 semaphore(%dma_wait3A_241 : memref<!tpu.dma_semaphore, #tpu.memory_space<semaphore_mem>>) src(%dma_wait3A_249 : memref<2x72xi32, #tpu.memory_space<hbm>>) dst(%dma_wait3A_245 : memref<2x72xi32, #tpu.memory_space<vmem>>)
      %dma_start3A_250 = arith.constant 3 : i32
      %dma_start3A_251 = arith.constant 0 : i32
      %dma_start3A_252 = arith.constant 3 : i32
      %dma_start3A_253 = arith.constant 3 : i32
      %dma_start3A_254 = arith.constant 0 : i32
      %dma_start3A_255 = arith.constant 0 : i32
      %dma_start3A_256 = tpu.memref_slice %arg7[%dma_start3A_252, %dma_start3A_254, %dma_start3A_255] : memref<5x72x128xf32, #tpu.memory_space<vmem>> -> memref<1x72x128xf32, #tpu.memory_space<vmem>>
      %dma_start3A_257 = tpu.memref_squeeze %dma_start3A_256 : memref<1x72x128xf32, #tpu.memory_space<vmem>> -> memref<72x128xf32, #tpu.memory_space<vmem>>
      %dma_start3A_258 = arith.constant 0 : i32
      %dma_start3A_259 = tpu.memref_slice %arg6[%dma_start3A_250, %dma_start3A_251, %dma_start3A_258] : memref<6x2x72xi32, #tpu.memory_space<vmem>> -> memref<1x1x72xi32, #tpu.memory_space<vmem>>
      %dma_start3A_260 = tpu.memref_squeeze %dma_start3A_259 : memref<1x1x72xi32, #tpu.memory_space<vmem>> -> memref<72xi32, #tpu.memory_space<vmem>>
      %dma_start3A_261 = arith.constant 0 : i32
      %dma_start3A_262 = arith.constant 0 : i32
      %dma_start3A_263 = tpu.memref_slice %arg2[%dma_start3A_261, %dma_start3A_262] : memref<10112x128xf32, #tpu.memory_space<hbm>> -> memref<10112x128xf32, #tpu.memory_space<hbm>>
      %dma_start3A_264 = tpu.memref_slice %arg9[%dma_start3A_253] : memref<5x!tpu.dma_semaphore, #tpu.memory_space<semaphore_mem>> -> memref<1x!tpu.dma_semaphore, #tpu.memory_space<semaphore_mem>>
      %dma_start3A_265 = tpu.memref_squeeze %dma_start3A_264 : memref<1x!tpu.dma_semaphore, #tpu.memory_space<semaphore_mem>> -> memref<!tpu.dma_semaphore, #tpu.memory_space<semaphore_mem>>
      tpu.enqueue_indirect_dma source(%dma_start3A_263 : memref<10112x128xf32, #tpu.memory_space<hbm>>) target(%dma_start3A_257 : memref<72x128xf32, #tpu.memory_space<vmem>>) offsets(%dma_start3A_260 : memref<72xi32, #tpu.memory_space<vmem>>) semaphore(%dma_start3A_265 : memref<!tpu.dma_semaphore, #tpu.memory_space<semaphore_mem>>)
      %dma_wait3A_266 = arith.constant 0 : i32
      %dma_wait3A_267 = arith.constant 4 : i32
      %dma_wait3A_268 = arith.constant 4 : i32
      %dma_wait3A_269 = arith.constant 0 : i32
      %dma_wait3A_270 = arith.constant 0 : i32
      %dma_wait3A_271 = tpu.memref_slice %arg6[%dma_wait3A_267, %dma_wait3A_269, %dma_wait3A_270] : memref<6x2x72xi32, #tpu.memory_space<vmem>> -> memref<1x2x72xi32, #tpu.memory_space<vmem>>
      %dma_wait3A_272 = tpu.memref_squeeze %dma_wait3A_271 : memref<1x2x72xi32, #tpu.memory_space<vmem>> -> memref<2x72xi32, #tpu.memory_space<vmem>>
      %dma_wait3A_273 = arith.constant 0 : i32
      %dma_wait3A_274 = arith.constant 0 : i32
      %dma_wait3A_275 = tpu.memref_slice %arg3[%dma_wait3A_266, %dma_wait3A_273, %dma_wait3A_274] : memref<4448x2x72xi32, #tpu.memory_space<hbm>> -> memref<1x2x72xi32, #tpu.memory_space<hbm>>
      %dma_wait3A_276 = tpu.memref_squeeze %dma_wait3A_275 : memref<1x2x72xi32, #tpu.memory_space<hbm>> -> memref<2x72xi32, #tpu.memory_space<hbm>>
      %dma_wait3A_277 = tpu.memref_slice %arg11[%dma_wait3A_268] : memref<6x!tpu.dma_semaphore, #tpu.memory_space<semaphore_mem>> -> memref<1x!tpu.dma_semaphore, #tpu.memory_space<semaphore_mem>>
      %dma_wait3A_278 = tpu.memref_squeeze %dma_wait3A_277 : memref<1x!tpu.dma_semaphore, #tpu.memory_space<semaphore_mem>> -> memref<!tpu.dma_semaphore, #tpu.memory_space<semaphore_mem>>
      %dma_wait3A_279 = arith.constant 0 : i32
      %dma_wait3A_280 = arith.constant 0 : i32
      %dma_wait3A_281 = tpu.memref_slice %arg6[%dma_wait3A_267, %dma_wait3A_279, %dma_wait3A_280] : memref<6x2x72xi32, #tpu.memory_space<vmem>> -> memref<1x2x72xi32, #tpu.memory_space<vmem>>
      %dma_wait3A_282 = tpu.memref_squeeze %dma_wait3A_281 : memref<1x2x72xi32, #tpu.memory_space<vmem>> -> memref<2x72xi32, #tpu.memory_space<vmem>>
      %dma_wait3A_283 = arith.constant 0 : i32
      %dma_wait3A_284 = arith.constant 0 : i32
      %dma_wait3A_285 = tpu.memref_slice %arg3[%dma_wait3A_266, %dma_wait3A_283, %dma_wait3A_284] : memref<4448x2x72xi32, #tpu.memory_space<hbm>> -> memref<1x2x72xi32, #tpu.memory_space<hbm>>
      %dma_wait3A_286 = tpu.memref_squeeze %dma_wait3A_285 : memref<1x2x72xi32, #tpu.memory_space<hbm>> -> memref<2x72xi32, #tpu.memory_space<hbm>>
      tpu.wait_dma2 semaphore(%dma_wait3A_278 : memref<!tpu.dma_semaphore, #tpu.memory_space<semaphore_mem>>) src(%dma_wait3A_286 : memref<2x72xi32, #tpu.memory_space<hbm>>) dst(%dma_wait3A_282 : memref<2x72xi32, #tpu.memory_space<vmem>>)
      %dma_start3A_287 = arith.constant 4 : i32
      %dma_start3A_288 = arith.constant 0 : i32
      %dma_start3A_289 = arith.constant 4 : i32
      %dma_start3A_290 = arith.constant 4 : i32
      %dma_start3A_291 = arith.constant 0 : i32
      %dma_start3A_292 = arith.constant 0 : i32
      %dma_start3A_293 = tpu.memref_slice %arg7[%dma_start3A_289, %dma_start3A_291, %dma_start3A_292] : memref<5x72x128xf32, #tpu.memory_space<vmem>> -> memref<1x72x128xf32, #tpu.memory_space<vmem>>
      %dma_start3A_294 = tpu.memref_squeeze %dma_start3A_293 : memref<1x72x128xf32, #tpu.memory_space<vmem>> -> memref<72x128xf32, #tpu.memory_space<vmem>>
      %dma_start3A_295 = arith.constant 0 : i32
      %dma_start3A_296 = tpu.memref_slice %arg6[%dma_start3A_287, %dma_start3A_288, %dma_start3A_295] : memref<6x2x72xi32, #tpu.memory_space<vmem>> -> memref<1x1x72xi32, #tpu.memory_space<vmem>>
      %dma_start3A_297 = tpu.memref_squeeze %dma_start3A_296 : memref<1x1x72xi32, #tpu.memory_space<vmem>> -> memref<72xi32, #tpu.memory_space<vmem>>
      %dma_start3A_298 = arith.constant 0 : i32
      %dma_start3A_299 = arith.constant 0 : i32
      %dma_start3A_300 = tpu.memref_slice %arg2[%dma_start3A_298, %dma_start3A_299] : memref<10112x128xf32, #tpu.memory_space<hbm>> -> memref<10112x128xf32, #tpu.memory_space<hbm>>
      %dma_start3A_301 = tpu.memref_slice %arg9[%dma_start3A_290] : memref<5x!tpu.dma_semaphore, #tpu.memory_space<semaphore_mem>> -> memref<1x!tpu.dma_semaphore, #tpu.memory_space<semaphore_mem>>
      %dma_start3A_302 = tpu.memref_squeeze %dma_start3A_301 : memref<1x!tpu.dma_semaphore, #tpu.memory_space<semaphore_mem>> -> memref<!tpu.dma_semaphore, #tpu.memory_space<semaphore_mem>>
      tpu.enqueue_indirect_dma source(%dma_start3A_300 : memref<10112x128xf32, #tpu.memory_space<hbm>>) target(%dma_start3A_294 : memref<72x128xf32, #tpu.memory_space<vmem>>) offsets(%dma_start3A_297 : memref<72xi32, #tpu.memory_space<vmem>>) semaphore(%dma_start3A_302 : memref<!tpu.dma_semaphore, #tpu.memory_space<semaphore_mem>>)
      %scan3A = arith.constant 0 : i32
      %scan3A_303 = arith.constant 0 : i32
      %scan3A_304 = arith.constant 145 : i32
      %scan3A_305 = arith.addi %scan3A_303, %scan3A_304 : i32
      %scan3A_306 = arith.constant 1 : i32
      scf.for %scan3A_325 = %scan3A_303 to %scan3A_305 step %scan3A_306  : i32 {
        %rem3A_326 = arith.constant 5 : i32
        %rem3A_327 = arith.remsi %scan3A_325, %rem3A_326 : i32
        %rem3A_328 = arith.constant 6 : i32
        %rem3A_329 = arith.remsi %scan3A_325, %rem3A_328 : i32
        %ge3A = arith.constant 1 : i32
        %ge3A_330 = arith.cmpi sge, %scan3A_325, %ge3A : i32
        %convert_element_type3A_331 = arith.extui %ge3A_330 : i1 to i32
        %cond3A_332 = arith.constant 0 : i32
        %cond3A_333 = arith.cmpi ne, %convert_element_type3A_331, %cond3A_332 : i32
        scf.if %cond3A_333 {
          %add3A_377 = arith.constant 5 : i32
          %add3A_378 = arith.addi %scan3A_325, %add3A_377 : i32
          %sub3A_379 = arith.constant 1 : i32
          %sub3A_380 = arith.subi %add3A_378, %sub3A_379 : i32
          %rem3A_381 = arith.constant 5 : i32
          %rem3A_382 = arith.remsi %sub3A_380, %rem3A_381 : i32
          %dma_wait3A_383 = arith.constant 0 : i32
          %dma_wait3A_384 = arith.constant 0 : i32
          %dma_wait3A_385 = arith.constant 1 : i32
          %dma_wait3A_386 = arith.constant 0 : i32
          %dma_wait3A_387 = arith.constant 0 : i32
          %dma_wait3A_388 = tpu.memref_slice %arg7[%dma_wait3A_383, %dma_wait3A_386, %dma_wait3A_387] : memref<5x72x128xf32, #tpu.memory_space<vmem>> -> memref<1x72x128xf32, #tpu.memory_space<vmem>>
          %dma_wait3A_389 = tpu.memref_squeeze %dma_wait3A_388 : memref<1x72x128xf32, #tpu.memory_space<vmem>> -> memref<72x128xf32, #tpu.memory_space<vmem>>
          %dma_wait3A_390 = arith.constant 0 : i32
          %dma_wait3A_391 = tpu.memref_slice %arg6[%dma_wait3A_384, %dma_wait3A_385, %dma_wait3A_390] : memref<6x2x72xi32, #tpu.memory_space<vmem>> -> memref<1x1x72xi32, #tpu.memory_space<vmem>>
          %dma_wait3A_392 = tpu.memref_squeeze %dma_wait3A_391 : memref<1x1x72xi32, #tpu.memory_space<vmem>> -> memref<72xi32, #tpu.memory_space<vmem>>
          %dma_wait3A_393 = arith.constant 0 : i32
          %dma_wait3A_394 = arith.constant 0 : i32
          %dma_wait3A_395 = tpu.memref_slice %arg8[%dma_wait3A_393, %dma_wait3A_394] : memref<10112x128xf32, #tpu.memory_space<vmem_shared>> -> memref<10112x128xf32, #tpu.memory_space<vmem_shared>>
          %dma_wait3A_396 = tpu.memref_slice %arg10[%rem3A_382] : memref<5x!tpu.dma_semaphore, #tpu.memory_space<semaphore_mem>> -> memref<1x!tpu.dma_semaphore, #tpu.memory_space<semaphore_mem>>
          %dma_wait3A_397 = tpu.memref_squeeze %dma_wait3A_396 : memref<1x!tpu.dma_semaphore, #tpu.memory_space<semaphore_mem>> -> memref<!tpu.dma_semaphore, #tpu.memory_space<semaphore_mem>>
          tpu.wait_indirect_dma semaphore(%dma_wait3A_397 : memref<!tpu.dma_semaphore, #tpu.memory_space<semaphore_mem>>) src(%dma_wait3A_389 : memref<72x128xf32, #tpu.memory_space<vmem>>) dst(%dma_wait3A_395 : memref<10112x128xf32, #tpu.memory_space<vmem_shared>>)
        } else {
        }
        %dma_wait3A_334 = arith.constant 0 : i32
        %dma_wait3A_335 = arith.constant 0 : i32
        %dma_wait3A_336 = arith.constant 0 : i32
        %dma_wait3A_337 = arith.constant 0 : i32
        %dma_wait3A_338 = tpu.memref_slice %arg7[%rem3A_327, %dma_wait3A_336, %dma_wait3A_337] : memref<5x72x128xf32, #tpu.memory_space<vmem>> -> memref<1x72x128xf32, #tpu.memory_space<vmem>>
        %dma_wait3A_339 = tpu.memref_squeeze %dma_wait3A_338 : memref<1x72x128xf32, #tpu.memory_space<vmem>> -> memref<72x128xf32, #tpu.memory_space<vmem>>
        %dma_wait3A_340 = arith.constant 0 : i32
        %dma_wait3A_341 = tpu.memref_slice %arg6[%dma_wait3A_334, %dma_wait3A_335, %dma_wait3A_340] : memref<6x2x72xi32, #tpu.memory_space<vmem>> -> memref<1x1x72xi32, #tpu.memory_space<vmem>>
        %dma_wait3A_342 = tpu.memref_squeeze %dma_wait3A_341 : memref<1x1x72xi32, #tpu.memory_space<vmem>> -> memref<72xi32, #tpu.memory_space<vmem>>
        %dma_wait3A_343 = arith.constant 0 : i32
        %dma_wait3A_344 = arith.constant 0 : i32
        %dma_wait3A_345 = tpu.memref_slice %arg2[%dma_wait3A_343, %dma_wait3A_344] : memref<10112x128xf32, #tpu.memory_space<hbm>> -> memref<10112x128xf32, #tpu.memory_space<hbm>>
        %dma_wait3A_346 = tpu.memref_slice %arg9[%rem3A_327] : memref<5x!tpu.dma_semaphore, #tpu.memory_space<semaphore_mem>> -> memref<1x!tpu.dma_semaphore, #tpu.memory_space<semaphore_mem>>
        %dma_wait3A_347 = tpu.memref_squeeze %dma_wait3A_346 : memref<1x!tpu.dma_semaphore, #tpu.memory_space<semaphore_mem>> -> memref<!tpu.dma_semaphore, #tpu.memory_space<semaphore_mem>>
        tpu.wait_indirect_dma semaphore(%dma_wait3A_347 : memref<!tpu.dma_semaphore, #tpu.memory_space<semaphore_mem>>) src(%dma_wait3A_345 : memref<10112x128xf32, #tpu.memory_space<hbm>>) dst(%dma_wait3A_339 : memref<72x128xf32, #tpu.memory_space<vmem>>)
        %dma_start3A_348 = arith.constant 1 : i32
        %dma_start3A_349 = arith.constant 0 : i32
        %dma_start3A_350 = arith.constant 0 : i32
        %dma_start3A_351 = tpu.memref_slice %arg7[%rem3A_327, %dma_start3A_349, %dma_start3A_350] : memref<5x72x128xf32, #tpu.memory_space<vmem>> -> memref<1x72x128xf32, #tpu.memory_space<vmem>>
        %dma_start3A_352 = tpu.memref_squeeze %dma_start3A_351 : memref<1x72x128xf32, #tpu.memory_space<vmem>> -> memref<72x128xf32, #tpu.memory_space<vmem>>
        %dma_start3A_353 = arith.constant 0 : i32
        %dma_start3A_354 = tpu.memref_slice %arg6[%rem3A_329, %dma_start3A_348, %dma_start3A_353] : memref<6x2x72xi32, #tpu.memory_space<vmem>> -> memref<1x1x72xi32, #tpu.memory_space<vmem>>
        %dma_start3A_355 = tpu.memref_squeeze %dma_start3A_354 : memref<1x1x72xi32, #tpu.memory_space<vmem>> -> memref<72xi32, #tpu.memory_space<vmem>>
        %dma_start3A_356 = arith.constant 0 : i32
        %dma_start3A_357 = arith.constant 0 : i32
        %dma_start3A_358 = tpu.memref_slice %arg8[%dma_start3A_356, %dma_start3A_357] : memref<10112x128xf32, #tpu.memory_space<vmem_shared>> -> memref<10112x128xf32, #tpu.memory_space<vmem_shared>>
        %dma_start3A_359 = tpu.memref_slice %arg10[%rem3A_327] : memref<5x!tpu.dma_semaphore, #tpu.memory_space<semaphore_mem>> -> memref<1x!tpu.dma_semaphore, #tpu.memory_space<semaphore_mem>>
        %dma_start3A_360 = tpu.memref_squeeze %dma_start3A_359 : memref<1x!tpu.dma_semaphore, #tpu.memory_space<semaphore_mem>> -> memref<!tpu.dma_semaphore, #tpu.memory_space<semaphore_mem>>
        tpu.enqueue_indirect_dma source(%dma_start3A_352 : memref<72x128xf32, #tpu.memory_space<vmem>>) target(%dma_start3A_358 : memref<10112x128xf32, #tpu.memory_space<vmem_shared>>) offsets(%dma_start3A_355 : memref<72xi32, #tpu.memory_space<vmem>>) semaphore(%dma_start3A_360 : memref<!tpu.dma_semaphore, #tpu.memory_space<semaphore_mem>>) {add = true}
        %add3A_361 = arith.constant 5 : i32
        %add3A_362 = arith.addi %scan3A_325, %add3A_361 : i32
        %lt3A = arith.constant 145 : i32
        %lt3A_363 = arith.cmpi slt, %add3A_362, %lt3A : i32
        %convert_element_type3A_364 = arith.extui %lt3A_363 : i1 to i32
        %cond3A_365 = arith.constant 0 : i32
        %cond3A_366 = arith.cmpi ne, %convert_element_type3A_364, %cond3A_365 : i32
        scf.if %cond3A_366 {
          %add3A_377 = arith.addi %mul3A_10, %scan3A_325 : i32
          %add3A_378 = arith.constant 5 : i32
          %add3A_379 = arith.addi %add3A_377, %add3A_378 : i32
          %add3A_380 = arith.constant 5 : i32
          %add3A_381 = arith.addi %scan3A_325, %add3A_380 : i32
          %rem3A_382 = arith.constant 6 : i32
          %rem3A_383 = arith.remsi %add3A_381, %rem3A_382 : i32
          %dma_start3A_384 = arith.constant 0 : i32
          %dma_start3A_385 = arith.constant 0 : i32
          %dma_start3A_386 = tpu.memref_slice %arg6[%rem3A_383, %dma_start3A_384, %dma_start3A_385] : memref<6x2x72xi32, #tpu.memory_space<vmem>> -> memref<1x2x72xi32, #tpu.memory_space<vmem>>
          %dma_start3A_387 = tpu.memref_squeeze %dma_start3A_386 : memref<1x2x72xi32, #tpu.memory_space<vmem>> -> memref<2x72xi32, #tpu.memory_space<vmem>>
          %dma_start3A_388 = arith.constant 0 : i32
          %dma_start3A_389 = arith.constant 0 : i32
          %dma_start3A_390 = tpu.memref_slice %arg3[%add3A_379, %dma_start3A_388, %dma_start3A_389] : memref<4448x2x72xi32, #tpu.memory_space<hbm>> -> memref<1x2x72xi32, #tpu.memory_space<hbm>>
          %dma_start3A_391 = tpu.memref_squeeze %dma_start3A_390 : memref<1x2x72xi32, #tpu.memory_space<hbm>> -> memref<2x72xi32, #tpu.memory_space<hbm>>
          %dma_start3A_392 = tpu.memref_slice %arg11[%rem3A_383] : memref<6x!tpu.dma_semaphore, #tpu.memory_space<semaphore_mem>> -> memref<1x!tpu.dma_semaphore, #tpu.memory_space<semaphore_mem>>
          %dma_start3A_393 = tpu.memref_squeeze %dma_start3A_392 : memref<1x!tpu.dma_semaphore, #tpu.memory_space<semaphore_mem>> -> memref<!tpu.dma_semaphore, #tpu.memory_space<semaphore_mem>>
          %dma_start3A_394 = arith.constant 0 : i32
          %dma_start3A_395 = arith.constant 0 : i32
          %dma_start3A_396 = tpu.memref_slice %arg6[%rem3A_383, %dma_start3A_394, %dma_start3A_395] : memref<6x2x72xi32, #tpu.memory_space<vmem>> -> memref<1x2x72xi32, #tpu.memory_space<vmem>>
          %dma_start3A_397 = tpu.memref_squeeze %dma_start3A_396 : memref<1x2x72xi32, #tpu.memory_space<vmem>> -> memref<2x72xi32, #tpu.memory_space<vmem>>
          %dma_start3A_398 = arith.constant 0 : i32
          %dma_start3A_399 = arith.constant 0 : i32
          %dma_start3A_400 = tpu.memref_slice %arg3[%add3A_379, %dma_start3A_398, %dma_start3A_399] : memref<4448x2x72xi32, #tpu.memory_space<hbm>> -> memref<1x2x72xi32, #tpu.memory_space<hbm>>
          %dma_start3A_401 = tpu.memref_squeeze %dma_start3A_400 : memref<1x2x72xi32, #tpu.memory_space<hbm>> -> memref<2x72xi32, #tpu.memory_space<hbm>>
          tpu.enqueue_dma source(%dma_start3A_401 : memref<2x72xi32, #tpu.memory_space<hbm>>) target(%dma_start3A_397 : memref<2x72xi32, #tpu.memory_space<vmem>>) target_semaphore(%dma_start3A_393 : memref<!tpu.dma_semaphore, #tpu.memory_space<semaphore_mem>>)
        } else {
        }
        %add3A_367 = arith.constant 5 : i32
        %add3A_368 = arith.addi %scan3A_325, %add3A_367 : i32
        %sub3A = arith.constant 1 : i32
        %sub3A_369 = arith.subi %add3A_368, %sub3A : i32
        %ge3A_370 = arith.constant 1 : i32
        %ge3A_371 = arith.cmpi sge, %scan3A_325, %ge3A_370 : i32
        %lt3A_372 = arith.constant 145 : i32
        %lt3A_373 = arith.cmpi slt, %sub3A_369, %lt3A_372 : i32
        %and3A = arith.andi %ge3A_371, %lt3A_373 : i1
        %convert_element_type3A_374 = arith.extui %and3A : i1 to i32
        %cond3A_375 = arith.constant 0 : i32
        %cond3A_376 = arith.cmpi ne, %convert_element_type3A_374, %cond3A_375 : i32
        scf.if %cond3A_376 {
          %rem3A_377 = arith.constant 6 : i32
          %rem3A_378 = arith.remsi %sub3A_369, %rem3A_377 : i32
          %dma_wait3A_379 = arith.constant 0 : i32
          %dma_wait3A_380 = arith.constant 0 : i32
          %dma_wait3A_381 = arith.constant 0 : i32
          %dma_wait3A_382 = tpu.memref_slice %arg6[%rem3A_378, %dma_wait3A_380, %dma_wait3A_381] : memref<6x2x72xi32, #tpu.memory_space<vmem>> -> memref<1x2x72xi32, #tpu.memory_space<vmem>>
          %dma_wait3A_383 = tpu.memref_squeeze %dma_wait3A_382 : memref<1x2x72xi32, #tpu.memory_space<vmem>> -> memref<2x72xi32, #tpu.memory_space<vmem>>
          %dma_wait3A_384 = arith.constant 0 : i32
          %dma_wait3A_385 = arith.constant 0 : i32
          %dma_wait3A_386 = tpu.memref_slice %arg3[%dma_wait3A_379, %dma_wait3A_384, %dma_wait3A_385] : memref<4448x2x72xi32, #tpu.memory_space<hbm>> -> memref<1x2x72xi32, #tpu.memory_space<hbm>>
          %dma_wait3A_387 = tpu.memref_squeeze %dma_wait3A_386 : memref<1x2x72xi32, #tpu.memory_space<hbm>> -> memref<2x72xi32, #tpu.memory_space<hbm>>
          %dma_wait3A_388 = tpu.memref_slice %arg11[%rem3A_378] : memref<6x!tpu.dma_semaphore, #tpu.memory_space<semaphore_mem>> -> memref<1x!tpu.dma_semaphore, #tpu.memory_space<semaphore_mem>>
          %dma_wait3A_389 = tpu.memref_squeeze %dma_wait3A_388 : memref<1x!tpu.dma_semaphore, #tpu.memory_space<semaphore_mem>> -> memref<!tpu.dma_semaphore, #tpu.memory_space<semaphore_mem>>
          %dma_wait3A_390 = arith.constant 0 : i32
          %dma_wait3A_391 = arith.constant 0 : i32
          %dma_wait3A_392 = tpu.memref_slice %arg6[%rem3A_378, %dma_wait3A_390, %dma_wait3A_391] : memref<6x2x72xi32, #tpu.memory_space<vmem>> -> memref<1x2x72xi32, #tpu.memory_space<vmem>>
          %dma_wait3A_393 = tpu.memref_squeeze %dma_wait3A_392 : memref<1x2x72xi32, #tpu.memory_space<vmem>> -> memref<2x72xi32, #tpu.memory_space<vmem>>
          %dma_wait3A_394 = arith.constant 0 : i32
          %dma_wait3A_395 = arith.constant 0 : i32
          %dma_wait3A_396 = tpu.memref_slice %arg3[%dma_wait3A_379, %dma_wait3A_394, %dma_wait3A_395] : memref<4448x2x72xi32, #tpu.memory_space<hbm>> -> memref<1x2x72xi32, #tpu.memory_space<hbm>>
          %dma_wait3A_397 = tpu.memref_squeeze %dma_wait3A_396 : memref<1x2x72xi32, #tpu.memory_space<hbm>> -> memref<2x72xi32, #tpu.memory_space<hbm>>
          tpu.wait_dma2 semaphore(%dma_wait3A_389 : memref<!tpu.dma_semaphore, #tpu.memory_space<semaphore_mem>>) src(%dma_wait3A_397 : memref<2x72xi32, #tpu.memory_space<hbm>>) dst(%dma_wait3A_393 : memref<2x72xi32, #tpu.memory_space<vmem>>)
          %rem3A_398 = arith.constant 5 : i32
          %rem3A_399 = arith.remsi %sub3A_369, %rem3A_398 : i32
          %rem3A_400 = arith.constant 6 : i32
          %rem3A_401 = arith.remsi %sub3A_369, %rem3A_400 : i32
          %dma_start3A_402 = arith.constant 0 : i32
          %dma_start3A_403 = arith.constant 0 : i32
          %dma_start3A_404 = arith.constant 0 : i32
          %dma_start3A_405 = tpu.memref_slice %arg7[%rem3A_399, %dma_start3A_403, %dma_start3A_404] : memref<5x72x128xf32, #tpu.memory_space<vmem>> -> memref<1x72x128xf32, #tpu.memory_space<vmem>>
          %dma_start3A_406 = tpu.memref_squeeze %dma_start3A_405 : memref<1x72x128xf32, #tpu.memory_space<vmem>> -> memref<72x128xf32, #tpu.memory_space<vmem>>
          %dma_start3A_407 = arith.constant 0 : i32
          %dma_start3A_408 = tpu.memref_slice %arg6[%rem3A_401, %dma_start3A_402, %dma_start3A_407] : memref<6x2x72xi32, #tpu.memory_space<vmem>> -> memref<1x1x72xi32, #tpu.memory_space<vmem>>
          %dma_start3A_409 = tpu.memref_squeeze %dma_start3A_408 : memref<1x1x72xi32, #tpu.memory_space<vmem>> -> memref<72xi32, #tpu.memory_space<vmem>>
          %dma_start3A_410 = arith.constant 0 : i32
          %dma_start3A_411 = arith.constant 0 : i32
          %dma_start3A_412 = tpu.memref_slice %arg2[%dma_start3A_410, %dma_start3A_411] : memref<10112x128xf32, #tpu.memory_space<hbm>> -> memref<10112x128xf32, #tpu.memory_space<hbm>>
          %dma_start3A_413 = tpu.memref_slice %arg9[%rem3A_399] : memref<5x!tpu.dma_semaphore, #tpu.memory_space<semaphore_mem>> -> memref<1x!tpu.dma_semaphore, #tpu.memory_space<semaphore_mem>>
          %dma_start3A_414 = tpu.memref_squeeze %dma_start3A_413 : memref<1x!tpu.dma_semaphore, #tpu.memory_space<semaphore_mem>> -> memref<!tpu.dma_semaphore, #tpu.memory_space<semaphore_mem>>
          tpu.enqueue_indirect_dma source(%dma_start3A_412 : memref<10112x128xf32, #tpu.memory_space<hbm>>) target(%dma_start3A_406 : memref<72x128xf32, #tpu.memory_space<vmem>>) offsets(%dma_start3A_409 : memref<72xi32, #tpu.memory_space<vmem>>) semaphore(%dma_start3A_414 : memref<!tpu.dma_semaphore, #tpu.memory_space<semaphore_mem>>)
        } else {
        }
      }
      %scan3A_307 = arith.constant 145 : i32
      %rem3A = arith.constant 144 : i32
      %rem3A_308 = arith.constant 5 : i32
      %rem3A_309 = arith.remsi %rem3A, %rem3A_308 : i32
      %dma_wait3A_310 = arith.constant 0 : i32
      %dma_wait3A_311 = arith.constant 0 : i32
      %dma_wait3A_312 = arith.constant 1 : i32
      %dma_wait3A_313 = arith.constant 0 : i32
      %dma_wait3A_314 = arith.constant 0 : i32
      %dma_wait3A_315 = tpu.memref_slice %arg7[%dma_wait3A_310, %dma_wait3A_313, %dma_wait3A_314] : memref<5x72x128xf32, #tpu.memory_space<vmem>> -> memref<1x72x128xf32, #tpu.memory_space<vmem>>
      %dma_wait3A_316 = tpu.memref_squeeze %dma_wait3A_315 : memref<1x72x128xf32, #tpu.memory_space<vmem>> -> memref<72x128xf32, #tpu.memory_space<vmem>>
      %dma_wait3A_317 = arith.constant 0 : i32
      %dma_wait3A_318 = tpu.memref_slice %arg6[%dma_wait3A_311, %dma_wait3A_312, %dma_wait3A_317] : memref<6x2x72xi32, #tpu.memory_space<vmem>> -> memref<1x1x72xi32, #tpu.memory_space<vmem>>
      %dma_wait3A_319 = tpu.memref_squeeze %dma_wait3A_318 : memref<1x1x72xi32, #tpu.memory_space<vmem>> -> memref<72xi32, #tpu.memory_space<vmem>>
      %dma_wait3A_320 = arith.constant 0 : i32
      %dma_wait3A_321 = arith.constant 0 : i32
      %dma_wait3A_322 = tpu.memref_slice %arg8[%dma_wait3A_320, %dma_wait3A_321] : memref<10112x128xf32, #tpu.memory_space<vmem_shared>> -> memref<10112x128xf32, #tpu.memory_space<vmem_shared>>
      %dma_wait3A_323 = tpu.memref_slice %arg10[%rem3A_309] : memref<5x!tpu.dma_semaphore, #tpu.memory_space<semaphore_mem>> -> memref<1x!tpu.dma_semaphore, #tpu.memory_space<semaphore_mem>>
      %dma_wait3A_324 = tpu.memref_squeeze %dma_wait3A_323 : memref<1x!tpu.dma_semaphore, #tpu.memory_space<semaphore_mem>> -> memref<!tpu.dma_semaphore, #tpu.memory_space<semaphore_mem>>
      tpu.wait_indirect_dma semaphore(%dma_wait3A_324 : memref<!tpu.dma_semaphore, #tpu.memory_space<semaphore_mem>>) src(%dma_wait3A_316 : memref<72x128xf32, #tpu.memory_space<vmem>>) dst(%dma_wait3A_322 : memref<10112x128xf32, #tpu.memory_space<vmem_shared>>)
    } else {
    }
    %eq3A_3 = arith.constant 1 : i32
    %eq3A_4 = arith.cmpi eq, %arg0, %eq3A_3 : i32
    %convert_element_type3A_5 = arith.extui %eq3A_4 : i1 to i32
    %cond3A_6 = arith.constant 0 : i32
    %cond3A_7 = arith.cmpi ne, %convert_element_type3A_5, %cond3A_6 : i32
    scf.if %cond3A_7 {
      %mul3A_9 = arith.constant 133 : i32
      %mul3A_10 = arith.muli %arg1, %mul3A_9 : i32
      %add3A = arith.constant 2320 : i32
      %add3A_11 = arith.addi %add3A, %mul3A_10 : i32
      %add3A_12 = arith.constant 0 : i32
      %add3A_13 = arith.addi %add3A_11, %add3A_12 : i32
      %dma_start3A = arith.constant 0 : i32
      %dma_start3A_14 = arith.constant 0 : i32
      %dma_start3A_15 = arith.constant 0 : i32
      %dma_start3A_16 = arith.constant 0 : i32
      %dma_start3A_17 = tpu.memref_slice %arg6[%dma_start3A, %dma_start3A_15, %dma_start3A_16] : memref<6x2x72xi32, #tpu.memory_space<vmem>> -> memref<1x2x72xi32, #tpu.memory_space<vmem>>
      %dma_start3A_18 = tpu.memref_squeeze %dma_start3A_17 : memref<1x2x72xi32, #tpu.memory_space<vmem>> -> memref<2x72xi32, #tpu.memory_space<vmem>>
      %dma_start3A_19 = arith.constant 0 : i32
      %dma_start3A_20 = arith.constant 0 : i32
      %dma_start3A_21 = tpu.memref_slice %arg3[%add3A_13, %dma_start3A_19, %dma_start3A_20] : memref<4448x2x72xi32, #tpu.memory_space<hbm>> -> memref<1x2x72xi32, #tpu.memory_space<hbm>>
      %dma_start3A_22 = tpu.memref_squeeze %dma_start3A_21 : memref<1x2x72xi32, #tpu.memory_space<hbm>> -> memref<2x72xi32, #tpu.memory_space<hbm>>
      %dma_start3A_23 = tpu.memref_slice %arg11[%dma_start3A_14] : memref<6x!tpu.dma_semaphore, #tpu.memory_space<semaphore_mem>> -> memref<1x!tpu.dma_semaphore, #tpu.memory_space<semaphore_mem>>
      %dma_start3A_24 = tpu.memref_squeeze %dma_start3A_23 : memref<1x!tpu.dma_semaphore, #tpu.memory_space<semaphore_mem>> -> memref<!tpu.dma_semaphore, #tpu.memory_space<semaphore_mem>>
      %dma_start3A_25 = arith.constant 0 : i32
      %dma_start3A_26 = arith.constant 0 : i32
      %dma_start3A_27 = tpu.memref_slice %arg6[%dma_start3A, %dma_start3A_25, %dma_start3A_26] : memref<6x2x72xi32, #tpu.memory_space<vmem>> -> memref<1x2x72xi32, #tpu.memory_space<vmem>>
      %dma_start3A_28 = tpu.memref_squeeze %dma_start3A_27 : memref<1x2x72xi32, #tpu.memory_space<vmem>> -> memref<2x72xi32, #tpu.memory_space<vmem>>
      %dma_start3A_29 = arith.constant 0 : i32
      %dma_start3A_30 = arith.constant 0 : i32
      %dma_start3A_31 = tpu.memref_slice %arg3[%add3A_13, %dma_start3A_29, %dma_start3A_30] : memref<4448x2x72xi32, #tpu.memory_space<hbm>> -> memref<1x2x72xi32, #tpu.memory_space<hbm>>
      %dma_start3A_32 = tpu.memref_squeeze %dma_start3A_31 : memref<1x2x72xi32, #tpu.memory_space<hbm>> -> memref<2x72xi32, #tpu.memory_space<hbm>>
      tpu.enqueue_dma source(%dma_start3A_32 : memref<2x72xi32, #tpu.memory_space<hbm>>) target(%dma_start3A_28 : memref<2x72xi32, #tpu.memory_space<vmem>>) target_semaphore(%dma_start3A_24 : memref<!tpu.dma_semaphore, #tpu.memory_space<semaphore_mem>>)
      %add3A_33 = arith.constant 1 : i32
      %add3A_34 = arith.addi %add3A_11, %add3A_33 : i32
      %dma_start3A_35 = arith.constant 1 : i32
      %dma_start3A_36 = arith.constant 1 : i32
      %dma_start3A_37 = arith.constant 0 : i32
      %dma_start3A_38 = arith.constant 0 : i32
      %dma_start3A_39 = tpu.memref_slice %arg6[%dma_start3A_35, %dma_start3A_37, %dma_start3A_38] : memref<6x2x72xi32, #tpu.memory_space<vmem>> -> memref<1x2x72xi32, #tpu.memory_space<vmem>>
      %dma_start3A_40 = tpu.memref_squeeze %dma_start3A_39 : memref<1x2x72xi32, #tpu.memory_space<vmem>> -> memref<2x72xi32, #tpu.memory_space<vmem>>
      %dma_start3A_41 = arith.constant 0 : i32
      %dma_start3A_42 = arith.constant 0 : i32
      %dma_start3A_43 = tpu.memref_slice %arg3[%add3A_34, %dma_start3A_41, %dma_start3A_42] : memref<4448x2x72xi32, #tpu.memory_space<hbm>> -> memref<1x2x72xi32, #tpu.memory_space<hbm>>
      %dma_start3A_44 = tpu.memref_squeeze %dma_start3A_43 : memref<1x2x72xi32, #tpu.memory_space<hbm>> -> memref<2x72xi32, #tpu.memory_space<hbm>>
      %dma_start3A_45 = tpu.memref_slice %arg11[%dma_start3A_36] : memref<6x!tpu.dma_semaphore, #tpu.memory_space<semaphore_mem>> -> memref<1x!tpu.dma_semaphore, #tpu.memory_space<semaphore_mem>>
      %dma_start3A_46 = tpu.memref_squeeze %dma_start3A_45 : memref<1x!tpu.dma_semaphore, #tpu.memory_space<semaphore_mem>> -> memref<!tpu.dma_semaphore, #tpu.memory_space<semaphore_mem>>
      %dma_start3A_47 = arith.constant 0 : i32
      %dma_start3A_48 = arith.constant 0 : i32
      %dma_start3A_49 = tpu.memref_slice %arg6[%dma_start3A_35, %dma_start3A_47, %dma_start3A_48] : memref<6x2x72xi32, #tpu.memory_space<vmem>> -> memref<1x2x72xi32, #tpu.memory_space<vmem>>
      %dma_start3A_50 = tpu.memref_squeeze %dma_start3A_49 : memref<1x2x72xi32, #tpu.memory_space<vmem>> -> memref<2x72xi32, #tpu.memory_space<vmem>>
      %dma_start3A_51 = arith.constant 0 : i32
      %dma_start3A_52 = arith.constant 0 : i32
      %dma_start3A_53 = tpu.memref_slice %arg3[%add3A_34, %dma_start3A_51, %dma_start3A_52] : memref<4448x2x72xi32, #tpu.memory_space<hbm>> -> memref<1x2x72xi32, #tpu.memory_space<hbm>>
      %dma_start3A_54 = tpu.memref_squeeze %dma_start3A_53 : memref<1x2x72xi32, #tpu.memory_space<hbm>> -> memref<2x72xi32, #tpu.memory_space<hbm>>
      tpu.enqueue_dma source(%dma_start3A_54 : memref<2x72xi32, #tpu.memory_space<hbm>>) target(%dma_start3A_50 : memref<2x72xi32, #tpu.memory_space<vmem>>) target_semaphore(%dma_start3A_46 : memref<!tpu.dma_semaphore, #tpu.memory_space<semaphore_mem>>)
      %add3A_55 = arith.constant 2 : i32
      %add3A_56 = arith.addi %add3A_11, %add3A_55 : i32
      %dma_start3A_57 = arith.constant 2 : i32
      %dma_start3A_58 = arith.constant 2 : i32
      %dma_start3A_59 = arith.constant 0 : i32
      %dma_start3A_60 = arith.constant 0 : i32
      %dma_start3A_61 = tpu.memref_slice %arg6[%dma_start3A_57, %dma_start3A_59, %dma_start3A_60] : memref<6x2x72xi32, #tpu.memory_space<vmem>> -> memref<1x2x72xi32, #tpu.memory_space<vmem>>
      %dma_start3A_62 = tpu.memref_squeeze %dma_start3A_61 : memref<1x2x72xi32, #tpu.memory_space<vmem>> -> memref<2x72xi32, #tpu.memory_space<vmem>>
      %dma_start3A_63 = arith.constant 0 : i32
      %dma_start3A_64 = arith.constant 0 : i32
      %dma_start3A_65 = tpu.memref_slice %arg3[%add3A_56, %dma_start3A_63, %dma_start3A_64] : memref<4448x2x72xi32, #tpu.memory_space<hbm>> -> memref<1x2x72xi32, #tpu.memory_space<hbm>>
      %dma_start3A_66 = tpu.memref_squeeze %dma_start3A_65 : memref<1x2x72xi32, #tpu.memory_space<hbm>> -> memref<2x72xi32, #tpu.memory_space<hbm>>
      %dma_start3A_67 = tpu.memref_slice %arg11[%dma_start3A_58] : memref<6x!tpu.dma_semaphore, #tpu.memory_space<semaphore_mem>> -> memref<1x!tpu.dma_semaphore, #tpu.memory_space<semaphore_mem>>
      %dma_start3A_68 = tpu.memref_squeeze %dma_start3A_67 : memref<1x!tpu.dma_semaphore, #tpu.memory_space<semaphore_mem>> -> memref<!tpu.dma_semaphore, #tpu.memory_space<semaphore_mem>>
      %dma_start3A_69 = arith.constant 0 : i32
      %dma_start3A_70 = arith.constant 0 : i32
      %dma_start3A_71 = tpu.memref_slice %arg6[%dma_start3A_57, %dma_start3A_69, %dma_start3A_70] : memref<6x2x72xi32, #tpu.memory_space<vmem>> -> memref<1x2x72xi32, #tpu.memory_space<vmem>>
      %dma_start3A_72 = tpu.memref_squeeze %dma_start3A_71 : memref<1x2x72xi32, #tpu.memory_space<vmem>> -> memref<2x72xi32, #tpu.memory_space<vmem>>
      %dma_start3A_73 = arith.constant 0 : i32
      %dma_start3A_74 = arith.constant 0 : i32
      %dma_start3A_75 = tpu.memref_slice %arg3[%add3A_56, %dma_start3A_73, %dma_start3A_74] : memref<4448x2x72xi32, #tpu.memory_space<hbm>> -> memref<1x2x72xi32, #tpu.memory_space<hbm>>
      %dma_start3A_76 = tpu.memref_squeeze %dma_start3A_75 : memref<1x2x72xi32, #tpu.memory_space<hbm>> -> memref<2x72xi32, #tpu.memory_space<hbm>>
      tpu.enqueue_dma source(%dma_start3A_76 : memref<2x72xi32, #tpu.memory_space<hbm>>) target(%dma_start3A_72 : memref<2x72xi32, #tpu.memory_space<vmem>>) target_semaphore(%dma_start3A_68 : memref<!tpu.dma_semaphore, #tpu.memory_space<semaphore_mem>>)
      %add3A_77 = arith.constant 3 : i32
      %add3A_78 = arith.addi %add3A_11, %add3A_77 : i32
      %dma_start3A_79 = arith.constant 3 : i32
      %dma_start3A_80 = arith.constant 3 : i32
      %dma_start3A_81 = arith.constant 0 : i32
      %dma_start3A_82 = arith.constant 0 : i32
      %dma_start3A_83 = tpu.memref_slice %arg6[%dma_start3A_79, %dma_start3A_81, %dma_start3A_82] : memref<6x2x72xi32, #tpu.memory_space<vmem>> -> memref<1x2x72xi32, #tpu.memory_space<vmem>>
      %dma_start3A_84 = tpu.memref_squeeze %dma_start3A_83 : memref<1x2x72xi32, #tpu.memory_space<vmem>> -> memref<2x72xi32, #tpu.memory_space<vmem>>
      %dma_start3A_85 = arith.constant 0 : i32
      %dma_start3A_86 = arith.constant 0 : i32
      %dma_start3A_87 = tpu.memref_slice %arg3[%add3A_78, %dma_start3A_85, %dma_start3A_86] : memref<4448x2x72xi32, #tpu.memory_space<hbm>> -> memref<1x2x72xi32, #tpu.memory_space<hbm>>
      %dma_start3A_88 = tpu.memref_squeeze %dma_start3A_87 : memref<1x2x72xi32, #tpu.memory_space<hbm>> -> memref<2x72xi32, #tpu.memory_space<hbm>>
      %dma_start3A_89 = tpu.memref_slice %arg11[%dma_start3A_80] : memref<6x!tpu.dma_semaphore, #tpu.memory_space<semaphore_mem>> -> memref<1x!tpu.dma_semaphore, #tpu.memory_space<semaphore_mem>>
      %dma_start3A_90 = tpu.memref_squeeze %dma_start3A_89 : memref<1x!tpu.dma_semaphore, #tpu.memory_space<semaphore_mem>> -> memref<!tpu.dma_semaphore, #tpu.memory_space<semaphore_mem>>
      %dma_start3A_91 = arith.constant 0 : i32
      %dma_start3A_92 = arith.constant 0 : i32
      %dma_start3A_93 = tpu.memref_slice %arg6[%dma_start3A_79, %dma_start3A_91, %dma_start3A_92] : memref<6x2x72xi32, #tpu.memory_space<vmem>> -> memref<1x2x72xi32, #tpu.memory_space<vmem>>
      %dma_start3A_94 = tpu.memref_squeeze %dma_start3A_93 : memref<1x2x72xi32, #tpu.memory_space<vmem>> -> memref<2x72xi32, #tpu.memory_space<vmem>>
      %dma_start3A_95 = arith.constant 0 : i32
      %dma_start3A_96 = arith.constant 0 : i32
      %dma_start3A_97 = tpu.memref_slice %arg3[%add3A_78, %dma_start3A_95, %dma_start3A_96] : memref<4448x2x72xi32, #tpu.memory_space<hbm>> -> memref<1x2x72xi32, #tpu.memory_space<hbm>>
      %dma_start3A_98 = tpu.memref_squeeze %dma_start3A_97 : memref<1x2x72xi32, #tpu.memory_space<hbm>> -> memref<2x72xi32, #tpu.memory_space<hbm>>
      tpu.enqueue_dma source(%dma_start3A_98 : memref<2x72xi32, #tpu.memory_space<hbm>>) target(%dma_start3A_94 : memref<2x72xi32, #tpu.memory_space<vmem>>) target_semaphore(%dma_start3A_90 : memref<!tpu.dma_semaphore, #tpu.memory_space<semaphore_mem>>)
      %add3A_99 = arith.constant 4 : i32
      %add3A_100 = arith.addi %add3A_11, %add3A_99 : i32
      %dma_start3A_101 = arith.constant 4 : i32
      %dma_start3A_102 = arith.constant 4 : i32
      %dma_start3A_103 = arith.constant 0 : i32
      %dma_start3A_104 = arith.constant 0 : i32
      %dma_start3A_105 = tpu.memref_slice %arg6[%dma_start3A_101, %dma_start3A_103, %dma_start3A_104] : memref<6x2x72xi32, #tpu.memory_space<vmem>> -> memref<1x2x72xi32, #tpu.memory_space<vmem>>
      %dma_start3A_106 = tpu.memref_squeeze %dma_start3A_105 : memref<1x2x72xi32, #tpu.memory_space<vmem>> -> memref<2x72xi32, #tpu.memory_space<vmem>>
      %dma_start3A_107 = arith.constant 0 : i32
      %dma_start3A_108 = arith.constant 0 : i32
      %dma_start3A_109 = tpu.memref_slice %arg3[%add3A_100, %dma_start3A_107, %dma_start3A_108] : memref<4448x2x72xi32, #tpu.memory_space<hbm>> -> memref<1x2x72xi32, #tpu.memory_space<hbm>>
      %dma_start3A_110 = tpu.memref_squeeze %dma_start3A_109 : memref<1x2x72xi32, #tpu.memory_space<hbm>> -> memref<2x72xi32, #tpu.memory_space<hbm>>
      %dma_start3A_111 = tpu.memref_slice %arg11[%dma_start3A_102] : memref<6x!tpu.dma_semaphore, #tpu.memory_space<semaphore_mem>> -> memref<1x!tpu.dma_semaphore, #tpu.memory_space<semaphore_mem>>
      %dma_start3A_112 = tpu.memref_squeeze %dma_start3A_111 : memref<1x!tpu.dma_semaphore, #tpu.memory_space<semaphore_mem>> -> memref<!tpu.dma_semaphore, #tpu.memory_space<semaphore_mem>>
      %dma_start3A_113 = arith.constant 0 : i32
      %dma_start3A_114 = arith.constant 0 : i32
      %dma_start3A_115 = tpu.memref_slice %arg6[%dma_start3A_101, %dma_start3A_113, %dma_start3A_114] : memref<6x2x72xi32, #tpu.memory_space<vmem>> -> memref<1x2x72xi32, #tpu.memory_space<vmem>>
      %dma_start3A_116 = tpu.memref_squeeze %dma_start3A_115 : memref<1x2x72xi32, #tpu.memory_space<vmem>> -> memref<2x72xi32, #tpu.memory_space<vmem>>
      %dma_start3A_117 = arith.constant 0 : i32
      %dma_start3A_118 = arith.constant 0 : i32
      %dma_start3A_119 = tpu.memref_slice %arg3[%add3A_100, %dma_start3A_117, %dma_start3A_118] : memref<4448x2x72xi32, #tpu.memory_space<hbm>> -> memref<1x2x72xi32, #tpu.memory_space<hbm>>
      %dma_start3A_120 = tpu.memref_squeeze %dma_start3A_119 : memref<1x2x72xi32, #tpu.memory_space<hbm>> -> memref<2x72xi32, #tpu.memory_space<hbm>>
      tpu.enqueue_dma source(%dma_start3A_120 : memref<2x72xi32, #tpu.memory_space<hbm>>) target(%dma_start3A_116 : memref<2x72xi32, #tpu.memory_space<vmem>>) target_semaphore(%dma_start3A_112 : memref<!tpu.dma_semaphore, #tpu.memory_space<semaphore_mem>>)
      %dma_wait3A = arith.constant 0 : i32
      %dma_wait3A_121 = arith.constant 0 : i32
      %dma_wait3A_122 = arith.constant 0 : i32
      %dma_wait3A_123 = arith.constant 0 : i32
      %dma_wait3A_124 = arith.constant 0 : i32
      %dma_wait3A_125 = tpu.memref_slice %arg6[%dma_wait3A_121, %dma_wait3A_123, %dma_wait3A_124] : memref<6x2x72xi32, #tpu.memory_space<vmem>> -> memref<1x2x72xi32, #tpu.memory_space<vmem>>
      %dma_wait3A_126 = tpu.memref_squeeze %dma_wait3A_125 : memref<1x2x72xi32, #tpu.memory_space<vmem>> -> memref<2x72xi32, #tpu.memory_space<vmem>>
      %dma_wait3A_127 = arith.constant 0 : i32
      %dma_wait3A_128 = arith.constant 0 : i32
      %dma_wait3A_129 = tpu.memref_slice %arg3[%dma_wait3A, %dma_wait3A_127, %dma_wait3A_128] : memref<4448x2x72xi32, #tpu.memory_space<hbm>> -> memref<1x2x72xi32, #tpu.memory_space<hbm>>
      %dma_wait3A_130 = tpu.memref_squeeze %dma_wait3A_129 : memref<1x2x72xi32, #tpu.memory_space<hbm>> -> memref<2x72xi32, #tpu.memory_space<hbm>>
      %dma_wait3A_131 = tpu.memref_slice %arg11[%dma_wait3A_122] : memref<6x!tpu.dma_semaphore, #tpu.memory_space<semaphore_mem>> -> memref<1x!tpu.dma_semaphore, #tpu.memory_space<semaphore_mem>>
      %dma_wait3A_132 = tpu.memref_squeeze %dma_wait3A_131 : memref<1x!tpu.dma_semaphore, #tpu.memory_space<semaphore_mem>> -> memref<!tpu.dma_semaphore, #tpu.memory_space<semaphore_mem>>
      %dma_wait3A_133 = arith.constant 0 : i32
      %dma_wait3A_134 = arith.constant 0 : i32
      %dma_wait3A_135 = tpu.memref_slice %arg6[%dma_wait3A_121, %dma_wait3A_133, %dma_wait3A_134] : memref<6x2x72xi32, #tpu.memory_space<vmem>> -> memref<1x2x72xi32, #tpu.memory_space<vmem>>
      %dma_wait3A_136 = tpu.memref_squeeze %dma_wait3A_135 : memref<1x2x72xi32, #tpu.memory_space<vmem>> -> memref<2x72xi32, #tpu.memory_space<vmem>>
      %dma_wait3A_137 = arith.constant 0 : i32
      %dma_wait3A_138 = arith.constant 0 : i32
      %dma_wait3A_139 = tpu.memref_slice %arg3[%dma_wait3A, %dma_wait3A_137, %dma_wait3A_138] : memref<4448x2x72xi32, #tpu.memory_space<hbm>> -> memref<1x2x72xi32, #tpu.memory_space<hbm>>
      %dma_wait3A_140 = tpu.memref_squeeze %dma_wait3A_139 : memref<1x2x72xi32, #tpu.memory_space<hbm>> -> memref<2x72xi32, #tpu.memory_space<hbm>>
      tpu.wait_dma2 semaphore(%dma_wait3A_132 : memref<!tpu.dma_semaphore, #tpu.memory_space<semaphore_mem>>) src(%dma_wait3A_140 : memref<2x72xi32, #tpu.memory_space<hbm>>) dst(%dma_wait3A_136 : memref<2x72xi32, #tpu.memory_space<vmem>>)
      %dma_start3A_141 = arith.constant 0 : i32
      %dma_start3A_142 = arith.constant 0 : i32
      %dma_start3A_143 = arith.constant 0 : i32
      %dma_start3A_144 = arith.constant 0 : i32
      %dma_start3A_145 = arith.constant 0 : i32
      %dma_start3A_146 = arith.constant 0 : i32
      %dma_start3A_147 = tpu.memref_slice %arg7[%dma_start3A_143, %dma_start3A_145, %dma_start3A_146] : memref<5x72x128xf32, #tpu.memory_space<vmem>> -> memref<1x72x128xf32, #tpu.memory_space<vmem>>
      %dma_start3A_148 = tpu.memref_squeeze %dma_start3A_147 : memref<1x72x128xf32, #tpu.memory_space<vmem>> -> memref<72x128xf32, #tpu.memory_space<vmem>>
      %dma_start3A_149 = arith.constant 0 : i32
      %dma_start3A_150 = tpu.memref_slice %arg6[%dma_start3A_141, %dma_start3A_142, %dma_start3A_149] : memref<6x2x72xi32, #tpu.memory_space<vmem>> -> memref<1x1x72xi32, #tpu.memory_space<vmem>>
      %dma_start3A_151 = tpu.memref_squeeze %dma_start3A_150 : memref<1x1x72xi32, #tpu.memory_space<vmem>> -> memref<72xi32, #tpu.memory_space<vmem>>
      %dma_start3A_152 = arith.constant 0 : i32
      %dma_start3A_153 = arith.constant 0 : i32
      %dma_start3A_154 = tpu.memref_slice %arg2[%dma_start3A_152, %dma_start3A_153] : memref<10112x128xf32, #tpu.memory_space<hbm>> -> memref<10112x128xf32, #tpu.memory_space<hbm>>
      %dma_start3A_155 = tpu.memref_slice %arg9[%dma_start3A_144] : memref<5x!tpu.dma_semaphore, #tpu.memory_space<semaphore_mem>> -> memref<1x!tpu.dma_semaphore, #tpu.memory_space<semaphore_mem>>
      %dma_start3A_156 = tpu.memref_squeeze %dma_start3A_155 : memref<1x!tpu.dma_semaphore, #tpu.memory_space<semaphore_mem>> -> memref<!tpu.dma_semaphore, #tpu.memory_space<semaphore_mem>>
      tpu.enqueue_indirect_dma source(%dma_start3A_154 : memref<10112x128xf32, #tpu.memory_space<hbm>>) target(%dma_start3A_148 : memref<72x128xf32, #tpu.memory_space<vmem>>) offsets(%dma_start3A_151 : memref<72xi32, #tpu.memory_space<vmem>>) semaphore(%dma_start3A_156 : memref<!tpu.dma_semaphore, #tpu.memory_space<semaphore_mem>>)
      %dma_wait3A_157 = arith.constant 0 : i32
      %dma_wait3A_158 = arith.constant 1 : i32
      %dma_wait3A_159 = arith.constant 1 : i32
      %dma_wait3A_160 = arith.constant 0 : i32
      %dma_wait3A_161 = arith.constant 0 : i32
      %dma_wait3A_162 = tpu.memref_slice %arg6[%dma_wait3A_158, %dma_wait3A_160, %dma_wait3A_161] : memref<6x2x72xi32, #tpu.memory_space<vmem>> -> memref<1x2x72xi32, #tpu.memory_space<vmem>>
      %dma_wait3A_163 = tpu.memref_squeeze %dma_wait3A_162 : memref<1x2x72xi32, #tpu.memory_space<vmem>> -> memref<2x72xi32, #tpu.memory_space<vmem>>
      %dma_wait3A_164 = arith.constant 0 : i32
      %dma_wait3A_165 = arith.constant 0 : i32
      %dma_wait3A_166 = tpu.memref_slice %arg3[%dma_wait3A_157, %dma_wait3A_164, %dma_wait3A_165] : memref<4448x2x72xi32, #tpu.memory_space<hbm>> -> memref<1x2x72xi32, #tpu.memory_space<hbm>>
      %dma_wait3A_167 = tpu.memref_squeeze %dma_wait3A_166 : memref<1x2x72xi32, #tpu.memory_space<hbm>> -> memref<2x72xi32, #tpu.memory_space<hbm>>
      %dma_wait3A_168 = tpu.memref_slice %arg11[%dma_wait3A_159] : memref<6x!tpu.dma_semaphore, #tpu.memory_space<semaphore_mem>> -> memref<1x!tpu.dma_semaphore, #tpu.memory_space<semaphore_mem>>
      %dma_wait3A_169 = tpu.memref_squeeze %dma_wait3A_168 : memref<1x!tpu.dma_semaphore, #tpu.memory_space<semaphore_mem>> -> memref<!tpu.dma_semaphore, #tpu.memory_space<semaphore_mem>>
      %dma_wait3A_170 = arith.constant 0 : i32
      %dma_wait3A_171 = arith.constant 0 : i32
      %dma_wait3A_172 = tpu.memref_slice %arg6[%dma_wait3A_158, %dma_wait3A_170, %dma_wait3A_171] : memref<6x2x72xi32, #tpu.memory_space<vmem>> -> memref<1x2x72xi32, #tpu.memory_space<vmem>>
      %dma_wait3A_173 = tpu.memref_squeeze %dma_wait3A_172 : memref<1x2x72xi32, #tpu.memory_space<vmem>> -> memref<2x72xi32, #tpu.memory_space<vmem>>
      %dma_wait3A_174 = arith.constant 0 : i32
      %dma_wait3A_175 = arith.constant 0 : i32
      %dma_wait3A_176 = tpu.memref_slice %arg3[%dma_wait3A_157, %dma_wait3A_174, %dma_wait3A_175] : memref<4448x2x72xi32, #tpu.memory_space<hbm>> -> memref<1x2x72xi32, #tpu.memory_space<hbm>>
      %dma_wait3A_177 = tpu.memref_squeeze %dma_wait3A_176 : memref<1x2x72xi32, #tpu.memory_space<hbm>> -> memref<2x72xi32, #tpu.memory_space<hbm>>
      tpu.wait_dma2 semaphore(%dma_wait3A_169 : memref<!tpu.dma_semaphore, #tpu.memory_space<semaphore_mem>>) src(%dma_wait3A_177 : memref<2x72xi32, #tpu.memory_space<hbm>>) dst(%dma_wait3A_173 : memref<2x72xi32, #tpu.memory_space<vmem>>)
      %dma_start3A_178 = arith.constant 1 : i32
      %dma_start3A_179 = arith.constant 0 : i32
      %dma_start3A_180 = arith.constant 1 : i32
      %dma_start3A_181 = arith.constant 1 : i32
      %dma_start3A_182 = arith.constant 0 : i32
      %dma_start3A_183 = arith.constant 0 : i32
      %dma_start3A_184 = tpu.memref_slice %arg7[%dma_start3A_180, %dma_start3A_182, %dma_start3A_183] : memref<5x72x128xf32, #tpu.memory_space<vmem>> -> memref<1x72x128xf32, #tpu.memory_space<vmem>>
      %dma_start3A_185 = tpu.memref_squeeze %dma_start3A_184 : memref<1x72x128xf32, #tpu.memory_space<vmem>> -> memref<72x128xf32, #tpu.memory_space<vmem>>
      %dma_start3A_186 = arith.constant 0 : i32
      %dma_start3A_187 = tpu.memref_slice %arg6[%dma_start3A_178, %dma_start3A_179, %dma_start3A_186] : memref<6x2x72xi32, #tpu.memory_space<vmem>> -> memref<1x1x72xi32, #tpu.memory_space<vmem>>
      %dma_start3A_188 = tpu.memref_squeeze %dma_start3A_187 : memref<1x1x72xi32, #tpu.memory_space<vmem>> -> memref<72xi32, #tpu.memory_space<vmem>>
      %dma_start3A_189 = arith.constant 0 : i32
      %dma_start3A_190 = arith.constant 0 : i32
      %dma_start3A_191 = tpu.memref_slice %arg2[%dma_start3A_189, %dma_start3A_190] : memref<10112x128xf32, #tpu.memory_space<hbm>> -> memref<10112x128xf32, #tpu.memory_space<hbm>>
      %dma_start3A_192 = tpu.memref_slice %arg9[%dma_start3A_181] : memref<5x!tpu.dma_semaphore, #tpu.memory_space<semaphore_mem>> -> memref<1x!tpu.dma_semaphore, #tpu.memory_space<semaphore_mem>>
      %dma_start3A_193 = tpu.memref_squeeze %dma_start3A_192 : memref<1x!tpu.dma_semaphore, #tpu.memory_space<semaphore_mem>> -> memref<!tpu.dma_semaphore, #tpu.memory_space<semaphore_mem>>
      tpu.enqueue_indirect_dma source(%dma_start3A_191 : memref<10112x128xf32, #tpu.memory_space<hbm>>) target(%dma_start3A_185 : memref<72x128xf32, #tpu.memory_space<vmem>>) offsets(%dma_start3A_188 : memref<72xi32, #tpu.memory_space<vmem>>) semaphore(%dma_start3A_193 : memref<!tpu.dma_semaphore, #tpu.memory_space<semaphore_mem>>)
      %dma_wait3A_194 = arith.constant 0 : i32
      %dma_wait3A_195 = arith.constant 2 : i32
      %dma_wait3A_196 = arith.constant 2 : i32
      %dma_wait3A_197 = arith.constant 0 : i32
      %dma_wait3A_198 = arith.constant 0 : i32
      %dma_wait3A_199 = tpu.memref_slice %arg6[%dma_wait3A_195, %dma_wait3A_197, %dma_wait3A_198] : memref<6x2x72xi32, #tpu.memory_space<vmem>> -> memref<1x2x72xi32, #tpu.memory_space<vmem>>
      %dma_wait3A_200 = tpu.memref_squeeze %dma_wait3A_199 : memref<1x2x72xi32, #tpu.memory_space<vmem>> -> memref<2x72xi32, #tpu.memory_space<vmem>>
      %dma_wait3A_201 = arith.constant 0 : i32
      %dma_wait3A_202 = arith.constant 0 : i32
      %dma_wait3A_203 = tpu.memref_slice %arg3[%dma_wait3A_194, %dma_wait3A_201, %dma_wait3A_202] : memref<4448x2x72xi32, #tpu.memory_space<hbm>> -> memref<1x2x72xi32, #tpu.memory_space<hbm>>
      %dma_wait3A_204 = tpu.memref_squeeze %dma_wait3A_203 : memref<1x2x72xi32, #tpu.memory_space<hbm>> -> memref<2x72xi32, #tpu.memory_space<hbm>>
      %dma_wait3A_205 = tpu.memref_slice %arg11[%dma_wait3A_196] : memref<6x!tpu.dma_semaphore, #tpu.memory_space<semaphore_mem>> -> memref<1x!tpu.dma_semaphore, #tpu.memory_space<semaphore_mem>>
      %dma_wait3A_206 = tpu.memref_squeeze %dma_wait3A_205 : memref<1x!tpu.dma_semaphore, #tpu.memory_space<semaphore_mem>> -> memref<!tpu.dma_semaphore, #tpu.memory_space<semaphore_mem>>
      %dma_wait3A_207 = arith.constant 0 : i32
      %dma_wait3A_208 = arith.constant 0 : i32
      %dma_wait3A_209 = tpu.memref_slice %arg6[%dma_wait3A_195, %dma_wait3A_207, %dma_wait3A_208] : memref<6x2x72xi32, #tpu.memory_space<vmem>> -> memref<1x2x72xi32, #tpu.memory_space<vmem>>
      %dma_wait3A_210 = tpu.memref_squeeze %dma_wait3A_209 : memref<1x2x72xi32, #tpu.memory_space<vmem>> -> memref<2x72xi32, #tpu.memory_space<vmem>>
      %dma_wait3A_211 = arith.constant 0 : i32
      %dma_wait3A_212 = arith.constant 0 : i32
      %dma_wait3A_213 = tpu.memref_slice %arg3[%dma_wait3A_194, %dma_wait3A_211, %dma_wait3A_212] : memref<4448x2x72xi32, #tpu.memory_space<hbm>> -> memref<1x2x72xi32, #tpu.memory_space<hbm>>
      %dma_wait3A_214 = tpu.memref_squeeze %dma_wait3A_213 : memref<1x2x72xi32, #tpu.memory_space<hbm>> -> memref<2x72xi32, #tpu.memory_space<hbm>>
      tpu.wait_dma2 semaphore(%dma_wait3A_206 : memref<!tpu.dma_semaphore, #tpu.memory_space<semaphore_mem>>) src(%dma_wait3A_214 : memref<2x72xi32, #tpu.memory_space<hbm>>) dst(%dma_wait3A_210 : memref<2x72xi32, #tpu.memory_space<vmem>>)
      %dma_start3A_215 = arith.constant 2 : i32
      %dma_start3A_216 = arith.constant 0 : i32
      %dma_start3A_217 = arith.constant 2 : i32
      %dma_start3A_218 = arith.constant 2 : i32
      %dma_start3A_219 = arith.constant 0 : i32
      %dma_start3A_220 = arith.constant 0 : i32
      %dma_start3A_221 = tpu.memref_slice %arg7[%dma_start3A_217, %dma_start3A_219, %dma_start3A_220] : memref<5x72x128xf32, #tpu.memory_space<vmem>> -> memref<1x72x128xf32, #tpu.memory_space<vmem>>
      %dma_start3A_222 = tpu.memref_squeeze %dma_start3A_221 : memref<1x72x128xf32, #tpu.memory_space<vmem>> -> memref<72x128xf32, #tpu.memory_space<vmem>>
      %dma_start3A_223 = arith.constant 0 : i32
      %dma_start3A_224 = tpu.memref_slice %arg6[%dma_start3A_215, %dma_start3A_216, %dma_start3A_223] : memref<6x2x72xi32, #tpu.memory_space<vmem>> -> memref<1x1x72xi32, #tpu.memory_space<vmem>>
      %dma_start3A_225 = tpu.memref_squeeze %dma_start3A_224 : memref<1x1x72xi32, #tpu.memory_space<vmem>> -> memref<72xi32, #tpu.memory_space<vmem>>
      %dma_start3A_226 = arith.constant 0 : i32
      %dma_start3A_227 = arith.constant 0 : i32
      %dma_start3A_228 = tpu.memref_slice %arg2[%dma_start3A_226, %dma_start3A_227] : memref<10112x128xf32, #tpu.memory_space<hbm>> -> memref<10112x128xf32, #tpu.memory_space<hbm>>
      %dma_start3A_229 = tpu.memref_slice %arg9[%dma_start3A_218] : memref<5x!tpu.dma_semaphore, #tpu.memory_space<semaphore_mem>> -> memref<1x!tpu.dma_semaphore, #tpu.memory_space<semaphore_mem>>
      %dma_start3A_230 = tpu.memref_squeeze %dma_start3A_229 : memref<1x!tpu.dma_semaphore, #tpu.memory_space<semaphore_mem>> -> memref<!tpu.dma_semaphore, #tpu.memory_space<semaphore_mem>>
      tpu.enqueue_indirect_dma source(%dma_start3A_228 : memref<10112x128xf32, #tpu.memory_space<hbm>>) target(%dma_start3A_222 : memref<72x128xf32, #tpu.memory_space<vmem>>) offsets(%dma_start3A_225 : memref<72xi32, #tpu.memory_space<vmem>>) semaphore(%dma_start3A_230 : memref<!tpu.dma_semaphore, #tpu.memory_space<semaphore_mem>>)
      %dma_wait3A_231 = arith.constant 0 : i32
      %dma_wait3A_232 = arith.constant 3 : i32
      %dma_wait3A_233 = arith.constant 3 : i32
      %dma_wait3A_234 = arith.constant 0 : i32
      %dma_wait3A_235 = arith.constant 0 : i32
      %dma_wait3A_236 = tpu.memref_slice %arg6[%dma_wait3A_232, %dma_wait3A_234, %dma_wait3A_235] : memref<6x2x72xi32, #tpu.memory_space<vmem>> -> memref<1x2x72xi32, #tpu.memory_space<vmem>>
      %dma_wait3A_237 = tpu.memref_squeeze %dma_wait3A_236 : memref<1x2x72xi32, #tpu.memory_space<vmem>> -> memref<2x72xi32, #tpu.memory_space<vmem>>
      %dma_wait3A_238 = arith.constant 0 : i32
      %dma_wait3A_239 = arith.constant 0 : i32
      %dma_wait3A_240 = tpu.memref_slice %arg3[%dma_wait3A_231, %dma_wait3A_238, %dma_wait3A_239] : memref<4448x2x72xi32, #tpu.memory_space<hbm>> -> memref<1x2x72xi32, #tpu.memory_space<hbm>>
      %dma_wait3A_241 = tpu.memref_squeeze %dma_wait3A_240 : memref<1x2x72xi32, #tpu.memory_space<hbm>> -> memref<2x72xi32, #tpu.memory_space<hbm>>
      %dma_wait3A_242 = tpu.memref_slice %arg11[%dma_wait3A_233] : memref<6x!tpu.dma_semaphore, #tpu.memory_space<semaphore_mem>> -> memref<1x!tpu.dma_semaphore, #tpu.memory_space<semaphore_mem>>
      %dma_wait3A_243 = tpu.memref_squeeze %dma_wait3A_242 : memref<1x!tpu.dma_semaphore, #tpu.memory_space<semaphore_mem>> -> memref<!tpu.dma_semaphore, #tpu.memory_space<semaphore_mem>>
      %dma_wait3A_244 = arith.constant 0 : i32
      %dma_wait3A_245 = arith.constant 0 : i32
      %dma_wait3A_246 = tpu.memref_slice %arg6[%dma_wait3A_232, %dma_wait3A_244, %dma_wait3A_245] : memref<6x2x72xi32, #tpu.memory_space<vmem>> -> memref<1x2x72xi32, #tpu.memory_space<vmem>>
      %dma_wait3A_247 = tpu.memref_squeeze %dma_wait3A_246 : memref<1x2x72xi32, #tpu.memory_space<vmem>> -> memref<2x72xi32, #tpu.memory_space<vmem>>
      %dma_wait3A_248 = arith.constant 0 : i32
      %dma_wait3A_249 = arith.constant 0 : i32
      %dma_wait3A_250 = tpu.memref_slice %arg3[%dma_wait3A_231, %dma_wait3A_248, %dma_wait3A_249] : memref<4448x2x72xi32, #tpu.memory_space<hbm>> -> memref<1x2x72xi32, #tpu.memory_space<hbm>>
      %dma_wait3A_251 = tpu.memref_squeeze %dma_wait3A_250 : memref<1x2x72xi32, #tpu.memory_space<hbm>> -> memref<2x72xi32, #tpu.memory_space<hbm>>
      tpu.wait_dma2 semaphore(%dma_wait3A_243 : memref<!tpu.dma_semaphore, #tpu.memory_space<semaphore_mem>>) src(%dma_wait3A_251 : memref<2x72xi32, #tpu.memory_space<hbm>>) dst(%dma_wait3A_247 : memref<2x72xi32, #tpu.memory_space<vmem>>)
      %dma_start3A_252 = arith.constant 3 : i32
      %dma_start3A_253 = arith.constant 0 : i32
      %dma_start3A_254 = arith.constant 3 : i32
      %dma_start3A_255 = arith.constant 3 : i32
      %dma_start3A_256 = arith.constant 0 : i32
      %dma_start3A_257 = arith.constant 0 : i32
      %dma_start3A_258 = tpu.memref_slice %arg7[%dma_start3A_254, %dma_start3A_256, %dma_start3A_257] : memref<5x72x128xf32, #tpu.memory_space<vmem>> -> memref<1x72x128xf32, #tpu.memory_space<vmem>>
      %dma_start3A_259 = tpu.memref_squeeze %dma_start3A_258 : memref<1x72x128xf32, #tpu.memory_space<vmem>> -> memref<72x128xf32, #tpu.memory_space<vmem>>
      %dma_start3A_260 = arith.constant 0 : i32
      %dma_start3A_261 = tpu.memref_slice %arg6[%dma_start3A_252, %dma_start3A_253, %dma_start3A_260] : memref<6x2x72xi32, #tpu.memory_space<vmem>> -> memref<1x1x72xi32, #tpu.memory_space<vmem>>
      %dma_start3A_262 = tpu.memref_squeeze %dma_start3A_261 : memref<1x1x72xi32, #tpu.memory_space<vmem>> -> memref<72xi32, #tpu.memory_space<vmem>>
      %dma_start3A_263 = arith.constant 0 : i32
      %dma_start3A_264 = arith.constant 0 : i32
      %dma_start3A_265 = tpu.memref_slice %arg2[%dma_start3A_263, %dma_start3A_264] : memref<10112x128xf32, #tpu.memory_space<hbm>> -> memref<10112x128xf32, #tpu.memory_space<hbm>>
      %dma_start3A_266 = tpu.memref_slice %arg9[%dma_start3A_255] : memref<5x!tpu.dma_semaphore, #tpu.memory_space<semaphore_mem>> -> memref<1x!tpu.dma_semaphore, #tpu.memory_space<semaphore_mem>>
      %dma_start3A_267 = tpu.memref_squeeze %dma_start3A_266 : memref<1x!tpu.dma_semaphore, #tpu.memory_space<semaphore_mem>> -> memref<!tpu.dma_semaphore, #tpu.memory_space<semaphore_mem>>
      tpu.enqueue_indirect_dma source(%dma_start3A_265 : memref<10112x128xf32, #tpu.memory_space<hbm>>) target(%dma_start3A_259 : memref<72x128xf32, #tpu.memory_space<vmem>>) offsets(%dma_start3A_262 : memref<72xi32, #tpu.memory_space<vmem>>) semaphore(%dma_start3A_267 : memref<!tpu.dma_semaphore, #tpu.memory_space<semaphore_mem>>)
      %dma_wait3A_268 = arith.constant 0 : i32
      %dma_wait3A_269 = arith.constant 4 : i32
      %dma_wait3A_270 = arith.constant 4 : i32
      %dma_wait3A_271 = arith.constant 0 : i32
      %dma_wait3A_272 = arith.constant 0 : i32
      %dma_wait3A_273 = tpu.memref_slice %arg6[%dma_wait3A_269, %dma_wait3A_271, %dma_wait3A_272] : memref<6x2x72xi32, #tpu.memory_space<vmem>> -> memref<1x2x72xi32, #tpu.memory_space<vmem>>
      %dma_wait3A_274 = tpu.memref_squeeze %dma_wait3A_273 : memref<1x2x72xi32, #tpu.memory_space<vmem>> -> memref<2x72xi32, #tpu.memory_space<vmem>>
      %dma_wait3A_275 = arith.constant 0 : i32
      %dma_wait3A_276 = arith.constant 0 : i32
      %dma_wait3A_277 = tpu.memref_slice %arg3[%dma_wait3A_268, %dma_wait3A_275, %dma_wait3A_276] : memref<4448x2x72xi32, #tpu.memory_space<hbm>> -> memref<1x2x72xi32, #tpu.memory_space<hbm>>
      %dma_wait3A_278 = tpu.memref_squeeze %dma_wait3A_277 : memref<1x2x72xi32, #tpu.memory_space<hbm>> -> memref<2x72xi32, #tpu.memory_space<hbm>>
      %dma_wait3A_279 = tpu.memref_slice %arg11[%dma_wait3A_270] : memref<6x!tpu.dma_semaphore, #tpu.memory_space<semaphore_mem>> -> memref<1x!tpu.dma_semaphore, #tpu.memory_space<semaphore_mem>>
      %dma_wait3A_280 = tpu.memref_squeeze %dma_wait3A_279 : memref<1x!tpu.dma_semaphore, #tpu.memory_space<semaphore_mem>> -> memref<!tpu.dma_semaphore, #tpu.memory_space<semaphore_mem>>
      %dma_wait3A_281 = arith.constant 0 : i32
      %dma_wait3A_282 = arith.constant 0 : i32
      %dma_wait3A_283 = tpu.memref_slice %arg6[%dma_wait3A_269, %dma_wait3A_281, %dma_wait3A_282] : memref<6x2x72xi32, #tpu.memory_space<vmem>> -> memref<1x2x72xi32, #tpu.memory_space<vmem>>
      %dma_wait3A_284 = tpu.memref_squeeze %dma_wait3A_283 : memref<1x2x72xi32, #tpu.memory_space<vmem>> -> memref<2x72xi32, #tpu.memory_space<vmem>>
      %dma_wait3A_285 = arith.constant 0 : i32
      %dma_wait3A_286 = arith.constant 0 : i32
      %dma_wait3A_287 = tpu.memref_slice %arg3[%dma_wait3A_268, %dma_wait3A_285, %dma_wait3A_286] : memref<4448x2x72xi32, #tpu.memory_space<hbm>> -> memref<1x2x72xi32, #tpu.memory_space<hbm>>
      %dma_wait3A_288 = tpu.memref_squeeze %dma_wait3A_287 : memref<1x2x72xi32, #tpu.memory_space<hbm>> -> memref<2x72xi32, #tpu.memory_space<hbm>>
      tpu.wait_dma2 semaphore(%dma_wait3A_280 : memref<!tpu.dma_semaphore, #tpu.memory_space<semaphore_mem>>) src(%dma_wait3A_288 : memref<2x72xi32, #tpu.memory_space<hbm>>) dst(%dma_wait3A_284 : memref<2x72xi32, #tpu.memory_space<vmem>>)
      %dma_start3A_289 = arith.constant 4 : i32
      %dma_start3A_290 = arith.constant 0 : i32
      %dma_start3A_291 = arith.constant 4 : i32
      %dma_start3A_292 = arith.constant 4 : i32
      %dma_start3A_293 = arith.constant 0 : i32
      %dma_start3A_294 = arith.constant 0 : i32
      %dma_start3A_295 = tpu.memref_slice %arg7[%dma_start3A_291, %dma_start3A_293, %dma_start3A_294] : memref<5x72x128xf32, #tpu.memory_space<vmem>> -> memref<1x72x128xf32, #tpu.memory_space<vmem>>
      %dma_start3A_296 = tpu.memref_squeeze %dma_start3A_295 : memref<1x72x128xf32, #tpu.memory_space<vmem>> -> memref<72x128xf32, #tpu.memory_space<vmem>>
      %dma_start3A_297 = arith.constant 0 : i32
      %dma_start3A_298 = tpu.memref_slice %arg6[%dma_start3A_289, %dma_start3A_290, %dma_start3A_297] : memref<6x2x72xi32, #tpu.memory_space<vmem>> -> memref<1x1x72xi32, #tpu.memory_space<vmem>>
      %dma_start3A_299 = tpu.memref_squeeze %dma_start3A_298 : memref<1x1x72xi32, #tpu.memory_space<vmem>> -> memref<72xi32, #tpu.memory_space<vmem>>
      %dma_start3A_300 = arith.constant 0 : i32
      %dma_start3A_301 = arith.constant 0 : i32
      %dma_start3A_302 = tpu.memref_slice %arg2[%dma_start3A_300, %dma_start3A_301] : memref<10112x128xf32, #tpu.memory_space<hbm>> -> memref<10112x128xf32, #tpu.memory_space<hbm>>
      %dma_start3A_303 = tpu.memref_slice %arg9[%dma_start3A_292] : memref<5x!tpu.dma_semaphore, #tpu.memory_space<semaphore_mem>> -> memref<1x!tpu.dma_semaphore, #tpu.memory_space<semaphore_mem>>
      %dma_start3A_304 = tpu.memref_squeeze %dma_start3A_303 : memref<1x!tpu.dma_semaphore, #tpu.memory_space<semaphore_mem>> -> memref<!tpu.dma_semaphore, #tpu.memory_space<semaphore_mem>>
      tpu.enqueue_indirect_dma source(%dma_start3A_302 : memref<10112x128xf32, #tpu.memory_space<hbm>>) target(%dma_start3A_296 : memref<72x128xf32, #tpu.memory_space<vmem>>) offsets(%dma_start3A_299 : memref<72xi32, #tpu.memory_space<vmem>>) semaphore(%dma_start3A_304 : memref<!tpu.dma_semaphore, #tpu.memory_space<semaphore_mem>>)
      %scan3A = arith.constant 0 : i32
      %scan3A_305 = arith.constant 0 : i32
      %scan3A_306 = arith.constant 133 : i32
      %scan3A_307 = arith.addi %scan3A_305, %scan3A_306 : i32
      %scan3A_308 = arith.constant 1 : i32
      scf.for %scan3A_327 = %scan3A_305 to %scan3A_307 step %scan3A_308  : i32 {
        %rem3A_328 = arith.constant 5 : i32
        %rem3A_329 = arith.remsi %scan3A_327, %rem3A_328 : i32
        %rem3A_330 = arith.constant 6 : i32
        %rem3A_331 = arith.remsi %scan3A_327, %rem3A_330 : i32
        %ge3A = arith.constant 1 : i32
        %ge3A_332 = arith.cmpi sge, %scan3A_327, %ge3A : i32
        %convert_element_type3A_333 = arith.extui %ge3A_332 : i1 to i32
        %cond3A_334 = arith.constant 0 : i32
        %cond3A_335 = arith.cmpi ne, %convert_element_type3A_333, %cond3A_334 : i32
        scf.if %cond3A_335 {
          %add3A_379 = arith.constant 5 : i32
          %add3A_380 = arith.addi %scan3A_327, %add3A_379 : i32
          %sub3A_381 = arith.constant 1 : i32
          %sub3A_382 = arith.subi %add3A_380, %sub3A_381 : i32
          %rem3A_383 = arith.constant 5 : i32
          %rem3A_384 = arith.remsi %sub3A_382, %rem3A_383 : i32
          %dma_wait3A_385 = arith.constant 0 : i32
          %dma_wait3A_386 = arith.constant 0 : i32
          %dma_wait3A_387 = arith.constant 1 : i32
          %dma_wait3A_388 = arith.constant 0 : i32
          %dma_wait3A_389 = arith.constant 0 : i32
          %dma_wait3A_390 = tpu.memref_slice %arg7[%dma_wait3A_385, %dma_wait3A_388, %dma_wait3A_389] : memref<5x72x128xf32, #tpu.memory_space<vmem>> -> memref<1x72x128xf32, #tpu.memory_space<vmem>>
          %dma_wait3A_391 = tpu.memref_squeeze %dma_wait3A_390 : memref<1x72x128xf32, #tpu.memory_space<vmem>> -> memref<72x128xf32, #tpu.memory_space<vmem>>
          %dma_wait3A_392 = arith.constant 0 : i32
          %dma_wait3A_393 = tpu.memref_slice %arg6[%dma_wait3A_386, %dma_wait3A_387, %dma_wait3A_392] : memref<6x2x72xi32, #tpu.memory_space<vmem>> -> memref<1x1x72xi32, #tpu.memory_space<vmem>>
          %dma_wait3A_394 = tpu.memref_squeeze %dma_wait3A_393 : memref<1x1x72xi32, #tpu.memory_space<vmem>> -> memref<72xi32, #tpu.memory_space<vmem>>
          %dma_wait3A_395 = arith.constant 0 : i32
          %dma_wait3A_396 = arith.constant 0 : i32
          %dma_wait3A_397 = tpu.memref_slice %arg8[%dma_wait3A_395, %dma_wait3A_396] : memref<10112x128xf32, #tpu.memory_space<vmem_shared>> -> memref<10112x128xf32, #tpu.memory_space<vmem_shared>>
          %dma_wait3A_398 = tpu.memref_slice %arg10[%rem3A_384] : memref<5x!tpu.dma_semaphore, #tpu.memory_space<semaphore_mem>> -> memref<1x!tpu.dma_semaphore, #tpu.memory_space<semaphore_mem>>
          %dma_wait3A_399 = tpu.memref_squeeze %dma_wait3A_398 : memref<1x!tpu.dma_semaphore, #tpu.memory_space<semaphore_mem>> -> memref<!tpu.dma_semaphore, #tpu.memory_space<semaphore_mem>>
          tpu.wait_indirect_dma semaphore(%dma_wait3A_399 : memref<!tpu.dma_semaphore, #tpu.memory_space<semaphore_mem>>) src(%dma_wait3A_391 : memref<72x128xf32, #tpu.memory_space<vmem>>) dst(%dma_wait3A_397 : memref<10112x128xf32, #tpu.memory_space<vmem_shared>>)
        } else {
        }
        %dma_wait3A_336 = arith.constant 0 : i32
        %dma_wait3A_337 = arith.constant 0 : i32
        %dma_wait3A_338 = arith.constant 0 : i32
        %dma_wait3A_339 = arith.constant 0 : i32
        %dma_wait3A_340 = tpu.memref_slice %arg7[%rem3A_329, %dma_wait3A_338, %dma_wait3A_339] : memref<5x72x128xf32, #tpu.memory_space<vmem>> -> memref<1x72x128xf32, #tpu.memory_space<vmem>>
        %dma_wait3A_341 = tpu.memref_squeeze %dma_wait3A_340 : memref<1x72x128xf32, #tpu.memory_space<vmem>> -> memref<72x128xf32, #tpu.memory_space<vmem>>
        %dma_wait3A_342 = arith.constant 0 : i32
        %dma_wait3A_343 = tpu.memref_slice %arg6[%dma_wait3A_336, %dma_wait3A_337, %dma_wait3A_342] : memref<6x2x72xi32, #tpu.memory_space<vmem>> -> memref<1x1x72xi32, #tpu.memory_space<vmem>>
        %dma_wait3A_344 = tpu.memref_squeeze %dma_wait3A_343 : memref<1x1x72xi32, #tpu.memory_space<vmem>> -> memref<72xi32, #tpu.memory_space<vmem>>
        %dma_wait3A_345 = arith.constant 0 : i32
        %dma_wait3A_346 = arith.constant 0 : i32
        %dma_wait3A_347 = tpu.memref_slice %arg2[%dma_wait3A_345, %dma_wait3A_346] : memref<10112x128xf32, #tpu.memory_space<hbm>> -> memref<10112x128xf32, #tpu.memory_space<hbm>>
        %dma_wait3A_348 = tpu.memref_slice %arg9[%rem3A_329] : memref<5x!tpu.dma_semaphore, #tpu.memory_space<semaphore_mem>> -> memref<1x!tpu.dma_semaphore, #tpu.memory_space<semaphore_mem>>
        %dma_wait3A_349 = tpu.memref_squeeze %dma_wait3A_348 : memref<1x!tpu.dma_semaphore, #tpu.memory_space<semaphore_mem>> -> memref<!tpu.dma_semaphore, #tpu.memory_space<semaphore_mem>>
        tpu.wait_indirect_dma semaphore(%dma_wait3A_349 : memref<!tpu.dma_semaphore, #tpu.memory_space<semaphore_mem>>) src(%dma_wait3A_347 : memref<10112x128xf32, #tpu.memory_space<hbm>>) dst(%dma_wait3A_341 : memref<72x128xf32, #tpu.memory_space<vmem>>)
        %dma_start3A_350 = arith.constant 1 : i32
        %dma_start3A_351 = arith.constant 0 : i32
        %dma_start3A_352 = arith.constant 0 : i32
        %dma_start3A_353 = tpu.memref_slice %arg7[%rem3A_329, %dma_start3A_351, %dma_start3A_352] : memref<5x72x128xf32, #tpu.memory_space<vmem>> -> memref<1x72x128xf32, #tpu.memory_space<vmem>>
        %dma_start3A_354 = tpu.memref_squeeze %dma_start3A_353 : memref<1x72x128xf32, #tpu.memory_space<vmem>> -> memref<72x128xf32, #tpu.memory_space<vmem>>
        %dma_start3A_355 = arith.constant 0 : i32
        %dma_start3A_356 = tpu.memref_slice %arg6[%rem3A_331, %dma_start3A_350, %dma_start3A_355] : memref<6x2x72xi32, #tpu.memory_space<vmem>> -> memref<1x1x72xi32, #tpu.memory_space<vmem>>
        %dma_start3A_357 = tpu.memref_squeeze %dma_start3A_356 : memref<1x1x72xi32, #tpu.memory_space<vmem>> -> memref<72xi32, #tpu.memory_space<vmem>>
        %dma_start3A_358 = arith.constant 0 : i32
        %dma_start3A_359 = arith.constant 0 : i32
        %dma_start3A_360 = tpu.memref_slice %arg8[%dma_start3A_358, %dma_start3A_359] : memref<10112x128xf32, #tpu.memory_space<vmem_shared>> -> memref<10112x128xf32, #tpu.memory_space<vmem_shared>>
        %dma_start3A_361 = tpu.memref_slice %arg10[%rem3A_329] : memref<5x!tpu.dma_semaphore, #tpu.memory_space<semaphore_mem>> -> memref<1x!tpu.dma_semaphore, #tpu.memory_space<semaphore_mem>>
        %dma_start3A_362 = tpu.memref_squeeze %dma_start3A_361 : memref<1x!tpu.dma_semaphore, #tpu.memory_space<semaphore_mem>> -> memref<!tpu.dma_semaphore, #tpu.memory_space<semaphore_mem>>
        tpu.enqueue_indirect_dma source(%dma_start3A_354 : memref<72x128xf32, #tpu.memory_space<vmem>>) target(%dma_start3A_360 : memref<10112x128xf32, #tpu.memory_space<vmem_shared>>) offsets(%dma_start3A_357 : memref<72xi32, #tpu.memory_space<vmem>>) semaphore(%dma_start3A_362 : memref<!tpu.dma_semaphore, #tpu.memory_space<semaphore_mem>>) {add = true}
        %add3A_363 = arith.constant 5 : i32
        %add3A_364 = arith.addi %scan3A_327, %add3A_363 : i32
        %lt3A = arith.constant 133 : i32
        %lt3A_365 = arith.cmpi slt, %add3A_364, %lt3A : i32
        %convert_element_type3A_366 = arith.extui %lt3A_365 : i1 to i32
        %cond3A_367 = arith.constant 0 : i32
        %cond3A_368 = arith.cmpi ne, %convert_element_type3A_366, %cond3A_367 : i32
        scf.if %cond3A_368 {
          %add3A_379 = arith.addi %add3A_11, %scan3A_327 : i32
          %add3A_380 = arith.constant 5 : i32
          %add3A_381 = arith.addi %add3A_379, %add3A_380 : i32
          %add3A_382 = arith.constant 5 : i32
          %add3A_383 = arith.addi %scan3A_327, %add3A_382 : i32
          %rem3A_384 = arith.constant 6 : i32
          %rem3A_385 = arith.remsi %add3A_383, %rem3A_384 : i32
          %dma_start3A_386 = arith.constant 0 : i32
          %dma_start3A_387 = arith.constant 0 : i32
          %dma_start3A_388 = tpu.memref_slice %arg6[%rem3A_385, %dma_start3A_386, %dma_start3A_387] : memref<6x2x72xi32, #tpu.memory_space<vmem>> -> memref<1x2x72xi32, #tpu.memory_space<vmem>>
          %dma_start3A_389 = tpu.memref_squeeze %dma_start3A_388 : memref<1x2x72xi32, #tpu.memory_space<vmem>> -> memref<2x72xi32, #tpu.memory_space<vmem>>
          %dma_start3A_390 = arith.constant 0 : i32
          %dma_start3A_391 = arith.constant 0 : i32
          %dma_start3A_392 = tpu.memref_slice %arg3[%add3A_381, %dma_start3A_390, %dma_start3A_391] : memref<4448x2x72xi32, #tpu.memory_space<hbm>> -> memref<1x2x72xi32, #tpu.memory_space<hbm>>
          %dma_start3A_393 = tpu.memref_squeeze %dma_start3A_392 : memref<1x2x72xi32, #tpu.memory_space<hbm>> -> memref<2x72xi32, #tpu.memory_space<hbm>>
          %dma_start3A_394 = tpu.memref_slice %arg11[%rem3A_385] : memref<6x!tpu.dma_semaphore, #tpu.memory_space<semaphore_mem>> -> memref<1x!tpu.dma_semaphore, #tpu.memory_space<semaphore_mem>>
          %dma_start3A_395 = tpu.memref_squeeze %dma_start3A_394 : memref<1x!tpu.dma_semaphore, #tpu.memory_space<semaphore_mem>> -> memref<!tpu.dma_semaphore, #tpu.memory_space<semaphore_mem>>
          %dma_start3A_396 = arith.constant 0 : i32
          %dma_start3A_397 = arith.constant 0 : i32
          %dma_start3A_398 = tpu.memref_slice %arg6[%rem3A_385, %dma_start3A_396, %dma_start3A_397] : memref<6x2x72xi32, #tpu.memory_space<vmem>> -> memref<1x2x72xi32, #tpu.memory_space<vmem>>
          %dma_start3A_399 = tpu.memref_squeeze %dma_start3A_398 : memref<1x2x72xi32, #tpu.memory_space<vmem>> -> memref<2x72xi32, #tpu.memory_space<vmem>>
          %dma_start3A_400 = arith.constant 0 : i32
          %dma_start3A_401 = arith.constant 0 : i32
          %dma_start3A_402 = tpu.memref_slice %arg3[%add3A_381, %dma_start3A_400, %dma_start3A_401] : memref<4448x2x72xi32, #tpu.memory_space<hbm>> -> memref<1x2x72xi32, #tpu.memory_space<hbm>>
          %dma_start3A_403 = tpu.memref_squeeze %dma_start3A_402 : memref<1x2x72xi32, #tpu.memory_space<hbm>> -> memref<2x72xi32, #tpu.memory_space<hbm>>
          tpu.enqueue_dma source(%dma_start3A_403 : memref<2x72xi32, #tpu.memory_space<hbm>>) target(%dma_start3A_399 : memref<2x72xi32, #tpu.memory_space<vmem>>) target_semaphore(%dma_start3A_395 : memref<!tpu.dma_semaphore, #tpu.memory_space<semaphore_mem>>)
        } else {
        }
        %add3A_369 = arith.constant 5 : i32
        %add3A_370 = arith.addi %scan3A_327, %add3A_369 : i32
        %sub3A = arith.constant 1 : i32
        %sub3A_371 = arith.subi %add3A_370, %sub3A : i32
        %ge3A_372 = arith.constant 1 : i32
        %ge3A_373 = arith.cmpi sge, %scan3A_327, %ge3A_372 : i32
        %lt3A_374 = arith.constant 133 : i32
        %lt3A_375 = arith.cmpi slt, %sub3A_371, %lt3A_374 : i32
        %and3A = arith.andi %ge3A_373, %lt3A_375 : i1
        %convert_element_type3A_376 = arith.extui %and3A : i1 to i32
        %cond3A_377 = arith.constant 0 : i32
        %cond3A_378 = arith.cmpi ne, %convert_element_type3A_376, %cond3A_377 : i32
        scf.if %cond3A_378 {
          %rem3A_379 = arith.constant 6 : i32
          %rem3A_380 = arith.remsi %sub3A_371, %rem3A_379 : i32
          %dma_wait3A_381 = arith.constant 0 : i32
          %dma_wait3A_382 = arith.constant 0 : i32
          %dma_wait3A_383 = arith.constant 0 : i32
          %dma_wait3A_384 = tpu.memref_slice %arg6[%rem3A_380, %dma_wait3A_382, %dma_wait3A_383] : memref<6x2x72xi32, #tpu.memory_space<vmem>> -> memref<1x2x72xi32, #tpu.memory_space<vmem>>
          %dma_wait3A_385 = tpu.memref_squeeze %dma_wait3A_384 : memref<1x2x72xi32, #tpu.memory_space<vmem>> -> memref<2x72xi32, #tpu.memory_space<vmem>>
          %dma_wait3A_386 = arith.constant 0 : i32
          %dma_wait3A_387 = arith.constant 0 : i32
          %dma_wait3A_388 = tpu.memref_slice %arg3[%dma_wait3A_381, %dma_wait3A_386, %dma_wait3A_387] : memref<4448x2x72xi32, #tpu.memory_space<hbm>> -> memref<1x2x72xi32, #tpu.memory_space<hbm>>
          %dma_wait3A_389 = tpu.memref_squeeze %dma_wait3A_388 : memref<1x2x72xi32, #tpu.memory_space<hbm>> -> memref<2x72xi32, #tpu.memory_space<hbm>>
          %dma_wait3A_390 = tpu.memref_slice %arg11[%rem3A_380] : memref<6x!tpu.dma_semaphore, #tpu.memory_space<semaphore_mem>> -> memref<1x!tpu.dma_semaphore, #tpu.memory_space<semaphore_mem>>
          %dma_wait3A_391 = tpu.memref_squeeze %dma_wait3A_390 : memref<1x!tpu.dma_semaphore, #tpu.memory_space<semaphore_mem>> -> memref<!tpu.dma_semaphore, #tpu.memory_space<semaphore_mem>>
          %dma_wait3A_392 = arith.constant 0 : i32
          %dma_wait3A_393 = arith.constant 0 : i32
          %dma_wait3A_394 = tpu.memref_slice %arg6[%rem3A_380, %dma_wait3A_392, %dma_wait3A_393] : memref<6x2x72xi32, #tpu.memory_space<vmem>> -> memref<1x2x72xi32, #tpu.memory_space<vmem>>
          %dma_wait3A_395 = tpu.memref_squeeze %dma_wait3A_394 : memref<1x2x72xi32, #tpu.memory_space<vmem>> -> memref<2x72xi32, #tpu.memory_space<vmem>>
          %dma_wait3A_396 = arith.constant 0 : i32
          %dma_wait3A_397 = arith.constant 0 : i32
          %dma_wait3A_398 = tpu.memref_slice %arg3[%dma_wait3A_381, %dma_wait3A_396, %dma_wait3A_397] : memref<4448x2x72xi32, #tpu.memory_space<hbm>> -> memref<1x2x72xi32, #tpu.memory_space<hbm>>
          %dma_wait3A_399 = tpu.memref_squeeze %dma_wait3A_398 : memref<1x2x72xi32, #tpu.memory_space<hbm>> -> memref<2x72xi32, #tpu.memory_space<hbm>>
          tpu.wait_dma2 semaphore(%dma_wait3A_391 : memref<!tpu.dma_semaphore, #tpu.memory_space<semaphore_mem>>) src(%dma_wait3A_399 : memref<2x72xi32, #tpu.memory_space<hbm>>) dst(%dma_wait3A_395 : memref<2x72xi32, #tpu.memory_space<vmem>>)
          %rem3A_400 = arith.constant 5 : i32
          %rem3A_401 = arith.remsi %sub3A_371, %rem3A_400 : i32
          %rem3A_402 = arith.constant 6 : i32
          %rem3A_403 = arith.remsi %sub3A_371, %rem3A_402 : i32
          %dma_start3A_404 = arith.constant 0 : i32
          %dma_start3A_405 = arith.constant 0 : i32
          %dma_start3A_406 = arith.constant 0 : i32
          %dma_start3A_407 = tpu.memref_slice %arg7[%rem3A_401, %dma_start3A_405, %dma_start3A_406] : memref<5x72x128xf32, #tpu.memory_space<vmem>> -> memref<1x72x128xf32, #tpu.memory_space<vmem>>
          %dma_start3A_408 = tpu.memref_squeeze %dma_start3A_407 : memref<1x72x128xf32, #tpu.memory_space<vmem>> -> memref<72x128xf32, #tpu.memory_space<vmem>>
          %dma_start3A_409 = arith.constant 0 : i32
          %dma_start3A_410 = tpu.memref_slice %arg6[%rem3A_403, %dma_start3A_404, %dma_start3A_409] : memref<6x2x72xi32, #tpu.memory_space<vmem>> -> memref<1x1x72xi32, #tpu.memory_space<vmem>>
          %dma_start3A_411 = tpu.memref_squeeze %dma_start3A_410 : memref<1x1x72xi32, #tpu.memory_space<vmem>> -> memref<72xi32, #tpu.memory_space<vmem>>
          %dma_start3A_412 = arith.constant 0 : i32
          %dma_start3A_413 = arith.constant 0 : i32
          %dma_start3A_414 = tpu.memref_slice %arg2[%dma_start3A_412, %dma_start3A_413] : memref<10112x128xf32, #tpu.memory_space<hbm>> -> memref<10112x128xf32, #tpu.memory_space<hbm>>
          %dma_start3A_415 = tpu.memref_slice %arg9[%rem3A_401] : memref<5x!tpu.dma_semaphore, #tpu.memory_space<semaphore_mem>> -> memref<1x!tpu.dma_semaphore, #tpu.memory_space<semaphore_mem>>
          %dma_start3A_416 = tpu.memref_squeeze %dma_start3A_415 : memref<1x!tpu.dma_semaphore, #tpu.memory_space<semaphore_mem>> -> memref<!tpu.dma_semaphore, #tpu.memory_space<semaphore_mem>>
          tpu.enqueue_indirect_dma source(%dma_start3A_414 : memref<10112x128xf32, #tpu.memory_space<hbm>>) target(%dma_start3A_408 : memref<72x128xf32, #tpu.memory_space<vmem>>) offsets(%dma_start3A_411 : memref<72xi32, #tpu.memory_space<vmem>>) semaphore(%dma_start3A_416 : memref<!tpu.dma_semaphore, #tpu.memory_space<semaphore_mem>>)
        } else {
        }
      }
      %scan3A_309 = arith.constant 133 : i32
      %rem3A = arith.constant 132 : i32
      %rem3A_310 = arith.constant 5 : i32
      %rem3A_311 = arith.remsi %rem3A, %rem3A_310 : i32
      %dma_wait3A_312 = arith.constant 0 : i32
      %dma_wait3A_313 = arith.constant 0 : i32
      %dma_wait3A_314 = arith.constant 1 : i32
      %dma_wait3A_315 = arith.constant 0 : i32
      %dma_wait3A_316 = arith.constant 0 : i32
      %dma_wait3A_317 = tpu.memref_slice %arg7[%dma_wait3A_312, %dma_wait3A_315, %dma_wait3A_316] : memref<5x72x128xf32, #tpu.memory_space<vmem>> -> memref<1x72x128xf32, #tpu.memory_space<vmem>>
      %dma_wait3A_318 = tpu.memref_squeeze %dma_wait3A_317 : memref<1x72x128xf32, #tpu.memory_space<vmem>> -> memref<72x128xf32, #tpu.memory_space<vmem>>
      %dma_wait3A_319 = arith.constant 0 : i32
      %dma_wait3A_320 = tpu.memref_slice %arg6[%dma_wait3A_313, %dma_wait3A_314, %dma_wait3A_319] : memref<6x2x72xi32, #tpu.memory_space<vmem>> -> memref<1x1x72xi32, #tpu.memory_space<vmem>>
      %dma_wait3A_321 = tpu.memref_squeeze %dma_wait3A_320 : memref<1x1x72xi32, #tpu.memory_space<vmem>> -> memref<72xi32, #tpu.memory_space<vmem>>
      %dma_wait3A_322 = arith.constant 0 : i32
      %dma_wait3A_323 = arith.constant 0 : i32
      %dma_wait3A_324 = tpu.memref_slice %arg8[%dma_wait3A_322, %dma_wait3A_323] : memref<10112x128xf32, #tpu.memory_space<vmem_shared>> -> memref<10112x128xf32, #tpu.memory_space<vmem_shared>>
      %dma_wait3A_325 = tpu.memref_slice %arg10[%rem3A_311] : memref<5x!tpu.dma_semaphore, #tpu.memory_space<semaphore_mem>> -> memref<1x!tpu.dma_semaphore, #tpu.memory_space<semaphore_mem>>
      %dma_wait3A_326 = tpu.memref_squeeze %dma_wait3A_325 : memref<1x!tpu.dma_semaphore, #tpu.memory_space<semaphore_mem>> -> memref<!tpu.dma_semaphore, #tpu.memory_space<semaphore_mem>>
      tpu.wait_indirect_dma semaphore(%dma_wait3A_326 : memref<!tpu.dma_semaphore, #tpu.memory_space<semaphore_mem>>) src(%dma_wait3A_318 : memref<72x128xf32, #tpu.memory_space<vmem>>) dst(%dma_wait3A_324 : memref<10112x128xf32, #tpu.memory_space<vmem_shared>>)
    } else {
    }
    %barrier3A_8 = arith.constant 0 : index
    tpu.barrier barrier_id(%barrier3A_8)
    "tpu.region"() ({
      %run_scoped3A = tpu.sem_alloc : memref<!tpu.dma_semaphore, #tpu.memory_space<semaphore_mem>>
      %dma_start3A = arith.constant 0 : i32
      %dma_start3A_9 = tpu.memref_slice %arg5[%arg0, %mul3A_0, %dma_start3A] : memref<2x10112x128xf32, #tpu.memory_space<hbm>> -> memref<1x632x128xf32, #tpu.memory_space<hbm>>
      %dma_start3A_10 = tpu.memref_squeeze %dma_start3A_9 : memref<1x632x128xf32, #tpu.memory_space<hbm>> -> memref<632x128xf32, #tpu.memory_space<hbm>>
      %dma_start3A_11 = arith.constant 0 : i32
      %dma_start3A_12 = tpu.memref_slice %arg8[%mul3A_0, %dma_start3A_11] : memref<10112x128xf32, #tpu.memory_space<vmem_shared>> -> memref<632x128xf32, #tpu.memory_space<vmem_shared>>
      tpu.enqueue_dma source(%dma_start3A_12 : memref<632x128xf32, #tpu.memory_space<vmem_shared>>) target(%dma_start3A_10 : memref<632x128xf32, #tpu.memory_space<hbm>>) target_semaphore(%run_scoped3A : memref<!tpu.dma_semaphore, #tpu.memory_space<semaphore_mem>>)
      %dma_wait3A = arith.constant 0 : i32
      %dma_wait3A_13 = tpu.memref_slice %arg5[%arg0, %mul3A_0, %dma_wait3A] : memref<2x10112x128xf32, #tpu.memory_space<hbm>> -> memref<1x632x128xf32, #tpu.memory_space<hbm>>
      %dma_wait3A_14 = tpu.memref_squeeze %dma_wait3A_13 : memref<1x632x128xf32, #tpu.memory_space<hbm>> -> memref<632x128xf32, #tpu.memory_space<hbm>>
      %dma_wait3A_15 = arith.constant 0 : i32
      %dma_wait3A_16 = tpu.memref_slice %arg8[%mul3A_0, %dma_wait3A_15] : memref<10112x128xf32, #tpu.memory_space<vmem_shared>> -> memref<632x128xf32, #tpu.memory_space<vmem_shared>>
      tpu.wait_dma2 semaphore(%run_scoped3A : memref<!tpu.dma_semaphore, #tpu.memory_space<semaphore_mem>>) src(%dma_wait3A_16 : memref<632x128xf32, #tpu.memory_space<vmem_shared>>) dst(%dma_wait3A_14 : memref<632x128xf32, #tpu.memory_space<hbm>>)
      tpu.yield
    }) : () -> ()
    return
  }
}

#map = affine_map<(d0, d1) -> (0, 0, 0)>
#map1 = affine_map<(d0, d1) -> (0)>
module attributes {stable_mosaic.version = 14 : i64} {
  func.func @_deg_body(%arg0: i32, %arg1: i32, %arg2: memref<32x139x72xi32, #tpu.memory_space<hbm>>, %arg3: memref<32x139x72xi32, #tpu.memory_space<hbm>>, %arg4: memref<72xf32, #tpu.memory_space<hbm>>, %arg5: memref<640xf32, #tpu.memory_space<hbm>>, %arg6: memref<10112xf32, #tpu.memory_space<hbm>>, %arg7: memref<10112xf32, #tpu.memory_space<hbm>>, %arg8: memref<10112xf32, #tpu.memory_space<hbm>>, %arg9: memref<10112xf32, #tpu.memory_space<hbm>>, %arg10: memref<139x72xi32, #tpu.memory_space<vmem>>, %arg11: memref<139x72xi32, #tpu.memory_space<vmem>>, %arg12: memref<72xf32, #tpu.memory_space<vmem>>, %arg13: memref<10112xf32, #tpu.memory_space<vmem_shared>>, %arg14: memref<10112xf32, #tpu.memory_space<vmem_shared>>, %arg15: memref<!tpu.dma_semaphore, #tpu.memory_space<semaphore_mem>>) attributes {dimension_semantics = [#tpu.dimension_semantics<core_parallel>, #tpu.dimension_semantics<subcore_parallel>], iteration_bounds = array<i64: 2, 16>, scalar_prefetch = 0 : i64, scratch_operands = 6 : i64, tpu.core_type = #tpu.core_type<sc_vector_subcore>, window_params = [{transform_indices = #map}, {transform_indices = #map}, {transform_indices = #map1}, {transform_indices = #map1}, {transform_indices = #map1}, {transform_indices = #map1}, {transform_indices = #map1}, {transform_indices = #map1}]} {
    %mul3A = arith.constant 2 : i32
    %mul3A_0 = arith.muli %arg1, %mul3A : i32
    %add3A = arith.addi %mul3A_0, %arg0 : i32
    "tpu.region"() ({
      %run_scoped3A = tpu.sem_alloc : memref<!tpu.dma_semaphore, #tpu.memory_space<semaphore_mem>>
      %dma_start3A = arith.constant 0 : i32
      %dma_start3A_29 = arith.constant 0 : i32
      %dma_start3A_30 = tpu.memref_slice %arg2[%add3A, %dma_start3A, %dma_start3A_29] : memref<32x139x72xi32, #tpu.memory_space<hbm>> -> memref<1x139x72xi32, #tpu.memory_space<hbm>>
      %dma_start3A_31 = tpu.memref_squeeze %dma_start3A_30 : memref<1x139x72xi32, #tpu.memory_space<hbm>> -> memref<139x72xi32, #tpu.memory_space<hbm>>
      %dma_start3A_32 = arith.constant 0 : i32
      %dma_start3A_33 = arith.constant 0 : i32
      %dma_start3A_34 = tpu.memref_slice %arg2[%add3A, %dma_start3A_32, %dma_start3A_33] : memref<32x139x72xi32, #tpu.memory_space<hbm>> -> memref<1x139x72xi32, #tpu.memory_space<hbm>>
      %dma_start3A_35 = tpu.memref_squeeze %dma_start3A_34 : memref<1x139x72xi32, #tpu.memory_space<hbm>> -> memref<139x72xi32, #tpu.memory_space<hbm>>
      tpu.enqueue_dma source(%dma_start3A_35 : memref<139x72xi32, #tpu.memory_space<hbm>>) target(%arg10 : memref<139x72xi32, #tpu.memory_space<vmem>>) target_semaphore(%run_scoped3A : memref<!tpu.dma_semaphore, #tpu.memory_space<semaphore_mem>>)
      %dma_wait3A = arith.constant 0 : i32
      %dma_wait3A_36 = arith.constant 0 : i32
      %dma_wait3A_37 = tpu.memref_slice %arg2[%add3A, %dma_wait3A, %dma_wait3A_36] : memref<32x139x72xi32, #tpu.memory_space<hbm>> -> memref<1x139x72xi32, #tpu.memory_space<hbm>>
      %dma_wait3A_38 = tpu.memref_squeeze %dma_wait3A_37 : memref<1x139x72xi32, #tpu.memory_space<hbm>> -> memref<139x72xi32, #tpu.memory_space<hbm>>
      %dma_wait3A_39 = arith.constant 0 : i32
      %dma_wait3A_40 = arith.constant 0 : i32
      %dma_wait3A_41 = tpu.memref_slice %arg2[%add3A, %dma_wait3A_39, %dma_wait3A_40] : memref<32x139x72xi32, #tpu.memory_space<hbm>> -> memref<1x139x72xi32, #tpu.memory_space<hbm>>
      %dma_wait3A_42 = tpu.memref_squeeze %dma_wait3A_41 : memref<1x139x72xi32, #tpu.memory_space<hbm>> -> memref<139x72xi32, #tpu.memory_space<hbm>>
      tpu.wait_dma2 semaphore(%run_scoped3A : memref<!tpu.dma_semaphore, #tpu.memory_space<semaphore_mem>>) src(%dma_wait3A_42 : memref<139x72xi32, #tpu.memory_space<hbm>>) dst(%arg10 : memref<139x72xi32, #tpu.memory_space<vmem>>)
      tpu.yield
    }) : () -> ()
    "tpu.region"() ({
      %run_scoped3A = tpu.sem_alloc : memref<!tpu.dma_semaphore, #tpu.memory_space<semaphore_mem>>
      %dma_start3A = arith.constant 0 : i32
      %dma_start3A_29 = arith.constant 0 : i32
      %dma_start3A_30 = tpu.memref_slice %arg3[%add3A, %dma_start3A, %dma_start3A_29] : memref<32x139x72xi32, #tpu.memory_space<hbm>> -> memref<1x139x72xi32, #tpu.memory_space<hbm>>
      %dma_start3A_31 = tpu.memref_squeeze %dma_start3A_30 : memref<1x139x72xi32, #tpu.memory_space<hbm>> -> memref<139x72xi32, #tpu.memory_space<hbm>>
      %dma_start3A_32 = arith.constant 0 : i32
      %dma_start3A_33 = arith.constant 0 : i32
      %dma_start3A_34 = tpu.memref_slice %arg3[%add3A, %dma_start3A_32, %dma_start3A_33] : memref<32x139x72xi32, #tpu.memory_space<hbm>> -> memref<1x139x72xi32, #tpu.memory_space<hbm>>
      %dma_start3A_35 = tpu.memref_squeeze %dma_start3A_34 : memref<1x139x72xi32, #tpu.memory_space<hbm>> -> memref<139x72xi32, #tpu.memory_space<hbm>>
      tpu.enqueue_dma source(%dma_start3A_35 : memref<139x72xi32, #tpu.memory_space<hbm>>) target(%arg11 : memref<139x72xi32, #tpu.memory_space<vmem>>) target_semaphore(%run_scoped3A : memref<!tpu.dma_semaphore, #tpu.memory_space<semaphore_mem>>)
      %dma_wait3A = arith.constant 0 : i32
      %dma_wait3A_36 = arith.constant 0 : i32
      %dma_wait3A_37 = tpu.memref_slice %arg3[%add3A, %dma_wait3A, %dma_wait3A_36] : memref<32x139x72xi32, #tpu.memory_space<hbm>> -> memref<1x139x72xi32, #tpu.memory_space<hbm>>
      %dma_wait3A_38 = tpu.memref_squeeze %dma_wait3A_37 : memref<1x139x72xi32, #tpu.memory_space<hbm>> -> memref<139x72xi32, #tpu.memory_space<hbm>>
      %dma_wait3A_39 = arith.constant 0 : i32
      %dma_wait3A_40 = arith.constant 0 : i32
      %dma_wait3A_41 = tpu.memref_slice %arg3[%add3A, %dma_wait3A_39, %dma_wait3A_40] : memref<32x139x72xi32, #tpu.memory_space<hbm>> -> memref<1x139x72xi32, #tpu.memory_space<hbm>>
      %dma_wait3A_42 = tpu.memref_squeeze %dma_wait3A_41 : memref<1x139x72xi32, #tpu.memory_space<hbm>> -> memref<139x72xi32, #tpu.memory_space<hbm>>
      tpu.wait_dma2 semaphore(%run_scoped3A : memref<!tpu.dma_semaphore, #tpu.memory_space<semaphore_mem>>) src(%dma_wait3A_42 : memref<139x72xi32, #tpu.memory_space<hbm>>) dst(%arg11 : memref<139x72xi32, #tpu.memory_space<vmem>>)
      tpu.yield
    }) : () -> ()
    "tpu.region"() ({
      %run_scoped3A = tpu.sem_alloc : memref<!tpu.dma_semaphore, #tpu.memory_space<semaphore_mem>>
      tpu.enqueue_dma source(%arg4 : memref<72xf32, #tpu.memory_space<hbm>>) target(%arg12 : memref<72xf32, #tpu.memory_space<vmem>>) target_semaphore(%run_scoped3A : memref<!tpu.dma_semaphore, #tpu.memory_space<semaphore_mem>>)
      tpu.wait_dma2 semaphore(%run_scoped3A : memref<!tpu.dma_semaphore, #tpu.memory_space<semaphore_mem>>) src(%arg4 : memref<72xf32, #tpu.memory_space<hbm>>) dst(%arg12 : memref<72xf32, #tpu.memory_space<vmem>>)
      tpu.yield
    }) : () -> ()
    %lt3A = arith.constant 15 : i32
    %lt3A_1 = arith.cmpi slt, %arg1, %lt3A : i32
    %convert_element_type3A = arith.extui %lt3A_1 : i1 to i32
    %cond3A = arith.constant 0 : i32
    %cond3A_2 = arith.cmpi ne, %convert_element_type3A, %cond3A : i32
    scf.if %cond3A_2 {
      %mul3A_29 = arith.constant 640 : i32
      %mul3A_30 = arith.muli %arg1, %mul3A_29 : i32
      "tpu.region"() ({
        %run_scoped3A = tpu.sem_alloc : memref<!tpu.dma_semaphore, #tpu.memory_space<semaphore_mem>>
        %dma_start3A = tpu.memref_slice %arg13[%mul3A_30] : memref<10112xf32, #tpu.memory_space<vmem_shared>> -> memref<640xf32, #tpu.memory_space<vmem_shared>>
        %dma_start3A_31 = arith.constant 0 : i32
        %dma_start3A_32 = tpu.memref_slice %arg5[%dma_start3A_31] : memref<640xf32, #tpu.memory_space<hbm>> -> memref<640xf32, #tpu.memory_space<hbm>>
        tpu.enqueue_dma source(%dma_start3A_32 : memref<640xf32, #tpu.memory_space<hbm>>) target(%dma_start3A : memref<640xf32, #tpu.memory_space<vmem_shared>>) target_semaphore(%run_scoped3A : memref<!tpu.dma_semaphore, #tpu.memory_space<semaphore_mem>>)
        %dma_wait3A = tpu.memref_slice %arg13[%mul3A_30] : memref<10112xf32, #tpu.memory_space<vmem_shared>> -> memref<640xf32, #tpu.memory_space<vmem_shared>>
        %dma_wait3A_33 = arith.constant 0 : i32
        %dma_wait3A_34 = tpu.memref_slice %arg5[%dma_wait3A_33] : memref<640xf32, #tpu.memory_space<hbm>> -> memref<640xf32, #tpu.memory_space<hbm>>
        tpu.wait_dma2 semaphore(%run_scoped3A : memref<!tpu.dma_semaphore, #tpu.memory_space<semaphore_mem>>) src(%dma_wait3A_34 : memref<640xf32, #tpu.memory_space<hbm>>) dst(%dma_wait3A : memref<640xf32, #tpu.memory_space<vmem_shared>>)
        tpu.yield
      }) : () -> ()
      "tpu.region"() ({
        %run_scoped3A = tpu.sem_alloc : memref<!tpu.dma_semaphore, #tpu.memory_space<semaphore_mem>>
        %dma_start3A = tpu.memref_slice %arg14[%mul3A_30] : memref<10112xf32, #tpu.memory_space<vmem_shared>> -> memref<640xf32, #tpu.memory_space<vmem_shared>>
        %dma_start3A_31 = arith.constant 0 : i32
        %dma_start3A_32 = tpu.memref_slice %arg5[%dma_start3A_31] : memref<640xf32, #tpu.memory_space<hbm>> -> memref<640xf32, #tpu.memory_space<hbm>>
        tpu.enqueue_dma source(%dma_start3A_32 : memref<640xf32, #tpu.memory_space<hbm>>) target(%dma_start3A : memref<640xf32, #tpu.memory_space<vmem_shared>>) target_semaphore(%run_scoped3A : memref<!tpu.dma_semaphore, #tpu.memory_space<semaphore_mem>>)
        %dma_wait3A = tpu.memref_slice %arg14[%mul3A_30] : memref<10112xf32, #tpu.memory_space<vmem_shared>> -> memref<640xf32, #tpu.memory_space<vmem_shared>>
        %dma_wait3A_33 = arith.constant 0 : i32
        %dma_wait3A_34 = tpu.memref_slice %arg5[%dma_wait3A_33] : memref<640xf32, #tpu.memory_space<hbm>> -> memref<640xf32, #tpu.memory_space<hbm>>
        tpu.wait_dma2 semaphore(%run_scoped3A : memref<!tpu.dma_semaphore, #tpu.memory_space<semaphore_mem>>) src(%dma_wait3A_34 : memref<640xf32, #tpu.memory_space<hbm>>) dst(%dma_wait3A : memref<640xf32, #tpu.memory_space<vmem_shared>>)
        tpu.yield
      }) : () -> ()
    } else {
    }
    %eq3A = arith.constant 15 : i32
    %eq3A_3 = arith.cmpi eq, %arg1, %eq3A : i32
    %convert_element_type3A_4 = arith.extui %eq3A_3 : i1 to i32
    %cond3A_5 = arith.constant 0 : i32
    %cond3A_6 = arith.cmpi ne, %convert_element_type3A_4, %cond3A_5 : i32
    scf.if %cond3A_6 {
      "tpu.region"() ({
        %run_scoped3A = tpu.sem_alloc : memref<!tpu.dma_semaphore, #tpu.memory_space<semaphore_mem>>
        %dma_start3A = arith.constant 9600 : i32
        %dma_start3A_29 = tpu.memref_slice %arg13[%dma_start3A] : memref<10112xf32, #tpu.memory_space<vmem_shared>> -> memref<512xf32, #tpu.memory_space<vmem_shared>>
        %dma_start3A_30 = arith.constant 0 : i32
        %dma_start3A_31 = tpu.memref_slice %arg5[%dma_start3A_30] : memref<640xf32, #tpu.memory_space<hbm>> -> memref<512xf32, #tpu.memory_space<hbm>>
        tpu.enqueue_dma source(%dma_start3A_31 : memref<512xf32, #tpu.memory_space<hbm>>) target(%dma_start3A_29 : memref<512xf32, #tpu.memory_space<vmem_shared>>) target_semaphore(%run_scoped3A : memref<!tpu.dma_semaphore, #tpu.memory_space<semaphore_mem>>)
        %dma_wait3A = arith.constant 9600 : i32
        %dma_wait3A_32 = tpu.memref_slice %arg13[%dma_wait3A] : memref<10112xf32, #tpu.memory_space<vmem_shared>> -> memref<512xf32, #tpu.memory_space<vmem_shared>>
        %dma_wait3A_33 = arith.constant 0 : i32
        %dma_wait3A_34 = tpu.memref_slice %arg5[%dma_wait3A_33] : memref<640xf32, #tpu.memory_space<hbm>> -> memref<512xf32, #tpu.memory_space<hbm>>
        tpu.wait_dma2 semaphore(%run_scoped3A : memref<!tpu.dma_semaphore, #tpu.memory_space<semaphore_mem>>) src(%dma_wait3A_34 : memref<512xf32, #tpu.memory_space<hbm>>) dst(%dma_wait3A_32 : memref<512xf32, #tpu.memory_space<vmem_shared>>)
        tpu.yield
      }) : () -> ()
      "tpu.region"() ({
        %run_scoped3A = tpu.sem_alloc : memref<!tpu.dma_semaphore, #tpu.memory_space<semaphore_mem>>
        %dma_start3A = arith.constant 9600 : i32
        %dma_start3A_29 = tpu.memref_slice %arg14[%dma_start3A] : memref<10112xf32, #tpu.memory_space<vmem_shared>> -> memref<512xf32, #tpu.memory_space<vmem_shared>>
        %dma_start3A_30 = arith.constant 0 : i32
        %dma_start3A_31 = tpu.memref_slice %arg5[%dma_start3A_30] : memref<640xf32, #tpu.memory_space<hbm>> -> memref<512xf32, #tpu.memory_space<hbm>>
        tpu.enqueue_dma source(%dma_start3A_31 : memref<512xf32, #tpu.memory_space<hbm>>) target(%dma_start3A_29 : memref<512xf32, #tpu.memory_space<vmem_shared>>) target_semaphore(%run_scoped3A : memref<!tpu.dma_semaphore, #tpu.memory_space<semaphore_mem>>)
        %dma_wait3A = arith.constant 9600 : i32
        %dma_wait3A_32 = tpu.memref_slice %arg14[%dma_wait3A] : memref<10112xf32, #tpu.memory_space<vmem_shared>> -> memref<512xf32, #tpu.memory_space<vmem_shared>>
        %dma_wait3A_33 = arith.constant 0 : i32
        %dma_wait3A_34 = tpu.memref_slice %arg5[%dma_wait3A_33] : memref<640xf32, #tpu.memory_space<hbm>> -> memref<512xf32, #tpu.memory_space<hbm>>
        tpu.wait_dma2 semaphore(%run_scoped3A : memref<!tpu.dma_semaphore, #tpu.memory_space<semaphore_mem>>) src(%dma_wait3A_34 : memref<512xf32, #tpu.memory_space<hbm>>) dst(%dma_wait3A_32 : memref<512xf32, #tpu.memory_space<vmem_shared>>)
        tpu.yield
      }) : () -> ()
    } else {
    }
    %barrier3A = arith.constant 0 : index
    tpu.barrier barrier_id(%barrier3A)
    %scan3A = arith.constant 0 : i32
    %scan3A_7 = arith.constant 0 : i32
    %scan3A_8 = arith.constant 139 : i32
    %scan3A_9 = arith.addi %scan3A_7, %scan3A_8 : i32
    %scan3A_10 = arith.constant 1 : i32
    scf.for %scan3A_29 = %scan3A_7 to %scan3A_9 step %scan3A_10  : i32 {
      %dma_start3A = arith.constant 0 : i32
      %dma_start3A_30 = tpu.memref_slice %arg10[%scan3A_29, %dma_start3A] : memref<139x72xi32, #tpu.memory_space<vmem>> -> memref<1x72xi32, #tpu.memory_space<vmem>>
      %dma_start3A_31 = tpu.memref_squeeze %dma_start3A_30 : memref<1x72xi32, #tpu.memory_space<vmem>> -> memref<72xi32, #tpu.memory_space<vmem>>
      %dma_start3A_32 = arith.constant 0 : i32
      %dma_start3A_33 = tpu.memref_slice %arg13[%dma_start3A_32] : memref<10112xf32, #tpu.memory_space<vmem_shared>> -> memref<10112xf32, #tpu.memory_space<vmem_shared>>
      tpu.enqueue_indirect_dma source(%arg12 : memref<72xf32, #tpu.memory_space<vmem>>) target(%dma_start3A_33 : memref<10112xf32, #tpu.memory_space<vmem_shared>>) offsets(%dma_start3A_31 : memref<72xi32, #tpu.memory_space<vmem>>) semaphore(%arg15 : memref<!tpu.dma_semaphore, #tpu.memory_space<semaphore_mem>>) {add = true}
      %dma_start3A_34 = arith.constant 0 : i32
      %dma_start3A_35 = tpu.memref_slice %arg11[%scan3A_29, %dma_start3A_34] : memref<139x72xi32, #tpu.memory_space<vmem>> -> memref<1x72xi32, #tpu.memory_space<vmem>>
      %dma_start3A_36 = tpu.memref_squeeze %dma_start3A_35 : memref<1x72xi32, #tpu.memory_space<vmem>> -> memref<72xi32, #tpu.memory_space<vmem>>
      %dma_start3A_37 = arith.constant 0 : i32
      %dma_start3A_38 = tpu.memref_slice %arg14[%dma_start3A_37] : memref<10112xf32, #tpu.memory_space<vmem_shared>> -> memref<10112xf32, #tpu.memory_space<vmem_shared>>
      tpu.enqueue_indirect_dma source(%arg12 : memref<72xf32, #tpu.memory_space<vmem>>) target(%dma_start3A_38 : memref<10112xf32, #tpu.memory_space<vmem_shared>>) offsets(%dma_start3A_36 : memref<72xi32, #tpu.memory_space<vmem>>) semaphore(%arg15 : memref<!tpu.dma_semaphore, #tpu.memory_space<semaphore_mem>>) {add = true}
    }
    %scan3A_11 = arith.constant 139 : i32
    %scan3A_12 = arith.constant 0 : i32
    %scan3A_13 = arith.constant 0 : i32
    %scan3A_14 = arith.constant 139 : i32
    %scan3A_15 = arith.addi %scan3A_13, %scan3A_14 : i32
    %scan3A_16 = arith.constant 1 : i32
    scf.for %scan3A_29 = %scan3A_13 to %scan3A_15 step %scan3A_16  : i32 {
      %dma_wait3A = arith.constant 0 : i32
      %dma_wait3A_30 = arith.constant 0 : i32
      %dma_wait3A_31 = tpu.memref_slice %arg10[%dma_wait3A, %dma_wait3A_30] : memref<139x72xi32, #tpu.memory_space<vmem>> -> memref<1x72xi32, #tpu.memory_space<vmem>>
      %dma_wait3A_32 = tpu.memref_squeeze %dma_wait3A_31 : memref<1x72xi32, #tpu.memory_space<vmem>> -> memref<72xi32, #tpu.memory_space<vmem>>
      %dma_wait3A_33 = arith.constant 0 : i32
      %dma_wait3A_34 = tpu.memref_slice %arg13[%dma_wait3A_33] : memref<10112xf32, #tpu.memory_space<vmem_shared>> -> memref<10112xf32, #tpu.memory_space<vmem_shared>>
      tpu.wait_indirect_dma semaphore(%arg15 : memref<!tpu.dma_semaphore, #tpu.memory_space<semaphore_mem>>) src(%arg12 : memref<72xf32, #tpu.memory_space<vmem>>) dst(%dma_wait3A_34 : memref<10112xf32, #tpu.memory_space<vmem_shared>>)
      %dma_wait3A_35 = arith.constant 0 : i32
      %dma_wait3A_36 = arith.constant 0 : i32
      %dma_wait3A_37 = tpu.memref_slice %arg11[%dma_wait3A_35, %dma_wait3A_36] : memref<139x72xi32, #tpu.memory_space<vmem>> -> memref<1x72xi32, #tpu.memory_space<vmem>>
      %dma_wait3A_38 = tpu.memref_squeeze %dma_wait3A_37 : memref<1x72xi32, #tpu.memory_space<vmem>> -> memref<72xi32, #tpu.memory_space<vmem>>
      %dma_wait3A_39 = arith.constant 0 : i32
      %dma_wait3A_40 = tpu.memref_slice %arg14[%dma_wait3A_39] : memref<10112xf32, #tpu.memory_space<vmem_shared>> -> memref<10112xf32, #tpu.memory_space<vmem_shared>>
      tpu.wait_indirect_dma semaphore(%arg15 : memref<!tpu.dma_semaphore, #tpu.memory_space<semaphore_mem>>) src(%arg12 : memref<72xf32, #tpu.memory_space<vmem>>) dst(%dma_wait3A_40 : memref<10112xf32, #tpu.memory_space<vmem_shared>>)
    }
    %scan3A_17 = arith.constant 139 : i32
    %barrier3A_18 = arith.constant 0 : index
    tpu.barrier barrier_id(%barrier3A_18)
    %lt3A_19 = arith.constant 15 : i32
    %lt3A_20 = arith.cmpi slt, %arg1, %lt3A_19 : i32
    %convert_element_type3A_21 = arith.extui %lt3A_20 : i1 to i32
    %cond3A_22 = arith.constant 0 : i32
    %cond3A_23 = arith.cmpi ne, %convert_element_type3A_21, %cond3A_22 : i32
    scf.if %cond3A_23 {
      %mul3A_29 = arith.constant 640 : i32
      %mul3A_30 = arith.muli %arg1, %mul3A_29 : i32
      %eq3A_31 = arith.constant 0 : i32
      %eq3A_32 = arith.cmpi eq, %arg0, %eq3A_31 : i32
      %convert_element_type3A_33 = arith.extui %eq3A_32 : i1 to i32
      %cond3A_34 = arith.constant 0 : i32
      %cond3A_35 = arith.cmpi ne, %convert_element_type3A_33, %cond3A_34 : i32
      scf.if %cond3A_35 {
        "tpu.region"() ({
          %run_scoped3A = tpu.sem_alloc : memref<!tpu.dma_semaphore, #tpu.memory_space<semaphore_mem>>
          %dma_start3A = tpu.memref_slice %arg6[%mul3A_30] : memref<10112xf32, #tpu.memory_space<hbm>> -> memref<640xf32, #tpu.memory_space<hbm>>
          %dma_start3A_41 = tpu.memref_slice %arg13[%mul3A_30] : memref<10112xf32, #tpu.memory_space<vmem_shared>> -> memref<640xf32, #tpu.memory_space<vmem_shared>>
          tpu.enqueue_dma source(%dma_start3A_41 : memref<640xf32, #tpu.memory_space<vmem_shared>>) target(%dma_start3A : memref<640xf32, #tpu.memory_space<hbm>>) target_semaphore(%run_scoped3A : memref<!tpu.dma_semaphore, #tpu.memory_space<semaphore_mem>>)
          %dma_wait3A = tpu.memref_slice %arg6[%mul3A_30] : memref<10112xf32, #tpu.memory_space<hbm>> -> memref<640xf32, #tpu.memory_space<hbm>>
          %dma_wait3A_42 = tpu.memref_slice %arg13[%mul3A_30] : memref<10112xf32, #tpu.memory_space<vmem_shared>> -> memref<640xf32, #tpu.memory_space<vmem_shared>>
          tpu.wait_dma2 semaphore(%run_scoped3A : memref<!tpu.dma_semaphore, #tpu.memory_space<semaphore_mem>>) src(%dma_wait3A_42 : memref<640xf32, #tpu.memory_space<vmem_shared>>) dst(%dma_wait3A : memref<640xf32, #tpu.memory_space<hbm>>)
          tpu.yield
        }) : () -> ()
        "tpu.region"() ({
          %run_scoped3A = tpu.sem_alloc : memref<!tpu.dma_semaphore, #tpu.memory_space<semaphore_mem>>
          %dma_start3A = tpu.memref_slice %arg8[%mul3A_30] : memref<10112xf32, #tpu.memory_space<hbm>> -> memref<640xf32, #tpu.memory_space<hbm>>
          %dma_start3A_41 = tpu.memref_slice %arg14[%mul3A_30] : memref<10112xf32, #tpu.memory_space<vmem_shared>> -> memref<640xf32, #tpu.memory_space<vmem_shared>>
          tpu.enqueue_dma source(%dma_start3A_41 : memref<640xf32, #tpu.memory_space<vmem_shared>>) target(%dma_start3A : memref<640xf32, #tpu.memory_space<hbm>>) target_semaphore(%run_scoped3A : memref<!tpu.dma_semaphore, #tpu.memory_space<semaphore_mem>>)
          %dma_wait3A = tpu.memref_slice %arg8[%mul3A_30] : memref<10112xf32, #tpu.memory_space<hbm>> -> memref<640xf32, #tpu.memory_space<hbm>>
          %dma_wait3A_42 = tpu.memref_slice %arg14[%mul3A_30] : memref<10112xf32, #tpu.memory_space<vmem_shared>> -> memref<640xf32, #tpu.memory_space<vmem_shared>>
          tpu.wait_dma2 semaphore(%run_scoped3A : memref<!tpu.dma_semaphore, #tpu.memory_space<semaphore_mem>>) src(%dma_wait3A_42 : memref<640xf32, #tpu.memory_space<vmem_shared>>) dst(%dma_wait3A : memref<640xf32, #tpu.memory_space<hbm>>)
          tpu.yield
        }) : () -> ()
      } else {
      }
      %eq3A_36 = arith.constant 1 : i32
      %eq3A_37 = arith.cmpi eq, %arg0, %eq3A_36 : i32
      %convert_element_type3A_38 = arith.extui %eq3A_37 : i1 to i32
      %cond3A_39 = arith.constant 0 : i32
      %cond3A_40 = arith.cmpi ne, %convert_element_type3A_38, %cond3A_39 : i32
      scf.if %cond3A_40 {
        "tpu.region"() ({
          %run_scoped3A = tpu.sem_alloc : memref<!tpu.dma_semaphore, #tpu.memory_space<semaphore_mem>>
          %dma_start3A = tpu.memref_slice %arg7[%mul3A_30] : memref<10112xf32, #tpu.memory_space<hbm>> -> memref<640xf32, #tpu.memory_space<hbm>>
          %dma_start3A_41 = tpu.memref_slice %arg13[%mul3A_30] : memref<10112xf32, #tpu.memory_space<vmem_shared>> -> memref<640xf32, #tpu.memory_space<vmem_shared>>
          tpu.enqueue_dma source(%dma_start3A_41 : memref<640xf32, #tpu.memory_space<vmem_shared>>) target(%dma_start3A : memref<640xf32, #tpu.memory_space<hbm>>) target_semaphore(%run_scoped3A : memref<!tpu.dma_semaphore, #tpu.memory_space<semaphore_mem>>)
          %dma_wait3A = tpu.memref_slice %arg7[%mul3A_30] : memref<10112xf32, #tpu.memory_space<hbm>> -> memref<640xf32, #tpu.memory_space<hbm>>
          %dma_wait3A_42 = tpu.memref_slice %arg13[%mul3A_30] : memref<10112xf32, #tpu.memory_space<vmem_shared>> -> memref<640xf32, #tpu.memory_space<vmem_shared>>
          tpu.wait_dma2 semaphore(%run_scoped3A : memref<!tpu.dma_semaphore, #tpu.memory_space<semaphore_mem>>) src(%dma_wait3A_42 : memref<640xf32, #tpu.memory_space<vmem_shared>>) dst(%dma_wait3A : memref<640xf32, #tpu.memory_space<hbm>>)
          tpu.yield
        }) : () -> ()
        "tpu.region"() ({
          %run_scoped3A = tpu.sem_alloc : memref<!tpu.dma_semaphore, #tpu.memory_space<semaphore_mem>>
          %dma_start3A = tpu.memref_slice %arg9[%mul3A_30] : memref<10112xf32, #tpu.memory_space<hbm>> -> memref<640xf32, #tpu.memory_space<hbm>>
          %dma_start3A_41 = tpu.memref_slice %arg14[%mul3A_30] : memref<10112xf32, #tpu.memory_space<vmem_shared>> -> memref<640xf32, #tpu.memory_space<vmem_shared>>
          tpu.enqueue_dma source(%dma_start3A_41 : memref<640xf32, #tpu.memory_space<vmem_shared>>) target(%dma_start3A : memref<640xf32, #tpu.memory_space<hbm>>) target_semaphore(%run_scoped3A : memref<!tpu.dma_semaphore, #tpu.memory_space<semaphore_mem>>)
          %dma_wait3A = tpu.memref_slice %arg9[%mul3A_30] : memref<10112xf32, #tpu.memory_space<hbm>> -> memref<640xf32, #tpu.memory_space<hbm>>
          %dma_wait3A_42 = tpu.memref_slice %arg14[%mul3A_30] : memref<10112xf32, #tpu.memory_space<vmem_shared>> -> memref<640xf32, #tpu.memory_space<vmem_shared>>
          tpu.wait_dma2 semaphore(%run_scoped3A : memref<!tpu.dma_semaphore, #tpu.memory_space<semaphore_mem>>) src(%dma_wait3A_42 : memref<640xf32, #tpu.memory_space<vmem_shared>>) dst(%dma_wait3A : memref<640xf32, #tpu.memory_space<hbm>>)
          tpu.yield
        }) : () -> ()
      } else {
      }
    } else {
    }
    %eq3A_24 = arith.constant 15 : i32
    %eq3A_25 = arith.cmpi eq, %arg1, %eq3A_24 : i32
    %convert_element_type3A_26 = arith.extui %eq3A_25 : i1 to i32
    %cond3A_27 = arith.constant 0 : i32
    %cond3A_28 = arith.cmpi ne, %convert_element_type3A_26, %cond3A_27 : i32
    scf.if %cond3A_28 {
      %eq3A_29 = arith.constant 0 : i32
      %eq3A_30 = arith.cmpi eq, %arg0, %eq3A_29 : i32
      %convert_element_type3A_31 = arith.extui %eq3A_30 : i1 to i32
      %cond3A_32 = arith.constant 0 : i32
      %cond3A_33 = arith.cmpi ne, %convert_element_type3A_31, %cond3A_32 : i32
      scf.if %cond3A_33 {
        "tpu.region"() ({
          %run_scoped3A = tpu.sem_alloc : memref<!tpu.dma_semaphore, #tpu.memory_space<semaphore_mem>>
          %dma_start3A = arith.constant 9600 : i32
          %dma_start3A_39 = tpu.memref_slice %arg6[%dma_start3A] : memref<10112xf32, #tpu.memory_space<hbm>> -> memref<512xf32, #tpu.memory_space<hbm>>
          %dma_start3A_40 = arith.constant 9600 : i32
          %dma_start3A_41 = tpu.memref_slice %arg13[%dma_start3A_40] : memref<10112xf32, #tpu.memory_space<vmem_shared>> -> memref<512xf32, #tpu.memory_space<vmem_shared>>
          tpu.enqueue_dma source(%dma_start3A_41 : memref<512xf32, #tpu.memory_space<vmem_shared>>) target(%dma_start3A_39 : memref<512xf32, #tpu.memory_space<hbm>>) target_semaphore(%run_scoped3A : memref<!tpu.dma_semaphore, #tpu.memory_space<semaphore_mem>>)
          %dma_wait3A = arith.constant 9600 : i32
          %dma_wait3A_42 = tpu.memref_slice %arg6[%dma_wait3A] : memref<10112xf32, #tpu.memory_space<hbm>> -> memref<512xf32, #tpu.memory_space<hbm>>
          %dma_wait3A_43 = arith.constant 9600 : i32
          %dma_wait3A_44 = tpu.memref_slice %arg13[%dma_wait3A_43] : memref<10112xf32, #tpu.memory_space<vmem_shared>> -> memref<512xf32, #tpu.memory_space<vmem_shared>>
          tpu.wait_dma2 semaphore(%run_scoped3A : memref<!tpu.dma_semaphore, #tpu.memory_space<semaphore_mem>>) src(%dma_wait3A_44 : memref<512xf32, #tpu.memory_space<vmem_shared>>) dst(%dma_wait3A_42 : memref<512xf32, #tpu.memory_space<hbm>>)
          tpu.yield
        }) : () -> ()
        "tpu.region"() ({
          %run_scoped3A = tpu.sem_alloc : memref<!tpu.dma_semaphore, #tpu.memory_space<semaphore_mem>>
          %dma_start3A = arith.constant 9600 : i32
          %dma_start3A_39 = tpu.memref_slice %arg8[%dma_start3A] : memref<10112xf32, #tpu.memory_space<hbm>> -> memref<512xf32, #tpu.memory_space<hbm>>
          %dma_start3A_40 = arith.constant 9600 : i32
          %dma_start3A_41 = tpu.memref_slice %arg14[%dma_start3A_40] : memref<10112xf32, #tpu.memory_space<vmem_shared>> -> memref<512xf32, #tpu.memory_space<vmem_shared>>
          tpu.enqueue_dma source(%dma_start3A_41 : memref<512xf32, #tpu.memory_space<vmem_shared>>) target(%dma_start3A_39 : memref<512xf32, #tpu.memory_space<hbm>>) target_semaphore(%run_scoped3A : memref<!tpu.dma_semaphore, #tpu.memory_space<semaphore_mem>>)
          %dma_wait3A = arith.constant 9600 : i32
          %dma_wait3A_42 = tpu.memref_slice %arg8[%dma_wait3A] : memref<10112xf32, #tpu.memory_space<hbm>> -> memref<512xf32, #tpu.memory_space<hbm>>
          %dma_wait3A_43 = arith.constant 9600 : i32
          %dma_wait3A_44 = tpu.memref_slice %arg14[%dma_wait3A_43] : memref<10112xf32, #tpu.memory_space<vmem_shared>> -> memref<512xf32, #tpu.memory_space<vmem_shared>>
          tpu.wait_dma2 semaphore(%run_scoped3A : memref<!tpu.dma_semaphore, #tpu.memory_space<semaphore_mem>>) src(%dma_wait3A_44 : memref<512xf32, #tpu.memory_space<vmem_shared>>) dst(%dma_wait3A_42 : memref<512xf32, #tpu.memory_space<hbm>>)
          tpu.yield
        }) : () -> ()
      } else {
      }
      %eq3A_34 = arith.constant 1 : i32
      %eq3A_35 = arith.cmpi eq, %arg0, %eq3A_34 : i32
      %convert_element_type3A_36 = arith.extui %eq3A_35 : i1 to i32
      %cond3A_37 = arith.constant 0 : i32
      %cond3A_38 = arith.cmpi ne, %convert_element_type3A_36, %cond3A_37 : i32
      scf.if %cond3A_38 {
        "tpu.region"() ({
          %run_scoped3A = tpu.sem_alloc : memref<!tpu.dma_semaphore, #tpu.memory_space<semaphore_mem>>
          %dma_start3A = arith.constant 9600 : i32
          %dma_start3A_39 = tpu.memref_slice %arg7[%dma_start3A] : memref<10112xf32, #tpu.memory_space<hbm>> -> memref<512xf32, #tpu.memory_space<hbm>>
          %dma_start3A_40 = arith.constant 9600 : i32
          %dma_start3A_41 = tpu.memref_slice %arg13[%dma_start3A_40] : memref<10112xf32, #tpu.memory_space<vmem_shared>> -> memref<512xf32, #tpu.memory_space<vmem_shared>>
          tpu.enqueue_dma source(%dma_start3A_41 : memref<512xf32, #tpu.memory_space<vmem_shared>>) target(%dma_start3A_39 : memref<512xf32, #tpu.memory_space<hbm>>) target_semaphore(%run_scoped3A : memref<!tpu.dma_semaphore, #tpu.memory_space<semaphore_mem>>)
          %dma_wait3A = arith.constant 9600 : i32
          %dma_wait3A_42 = tpu.memref_slice %arg7[%dma_wait3A] : memref<10112xf32, #tpu.memory_space<hbm>> -> memref<512xf32, #tpu.memory_space<hbm>>
          %dma_wait3A_43 = arith.constant 9600 : i32
          %dma_wait3A_44 = tpu.memref_slice %arg13[%dma_wait3A_43] : memref<10112xf32, #tpu.memory_space<vmem_shared>> -> memref<512xf32, #tpu.memory_space<vmem_shared>>
          tpu.wait_dma2 semaphore(%run_scoped3A : memref<!tpu.dma_semaphore, #tpu.memory_space<semaphore_mem>>) src(%dma_wait3A_44 : memref<512xf32, #tpu.memory_space<vmem_shared>>) dst(%dma_wait3A_42 : memref<512xf32, #tpu.memory_space<hbm>>)
          tpu.yield
        }) : () -> ()
        "tpu.region"() ({
          %run_scoped3A = tpu.sem_alloc : memref<!tpu.dma_semaphore, #tpu.memory_space<semaphore_mem>>
          %dma_start3A = arith.constant 9600 : i32
          %dma_start3A_39 = tpu.memref_slice %arg9[%dma_start3A] : memref<10112xf32, #tpu.memory_space<hbm>> -> memref<512xf32, #tpu.memory_space<hbm>>
          %dma_start3A_40 = arith.constant 9600 : i32
          %dma_start3A_41 = tpu.memref_slice %arg14[%dma_start3A_40] : memref<10112xf32, #tpu.memory_space<vmem_shared>> -> memref<512xf32, #tpu.memory_space<vmem_shared>>
          tpu.enqueue_dma source(%dma_start3A_41 : memref<512xf32, #tpu.memory_space<vmem_shared>>) target(%dma_start3A_39 : memref<512xf32, #tpu.memory_space<hbm>>) target_semaphore(%run_scoped3A : memref<!tpu.dma_semaphore, #tpu.memory_space<semaphore_mem>>)
          %dma_wait3A = arith.constant 9600 : i32
          %dma_wait3A_42 = tpu.memref_slice %arg9[%dma_wait3A] : memref<10112xf32, #tpu.memory_space<hbm>> -> memref<512xf32, #tpu.memory_space<hbm>>
          %dma_wait3A_43 = arith.constant 9600 : i32
          %dma_wait3A_44 = tpu.memref_slice %arg14[%dma_wait3A_43] : memref<10112xf32, #tpu.memory_space<vmem_shared>> -> memref<512xf32, #tpu.memory_space<vmem_shared>>
          tpu.wait_dma2 semaphore(%run_scoped3A : memref<!tpu.dma_semaphore, #tpu.memory_space<semaphore_mem>>) src(%dma_wait3A_44 : memref<512xf32, #tpu.memory_space<vmem_shared>>) dst(%dma_wait3A_42 : memref<512xf32, #tpu.memory_space<hbm>>)
          tpu.yield
        }) : () -> ()
      } else {
      }
    } else {
    }
    return
  }
}

#map = affine_map<(d0, d1) -> (0, 0)>
#map1 = affine_map<(d0, d1) -> (0, 0, 0)>
module attributes {stable_mosaic.version = 14 : i64} {
  func.func @_agg_body(%arg0: i32, %arg1: i32, %arg2: memref<10112x128xf32, #tpu.memory_space<hbm>>, %arg3: memref<4448x2x72xi32, #tpu.memory_space<hbm>>, %arg4: memref<632x128xf32, #tpu.memory_space<hbm>>, %arg5: memref<2x10112x128xf32, #tpu.memory_space<hbm>>, %arg6: memref<6x2x72xi32, #tpu.memory_space<vmem>>, %arg7: memref<5x72x128xf32, #tpu.memory_space<vmem>>, %arg8: memref<10112x128xf32, #tpu.memory_space<vmem_shared>>, %arg9: memref<5x!tpu.dma_semaphore, #tpu.memory_space<semaphore_mem>>, %arg10: memref<5x!tpu.dma_semaphore, #tpu.memory_space<semaphore_mem>>, %arg11: memref<6x!tpu.dma_semaphore, #tpu.memory_space<semaphore_mem>>) attributes {dimension_semantics = [#tpu.dimension_semantics<core_parallel>, #tpu.dimension_semantics<subcore_parallel>], iteration_bounds = array<i64: 2, 16>, scalar_prefetch = 0 : i64, scratch_operands = 6 : i64, tpu.core_type = #tpu.core_type<sc_vector_subcore>, window_params = [{transform_indices = #map}, {transform_indices = #map1}, {transform_indices = #map}, {transform_indices = #map1}]} {
    %mul3A = arith.constant 632 : i32
    %mul3A_0 = arith.muli %arg1, %mul3A : i32
    "tpu.region"() ({
      %run_scoped3A = tpu.sem_alloc : memref<!tpu.dma_semaphore, #tpu.memory_space<semaphore_mem>>
      %dma_start3A = arith.constant 0 : i32
      %dma_start3A_9 = tpu.memref_slice %arg8[%mul3A_0, %dma_start3A] : memref<10112x128xf32, #tpu.memory_space<vmem_shared>> -> memref<632x128xf32, #tpu.memory_space<vmem_shared>>
      tpu.enqueue_dma source(%arg4 : memref<632x128xf32, #tpu.memory_space<hbm>>) target(%dma_start3A_9 : memref<632x128xf32, #tpu.memory_space<vmem_shared>>) target_semaphore(%run_scoped3A : memref<!tpu.dma_semaphore, #tpu.memory_space<semaphore_mem>>)
      %dma_wait3A = arith.constant 0 : i32
      %dma_wait3A_10 = tpu.memref_slice %arg8[%mul3A_0, %dma_wait3A] : memref<10112x128xf32, #tpu.memory_space<vmem_shared>> -> memref<632x128xf32, #tpu.memory_space<vmem_shared>>
      tpu.wait_dma2 semaphore(%run_scoped3A : memref<!tpu.dma_semaphore, #tpu.memory_space<semaphore_mem>>) src(%arg4 : memref<632x128xf32, #tpu.memory_space<hbm>>) dst(%dma_wait3A_10 : memref<632x128xf32, #tpu.memory_space<vmem_shared>>)
      tpu.yield
    }) : () -> ()
    %barrier3A = arith.constant 0 : index
    tpu.barrier barrier_id(%barrier3A)
    %eq3A = arith.constant 0 : i32
    %eq3A_1 = arith.cmpi eq, %arg0, %eq3A : i32
    %convert_element_type3A = arith.extui %eq3A_1 : i1 to i32
    %cond3A = arith.constant 0 : i32
    %cond3A_2 = arith.cmpi ne, %convert_element_type3A, %cond3A : i32
    scf.if %cond3A_2 {
      %mul3A_9 = arith.constant 145 : i32
      %mul3A_10 = arith.muli %arg1, %mul3A_9 : i32
      %add3A = arith.constant 0 : i32
      %add3A_11 = arith.addi %mul3A_10, %add3A : i32
      %dma_start3A = arith.constant 0 : i32
      %dma_start3A_12 = arith.constant 0 : i32
      %dma_start3A_13 = arith.constant 0 : i32
      %dma_start3A_14 = arith.constant 0 : i32
      %dma_start3A_15 = tpu.memref_slice %arg6[%dma_start3A, %dma_start3A_13, %dma_start3A_14] : memref<6x2x72xi32, #tpu.memory_space<vmem>> -> memref<1x2x72xi32, #tpu.memory_space<vmem>>
      %dma_start3A_16 = tpu.memref_squeeze %dma_start3A_15 : memref<1x2x72xi32, #tpu.memory_space<vmem>> -> memref<2x72xi32, #tpu.memory_space<vmem>>
      %dma_start3A_17 = arith.constant 0 : i32
      %dma_start3A_18 = arith.constant 0 : i32
      %dma_start3A_19 = tpu.memref_slice %arg3[%add3A_11, %dma_start3A_17, %dma_start3A_18] : memref<4448x2x72xi32, #tpu.memory_space<hbm>> -> memref<1x2x72xi32, #tpu.memory_space<hbm>>
      %dma_start3A_20 = tpu.memref_squeeze %dma_start3A_19 : memref<1x2x72xi32, #tpu.memory_space<hbm>> -> memref<2x72xi32, #tpu.memory_space<hbm>>
      %dma_start3A_21 = tpu.memref_slice %arg11[%dma_start3A_12] : memref<6x!tpu.dma_semaphore, #tpu.memory_space<semaphore_mem>> -> memref<1x!tpu.dma_semaphore, #tpu.memory_space<semaphore_mem>>
      %dma_start3A_22 = tpu.memref_squeeze %dma_start3A_21 : memref<1x!tpu.dma_semaphore, #tpu.memory_space<semaphore_mem>> -> memref<!tpu.dma_semaphore, #tpu.memory_space<semaphore_mem>>
      %dma_start3A_23 = arith.constant 0 : i32
      %dma_start3A_24 = arith.constant 0 : i32
      %dma_start3A_25 = tpu.memref_slice %arg6[%dma_start3A, %dma_start3A_23, %dma_start3A_24] : memref<6x2x72xi32, #tpu.memory_space<vmem>> -> memref<1x2x72xi32, #tpu.memory_space<vmem>>
      %dma_start3A_26 = tpu.memref_squeeze %dma_start3A_25 : memref<1x2x72xi32, #tpu.memory_space<vmem>> -> memref<2x72xi32, #tpu.memory_space<vmem>>
      %dma_start3A_27 = arith.constant 0 : i32
      %dma_start3A_28 = arith.constant 0 : i32
      %dma_start3A_29 = tpu.memref_slice %arg3[%add3A_11, %dma_start3A_27, %dma_start3A_28] : memref<4448x2x72xi32, #tpu.memory_space<hbm>> -> memref<1x2x72xi32, #tpu.memory_space<hbm>>
      %dma_start3A_30 = tpu.memref_squeeze %dma_start3A_29 : memref<1x2x72xi32, #tpu.memory_space<hbm>> -> memref<2x72xi32, #tpu.memory_space<hbm>>
      tpu.enqueue_dma source(%dma_start3A_30 : memref<2x72xi32, #tpu.memory_space<hbm>>) target(%dma_start3A_26 : memref<2x72xi32, #tpu.memory_space<vmem>>) target_semaphore(%dma_start3A_22 : memref<!tpu.dma_semaphore, #tpu.memory_space<semaphore_mem>>)
      %add3A_31 = arith.constant 1 : i32
      %add3A_32 = arith.addi %mul3A_10, %add3A_31 : i32
      %dma_start3A_33 = arith.constant 1 : i32
      %dma_start3A_34 = arith.constant 1 : i32
      %dma_start3A_35 = arith.constant 0 : i32
      %dma_start3A_36 = arith.constant 0 : i32
      %dma_start3A_37 = tpu.memref_slice %arg6[%dma_start3A_33, %dma_start3A_35, %dma_start3A_36] : memref<6x2x72xi32, #tpu.memory_space<vmem>> -> memref<1x2x72xi32, #tpu.memory_space<vmem>>
      %dma_start3A_38 = tpu.memref_squeeze %dma_start3A_37 : memref<1x2x72xi32, #tpu.memory_space<vmem>> -> memref<2x72xi32, #tpu.memory_space<vmem>>
      %dma_start3A_39 = arith.constant 0 : i32
      %dma_start3A_40 = arith.constant 0 : i32
      %dma_start3A_41 = tpu.memref_slice %arg3[%add3A_32, %dma_start3A_39, %dma_start3A_40] : memref<4448x2x72xi32, #tpu.memory_space<hbm>> -> memref<1x2x72xi32, #tpu.memory_space<hbm>>
      %dma_start3A_42 = tpu.memref_squeeze %dma_start3A_41 : memref<1x2x72xi32, #tpu.memory_space<hbm>> -> memref<2x72xi32, #tpu.memory_space<hbm>>
      %dma_start3A_43 = tpu.memref_slice %arg11[%dma_start3A_34] : memref<6x!tpu.dma_semaphore, #tpu.memory_space<semaphore_mem>> -> memref<1x!tpu.dma_semaphore, #tpu.memory_space<semaphore_mem>>
      %dma_start3A_44 = tpu.memref_squeeze %dma_start3A_43 : memref<1x!tpu.dma_semaphore, #tpu.memory_space<semaphore_mem>> -> memref<!tpu.dma_semaphore, #tpu.memory_space<semaphore_mem>>
      %dma_start3A_45 = arith.constant 0 : i32
      %dma_start3A_46 = arith.constant 0 : i32
      %dma_start3A_47 = tpu.memref_slice %arg6[%dma_start3A_33, %dma_start3A_45, %dma_start3A_46] : memref<6x2x72xi32, #tpu.memory_space<vmem>> -> memref<1x2x72xi32, #tpu.memory_space<vmem>>
      %dma_start3A_48 = tpu.memref_squeeze %dma_start3A_47 : memref<1x2x72xi32, #tpu.memory_space<vmem>> -> memref<2x72xi32, #tpu.memory_space<vmem>>
      %dma_start3A_49 = arith.constant 0 : i32
      %dma_start3A_50 = arith.constant 0 : i32
      %dma_start3A_51 = tpu.memref_slice %arg3[%add3A_32, %dma_start3A_49, %dma_start3A_50] : memref<4448x2x72xi32, #tpu.memory_space<hbm>> -> memref<1x2x72xi32, #tpu.memory_space<hbm>>
      %dma_start3A_52 = tpu.memref_squeeze %dma_start3A_51 : memref<1x2x72xi32, #tpu.memory_space<hbm>> -> memref<2x72xi32, #tpu.memory_space<hbm>>
      tpu.enqueue_dma source(%dma_start3A_52 : memref<2x72xi32, #tpu.memory_space<hbm>>) target(%dma_start3A_48 : memref<2x72xi32, #tpu.memory_space<vmem>>) target_semaphore(%dma_start3A_44 : memref<!tpu.dma_semaphore, #tpu.memory_space<semaphore_mem>>)
      %add3A_53 = arith.constant 2 : i32
      %add3A_54 = arith.addi %mul3A_10, %add3A_53 : i32
      %dma_start3A_55 = arith.constant 2 : i32
      %dma_start3A_56 = arith.constant 2 : i32
      %dma_start3A_57 = arith.constant 0 : i32
      %dma_start3A_58 = arith.constant 0 : i32
      %dma_start3A_59 = tpu.memref_slice %arg6[%dma_start3A_55, %dma_start3A_57, %dma_start3A_58] : memref<6x2x72xi32, #tpu.memory_space<vmem>> -> memref<1x2x72xi32, #tpu.memory_space<vmem>>
      %dma_start3A_60 = tpu.memref_squeeze %dma_start3A_59 : memref<1x2x72xi32, #tpu.memory_space<vmem>> -> memref<2x72xi32, #tpu.memory_space<vmem>>
      %dma_start3A_61 = arith.constant 0 : i32
      %dma_start3A_62 = arith.constant 0 : i32
      %dma_start3A_63 = tpu.memref_slice %arg3[%add3A_54, %dma_start3A_61, %dma_start3A_62] : memref<4448x2x72xi32, #tpu.memory_space<hbm>> -> memref<1x2x72xi32, #tpu.memory_space<hbm>>
      %dma_start3A_64 = tpu.memref_squeeze %dma_start3A_63 : memref<1x2x72xi32, #tpu.memory_space<hbm>> -> memref<2x72xi32, #tpu.memory_space<hbm>>
      %dma_start3A_65 = tpu.memref_slice %arg11[%dma_start3A_56] : memref<6x!tpu.dma_semaphore, #tpu.memory_space<semaphore_mem>> -> memref<1x!tpu.dma_semaphore, #tpu.memory_space<semaphore_mem>>
      %dma_start3A_66 = tpu.memref_squeeze %dma_start3A_65 : memref<1x!tpu.dma_semaphore, #tpu.memory_space<semaphore_mem>> -> memref<!tpu.dma_semaphore, #tpu.memory_space<semaphore_mem>>
      %dma_start3A_67 = arith.constant 0 : i32
      %dma_start3A_68 = arith.constant 0 : i32
      %dma_start3A_69 = tpu.memref_slice %arg6[%dma_start3A_55, %dma_start3A_67, %dma_start3A_68] : memref<6x2x72xi32, #tpu.memory_space<vmem>> -> memref<1x2x72xi32, #tpu.memory_space<vmem>>
      %dma_start3A_70 = tpu.memref_squeeze %dma_start3A_69 : memref<1x2x72xi32, #tpu.memory_space<vmem>> -> memref<2x72xi32, #tpu.memory_space<vmem>>
      %dma_start3A_71 = arith.constant 0 : i32
      %dma_start3A_72 = arith.constant 0 : i32
      %dma_start3A_73 = tpu.memref_slice %arg3[%add3A_54, %dma_start3A_71, %dma_start3A_72] : memref<4448x2x72xi32, #tpu.memory_space<hbm>> -> memref<1x2x72xi32, #tpu.memory_space<hbm>>
      %dma_start3A_74 = tpu.memref_squeeze %dma_start3A_73 : memref<1x2x72xi32, #tpu.memory_space<hbm>> -> memref<2x72xi32, #tpu.memory_space<hbm>>
      tpu.enqueue_dma source(%dma_start3A_74 : memref<2x72xi32, #tpu.memory_space<hbm>>) target(%dma_start3A_70 : memref<2x72xi32, #tpu.memory_space<vmem>>) target_semaphore(%dma_start3A_66 : memref<!tpu.dma_semaphore, #tpu.memory_space<semaphore_mem>>)
      %add3A_75 = arith.constant 3 : i32
      %add3A_76 = arith.addi %mul3A_10, %add3A_75 : i32
      %dma_start3A_77 = arith.constant 3 : i32
      %dma_start3A_78 = arith.constant 3 : i32
      %dma_start3A_79 = arith.constant 0 : i32
      %dma_start3A_80 = arith.constant 0 : i32
      %dma_start3A_81 = tpu.memref_slice %arg6[%dma_start3A_77, %dma_start3A_79, %dma_start3A_80] : memref<6x2x72xi32, #tpu.memory_space<vmem>> -> memref<1x2x72xi32, #tpu.memory_space<vmem>>
      %dma_start3A_82 = tpu.memref_squeeze %dma_start3A_81 : memref<1x2x72xi32, #tpu.memory_space<vmem>> -> memref<2x72xi32, #tpu.memory_space<vmem>>
      %dma_start3A_83 = arith.constant 0 : i32
      %dma_start3A_84 = arith.constant 0 : i32
      %dma_start3A_85 = tpu.memref_slice %arg3[%add3A_76, %dma_start3A_83, %dma_start3A_84] : memref<4448x2x72xi32, #tpu.memory_space<hbm>> -> memref<1x2x72xi32, #tpu.memory_space<hbm>>
      %dma_start3A_86 = tpu.memref_squeeze %dma_start3A_85 : memref<1x2x72xi32, #tpu.memory_space<hbm>> -> memref<2x72xi32, #tpu.memory_space<hbm>>
      %dma_start3A_87 = tpu.memref_slice %arg11[%dma_start3A_78] : memref<6x!tpu.dma_semaphore, #tpu.memory_space<semaphore_mem>> -> memref<1x!tpu.dma_semaphore, #tpu.memory_space<semaphore_mem>>
      %dma_start3A_88 = tpu.memref_squeeze %dma_start3A_87 : memref<1x!tpu.dma_semaphore, #tpu.memory_space<semaphore_mem>> -> memref<!tpu.dma_semaphore, #tpu.memory_space<semaphore_mem>>
      %dma_start3A_89 = arith.constant 0 : i32
      %dma_start3A_90 = arith.constant 0 : i32
      %dma_start3A_91 = tpu.memref_slice %arg6[%dma_start3A_77, %dma_start3A_89, %dma_start3A_90] : memref<6x2x72xi32, #tpu.memory_space<vmem>> -> memref<1x2x72xi32, #tpu.memory_space<vmem>>
      %dma_start3A_92 = tpu.memref_squeeze %dma_start3A_91 : memref<1x2x72xi32, #tpu.memory_space<vmem>> -> memref<2x72xi32, #tpu.memory_space<vmem>>
      %dma_start3A_93 = arith.constant 0 : i32
      %dma_start3A_94 = arith.constant 0 : i32
      %dma_start3A_95 = tpu.memref_slice %arg3[%add3A_76, %dma_start3A_93, %dma_start3A_94] : memref<4448x2x72xi32, #tpu.memory_space<hbm>> -> memref<1x2x72xi32, #tpu.memory_space<hbm>>
      %dma_start3A_96 = tpu.memref_squeeze %dma_start3A_95 : memref<1x2x72xi32, #tpu.memory_space<hbm>> -> memref<2x72xi32, #tpu.memory_space<hbm>>
      tpu.enqueue_dma source(%dma_start3A_96 : memref<2x72xi32, #tpu.memory_space<hbm>>) target(%dma_start3A_92 : memref<2x72xi32, #tpu.memory_space<vmem>>) target_semaphore(%dma_start3A_88 : memref<!tpu.dma_semaphore, #tpu.memory_space<semaphore_mem>>)
      %add3A_97 = arith.constant 4 : i32
      %add3A_98 = arith.addi %mul3A_10, %add3A_97 : i32
      %dma_start3A_99 = arith.constant 4 : i32
      %dma_start3A_100 = arith.constant 4 : i32
      %dma_start3A_101 = arith.constant 0 : i32
      %dma_start3A_102 = arith.constant 0 : i32
      %dma_start3A_103 = tpu.memref_slice %arg6[%dma_start3A_99, %dma_start3A_101, %dma_start3A_102] : memref<6x2x72xi32, #tpu.memory_space<vmem>> -> memref<1x2x72xi32, #tpu.memory_space<vmem>>
      %dma_start3A_104 = tpu.memref_squeeze %dma_start3A_103 : memref<1x2x72xi32, #tpu.memory_space<vmem>> -> memref<2x72xi32, #tpu.memory_space<vmem>>
      %dma_start3A_105 = arith.constant 0 : i32
      %dma_start3A_106 = arith.constant 0 : i32
      %dma_start3A_107 = tpu.memref_slice %arg3[%add3A_98, %dma_start3A_105, %dma_start3A_106] : memref<4448x2x72xi32, #tpu.memory_space<hbm>> -> memref<1x2x72xi32, #tpu.memory_space<hbm>>
      %dma_start3A_108 = tpu.memref_squeeze %dma_start3A_107 : memref<1x2x72xi32, #tpu.memory_space<hbm>> -> memref<2x72xi32, #tpu.memory_space<hbm>>
      %dma_start3A_109 = tpu.memref_slice %arg11[%dma_start3A_100] : memref<6x!tpu.dma_semaphore, #tpu.memory_space<semaphore_mem>> -> memref<1x!tpu.dma_semaphore, #tpu.memory_space<semaphore_mem>>
      %dma_start3A_110 = tpu.memref_squeeze %dma_start3A_109 : memref<1x!tpu.dma_semaphore, #tpu.memory_space<semaphore_mem>> -> memref<!tpu.dma_semaphore, #tpu.memory_space<semaphore_mem>>
      %dma_start3A_111 = arith.constant 0 : i32
      %dma_start3A_112 = arith.constant 0 : i32
      %dma_start3A_113 = tpu.memref_slice %arg6[%dma_start3A_99, %dma_start3A_111, %dma_start3A_112] : memref<6x2x72xi32, #tpu.memory_space<vmem>> -> memref<1x2x72xi32, #tpu.memory_space<vmem>>
      %dma_start3A_114 = tpu.memref_squeeze %dma_start3A_113 : memref<1x2x72xi32, #tpu.memory_space<vmem>> -> memref<2x72xi32, #tpu.memory_space<vmem>>
      %dma_start3A_115 = arith.constant 0 : i32
      %dma_start3A_116 = arith.constant 0 : i32
      %dma_start3A_117 = tpu.memref_slice %arg3[%add3A_98, %dma_start3A_115, %dma_start3A_116] : memref<4448x2x72xi32, #tpu.memory_space<hbm>> -> memref<1x2x72xi32, #tpu.memory_space<hbm>>
      %dma_start3A_118 = tpu.memref_squeeze %dma_start3A_117 : memref<1x2x72xi32, #tpu.memory_space<hbm>> -> memref<2x72xi32, #tpu.memory_space<hbm>>
      tpu.enqueue_dma source(%dma_start3A_118 : memref<2x72xi32, #tpu.memory_space<hbm>>) target(%dma_start3A_114 : memref<2x72xi32, #tpu.memory_space<vmem>>) target_semaphore(%dma_start3A_110 : memref<!tpu.dma_semaphore, #tpu.memory_space<semaphore_mem>>)
      %dma_wait3A = arith.constant 0 : i32
      %dma_wait3A_119 = arith.constant 0 : i32
      %dma_wait3A_120 = arith.constant 0 : i32
      %dma_wait3A_121 = arith.constant 0 : i32
      %dma_wait3A_122 = arith.constant 0 : i32
      %dma_wait3A_123 = tpu.memref_slice %arg6[%dma_wait3A_119, %dma_wait3A_121, %dma_wait3A_122] : memref<6x2x72xi32, #tpu.memory_space<vmem>> -> memref<1x2x72xi32, #tpu.memory_space<vmem>>
      %dma_wait3A_124 = tpu.memref_squeeze %dma_wait3A_123 : memref<1x2x72xi32, #tpu.memory_space<vmem>> -> memref<2x72xi32, #tpu.memory_space<vmem>>
      %dma_wait3A_125 = arith.constant 0 : i32
      %dma_wait3A_126 = arith.constant 0 : i32
      %dma_wait3A_127 = tpu.memref_slice %arg3[%dma_wait3A, %dma_wait3A_125, %dma_wait3A_126] : memref<4448x2x72xi32, #tpu.memory_space<hbm>> -> memref<1x2x72xi32, #tpu.memory_space<hbm>>
      %dma_wait3A_128 = tpu.memref_squeeze %dma_wait3A_127 : memref<1x2x72xi32, #tpu.memory_space<hbm>> -> memref<2x72xi32, #tpu.memory_space<hbm>>
      %dma_wait3A_129 = tpu.memref_slice %arg11[%dma_wait3A_120] : memref<6x!tpu.dma_semaphore, #tpu.memory_space<semaphore_mem>> -> memref<1x!tpu.dma_semaphore, #tpu.memory_space<semaphore_mem>>
      %dma_wait3A_130 = tpu.memref_squeeze %dma_wait3A_129 : memref<1x!tpu.dma_semaphore, #tpu.memory_space<semaphore_mem>> -> memref<!tpu.dma_semaphore, #tpu.memory_space<semaphore_mem>>
      %dma_wait3A_131 = arith.constant 0 : i32
      %dma_wait3A_132 = arith.constant 0 : i32
      %dma_wait3A_133 = tpu.memref_slice %arg6[%dma_wait3A_119, %dma_wait3A_131, %dma_wait3A_132] : memref<6x2x72xi32, #tpu.memory_space<vmem>> -> memref<1x2x72xi32, #tpu.memory_space<vmem>>
      %dma_wait3A_134 = tpu.memref_squeeze %dma_wait3A_133 : memref<1x2x72xi32, #tpu.memory_space<vmem>> -> memref<2x72xi32, #tpu.memory_space<vmem>>
      %dma_wait3A_135 = arith.constant 0 : i32
      %dma_wait3A_136 = arith.constant 0 : i32
      %dma_wait3A_137 = tpu.memref_slice %arg3[%dma_wait3A, %dma_wait3A_135, %dma_wait3A_136] : memref<4448x2x72xi32, #tpu.memory_space<hbm>> -> memref<1x2x72xi32, #tpu.memory_space<hbm>>
      %dma_wait3A_138 = tpu.memref_squeeze %dma_wait3A_137 : memref<1x2x72xi32, #tpu.memory_space<hbm>> -> memref<2x72xi32, #tpu.memory_space<hbm>>
      tpu.wait_dma2 semaphore(%dma_wait3A_130 : memref<!tpu.dma_semaphore, #tpu.memory_space<semaphore_mem>>) src(%dma_wait3A_138 : memref<2x72xi32, #tpu.memory_space<hbm>>) dst(%dma_wait3A_134 : memref<2x72xi32, #tpu.memory_space<vmem>>)
      %dma_start3A_139 = arith.constant 0 : i32
      %dma_start3A_140 = arith.constant 0 : i32
      %dma_start3A_141 = arith.constant 0 : i32
      %dma_start3A_142 = arith.constant 0 : i32
      %dma_start3A_143 = arith.constant 0 : i32
      %dma_start3A_144 = arith.constant 0 : i32
      %dma_start3A_145 = tpu.memref_slice %arg7[%dma_start3A_141, %dma_start3A_143, %dma_start3A_144] : memref<5x72x128xf32, #tpu.memory_space<vmem>> -> memref<1x72x128xf32, #tpu.memory_space<vmem>>
      %dma_start3A_146 = tpu.memref_squeeze %dma_start3A_145 : memref<1x72x128xf32, #tpu.memory_space<vmem>> -> memref<72x128xf32, #tpu.memory_space<vmem>>
      %dma_start3A_147 = arith.constant 0 : i32
      %dma_start3A_148 = tpu.memref_slice %arg6[%dma_start3A_139, %dma_start3A_140, %dma_start3A_147] : memref<6x2x72xi32, #tpu.memory_space<vmem>> -> memref<1x1x72xi32, #tpu.memory_space<vmem>>
      %dma_start3A_149 = tpu.memref_squeeze %dma_start3A_148 : memref<1x1x72xi32, #tpu.memory_space<vmem>> -> memref<72xi32, #tpu.memory_space<vmem>>
      %dma_start3A_150 = arith.constant 0 : i32
      %dma_start3A_151 = arith.constant 0 : i32
      %dma_start3A_152 = tpu.memref_slice %arg2[%dma_start3A_150, %dma_start3A_151] : memref<10112x128xf32, #tpu.memory_space<hbm>> -> memref<10112x128xf32, #tpu.memory_space<hbm>>
      %dma_start3A_153 = tpu.memref_slice %arg9[%dma_start3A_142] : memref<5x!tpu.dma_semaphore, #tpu.memory_space<semaphore_mem>> -> memref<1x!tpu.dma_semaphore, #tpu.memory_space<semaphore_mem>>
      %dma_start3A_154 = tpu.memref_squeeze %dma_start3A_153 : memref<1x!tpu.dma_semaphore, #tpu.memory_space<semaphore_mem>> -> memref<!tpu.dma_semaphore, #tpu.memory_space<semaphore_mem>>
      tpu.enqueue_indirect_dma source(%dma_start3A_152 : memref<10112x128xf32, #tpu.memory_space<hbm>>) target(%dma_start3A_146 : memref<72x128xf32, #tpu.memory_space<vmem>>) offsets(%dma_start3A_149 : memref<72xi32, #tpu.memory_space<vmem>>) semaphore(%dma_start3A_154 : memref<!tpu.dma_semaphore, #tpu.memory_space<semaphore_mem>>)
      %dma_wait3A_155 = arith.constant 0 : i32
      %dma_wait3A_156 = arith.constant 1 : i32
      %dma_wait3A_157 = arith.constant 1 : i32
      %dma_wait3A_158 = arith.constant 0 : i32
      %dma_wait3A_159 = arith.constant 0 : i32
      %dma_wait3A_160 = tpu.memref_slice %arg6[%dma_wait3A_156, %dma_wait3A_158, %dma_wait3A_159] : memref<6x2x72xi32, #tpu.memory_space<vmem>> -> memref<1x2x72xi32, #tpu.memory_space<vmem>>
      %dma_wait3A_161 = tpu.memref_squeeze %dma_wait3A_160 : memref<1x2x72xi32, #tpu.memory_space<vmem>> -> memref<2x72xi32, #tpu.memory_space<vmem>>
      %dma_wait3A_162 = arith.constant 0 : i32
      %dma_wait3A_163 = arith.constant 0 : i32
      %dma_wait3A_164 = tpu.memref_slice %arg3[%dma_wait3A_155, %dma_wait3A_162, %dma_wait3A_163] : memref<4448x2x72xi32, #tpu.memory_space<hbm>> -> memref<1x2x72xi32, #tpu.memory_space<hbm>>
      %dma_wait3A_165 = tpu.memref_squeeze %dma_wait3A_164 : memref<1x2x72xi32, #tpu.memory_space<hbm>> -> memref<2x72xi32, #tpu.memory_space<hbm>>
      %dma_wait3A_166 = tpu.memref_slice %arg11[%dma_wait3A_157] : memref<6x!tpu.dma_semaphore, #tpu.memory_space<semaphore_mem>> -> memref<1x!tpu.dma_semaphore, #tpu.memory_space<semaphore_mem>>
      %dma_wait3A_167 = tpu.memref_squeeze %dma_wait3A_166 : memref<1x!tpu.dma_semaphore, #tpu.memory_space<semaphore_mem>> -> memref<!tpu.dma_semaphore, #tpu.memory_space<semaphore_mem>>
      %dma_wait3A_168 = arith.constant 0 : i32
      %dma_wait3A_169 = arith.constant 0 : i32
      %dma_wait3A_170 = tpu.memref_slice %arg6[%dma_wait3A_156, %dma_wait3A_168, %dma_wait3A_169] : memref<6x2x72xi32, #tpu.memory_space<vmem>> -> memref<1x2x72xi32, #tpu.memory_space<vmem>>
      %dma_wait3A_171 = tpu.memref_squeeze %dma_wait3A_170 : memref<1x2x72xi32, #tpu.memory_space<vmem>> -> memref<2x72xi32, #tpu.memory_space<vmem>>
      %dma_wait3A_172 = arith.constant 0 : i32
      %dma_wait3A_173 = arith.constant 0 : i32
      %dma_wait3A_174 = tpu.memref_slice %arg3[%dma_wait3A_155, %dma_wait3A_172, %dma_wait3A_173] : memref<4448x2x72xi32, #tpu.memory_space<hbm>> -> memref<1x2x72xi32, #tpu.memory_space<hbm>>
      %dma_wait3A_175 = tpu.memref_squeeze %dma_wait3A_174 : memref<1x2x72xi32, #tpu.memory_space<hbm>> -> memref<2x72xi32, #tpu.memory_space<hbm>>
      tpu.wait_dma2 semaphore(%dma_wait3A_167 : memref<!tpu.dma_semaphore, #tpu.memory_space<semaphore_mem>>) src(%dma_wait3A_175 : memref<2x72xi32, #tpu.memory_space<hbm>>) dst(%dma_wait3A_171 : memref<2x72xi32, #tpu.memory_space<vmem>>)
      %dma_start3A_176 = arith.constant 1 : i32
      %dma_start3A_177 = arith.constant 0 : i32
      %dma_start3A_178 = arith.constant 1 : i32
      %dma_start3A_179 = arith.constant 1 : i32
      %dma_start3A_180 = arith.constant 0 : i32
      %dma_start3A_181 = arith.constant 0 : i32
      %dma_start3A_182 = tpu.memref_slice %arg7[%dma_start3A_178, %dma_start3A_180, %dma_start3A_181] : memref<5x72x128xf32, #tpu.memory_space<vmem>> -> memref<1x72x128xf32, #tpu.memory_space<vmem>>
      %dma_start3A_183 = tpu.memref_squeeze %dma_start3A_182 : memref<1x72x128xf32, #tpu.memory_space<vmem>> -> memref<72x128xf32, #tpu.memory_space<vmem>>
      %dma_start3A_184 = arith.constant 0 : i32
      %dma_start3A_185 = tpu.memref_slice %arg6[%dma_start3A_176, %dma_start3A_177, %dma_start3A_184] : memref<6x2x72xi32, #tpu.memory_space<vmem>> -> memref<1x1x72xi32, #tpu.memory_space<vmem>>
      %dma_start3A_186 = tpu.memref_squeeze %dma_start3A_185 : memref<1x1x72xi32, #tpu.memory_space<vmem>> -> memref<72xi32, #tpu.memory_space<vmem>>
      %dma_start3A_187 = arith.constant 0 : i32
      %dma_start3A_188 = arith.constant 0 : i32
      %dma_start3A_189 = tpu.memref_slice %arg2[%dma_start3A_187, %dma_start3A_188] : memref<10112x128xf32, #tpu.memory_space<hbm>> -> memref<10112x128xf32, #tpu.memory_space<hbm>>
      %dma_start3A_190 = tpu.memref_slice %arg9[%dma_start3A_179] : memref<5x!tpu.dma_semaphore, #tpu.memory_space<semaphore_mem>> -> memref<1x!tpu.dma_semaphore, #tpu.memory_space<semaphore_mem>>
      %dma_start3A_191 = tpu.memref_squeeze %dma_start3A_190 : memref<1x!tpu.dma_semaphore, #tpu.memory_space<semaphore_mem>> -> memref<!tpu.dma_semaphore, #tpu.memory_space<semaphore_mem>>
      tpu.enqueue_indirect_dma source(%dma_start3A_189 : memref<10112x128xf32, #tpu.memory_space<hbm>>) target(%dma_start3A_183 : memref<72x128xf32, #tpu.memory_space<vmem>>) offsets(%dma_start3A_186 : memref<72xi32, #tpu.memory_space<vmem>>) semaphore(%dma_start3A_191 : memref<!tpu.dma_semaphore, #tpu.memory_space<semaphore_mem>>)
      %dma_wait3A_192 = arith.constant 0 : i32
      %dma_wait3A_193 = arith.constant 2 : i32
      %dma_wait3A_194 = arith.constant 2 : i32
      %dma_wait3A_195 = arith.constant 0 : i32
      %dma_wait3A_196 = arith.constant 0 : i32
      %dma_wait3A_197 = tpu.memref_slice %arg6[%dma_wait3A_193, %dma_wait3A_195, %dma_wait3A_196] : memref<6x2x72xi32, #tpu.memory_space<vmem>> -> memref<1x2x72xi32, #tpu.memory_space<vmem>>
      %dma_wait3A_198 = tpu.memref_squeeze %dma_wait3A_197 : memref<1x2x72xi32, #tpu.memory_space<vmem>> -> memref<2x72xi32, #tpu.memory_space<vmem>>
      %dma_wait3A_199 = arith.constant 0 : i32
      %dma_wait3A_200 = arith.constant 0 : i32
      %dma_wait3A_201 = tpu.memref_slice %arg3[%dma_wait3A_192, %dma_wait3A_199, %dma_wait3A_200] : memref<4448x2x72xi32, #tpu.memory_space<hbm>> -> memref<1x2x72xi32, #tpu.memory_space<hbm>>
      %dma_wait3A_202 = tpu.memref_squeeze %dma_wait3A_201 : memref<1x2x72xi32, #tpu.memory_space<hbm>> -> memref<2x72xi32, #tpu.memory_space<hbm>>
      %dma_wait3A_203 = tpu.memref_slice %arg11[%dma_wait3A_194] : memref<6x!tpu.dma_semaphore, #tpu.memory_space<semaphore_mem>> -> memref<1x!tpu.dma_semaphore, #tpu.memory_space<semaphore_mem>>
      %dma_wait3A_204 = tpu.memref_squeeze %dma_wait3A_203 : memref<1x!tpu.dma_semaphore, #tpu.memory_space<semaphore_mem>> -> memref<!tpu.dma_semaphore, #tpu.memory_space<semaphore_mem>>
      %dma_wait3A_205 = arith.constant 0 : i32
      %dma_wait3A_206 = arith.constant 0 : i32
      %dma_wait3A_207 = tpu.memref_slice %arg6[%dma_wait3A_193, %dma_wait3A_205, %dma_wait3A_206] : memref<6x2x72xi32, #tpu.memory_space<vmem>> -> memref<1x2x72xi32, #tpu.memory_space<vmem>>
      %dma_wait3A_208 = tpu.memref_squeeze %dma_wait3A_207 : memref<1x2x72xi32, #tpu.memory_space<vmem>> -> memref<2x72xi32, #tpu.memory_space<vmem>>
      %dma_wait3A_209 = arith.constant 0 : i32
      %dma_wait3A_210 = arith.constant 0 : i32
      %dma_wait3A_211 = tpu.memref_slice %arg3[%dma_wait3A_192, %dma_wait3A_209, %dma_wait3A_210] : memref<4448x2x72xi32, #tpu.memory_space<hbm>> -> memref<1x2x72xi32, #tpu.memory_space<hbm>>
      %dma_wait3A_212 = tpu.memref_squeeze %dma_wait3A_211 : memref<1x2x72xi32, #tpu.memory_space<hbm>> -> memref<2x72xi32, #tpu.memory_space<hbm>>
      tpu.wait_dma2 semaphore(%dma_wait3A_204 : memref<!tpu.dma_semaphore, #tpu.memory_space<semaphore_mem>>) src(%dma_wait3A_212 : memref<2x72xi32, #tpu.memory_space<hbm>>) dst(%dma_wait3A_208 : memref<2x72xi32, #tpu.memory_space<vmem>>)
      %dma_start3A_213 = arith.constant 2 : i32
      %dma_start3A_214 = arith.constant 0 : i32
      %dma_start3A_215 = arith.constant 2 : i32
      %dma_start3A_216 = arith.constant 2 : i32
      %dma_start3A_217 = arith.constant 0 : i32
      %dma_start3A_218 = arith.constant 0 : i32
      %dma_start3A_219 = tpu.memref_slice %arg7[%dma_start3A_215, %dma_start3A_217, %dma_start3A_218] : memref<5x72x128xf32, #tpu.memory_space<vmem>> -> memref<1x72x128xf32, #tpu.memory_space<vmem>>
      %dma_start3A_220 = tpu.memref_squeeze %dma_start3A_219 : memref<1x72x128xf32, #tpu.memory_space<vmem>> -> memref<72x128xf32, #tpu.memory_space<vmem>>
      %dma_start3A_221 = arith.constant 0 : i32
      %dma_start3A_222 = tpu.memref_slice %arg6[%dma_start3A_213, %dma_start3A_214, %dma_start3A_221] : memref<6x2x72xi32, #tpu.memory_space<vmem>> -> memref<1x1x72xi32, #tpu.memory_space<vmem>>
      %dma_start3A_223 = tpu.memref_squeeze %dma_start3A_222 : memref<1x1x72xi32, #tpu.memory_space<vmem>> -> memref<72xi32, #tpu.memory_space<vmem>>
      %dma_start3A_224 = arith.constant 0 : i32
      %dma_start3A_225 = arith.constant 0 : i32
      %dma_start3A_226 = tpu.memref_slice %arg2[%dma_start3A_224, %dma_start3A_225] : memref<10112x128xf32, #tpu.memory_space<hbm>> -> memref<10112x128xf32, #tpu.memory_space<hbm>>
      %dma_start3A_227 = tpu.memref_slice %arg9[%dma_start3A_216] : memref<5x!tpu.dma_semaphore, #tpu.memory_space<semaphore_mem>> -> memref<1x!tpu.dma_semaphore, #tpu.memory_space<semaphore_mem>>
      %dma_start3A_228 = tpu.memref_squeeze %dma_start3A_227 : memref<1x!tpu.dma_semaphore, #tpu.memory_space<semaphore_mem>> -> memref<!tpu.dma_semaphore, #tpu.memory_space<semaphore_mem>>
      tpu.enqueue_indirect_dma source(%dma_start3A_226 : memref<10112x128xf32, #tpu.memory_space<hbm>>) target(%dma_start3A_220 : memref<72x128xf32, #tpu.memory_space<vmem>>) offsets(%dma_start3A_223 : memref<72xi32, #tpu.memory_space<vmem>>) semaphore(%dma_start3A_228 : memref<!tpu.dma_semaphore, #tpu.memory_space<semaphore_mem>>)
      %dma_wait3A_229 = arith.constant 0 : i32
      %dma_wait3A_230 = arith.constant 3 : i32
      %dma_wait3A_231 = arith.constant 3 : i32
      %dma_wait3A_232 = arith.constant 0 : i32
      %dma_wait3A_233 = arith.constant 0 : i32
      %dma_wait3A_234 = tpu.memref_slice %arg6[%dma_wait3A_230, %dma_wait3A_232, %dma_wait3A_233] : memref<6x2x72xi32, #tpu.memory_space<vmem>> -> memref<1x2x72xi32, #tpu.memory_space<vmem>>
      %dma_wait3A_235 = tpu.memref_squeeze %dma_wait3A_234 : memref<1x2x72xi32, #tpu.memory_space<vmem>> -> memref<2x72xi32, #tpu.memory_space<vmem>>
      %dma_wait3A_236 = arith.constant 0 : i32
      %dma_wait3A_237 = arith.constant 0 : i32
      %dma_wait3A_238 = tpu.memref_slice %arg3[%dma_wait3A_229, %dma_wait3A_236, %dma_wait3A_237] : memref<4448x2x72xi32, #tpu.memory_space<hbm>> -> memref<1x2x72xi32, #tpu.memory_space<hbm>>
      %dma_wait3A_239 = tpu.memref_squeeze %dma_wait3A_238 : memref<1x2x72xi32, #tpu.memory_space<hbm>> -> memref<2x72xi32, #tpu.memory_space<hbm>>
      %dma_wait3A_240 = tpu.memref_slice %arg11[%dma_wait3A_231] : memref<6x!tpu.dma_semaphore, #tpu.memory_space<semaphore_mem>> -> memref<1x!tpu.dma_semaphore, #tpu.memory_space<semaphore_mem>>
      %dma_wait3A_241 = tpu.memref_squeeze %dma_wait3A_240 : memref<1x!tpu.dma_semaphore, #tpu.memory_space<semaphore_mem>> -> memref<!tpu.dma_semaphore, #tpu.memory_space<semaphore_mem>>
      %dma_wait3A_242 = arith.constant 0 : i32
      %dma_wait3A_243 = arith.constant 0 : i32
      %dma_wait3A_244 = tpu.memref_slice %arg6[%dma_wait3A_230, %dma_wait3A_242, %dma_wait3A_243] : memref<6x2x72xi32, #tpu.memory_space<vmem>> -> memref<1x2x72xi32, #tpu.memory_space<vmem>>
      %dma_wait3A_245 = tpu.memref_squeeze %dma_wait3A_244 : memref<1x2x72xi32, #tpu.memory_space<vmem>> -> memref<2x72xi32, #tpu.memory_space<vmem>>
      %dma_wait3A_246 = arith.constant 0 : i32
      %dma_wait3A_247 = arith.constant 0 : i32
      %dma_wait3A_248 = tpu.memref_slice %arg3[%dma_wait3A_229, %dma_wait3A_246, %dma_wait3A_247] : memref<4448x2x72xi32, #tpu.memory_space<hbm>> -> memref<1x2x72xi32, #tpu.memory_space<hbm>>
      %dma_wait3A_249 = tpu.memref_squeeze %dma_wait3A_248 : memref<1x2x72xi32, #tpu.memory_space<hbm>> -> memref<2x72xi32, #tpu.memory_space<hbm>>
      tpu.wait_dma2 semaphore(%dma_wait3A_241 : memref<!tpu.dma_semaphore, #tpu.memory_space<semaphore_mem>>) src(%dma_wait3A_249 : memref<2x72xi32, #tpu.memory_space<hbm>>) dst(%dma_wait3A_245 : memref<2x72xi32, #tpu.memory_space<vmem>>)
      %dma_start3A_250 = arith.constant 3 : i32
      %dma_start3A_251 = arith.constant 0 : i32
      %dma_start3A_252 = arith.constant 3 : i32
      %dma_start3A_253 = arith.constant 3 : i32
      %dma_start3A_254 = arith.constant 0 : i32
      %dma_start3A_255 = arith.constant 0 : i32
      %dma_start3A_256 = tpu.memref_slice %arg7[%dma_start3A_252, %dma_start3A_254, %dma_start3A_255] : memref<5x72x128xf32, #tpu.memory_space<vmem>> -> memref<1x72x128xf32, #tpu.memory_space<vmem>>
      %dma_start3A_257 = tpu.memref_squeeze %dma_start3A_256 : memref<1x72x128xf32, #tpu.memory_space<vmem>> -> memref<72x128xf32, #tpu.memory_space<vmem>>
      %dma_start3A_258 = arith.constant 0 : i32
      %dma_start3A_259 = tpu.memref_slice %arg6[%dma_start3A_250, %dma_start3A_251, %dma_start3A_258] : memref<6x2x72xi32, #tpu.memory_space<vmem>> -> memref<1x1x72xi32, #tpu.memory_space<vmem>>
      %dma_start3A_260 = tpu.memref_squeeze %dma_start3A_259 : memref<1x1x72xi32, #tpu.memory_space<vmem>> -> memref<72xi32, #tpu.memory_space<vmem>>
      %dma_start3A_261 = arith.constant 0 : i32
      %dma_start3A_262 = arith.constant 0 : i32
      %dma_start3A_263 = tpu.memref_slice %arg2[%dma_start3A_261, %dma_start3A_262] : memref<10112x128xf32, #tpu.memory_space<hbm>> -> memref<10112x128xf32, #tpu.memory_space<hbm>>
      %dma_start3A_264 = tpu.memref_slice %arg9[%dma_start3A_253] : memref<5x!tpu.dma_semaphore, #tpu.memory_space<semaphore_mem>> -> memref<1x!tpu.dma_semaphore, #tpu.memory_space<semaphore_mem>>
      %dma_start3A_265 = tpu.memref_squeeze %dma_start3A_264 : memref<1x!tpu.dma_semaphore, #tpu.memory_space<semaphore_mem>> -> memref<!tpu.dma_semaphore, #tpu.memory_space<semaphore_mem>>
      tpu.enqueue_indirect_dma source(%dma_start3A_263 : memref<10112x128xf32, #tpu.memory_space<hbm>>) target(%dma_start3A_257 : memref<72x128xf32, #tpu.memory_space<vmem>>) offsets(%dma_start3A_260 : memref<72xi32, #tpu.memory_space<vmem>>) semaphore(%dma_start3A_265 : memref<!tpu.dma_semaphore, #tpu.memory_space<semaphore_mem>>)
      %dma_wait3A_266 = arith.constant 0 : i32
      %dma_wait3A_267 = arith.constant 4 : i32
      %dma_wait3A_268 = arith.constant 4 : i32
      %dma_wait3A_269 = arith.constant 0 : i32
      %dma_wait3A_270 = arith.constant 0 : i32
      %dma_wait3A_271 = tpu.memref_slice %arg6[%dma_wait3A_267, %dma_wait3A_269, %dma_wait3A_270] : memref<6x2x72xi32, #tpu.memory_space<vmem>> -> memref<1x2x72xi32, #tpu.memory_space<vmem>>
      %dma_wait3A_272 = tpu.memref_squeeze %dma_wait3A_271 : memref<1x2x72xi32, #tpu.memory_space<vmem>> -> memref<2x72xi32, #tpu.memory_space<vmem>>
      %dma_wait3A_273 = arith.constant 0 : i32
      %dma_wait3A_274 = arith.constant 0 : i32
      %dma_wait3A_275 = tpu.memref_slice %arg3[%dma_wait3A_266, %dma_wait3A_273, %dma_wait3A_274] : memref<4448x2x72xi32, #tpu.memory_space<hbm>> -> memref<1x2x72xi32, #tpu.memory_space<hbm>>
      %dma_wait3A_276 = tpu.memref_squeeze %dma_wait3A_275 : memref<1x2x72xi32, #tpu.memory_space<hbm>> -> memref<2x72xi32, #tpu.memory_space<hbm>>
      %dma_wait3A_277 = tpu.memref_slice %arg11[%dma_wait3A_268] : memref<6x!tpu.dma_semaphore, #tpu.memory_space<semaphore_mem>> -> memref<1x!tpu.dma_semaphore, #tpu.memory_space<semaphore_mem>>
      %dma_wait3A_278 = tpu.memref_squeeze %dma_wait3A_277 : memref<1x!tpu.dma_semaphore, #tpu.memory_space<semaphore_mem>> -> memref<!tpu.dma_semaphore, #tpu.memory_space<semaphore_mem>>
      %dma_wait3A_279 = arith.constant 0 : i32
      %dma_wait3A_280 = arith.constant 0 : i32
      %dma_wait3A_281 = tpu.memref_slice %arg6[%dma_wait3A_267, %dma_wait3A_279, %dma_wait3A_280] : memref<6x2x72xi32, #tpu.memory_space<vmem>> -> memref<1x2x72xi32, #tpu.memory_space<vmem>>
      %dma_wait3A_282 = tpu.memref_squeeze %dma_wait3A_281 : memref<1x2x72xi32, #tpu.memory_space<vmem>> -> memref<2x72xi32, #tpu.memory_space<vmem>>
      %dma_wait3A_283 = arith.constant 0 : i32
      %dma_wait3A_284 = arith.constant 0 : i32
      %dma_wait3A_285 = tpu.memref_slice %arg3[%dma_wait3A_266, %dma_wait3A_283, %dma_wait3A_284] : memref<4448x2x72xi32, #tpu.memory_space<hbm>> -> memref<1x2x72xi32, #tpu.memory_space<hbm>>
      %dma_wait3A_286 = tpu.memref_squeeze %dma_wait3A_285 : memref<1x2x72xi32, #tpu.memory_space<hbm>> -> memref<2x72xi32, #tpu.memory_space<hbm>>
      tpu.wait_dma2 semaphore(%dma_wait3A_278 : memref<!tpu.dma_semaphore, #tpu.memory_space<semaphore_mem>>) src(%dma_wait3A_286 : memref<2x72xi32, #tpu.memory_space<hbm>>) dst(%dma_wait3A_282 : memref<2x72xi32, #tpu.memory_space<vmem>>)
      %dma_start3A_287 = arith.constant 4 : i32
      %dma_start3A_288 = arith.constant 0 : i32
      %dma_start3A_289 = arith.constant 4 : i32
      %dma_start3A_290 = arith.constant 4 : i32
      %dma_start3A_291 = arith.constant 0 : i32
      %dma_start3A_292 = arith.constant 0 : i32
      %dma_start3A_293 = tpu.memref_slice %arg7[%dma_start3A_289, %dma_start3A_291, %dma_start3A_292] : memref<5x72x128xf32, #tpu.memory_space<vmem>> -> memref<1x72x128xf32, #tpu.memory_space<vmem>>
      %dma_start3A_294 = tpu.memref_squeeze %dma_start3A_293 : memref<1x72x128xf32, #tpu.memory_space<vmem>> -> memref<72x128xf32, #tpu.memory_space<vmem>>
      %dma_start3A_295 = arith.constant 0 : i32
      %dma_start3A_296 = tpu.memref_slice %arg6[%dma_start3A_287, %dma_start3A_288, %dma_start3A_295] : memref<6x2x72xi32, #tpu.memory_space<vmem>> -> memref<1x1x72xi32, #tpu.memory_space<vmem>>
      %dma_start3A_297 = tpu.memref_squeeze %dma_start3A_296 : memref<1x1x72xi32, #tpu.memory_space<vmem>> -> memref<72xi32, #tpu.memory_space<vmem>>
      %dma_start3A_298 = arith.constant 0 : i32
      %dma_start3A_299 = arith.constant 0 : i32
      %dma_start3A_300 = tpu.memref_slice %arg2[%dma_start3A_298, %dma_start3A_299] : memref<10112x128xf32, #tpu.memory_space<hbm>> -> memref<10112x128xf32, #tpu.memory_space<hbm>>
      %dma_start3A_301 = tpu.memref_slice %arg9[%dma_start3A_290] : memref<5x!tpu.dma_semaphore, #tpu.memory_space<semaphore_mem>> -> memref<1x!tpu.dma_semaphore, #tpu.memory_space<semaphore_mem>>
      %dma_start3A_302 = tpu.memref_squeeze %dma_start3A_301 : memref<1x!tpu.dma_semaphore, #tpu.memory_space<semaphore_mem>> -> memref<!tpu.dma_semaphore, #tpu.memory_space<semaphore_mem>>
      tpu.enqueue_indirect_dma source(%dma_start3A_300 : memref<10112x128xf32, #tpu.memory_space<hbm>>) target(%dma_start3A_294 : memref<72x128xf32, #tpu.memory_space<vmem>>) offsets(%dma_start3A_297 : memref<72xi32, #tpu.memory_space<vmem>>) semaphore(%dma_start3A_302 : memref<!tpu.dma_semaphore, #tpu.memory_space<semaphore_mem>>)
      %scan3A = arith.constant 0 : i32
      %scan3A_303 = arith.constant 0 : i32
      %scan3A_304 = arith.constant 145 : i32
      %scan3A_305 = arith.addi %scan3A_303, %scan3A_304 : i32
      %scan3A_306 = arith.constant 1 : i32
      scf.for %scan3A_325 = %scan3A_303 to %scan3A_305 step %scan3A_306  : i32 {
        %rem3A_326 = arith.constant 5 : i32
        %rem3A_327 = arith.remsi %scan3A_325, %rem3A_326 : i32
        %rem3A_328 = arith.constant 6 : i32
        %rem3A_329 = arith.remsi %scan3A_325, %rem3A_328 : i32
        %ge3A = arith.constant 1 : i32
        %ge3A_330 = arith.cmpi sge, %scan3A_325, %ge3A : i32
        %convert_element_type3A_331 = arith.extui %ge3A_330 : i1 to i32
        %cond3A_332 = arith.constant 0 : i32
        %cond3A_333 = arith.cmpi ne, %convert_element_type3A_331, %cond3A_332 : i32
        scf.if %cond3A_333 {
          %add3A_377 = arith.constant 5 : i32
          %add3A_378 = arith.addi %scan3A_325, %add3A_377 : i32
          %sub3A_379 = arith.constant 1 : i32
          %sub3A_380 = arith.subi %add3A_378, %sub3A_379 : i32
          %rem3A_381 = arith.constant 5 : i32
          %rem3A_382 = arith.remsi %sub3A_380, %rem3A_381 : i32
          %dma_wait3A_383 = arith.constant 0 : i32
          %dma_wait3A_384 = arith.constant 0 : i32
          %dma_wait3A_385 = arith.constant 1 : i32
          %dma_wait3A_386 = arith.constant 0 : i32
          %dma_wait3A_387 = arith.constant 0 : i32
          %dma_wait3A_388 = tpu.memref_slice %arg7[%dma_wait3A_383, %dma_wait3A_386, %dma_wait3A_387] : memref<5x72x128xf32, #tpu.memory_space<vmem>> -> memref<1x72x128xf32, #tpu.memory_space<vmem>>
          %dma_wait3A_389 = tpu.memref_squeeze %dma_wait3A_388 : memref<1x72x128xf32, #tpu.memory_space<vmem>> -> memref<72x128xf32, #tpu.memory_space<vmem>>
          %dma_wait3A_390 = arith.constant 0 : i32
          %dma_wait3A_391 = tpu.memref_slice %arg6[%dma_wait3A_384, %dma_wait3A_385, %dma_wait3A_390] : memref<6x2x72xi32, #tpu.memory_space<vmem>> -> memref<1x1x72xi32, #tpu.memory_space<vmem>>
          %dma_wait3A_392 = tpu.memref_squeeze %dma_wait3A_391 : memref<1x1x72xi32, #tpu.memory_space<vmem>> -> memref<72xi32, #tpu.memory_space<vmem>>
          %dma_wait3A_393 = arith.constant 0 : i32
          %dma_wait3A_394 = arith.constant 0 : i32
          %dma_wait3A_395 = tpu.memref_slice %arg8[%dma_wait3A_393, %dma_wait3A_394] : memref<10112x128xf32, #tpu.memory_space<vmem_shared>> -> memref<10112x128xf32, #tpu.memory_space<vmem_shared>>
          %dma_wait3A_396 = tpu.memref_slice %arg10[%rem3A_382] : memref<5x!tpu.dma_semaphore, #tpu.memory_space<semaphore_mem>> -> memref<1x!tpu.dma_semaphore, #tpu.memory_space<semaphore_mem>>
          %dma_wait3A_397 = tpu.memref_squeeze %dma_wait3A_396 : memref<1x!tpu.dma_semaphore, #tpu.memory_space<semaphore_mem>> -> memref<!tpu.dma_semaphore, #tpu.memory_space<semaphore_mem>>
          tpu.wait_indirect_dma semaphore(%dma_wait3A_397 : memref<!tpu.dma_semaphore, #tpu.memory_space<semaphore_mem>>) src(%dma_wait3A_389 : memref<72x128xf32, #tpu.memory_space<vmem>>) dst(%dma_wait3A_395 : memref<10112x128xf32, #tpu.memory_space<vmem_shared>>)
        } else {
        }
        %dma_wait3A_334 = arith.constant 0 : i32
        %dma_wait3A_335 = arith.constant 0 : i32
        %dma_wait3A_336 = arith.constant 0 : i32
        %dma_wait3A_337 = arith.constant 0 : i32
        %dma_wait3A_338 = tpu.memref_slice %arg7[%rem3A_327, %dma_wait3A_336, %dma_wait3A_337] : memref<5x72x128xf32, #tpu.memory_space<vmem>> -> memref<1x72x128xf32, #tpu.memory_space<vmem>>
        %dma_wait3A_339 = tpu.memref_squeeze %dma_wait3A_338 : memref<1x72x128xf32, #tpu.memory_space<vmem>> -> memref<72x128xf32, #tpu.memory_space<vmem>>
        %dma_wait3A_340 = arith.constant 0 : i32
        %dma_wait3A_341 = tpu.memref_slice %arg6[%dma_wait3A_334, %dma_wait3A_335, %dma_wait3A_340] : memref<6x2x72xi32, #tpu.memory_space<vmem>> -> memref<1x1x72xi32, #tpu.memory_space<vmem>>
        %dma_wait3A_342 = tpu.memref_squeeze %dma_wait3A_341 : memref<1x1x72xi32, #tpu.memory_space<vmem>> -> memref<72xi32, #tpu.memory_space<vmem>>
        %dma_wait3A_343 = arith.constant 0 : i32
        %dma_wait3A_344 = arith.constant 0 : i32
        %dma_wait3A_345 = tpu.memref_slice %arg2[%dma_wait3A_343, %dma_wait3A_344] : memref<10112x128xf32, #tpu.memory_space<hbm>> -> memref<10112x128xf32, #tpu.memory_space<hbm>>
        %dma_wait3A_346 = tpu.memref_slice %arg9[%rem3A_327] : memref<5x!tpu.dma_semaphore, #tpu.memory_space<semaphore_mem>> -> memref<1x!tpu.dma_semaphore, #tpu.memory_space<semaphore_mem>>
        %dma_wait3A_347 = tpu.memref_squeeze %dma_wait3A_346 : memref<1x!tpu.dma_semaphore, #tpu.memory_space<semaphore_mem>> -> memref<!tpu.dma_semaphore, #tpu.memory_space<semaphore_mem>>
        tpu.wait_indirect_dma semaphore(%dma_wait3A_347 : memref<!tpu.dma_semaphore, #tpu.memory_space<semaphore_mem>>) src(%dma_wait3A_345 : memref<10112x128xf32, #tpu.memory_space<hbm>>) dst(%dma_wait3A_339 : memref<72x128xf32, #tpu.memory_space<vmem>>)
        %dma_start3A_348 = arith.constant 1 : i32
        %dma_start3A_349 = arith.constant 0 : i32
        %dma_start3A_350 = arith.constant 0 : i32
        %dma_start3A_351 = tpu.memref_slice %arg7[%rem3A_327, %dma_start3A_349, %dma_start3A_350] : memref<5x72x128xf32, #tpu.memory_space<vmem>> -> memref<1x72x128xf32, #tpu.memory_space<vmem>>
        %dma_start3A_352 = tpu.memref_squeeze %dma_start3A_351 : memref<1x72x128xf32, #tpu.memory_space<vmem>> -> memref<72x128xf32, #tpu.memory_space<vmem>>
        %dma_start3A_353 = arith.constant 0 : i32
        %dma_start3A_354 = tpu.memref_slice %arg6[%rem3A_329, %dma_start3A_348, %dma_start3A_353] : memref<6x2x72xi32, #tpu.memory_space<vmem>> -> memref<1x1x72xi32, #tpu.memory_space<vmem>>
        %dma_start3A_355 = tpu.memref_squeeze %dma_start3A_354 : memref<1x1x72xi32, #tpu.memory_space<vmem>> -> memref<72xi32, #tpu.memory_space<vmem>>
        %dma_start3A_356 = arith.constant 0 : i32
        %dma_start3A_357 = arith.constant 0 : i32
        %dma_start3A_358 = tpu.memref_slice %arg8[%dma_start3A_356, %dma_start3A_357] : memref<10112x128xf32, #tpu.memory_space<vmem_shared>> -> memref<10112x128xf32, #tpu.memory_space<vmem_shared>>
        %dma_start3A_359 = tpu.memref_slice %arg10[%rem3A_327] : memref<5x!tpu.dma_semaphore, #tpu.memory_space<semaphore_mem>> -> memref<1x!tpu.dma_semaphore, #tpu.memory_space<semaphore_mem>>
        %dma_start3A_360 = tpu.memref_squeeze %dma_start3A_359 : memref<1x!tpu.dma_semaphore, #tpu.memory_space<semaphore_mem>> -> memref<!tpu.dma_semaphore, #tpu.memory_space<semaphore_mem>>
        tpu.enqueue_indirect_dma source(%dma_start3A_352 : memref<72x128xf32, #tpu.memory_space<vmem>>) target(%dma_start3A_358 : memref<10112x128xf32, #tpu.memory_space<vmem_shared>>) offsets(%dma_start3A_355 : memref<72xi32, #tpu.memory_space<vmem>>) semaphore(%dma_start3A_360 : memref<!tpu.dma_semaphore, #tpu.memory_space<semaphore_mem>>) {add = true}
        %add3A_361 = arith.constant 5 : i32
        %add3A_362 = arith.addi %scan3A_325, %add3A_361 : i32
        %lt3A = arith.constant 145 : i32
        %lt3A_363 = arith.cmpi slt, %add3A_362, %lt3A : i32
        %convert_element_type3A_364 = arith.extui %lt3A_363 : i1 to i32
        %cond3A_365 = arith.constant 0 : i32
        %cond3A_366 = arith.cmpi ne, %convert_element_type3A_364, %cond3A_365 : i32
        scf.if %cond3A_366 {
          %add3A_377 = arith.addi %mul3A_10, %scan3A_325 : i32
          %add3A_378 = arith.constant 5 : i32
          %add3A_379 = arith.addi %add3A_377, %add3A_378 : i32
          %add3A_380 = arith.constant 5 : i32
          %add3A_381 = arith.addi %scan3A_325, %add3A_380 : i32
          %rem3A_382 = arith.constant 6 : i32
          %rem3A_383 = arith.remsi %add3A_381, %rem3A_382 : i32
          %dma_start3A_384 = arith.constant 0 : i32
          %dma_start3A_385 = arith.constant 0 : i32
          %dma_start3A_386 = tpu.memref_slice %arg6[%rem3A_383, %dma_start3A_384, %dma_start3A_385] : memref<6x2x72xi32, #tpu.memory_space<vmem>> -> memref<1x2x72xi32, #tpu.memory_space<vmem>>
          %dma_start3A_387 = tpu.memref_squeeze %dma_start3A_386 : memref<1x2x72xi32, #tpu.memory_space<vmem>> -> memref<2x72xi32, #tpu.memory_space<vmem>>
          %dma_start3A_388 = arith.constant 0 : i32
          %dma_start3A_389 = arith.constant 0 : i32
          %dma_start3A_390 = tpu.memref_slice %arg3[%add3A_379, %dma_start3A_388, %dma_start3A_389] : memref<4448x2x72xi32, #tpu.memory_space<hbm>> -> memref<1x2x72xi32, #tpu.memory_space<hbm>>
          %dma_start3A_391 = tpu.memref_squeeze %dma_start3A_390 : memref<1x2x72xi32, #tpu.memory_space<hbm>> -> memref<2x72xi32, #tpu.memory_space<hbm>>
          %dma_start3A_392 = tpu.memref_slice %arg11[%rem3A_383] : memref<6x!tpu.dma_semaphore, #tpu.memory_space<semaphore_mem>> -> memref<1x!tpu.dma_semaphore, #tpu.memory_space<semaphore_mem>>
          %dma_start3A_393 = tpu.memref_squeeze %dma_start3A_392 : memref<1x!tpu.dma_semaphore, #tpu.memory_space<semaphore_mem>> -> memref<!tpu.dma_semaphore, #tpu.memory_space<semaphore_mem>>
          %dma_start3A_394 = arith.constant 0 : i32
          %dma_start3A_395 = arith.constant 0 : i32
          %dma_start3A_396 = tpu.memref_slice %arg6[%rem3A_383, %dma_start3A_394, %dma_start3A_395] : memref<6x2x72xi32, #tpu.memory_space<vmem>> -> memref<1x2x72xi32, #tpu.memory_space<vmem>>
          %dma_start3A_397 = tpu.memref_squeeze %dma_start3A_396 : memref<1x2x72xi32, #tpu.memory_space<vmem>> -> memref<2x72xi32, #tpu.memory_space<vmem>>
          %dma_start3A_398 = arith.constant 0 : i32
          %dma_start3A_399 = arith.constant 0 : i32
          %dma_start3A_400 = tpu.memref_slice %arg3[%add3A_379, %dma_start3A_398, %dma_start3A_399] : memref<4448x2x72xi32, #tpu.memory_space<hbm>> -> memref<1x2x72xi32, #tpu.memory_space<hbm>>
          %dma_start3A_401 = tpu.memref_squeeze %dma_start3A_400 : memref<1x2x72xi32, #tpu.memory_space<hbm>> -> memref<2x72xi32, #tpu.memory_space<hbm>>
          tpu.enqueue_dma source(%dma_start3A_401 : memref<2x72xi32, #tpu.memory_space<hbm>>) target(%dma_start3A_397 : memref<2x72xi32, #tpu.memory_space<vmem>>) target_semaphore(%dma_start3A_393 : memref<!tpu.dma_semaphore, #tpu.memory_space<semaphore_mem>>)
        } else {
        }
        %add3A_367 = arith.constant 5 : i32
        %add3A_368 = arith.addi %scan3A_325, %add3A_367 : i32
        %sub3A = arith.constant 1 : i32
        %sub3A_369 = arith.subi %add3A_368, %sub3A : i32
        %ge3A_370 = arith.constant 1 : i32
        %ge3A_371 = arith.cmpi sge, %scan3A_325, %ge3A_370 : i32
        %lt3A_372 = arith.constant 145 : i32
        %lt3A_373 = arith.cmpi slt, %sub3A_369, %lt3A_372 : i32
        %and3A = arith.andi %ge3A_371, %lt3A_373 : i1
        %convert_element_type3A_374 = arith.extui %and3A : i1 to i32
        %cond3A_375 = arith.constant 0 : i32
        %cond3A_376 = arith.cmpi ne, %convert_element_type3A_374, %cond3A_375 : i32
        scf.if %cond3A_376 {
          %rem3A_377 = arith.constant 6 : i32
          %rem3A_378 = arith.remsi %sub3A_369, %rem3A_377 : i32
          %dma_wait3A_379 = arith.constant 0 : i32
          %dma_wait3A_380 = arith.constant 0 : i32
          %dma_wait3A_381 = arith.constant 0 : i32
          %dma_wait3A_382 = tpu.memref_slice %arg6[%rem3A_378, %dma_wait3A_380, %dma_wait3A_381] : memref<6x2x72xi32, #tpu.memory_space<vmem>> -> memref<1x2x72xi32, #tpu.memory_space<vmem>>
          %dma_wait3A_383 = tpu.memref_squeeze %dma_wait3A_382 : memref<1x2x72xi32, #tpu.memory_space<vmem>> -> memref<2x72xi32, #tpu.memory_space<vmem>>
          %dma_wait3A_384 = arith.constant 0 : i32
          %dma_wait3A_385 = arith.constant 0 : i32
          %dma_wait3A_386 = tpu.memref_slice %arg3[%dma_wait3A_379, %dma_wait3A_384, %dma_wait3A_385] : memref<4448x2x72xi32, #tpu.memory_space<hbm>> -> memref<1x2x72xi32, #tpu.memory_space<hbm>>
          %dma_wait3A_387 = tpu.memref_squeeze %dma_wait3A_386 : memref<1x2x72xi32, #tpu.memory_space<hbm>> -> memref<2x72xi32, #tpu.memory_space<hbm>>
          %dma_wait3A_388 = tpu.memref_slice %arg11[%rem3A_378] : memref<6x!tpu.dma_semaphore, #tpu.memory_space<semaphore_mem>> -> memref<1x!tpu.dma_semaphore, #tpu.memory_space<semaphore_mem>>
          %dma_wait3A_389 = tpu.memref_squeeze %dma_wait3A_388 : memref<1x!tpu.dma_semaphore, #tpu.memory_space<semaphore_mem>> -> memref<!tpu.dma_semaphore, #tpu.memory_space<semaphore_mem>>
          %dma_wait3A_390 = arith.constant 0 : i32
          %dma_wait3A_391 = arith.constant 0 : i32
          %dma_wait3A_392 = tpu.memref_slice %arg6[%rem3A_378, %dma_wait3A_390, %dma_wait3A_391] : memref<6x2x72xi32, #tpu.memory_space<vmem>> -> memref<1x2x72xi32, #tpu.memory_space<vmem>>
          %dma_wait3A_393 = tpu.memref_squeeze %dma_wait3A_392 : memref<1x2x72xi32, #tpu.memory_space<vmem>> -> memref<2x72xi32, #tpu.memory_space<vmem>>
          %dma_wait3A_394 = arith.constant 0 : i32
          %dma_wait3A_395 = arith.constant 0 : i32
          %dma_wait3A_396 = tpu.memref_slice %arg3[%dma_wait3A_379, %dma_wait3A_394, %dma_wait3A_395] : memref<4448x2x72xi32, #tpu.memory_space<hbm>> -> memref<1x2x72xi32, #tpu.memory_space<hbm>>
          %dma_wait3A_397 = tpu.memref_squeeze %dma_wait3A_396 : memref<1x2x72xi32, #tpu.memory_space<hbm>> -> memref<2x72xi32, #tpu.memory_space<hbm>>
          tpu.wait_dma2 semaphore(%dma_wait3A_389 : memref<!tpu.dma_semaphore, #tpu.memory_space<semaphore_mem>>) src(%dma_wait3A_397 : memref<2x72xi32, #tpu.memory_space<hbm>>) dst(%dma_wait3A_393 : memref<2x72xi32, #tpu.memory_space<vmem>>)
          %rem3A_398 = arith.constant 5 : i32
          %rem3A_399 = arith.remsi %sub3A_369, %rem3A_398 : i32
          %rem3A_400 = arith.constant 6 : i32
          %rem3A_401 = arith.remsi %sub3A_369, %rem3A_400 : i32
          %dma_start3A_402 = arith.constant 0 : i32
          %dma_start3A_403 = arith.constant 0 : i32
          %dma_start3A_404 = arith.constant 0 : i32
          %dma_start3A_405 = tpu.memref_slice %arg7[%rem3A_399, %dma_start3A_403, %dma_start3A_404] : memref<5x72x128xf32, #tpu.memory_space<vmem>> -> memref<1x72x128xf32, #tpu.memory_space<vmem>>
          %dma_start3A_406 = tpu.memref_squeeze %dma_start3A_405 : memref<1x72x128xf32, #tpu.memory_space<vmem>> -> memref<72x128xf32, #tpu.memory_space<vmem>>
          %dma_start3A_407 = arith.constant 0 : i32
          %dma_start3A_408 = tpu.memref_slice %arg6[%rem3A_401, %dma_start3A_402, %dma_start3A_407] : memref<6x2x72xi32, #tpu.memory_space<vmem>> -> memref<1x1x72xi32, #tpu.memory_space<vmem>>
          %dma_start3A_409 = tpu.memref_squeeze %dma_start3A_408 : memref<1x1x72xi32, #tpu.memory_space<vmem>> -> memref<72xi32, #tpu.memory_space<vmem>>
          %dma_start3A_410 = arith.constant 0 : i32
          %dma_start3A_411 = arith.constant 0 : i32
          %dma_start3A_412 = tpu.memref_slice %arg2[%dma_start3A_410, %dma_start3A_411] : memref<10112x128xf32, #tpu.memory_space<hbm>> -> memref<10112x128xf32, #tpu.memory_space<hbm>>
          %dma_start3A_413 = tpu.memref_slice %arg9[%rem3A_399] : memref<5x!tpu.dma_semaphore, #tpu.memory_space<semaphore_mem>> -> memref<1x!tpu.dma_semaphore, #tpu.memory_space<semaphore_mem>>
          %dma_start3A_414 = tpu.memref_squeeze %dma_start3A_413 : memref<1x!tpu.dma_semaphore, #tpu.memory_space<semaphore_mem>> -> memref<!tpu.dma_semaphore, #tpu.memory_space<semaphore_mem>>
          tpu.enqueue_indirect_dma source(%dma_start3A_412 : memref<10112x128xf32, #tpu.memory_space<hbm>>) target(%dma_start3A_406 : memref<72x128xf32, #tpu.memory_space<vmem>>) offsets(%dma_start3A_409 : memref<72xi32, #tpu.memory_space<vmem>>) semaphore(%dma_start3A_414 : memref<!tpu.dma_semaphore, #tpu.memory_space<semaphore_mem>>)
        } else {
        }
      }
      %scan3A_307 = arith.constant 145 : i32
      %rem3A = arith.constant 144 : i32
      %rem3A_308 = arith.constant 5 : i32
      %rem3A_309 = arith.remsi %rem3A, %rem3A_308 : i32
      %dma_wait3A_310 = arith.constant 0 : i32
      %dma_wait3A_311 = arith.constant 0 : i32
      %dma_wait3A_312 = arith.constant 1 : i32
      %dma_wait3A_313 = arith.constant 0 : i32
      %dma_wait3A_314 = arith.constant 0 : i32
      %dma_wait3A_315 = tpu.memref_slice %arg7[%dma_wait3A_310, %dma_wait3A_313, %dma_wait3A_314] : memref<5x72x128xf32, #tpu.memory_space<vmem>> -> memref<1x72x128xf32, #tpu.memory_space<vmem>>
      %dma_wait3A_316 = tpu.memref_squeeze %dma_wait3A_315 : memref<1x72x128xf32, #tpu.memory_space<vmem>> -> memref<72x128xf32, #tpu.memory_space<vmem>>
      %dma_wait3A_317 = arith.constant 0 : i32
      %dma_wait3A_318 = tpu.memref_slice %arg6[%dma_wait3A_311, %dma_wait3A_312, %dma_wait3A_317] : memref<6x2x72xi32, #tpu.memory_space<vmem>> -> memref<1x1x72xi32, #tpu.memory_space<vmem>>
      %dma_wait3A_319 = tpu.memref_squeeze %dma_wait3A_318 : memref<1x1x72xi32, #tpu.memory_space<vmem>> -> memref<72xi32, #tpu.memory_space<vmem>>
      %dma_wait3A_320 = arith.constant 0 : i32
      %dma_wait3A_321 = arith.constant 0 : i32
      %dma_wait3A_322 = tpu.memref_slice %arg8[%dma_wait3A_320, %dma_wait3A_321] : memref<10112x128xf32, #tpu.memory_space<vmem_shared>> -> memref<10112x128xf32, #tpu.memory_space<vmem_shared>>
      %dma_wait3A_323 = tpu.memref_slice %arg10[%rem3A_309] : memref<5x!tpu.dma_semaphore, #tpu.memory_space<semaphore_mem>> -> memref<1x!tpu.dma_semaphore, #tpu.memory_space<semaphore_mem>>
      %dma_wait3A_324 = tpu.memref_squeeze %dma_wait3A_323 : memref<1x!tpu.dma_semaphore, #tpu.memory_space<semaphore_mem>> -> memref<!tpu.dma_semaphore, #tpu.memory_space<semaphore_mem>>
      tpu.wait_indirect_dma semaphore(%dma_wait3A_324 : memref<!tpu.dma_semaphore, #tpu.memory_space<semaphore_mem>>) src(%dma_wait3A_316 : memref<72x128xf32, #tpu.memory_space<vmem>>) dst(%dma_wait3A_322 : memref<10112x128xf32, #tpu.memory_space<vmem_shared>>)
    } else {
    }
    %eq3A_3 = arith.constant 1 : i32
    %eq3A_4 = arith.cmpi eq, %arg0, %eq3A_3 : i32
    %convert_element_type3A_5 = arith.extui %eq3A_4 : i1 to i32
    %cond3A_6 = arith.constant 0 : i32
    %cond3A_7 = arith.cmpi ne, %convert_element_type3A_5, %cond3A_6 : i32
    scf.if %cond3A_7 {
      %mul3A_9 = arith.constant 133 : i32
      %mul3A_10 = arith.muli %arg1, %mul3A_9 : i32
      %add3A = arith.constant 2320 : i32
      %add3A_11 = arith.addi %add3A, %mul3A_10 : i32
      %add3A_12 = arith.constant 0 : i32
      %add3A_13 = arith.addi %add3A_11, %add3A_12 : i32
      %dma_start3A = arith.constant 0 : i32
      %dma_start3A_14 = arith.constant 0 : i32
      %dma_start3A_15 = arith.constant 0 : i32
      %dma_start3A_16 = arith.constant 0 : i32
      %dma_start3A_17 = tpu.memref_slice %arg6[%dma_start3A, %dma_start3A_15, %dma_start3A_16] : memref<6x2x72xi32, #tpu.memory_space<vmem>> -> memref<1x2x72xi32, #tpu.memory_space<vmem>>
      %dma_start3A_18 = tpu.memref_squeeze %dma_start3A_17 : memref<1x2x72xi32, #tpu.memory_space<vmem>> -> memref<2x72xi32, #tpu.memory_space<vmem>>
      %dma_start3A_19 = arith.constant 0 : i32
      %dma_start3A_20 = arith.constant 0 : i32
      %dma_start3A_21 = tpu.memref_slice %arg3[%add3A_13, %dma_start3A_19, %dma_start3A_20] : memref<4448x2x72xi32, #tpu.memory_space<hbm>> -> memref<1x2x72xi32, #tpu.memory_space<hbm>>
      %dma_start3A_22 = tpu.memref_squeeze %dma_start3A_21 : memref<1x2x72xi32, #tpu.memory_space<hbm>> -> memref<2x72xi32, #tpu.memory_space<hbm>>
      %dma_start3A_23 = tpu.memref_slice %arg11[%dma_start3A_14] : memref<6x!tpu.dma_semaphore, #tpu.memory_space<semaphore_mem>> -> memref<1x!tpu.dma_semaphore, #tpu.memory_space<semaphore_mem>>
      %dma_start3A_24 = tpu.memref_squeeze %dma_start3A_23 : memref<1x!tpu.dma_semaphore, #tpu.memory_space<semaphore_mem>> -> memref<!tpu.dma_semaphore, #tpu.memory_space<semaphore_mem>>
      %dma_start3A_25 = arith.constant 0 : i32
      %dma_start3A_26 = arith.constant 0 : i32
      %dma_start3A_27 = tpu.memref_slice %arg6[%dma_start3A, %dma_start3A_25, %dma_start3A_26] : memref<6x2x72xi32, #tpu.memory_space<vmem>> -> memref<1x2x72xi32, #tpu.memory_space<vmem>>
      %dma_start3A_28 = tpu.memref_squeeze %dma_start3A_27 : memref<1x2x72xi32, #tpu.memory_space<vmem>> -> memref<2x72xi32, #tpu.memory_space<vmem>>
      %dma_start3A_29 = arith.constant 0 : i32
      %dma_start3A_30 = arith.constant 0 : i32
      %dma_start3A_31 = tpu.memref_slice %arg3[%add3A_13, %dma_start3A_29, %dma_start3A_30] : memref<4448x2x72xi32, #tpu.memory_space<hbm>> -> memref<1x2x72xi32, #tpu.memory_space<hbm>>
      %dma_start3A_32 = tpu.memref_squeeze %dma_start3A_31 : memref<1x2x72xi32, #tpu.memory_space<hbm>> -> memref<2x72xi32, #tpu.memory_space<hbm>>
      tpu.enqueue_dma source(%dma_start3A_32 : memref<2x72xi32, #tpu.memory_space<hbm>>) target(%dma_start3A_28 : memref<2x72xi32, #tpu.memory_space<vmem>>) target_semaphore(%dma_start3A_24 : memref<!tpu.dma_semaphore, #tpu.memory_space<semaphore_mem>>)
      %add3A_33 = arith.constant 1 : i32
      %add3A_34 = arith.addi %add3A_11, %add3A_33 : i32
      %dma_start3A_35 = arith.constant 1 : i32
      %dma_start3A_36 = arith.constant 1 : i32
      %dma_start3A_37 = arith.constant 0 : i32
      %dma_start3A_38 = arith.constant 0 : i32
      %dma_start3A_39 = tpu.memref_slice %arg6[%dma_start3A_35, %dma_start3A_37, %dma_start3A_38] : memref<6x2x72xi32, #tpu.memory_space<vmem>> -> memref<1x2x72xi32, #tpu.memory_space<vmem>>
      %dma_start3A_40 = tpu.memref_squeeze %dma_start3A_39 : memref<1x2x72xi32, #tpu.memory_space<vmem>> -> memref<2x72xi32, #tpu.memory_space<vmem>>
      %dma_start3A_41 = arith.constant 0 : i32
      %dma_start3A_42 = arith.constant 0 : i32
      %dma_start3A_43 = tpu.memref_slice %arg3[%add3A_34, %dma_start3A_41, %dma_start3A_42] : memref<4448x2x72xi32, #tpu.memory_space<hbm>> -> memref<1x2x72xi32, #tpu.memory_space<hbm>>
      %dma_start3A_44 = tpu.memref_squeeze %dma_start3A_43 : memref<1x2x72xi32, #tpu.memory_space<hbm>> -> memref<2x72xi32, #tpu.memory_space<hbm>>
      %dma_start3A_45 = tpu.memref_slice %arg11[%dma_start3A_36] : memref<6x!tpu.dma_semaphore, #tpu.memory_space<semaphore_mem>> -> memref<1x!tpu.dma_semaphore, #tpu.memory_space<semaphore_mem>>
      %dma_start3A_46 = tpu.memref_squeeze %dma_start3A_45 : memref<1x!tpu.dma_semaphore, #tpu.memory_space<semaphore_mem>> -> memref<!tpu.dma_semaphore, #tpu.memory_space<semaphore_mem>>
      %dma_start3A_47 = arith.constant 0 : i32
      %dma_start3A_48 = arith.constant 0 : i32
      %dma_start3A_49 = tpu.memref_slice %arg6[%dma_start3A_35, %dma_start3A_47, %dma_start3A_48] : memref<6x2x72xi32, #tpu.memory_space<vmem>> -> memref<1x2x72xi32, #tpu.memory_space<vmem>>
      %dma_start3A_50 = tpu.memref_squeeze %dma_start3A_49 : memref<1x2x72xi32, #tpu.memory_space<vmem>> -> memref<2x72xi32, #tpu.memory_space<vmem>>
      %dma_start3A_51 = arith.constant 0 : i32
      %dma_start3A_52 = arith.constant 0 : i32
      %dma_start3A_53 = tpu.memref_slice %arg3[%add3A_34, %dma_start3A_51, %dma_start3A_52] : memref<4448x2x72xi32, #tpu.memory_space<hbm>> -> memref<1x2x72xi32, #tpu.memory_space<hbm>>
      %dma_start3A_54 = tpu.memref_squeeze %dma_start3A_53 : memref<1x2x72xi32, #tpu.memory_space<hbm>> -> memref<2x72xi32, #tpu.memory_space<hbm>>
      tpu.enqueue_dma source(%dma_start3A_54 : memref<2x72xi32, #tpu.memory_space<hbm>>) target(%dma_start3A_50 : memref<2x72xi32, #tpu.memory_space<vmem>>) target_semaphore(%dma_start3A_46 : memref<!tpu.dma_semaphore, #tpu.memory_space<semaphore_mem>>)
      %add3A_55 = arith.constant 2 : i32
      %add3A_56 = arith.addi %add3A_11, %add3A_55 : i32
      %dma_start3A_57 = arith.constant 2 : i32
      %dma_start3A_58 = arith.constant 2 : i32
      %dma_start3A_59 = arith.constant 0 : i32
      %dma_start3A_60 = arith.constant 0 : i32
      %dma_start3A_61 = tpu.memref_slice %arg6[%dma_start3A_57, %dma_start3A_59, %dma_start3A_60] : memref<6x2x72xi32, #tpu.memory_space<vmem>> -> memref<1x2x72xi32, #tpu.memory_space<vmem>>
      %dma_start3A_62 = tpu.memref_squeeze %dma_start3A_61 : memref<1x2x72xi32, #tpu.memory_space<vmem>> -> memref<2x72xi32, #tpu.memory_space<vmem>>
      %dma_start3A_63 = arith.constant 0 : i32
      %dma_start3A_64 = arith.constant 0 : i32
      %dma_start3A_65 = tpu.memref_slice %arg3[%add3A_56, %dma_start3A_63, %dma_start3A_64] : memref<4448x2x72xi32, #tpu.memory_space<hbm>> -> memref<1x2x72xi32, #tpu.memory_space<hbm>>
      %dma_start3A_66 = tpu.memref_squeeze %dma_start3A_65 : memref<1x2x72xi32, #tpu.memory_space<hbm>> -> memref<2x72xi32, #tpu.memory_space<hbm>>
      %dma_start3A_67 = tpu.memref_slice %arg11[%dma_start3A_58] : memref<6x!tpu.dma_semaphore, #tpu.memory_space<semaphore_mem>> -> memref<1x!tpu.dma_semaphore, #tpu.memory_space<semaphore_mem>>
      %dma_start3A_68 = tpu.memref_squeeze %dma_start3A_67 : memref<1x!tpu.dma_semaphore, #tpu.memory_space<semaphore_mem>> -> memref<!tpu.dma_semaphore, #tpu.memory_space<semaphore_mem>>
      %dma_start3A_69 = arith.constant 0 : i32
      %dma_start3A_70 = arith.constant 0 : i32
      %dma_start3A_71 = tpu.memref_slice %arg6[%dma_start3A_57, %dma_start3A_69, %dma_start3A_70] : memref<6x2x72xi32, #tpu.memory_space<vmem>> -> memref<1x2x72xi32, #tpu.memory_space<vmem>>
      %dma_start3A_72 = tpu.memref_squeeze %dma_start3A_71 : memref<1x2x72xi32, #tpu.memory_space<vmem>> -> memref<2x72xi32, #tpu.memory_space<vmem>>
      %dma_start3A_73 = arith.constant 0 : i32
      %dma_start3A_74 = arith.constant 0 : i32
      %dma_start3A_75 = tpu.memref_slice %arg3[%add3A_56, %dma_start3A_73, %dma_start3A_74] : memref<4448x2x72xi32, #tpu.memory_space<hbm>> -> memref<1x2x72xi32, #tpu.memory_space<hbm>>
      %dma_start3A_76 = tpu.memref_squeeze %dma_start3A_75 : memref<1x2x72xi32, #tpu.memory_space<hbm>> -> memref<2x72xi32, #tpu.memory_space<hbm>>
      tpu.enqueue_dma source(%dma_start3A_76 : memref<2x72xi32, #tpu.memory_space<hbm>>) target(%dma_start3A_72 : memref<2x72xi32, #tpu.memory_space<vmem>>) target_semaphore(%dma_start3A_68 : memref<!tpu.dma_semaphore, #tpu.memory_space<semaphore_mem>>)
      %add3A_77 = arith.constant 3 : i32
      %add3A_78 = arith.addi %add3A_11, %add3A_77 : i32
      %dma_start3A_79 = arith.constant 3 : i32
      %dma_start3A_80 = arith.constant 3 : i32
      %dma_start3A_81 = arith.constant 0 : i32
      %dma_start3A_82 = arith.constant 0 : i32
      %dma_start3A_83 = tpu.memref_slice %arg6[%dma_start3A_79, %dma_start3A_81, %dma_start3A_82] : memref<6x2x72xi32, #tpu.memory_space<vmem>> -> memref<1x2x72xi32, #tpu.memory_space<vmem>>
      %dma_start3A_84 = tpu.memref_squeeze %dma_start3A_83 : memref<1x2x72xi32, #tpu.memory_space<vmem>> -> memref<2x72xi32, #tpu.memory_space<vmem>>
      %dma_start3A_85 = arith.constant 0 : i32
      %dma_start3A_86 = arith.constant 0 : i32
      %dma_start3A_87 = tpu.memref_slice %arg3[%add3A_78, %dma_start3A_85, %dma_start3A_86] : memref<4448x2x72xi32, #tpu.memory_space<hbm>> -> memref<1x2x72xi32, #tpu.memory_space<hbm>>
      %dma_start3A_88 = tpu.memref_squeeze %dma_start3A_87 : memref<1x2x72xi32, #tpu.memory_space<hbm>> -> memref<2x72xi32, #tpu.memory_space<hbm>>
      %dma_start3A_89 = tpu.memref_slice %arg11[%dma_start3A_80] : memref<6x!tpu.dma_semaphore, #tpu.memory_space<semaphore_mem>> -> memref<1x!tpu.dma_semaphore, #tpu.memory_space<semaphore_mem>>
      %dma_start3A_90 = tpu.memref_squeeze %dma_start3A_89 : memref<1x!tpu.dma_semaphore, #tpu.memory_space<semaphore_mem>> -> memref<!tpu.dma_semaphore, #tpu.memory_space<semaphore_mem>>
      %dma_start3A_91 = arith.constant 0 : i32
      %dma_start3A_92 = arith.constant 0 : i32
      %dma_start3A_93 = tpu.memref_slice %arg6[%dma_start3A_79, %dma_start3A_91, %dma_start3A_92] : memref<6x2x72xi32, #tpu.memory_space<vmem>> -> memref<1x2x72xi32, #tpu.memory_space<vmem>>
      %dma_start3A_94 = tpu.memref_squeeze %dma_start3A_93 : memref<1x2x72xi32, #tpu.memory_space<vmem>> -> memref<2x72xi32, #tpu.memory_space<vmem>>
      %dma_start3A_95 = arith.constant 0 : i32
      %dma_start3A_96 = arith.constant 0 : i32
      %dma_start3A_97 = tpu.memref_slice %arg3[%add3A_78, %dma_start3A_95, %dma_start3A_96] : memref<4448x2x72xi32, #tpu.memory_space<hbm>> -> memref<1x2x72xi32, #tpu.memory_space<hbm>>
      %dma_start3A_98 = tpu.memref_squeeze %dma_start3A_97 : memref<1x2x72xi32, #tpu.memory_space<hbm>> -> memref<2x72xi32, #tpu.memory_space<hbm>>
      tpu.enqueue_dma source(%dma_start3A_98 : memref<2x72xi32, #tpu.memory_space<hbm>>) target(%dma_start3A_94 : memref<2x72xi32, #tpu.memory_space<vmem>>) target_semaphore(%dma_start3A_90 : memref<!tpu.dma_semaphore, #tpu.memory_space<semaphore_mem>>)
      %add3A_99 = arith.constant 4 : i32
      %add3A_100 = arith.addi %add3A_11, %add3A_99 : i32
      %dma_start3A_101 = arith.constant 4 : i32
      %dma_start3A_102 = arith.constant 4 : i32
      %dma_start3A_103 = arith.constant 0 : i32
      %dma_start3A_104 = arith.constant 0 : i32
      %dma_start3A_105 = tpu.memref_slice %arg6[%dma_start3A_101, %dma_start3A_103, %dma_start3A_104] : memref<6x2x72xi32, #tpu.memory_space<vmem>> -> memref<1x2x72xi32, #tpu.memory_space<vmem>>
      %dma_start3A_106 = tpu.memref_squeeze %dma_start3A_105 : memref<1x2x72xi32, #tpu.memory_space<vmem>> -> memref<2x72xi32, #tpu.memory_space<vmem>>
      %dma_start3A_107 = arith.constant 0 : i32
      %dma_start3A_108 = arith.constant 0 : i32
      %dma_start3A_109 = tpu.memref_slice %arg3[%add3A_100, %dma_start3A_107, %dma_start3A_108] : memref<4448x2x72xi32, #tpu.memory_space<hbm>> -> memref<1x2x72xi32, #tpu.memory_space<hbm>>
      %dma_start3A_110 = tpu.memref_squeeze %dma_start3A_109 : memref<1x2x72xi32, #tpu.memory_space<hbm>> -> memref<2x72xi32, #tpu.memory_space<hbm>>
      %dma_start3A_111 = tpu.memref_slice %arg11[%dma_start3A_102] : memref<6x!tpu.dma_semaphore, #tpu.memory_space<semaphore_mem>> -> memref<1x!tpu.dma_semaphore, #tpu.memory_space<semaphore_mem>>
      %dma_start3A_112 = tpu.memref_squeeze %dma_start3A_111 : memref<1x!tpu.dma_semaphore, #tpu.memory_space<semaphore_mem>> -> memref<!tpu.dma_semaphore, #tpu.memory_space<semaphore_mem>>
      %dma_start3A_113 = arith.constant 0 : i32
      %dma_start3A_114 = arith.constant 0 : i32
      %dma_start3A_115 = tpu.memref_slice %arg6[%dma_start3A_101, %dma_start3A_113, %dma_start3A_114] : memref<6x2x72xi32, #tpu.memory_space<vmem>> -> memref<1x2x72xi32, #tpu.memory_space<vmem>>
      %dma_start3A_116 = tpu.memref_squeeze %dma_start3A_115 : memref<1x2x72xi32, #tpu.memory_space<vmem>> -> memref<2x72xi32, #tpu.memory_space<vmem>>
      %dma_start3A_117 = arith.constant 0 : i32
      %dma_start3A_118 = arith.constant 0 : i32
      %dma_start3A_119 = tpu.memref_slice %arg3[%add3A_100, %dma_start3A_117, %dma_start3A_118] : memref<4448x2x72xi32, #tpu.memory_space<hbm>> -> memref<1x2x72xi32, #tpu.memory_space<hbm>>
      %dma_start3A_120 = tpu.memref_squeeze %dma_start3A_119 : memref<1x2x72xi32, #tpu.memory_space<hbm>> -> memref<2x72xi32, #tpu.memory_space<hbm>>
      tpu.enqueue_dma source(%dma_start3A_120 : memref<2x72xi32, #tpu.memory_space<hbm>>) target(%dma_start3A_116 : memref<2x72xi32, #tpu.memory_space<vmem>>) target_semaphore(%dma_start3A_112 : memref<!tpu.dma_semaphore, #tpu.memory_space<semaphore_mem>>)
      %dma_wait3A = arith.constant 0 : i32
      %dma_wait3A_121 = arith.constant 0 : i32
      %dma_wait3A_122 = arith.constant 0 : i32
      %dma_wait3A_123 = arith.constant 0 : i32
      %dma_wait3A_124 = arith.constant 0 : i32
      %dma_wait3A_125 = tpu.memref_slice %arg6[%dma_wait3A_121, %dma_wait3A_123, %dma_wait3A_124] : memref<6x2x72xi32, #tpu.memory_space<vmem>> -> memref<1x2x72xi32, #tpu.memory_space<vmem>>
      %dma_wait3A_126 = tpu.memref_squeeze %dma_wait3A_125 : memref<1x2x72xi32, #tpu.memory_space<vmem>> -> memref<2x72xi32, #tpu.memory_space<vmem>>
      %dma_wait3A_127 = arith.constant 0 : i32
      %dma_wait3A_128 = arith.constant 0 : i32
      %dma_wait3A_129 = tpu.memref_slice %arg3[%dma_wait3A, %dma_wait3A_127, %dma_wait3A_128] : memref<4448x2x72xi32, #tpu.memory_space<hbm>> -> memref<1x2x72xi32, #tpu.memory_space<hbm>>
      %dma_wait3A_130 = tpu.memref_squeeze %dma_wait3A_129 : memref<1x2x72xi32, #tpu.memory_space<hbm>> -> memref<2x72xi32, #tpu.memory_space<hbm>>
      %dma_wait3A_131 = tpu.memref_slice %arg11[%dma_wait3A_122] : memref<6x!tpu.dma_semaphore, #tpu.memory_space<semaphore_mem>> -> memref<1x!tpu.dma_semaphore, #tpu.memory_space<semaphore_mem>>
      %dma_wait3A_132 = tpu.memref_squeeze %dma_wait3A_131 : memref<1x!tpu.dma_semaphore, #tpu.memory_space<semaphore_mem>> -> memref<!tpu.dma_semaphore, #tpu.memory_space<semaphore_mem>>
      %dma_wait3A_133 = arith.constant 0 : i32
      %dma_wait3A_134 = arith.constant 0 : i32
      %dma_wait3A_135 = tpu.memref_slice %arg6[%dma_wait3A_121, %dma_wait3A_133, %dma_wait3A_134] : memref<6x2x72xi32, #tpu.memory_space<vmem>> -> memref<1x2x72xi32, #tpu.memory_space<vmem>>
      %dma_wait3A_136 = tpu.memref_squeeze %dma_wait3A_135 : memref<1x2x72xi32, #tpu.memory_space<vmem>> -> memref<2x72xi32, #tpu.memory_space<vmem>>
      %dma_wait3A_137 = arith.constant 0 : i32
      %dma_wait3A_138 = arith.constant 0 : i32
      %dma_wait3A_139 = tpu.memref_slice %arg3[%dma_wait3A, %dma_wait3A_137, %dma_wait3A_138] : memref<4448x2x72xi32, #tpu.memory_space<hbm>> -> memref<1x2x72xi32, #tpu.memory_space<hbm>>
      %dma_wait3A_140 = tpu.memref_squeeze %dma_wait3A_139 : memref<1x2x72xi32, #tpu.memory_space<hbm>> -> memref<2x72xi32, #tpu.memory_space<hbm>>
      tpu.wait_dma2 semaphore(%dma_wait3A_132 : memref<!tpu.dma_semaphore, #tpu.memory_space<semaphore_mem>>) src(%dma_wait3A_140 : memref<2x72xi32, #tpu.memory_space<hbm>>) dst(%dma_wait3A_136 : memref<2x72xi32, #tpu.memory_space<vmem>>)
      %dma_start3A_141 = arith.constant 0 : i32
      %dma_start3A_142 = arith.constant 0 : i32
      %dma_start3A_143 = arith.constant 0 : i32
      %dma_start3A_144 = arith.constant 0 : i32
      %dma_start3A_145 = arith.constant 0 : i32
      %dma_start3A_146 = arith.constant 0 : i32
      %dma_start3A_147 = tpu.memref_slice %arg7[%dma_start3A_143, %dma_start3A_145, %dma_start3A_146] : memref<5x72x128xf32, #tpu.memory_space<vmem>> -> memref<1x72x128xf32, #tpu.memory_space<vmem>>
      %dma_start3A_148 = tpu.memref_squeeze %dma_start3A_147 : memref<1x72x128xf32, #tpu.memory_space<vmem>> -> memref<72x128xf32, #tpu.memory_space<vmem>>
      %dma_start3A_149 = arith.constant 0 : i32
      %dma_start3A_150 = tpu.memref_slice %arg6[%dma_start3A_141, %dma_start3A_142, %dma_start3A_149] : memref<6x2x72xi32, #tpu.memory_space<vmem>> -> memref<1x1x72xi32, #tpu.memory_space<vmem>>
      %dma_start3A_151 = tpu.memref_squeeze %dma_start3A_150 : memref<1x1x72xi32, #tpu.memory_space<vmem>> -> memref<72xi32, #tpu.memory_space<vmem>>
      %dma_start3A_152 = arith.constant 0 : i32
      %dma_start3A_153 = arith.constant 0 : i32
      %dma_start3A_154 = tpu.memref_slice %arg2[%dma_start3A_152, %dma_start3A_153] : memref<10112x128xf32, #tpu.memory_space<hbm>> -> memref<10112x128xf32, #tpu.memory_space<hbm>>
      %dma_start3A_155 = tpu.memref_slice %arg9[%dma_start3A_144] : memref<5x!tpu.dma_semaphore, #tpu.memory_space<semaphore_mem>> -> memref<1x!tpu.dma_semaphore, #tpu.memory_space<semaphore_mem>>
      %dma_start3A_156 = tpu.memref_squeeze %dma_start3A_155 : memref<1x!tpu.dma_semaphore, #tpu.memory_space<semaphore_mem>> -> memref<!tpu.dma_semaphore, #tpu.memory_space<semaphore_mem>>
      tpu.enqueue_indirect_dma source(%dma_start3A_154 : memref<10112x128xf32, #tpu.memory_space<hbm>>) target(%dma_start3A_148 : memref<72x128xf32, #tpu.memory_space<vmem>>) offsets(%dma_start3A_151 : memref<72xi32, #tpu.memory_space<vmem>>) semaphore(%dma_start3A_156 : memref<!tpu.dma_semaphore, #tpu.memory_space<semaphore_mem>>)
      %dma_wait3A_157 = arith.constant 0 : i32
      %dma_wait3A_158 = arith.constant 1 : i32
      %dma_wait3A_159 = arith.constant 1 : i32
      %dma_wait3A_160 = arith.constant 0 : i32
      %dma_wait3A_161 = arith.constant 0 : i32
      %dma_wait3A_162 = tpu.memref_slice %arg6[%dma_wait3A_158, %dma_wait3A_160, %dma_wait3A_161] : memref<6x2x72xi32, #tpu.memory_space<vmem>> -> memref<1x2x72xi32, #tpu.memory_space<vmem>>
      %dma_wait3A_163 = tpu.memref_squeeze %dma_wait3A_162 : memref<1x2x72xi32, #tpu.memory_space<vmem>> -> memref<2x72xi32, #tpu.memory_space<vmem>>
      %dma_wait3A_164 = arith.constant 0 : i32
      %dma_wait3A_165 = arith.constant 0 : i32
      %dma_wait3A_166 = tpu.memref_slice %arg3[%dma_wait3A_157, %dma_wait3A_164, %dma_wait3A_165] : memref<4448x2x72xi32, #tpu.memory_space<hbm>> -> memref<1x2x72xi32, #tpu.memory_space<hbm>>
      %dma_wait3A_167 = tpu.memref_squeeze %dma_wait3A_166 : memref<1x2x72xi32, #tpu.memory_space<hbm>> -> memref<2x72xi32, #tpu.memory_space<hbm>>
      %dma_wait3A_168 = tpu.memref_slice %arg11[%dma_wait3A_159] : memref<6x!tpu.dma_semaphore, #tpu.memory_space<semaphore_mem>> -> memref<1x!tpu.dma_semaphore, #tpu.memory_space<semaphore_mem>>
      %dma_wait3A_169 = tpu.memref_squeeze %dma_wait3A_168 : memref<1x!tpu.dma_semaphore, #tpu.memory_space<semaphore_mem>> -> memref<!tpu.dma_semaphore, #tpu.memory_space<semaphore_mem>>
      %dma_wait3A_170 = arith.constant 0 : i32
      %dma_wait3A_171 = arith.constant 0 : i32
      %dma_wait3A_172 = tpu.memref_slice %arg6[%dma_wait3A_158, %dma_wait3A_170, %dma_wait3A_171] : memref<6x2x72xi32, #tpu.memory_space<vmem>> -> memref<1x2x72xi32, #tpu.memory_space<vmem>>
      %dma_wait3A_173 = tpu.memref_squeeze %dma_wait3A_172 : memref<1x2x72xi32, #tpu.memory_space<vmem>> -> memref<2x72xi32, #tpu.memory_space<vmem>>
      %dma_wait3A_174 = arith.constant 0 : i32
      %dma_wait3A_175 = arith.constant 0 : i32
      %dma_wait3A_176 = tpu.memref_slice %arg3[%dma_wait3A_157, %dma_wait3A_174, %dma_wait3A_175] : memref<4448x2x72xi32, #tpu.memory_space<hbm>> -> memref<1x2x72xi32, #tpu.memory_space<hbm>>
      %dma_wait3A_177 = tpu.memref_squeeze %dma_wait3A_176 : memref<1x2x72xi32, #tpu.memory_space<hbm>> -> memref<2x72xi32, #tpu.memory_space<hbm>>
      tpu.wait_dma2 semaphore(%dma_wait3A_169 : memref<!tpu.dma_semaphore, #tpu.memory_space<semaphore_mem>>) src(%dma_wait3A_177 : memref<2x72xi32, #tpu.memory_space<hbm>>) dst(%dma_wait3A_173 : memref<2x72xi32, #tpu.memory_space<vmem>>)
      %dma_start3A_178 = arith.constant 1 : i32
      %dma_start3A_179 = arith.constant 0 : i32
      %dma_start3A_180 = arith.constant 1 : i32
      %dma_start3A_181 = arith.constant 1 : i32
      %dma_start3A_182 = arith.constant 0 : i32
      %dma_start3A_183 = arith.constant 0 : i32
      %dma_start3A_184 = tpu.memref_slice %arg7[%dma_start3A_180, %dma_start3A_182, %dma_start3A_183] : memref<5x72x128xf32, #tpu.memory_space<vmem>> -> memref<1x72x128xf32, #tpu.memory_space<vmem>>
      %dma_start3A_185 = tpu.memref_squeeze %dma_start3A_184 : memref<1x72x128xf32, #tpu.memory_space<vmem>> -> memref<72x128xf32, #tpu.memory_space<vmem>>
      %dma_start3A_186 = arith.constant 0 : i32
      %dma_start3A_187 = tpu.memref_slice %arg6[%dma_start3A_178, %dma_start3A_179, %dma_start3A_186] : memref<6x2x72xi32, #tpu.memory_space<vmem>> -> memref<1x1x72xi32, #tpu.memory_space<vmem>>
      %dma_start3A_188 = tpu.memref_squeeze %dma_start3A_187 : memref<1x1x72xi32, #tpu.memory_space<vmem>> -> memref<72xi32, #tpu.memory_space<vmem>>
      %dma_start3A_189 = arith.constant 0 : i32
      %dma_start3A_190 = arith.constant 0 : i32
      %dma_start3A_191 = tpu.memref_slice %arg2[%dma_start3A_189, %dma_start3A_190] : memref<10112x128xf32, #tpu.memory_space<hbm>> -> memref<10112x128xf32, #tpu.memory_space<hbm>>
      %dma_start3A_192 = tpu.memref_slice %arg9[%dma_start3A_181] : memref<5x!tpu.dma_semaphore, #tpu.memory_space<semaphore_mem>> -> memref<1x!tpu.dma_semaphore, #tpu.memory_space<semaphore_mem>>
      %dma_start3A_193 = tpu.memref_squeeze %dma_start3A_192 : memref<1x!tpu.dma_semaphore, #tpu.memory_space<semaphore_mem>> -> memref<!tpu.dma_semaphore, #tpu.memory_space<semaphore_mem>>
      tpu.enqueue_indirect_dma source(%dma_start3A_191 : memref<10112x128xf32, #tpu.memory_space<hbm>>) target(%dma_start3A_185 : memref<72x128xf32, #tpu.memory_space<vmem>>) offsets(%dma_start3A_188 : memref<72xi32, #tpu.memory_space<vmem>>) semaphore(%dma_start3A_193 : memref<!tpu.dma_semaphore, #tpu.memory_space<semaphore_mem>>)
      %dma_wait3A_194 = arith.constant 0 : i32
      %dma_wait3A_195 = arith.constant 2 : i32
      %dma_wait3A_196 = arith.constant 2 : i32
      %dma_wait3A_197 = arith.constant 0 : i32
      %dma_wait3A_198 = arith.constant 0 : i32
      %dma_wait3A_199 = tpu.memref_slice %arg6[%dma_wait3A_195, %dma_wait3A_197, %dma_wait3A_198] : memref<6x2x72xi32, #tpu.memory_space<vmem>> -> memref<1x2x72xi32, #tpu.memory_space<vmem>>
      %dma_wait3A_200 = tpu.memref_squeeze %dma_wait3A_199 : memref<1x2x72xi32, #tpu.memory_space<vmem>> -> memref<2x72xi32, #tpu.memory_space<vmem>>
      %dma_wait3A_201 = arith.constant 0 : i32
      %dma_wait3A_202 = arith.constant 0 : i32
      %dma_wait3A_203 = tpu.memref_slice %arg3[%dma_wait3A_194, %dma_wait3A_201, %dma_wait3A_202] : memref<4448x2x72xi32, #tpu.memory_space<hbm>> -> memref<1x2x72xi32, #tpu.memory_space<hbm>>
      %dma_wait3A_204 = tpu.memref_squeeze %dma_wait3A_203 : memref<1x2x72xi32, #tpu.memory_space<hbm>> -> memref<2x72xi32, #tpu.memory_space<hbm>>
      %dma_wait3A_205 = tpu.memref_slice %arg11[%dma_wait3A_196] : memref<6x!tpu.dma_semaphore, #tpu.memory_space<semaphore_mem>> -> memref<1x!tpu.dma_semaphore, #tpu.memory_space<semaphore_mem>>
      %dma_wait3A_206 = tpu.memref_squeeze %dma_wait3A_205 : memref<1x!tpu.dma_semaphore, #tpu.memory_space<semaphore_mem>> -> memref<!tpu.dma_semaphore, #tpu.memory_space<semaphore_mem>>
      %dma_wait3A_207 = arith.constant 0 : i32
      %dma_wait3A_208 = arith.constant 0 : i32
      %dma_wait3A_209 = tpu.memref_slice %arg6[%dma_wait3A_195, %dma_wait3A_207, %dma_wait3A_208] : memref<6x2x72xi32, #tpu.memory_space<vmem>> -> memref<1x2x72xi32, #tpu.memory_space<vmem>>
      %dma_wait3A_210 = tpu.memref_squeeze %dma_wait3A_209 : memref<1x2x72xi32, #tpu.memory_space<vmem>> -> memref<2x72xi32, #tpu.memory_space<vmem>>
      %dma_wait3A_211 = arith.constant 0 : i32
      %dma_wait3A_212 = arith.constant 0 : i32
      %dma_wait3A_213 = tpu.memref_slice %arg3[%dma_wait3A_194, %dma_wait3A_211, %dma_wait3A_212] : memref<4448x2x72xi32, #tpu.memory_space<hbm>> -> memref<1x2x72xi32, #tpu.memory_space<hbm>>
      %dma_wait3A_214 = tpu.memref_squeeze %dma_wait3A_213 : memref<1x2x72xi32, #tpu.memory_space<hbm>> -> memref<2x72xi32, #tpu.memory_space<hbm>>
      tpu.wait_dma2 semaphore(%dma_wait3A_206 : memref<!tpu.dma_semaphore, #tpu.memory_space<semaphore_mem>>) src(%dma_wait3A_214 : memref<2x72xi32, #tpu.memory_space<hbm>>) dst(%dma_wait3A_210 : memref<2x72xi32, #tpu.memory_space<vmem>>)
      %dma_start3A_215 = arith.constant 2 : i32
      %dma_start3A_216 = arith.constant 0 : i32
      %dma_start3A_217 = arith.constant 2 : i32
      %dma_start3A_218 = arith.constant 2 : i32
      %dma_start3A_219 = arith.constant 0 : i32
      %dma_start3A_220 = arith.constant 0 : i32
      %dma_start3A_221 = tpu.memref_slice %arg7[%dma_start3A_217, %dma_start3A_219, %dma_start3A_220] : memref<5x72x128xf32, #tpu.memory_space<vmem>> -> memref<1x72x128xf32, #tpu.memory_space<vmem>>
      %dma_start3A_222 = tpu.memref_squeeze %dma_start3A_221 : memref<1x72x128xf32, #tpu.memory_space<vmem>> -> memref<72x128xf32, #tpu.memory_space<vmem>>
      %dma_start3A_223 = arith.constant 0 : i32
      %dma_start3A_224 = tpu.memref_slice %arg6[%dma_start3A_215, %dma_start3A_216, %dma_start3A_223] : memref<6x2x72xi32, #tpu.memory_space<vmem>> -> memref<1x1x72xi32, #tpu.memory_space<vmem>>
      %dma_start3A_225 = tpu.memref_squeeze %dma_start3A_224 : memref<1x1x72xi32, #tpu.memory_space<vmem>> -> memref<72xi32, #tpu.memory_space<vmem>>
      %dma_start3A_226 = arith.constant 0 : i32
      %dma_start3A_227 = arith.constant 0 : i32
      %dma_start3A_228 = tpu.memref_slice %arg2[%dma_start3A_226, %dma_start3A_227] : memref<10112x128xf32, #tpu.memory_space<hbm>> -> memref<10112x128xf32, #tpu.memory_space<hbm>>
      %dma_start3A_229 = tpu.memref_slice %arg9[%dma_start3A_218] : memref<5x!tpu.dma_semaphore, #tpu.memory_space<semaphore_mem>> -> memref<1x!tpu.dma_semaphore, #tpu.memory_space<semaphore_mem>>
      %dma_start3A_230 = tpu.memref_squeeze %dma_start3A_229 : memref<1x!tpu.dma_semaphore, #tpu.memory_space<semaphore_mem>> -> memref<!tpu.dma_semaphore, #tpu.memory_space<semaphore_mem>>
      tpu.enqueue_indirect_dma source(%dma_start3A_228 : memref<10112x128xf32, #tpu.memory_space<hbm>>) target(%dma_start3A_222 : memref<72x128xf32, #tpu.memory_space<vmem>>) offsets(%dma_start3A_225 : memref<72xi32, #tpu.memory_space<vmem>>) semaphore(%dma_start3A_230 : memref<!tpu.dma_semaphore, #tpu.memory_space<semaphore_mem>>)
      %dma_wait3A_231 = arith.constant 0 : i32
      %dma_wait3A_232 = arith.constant 3 : i32
      %dma_wait3A_233 = arith.constant 3 : i32
      %dma_wait3A_234 = arith.constant 0 : i32
      %dma_wait3A_235 = arith.constant 0 : i32
      %dma_wait3A_236 = tpu.memref_slice %arg6[%dma_wait3A_232, %dma_wait3A_234, %dma_wait3A_235] : memref<6x2x72xi32, #tpu.memory_space<vmem>> -> memref<1x2x72xi32, #tpu.memory_space<vmem>>
      %dma_wait3A_237 = tpu.memref_squeeze %dma_wait3A_236 : memref<1x2x72xi32, #tpu.memory_space<vmem>> -> memref<2x72xi32, #tpu.memory_space<vmem>>
      %dma_wait3A_238 = arith.constant 0 : i32
      %dma_wait3A_239 = arith.constant 0 : i32
      %dma_wait3A_240 = tpu.memref_slice %arg3[%dma_wait3A_231, %dma_wait3A_238, %dma_wait3A_239] : memref<4448x2x72xi32, #tpu.memory_space<hbm>> -> memref<1x2x72xi32, #tpu.memory_space<hbm>>
      %dma_wait3A_241 = tpu.memref_squeeze %dma_wait3A_240 : memref<1x2x72xi32, #tpu.memory_space<hbm>> -> memref<2x72xi32, #tpu.memory_space<hbm>>
      %dma_wait3A_242 = tpu.memref_slice %arg11[%dma_wait3A_233] : memref<6x!tpu.dma_semaphore, #tpu.memory_space<semaphore_mem>> -> memref<1x!tpu.dma_semaphore, #tpu.memory_space<semaphore_mem>>
      %dma_wait3A_243 = tpu.memref_squeeze %dma_wait3A_242 : memref<1x!tpu.dma_semaphore, #tpu.memory_space<semaphore_mem>> -> memref<!tpu.dma_semaphore, #tpu.memory_space<semaphore_mem>>
      %dma_wait3A_244 = arith.constant 0 : i32
      %dma_wait3A_245 = arith.constant 0 : i32
      %dma_wait3A_246 = tpu.memref_slice %arg6[%dma_wait3A_232, %dma_wait3A_244, %dma_wait3A_245] : memref<6x2x72xi32, #tpu.memory_space<vmem>> -> memref<1x2x72xi32, #tpu.memory_space<vmem>>
      %dma_wait3A_247 = tpu.memref_squeeze %dma_wait3A_246 : memref<1x2x72xi32, #tpu.memory_space<vmem>> -> memref<2x72xi32, #tpu.memory_space<vmem>>
      %dma_wait3A_248 = arith.constant 0 : i32
      %dma_wait3A_249 = arith.constant 0 : i32
      %dma_wait3A_250 = tpu.memref_slice %arg3[%dma_wait3A_231, %dma_wait3A_248, %dma_wait3A_249] : memref<4448x2x72xi32, #tpu.memory_space<hbm>> -> memref<1x2x72xi32, #tpu.memory_space<hbm>>
      %dma_wait3A_251 = tpu.memref_squeeze %dma_wait3A_250 : memref<1x2x72xi32, #tpu.memory_space<hbm>> -> memref<2x72xi32, #tpu.memory_space<hbm>>
      tpu.wait_dma2 semaphore(%dma_wait3A_243 : memref<!tpu.dma_semaphore, #tpu.memory_space<semaphore_mem>>) src(%dma_wait3A_251 : memref<2x72xi32, #tpu.memory_space<hbm>>) dst(%dma_wait3A_247 : memref<2x72xi32, #tpu.memory_space<vmem>>)
      %dma_start3A_252 = arith.constant 3 : i32
      %dma_start3A_253 = arith.constant 0 : i32
      %dma_start3A_254 = arith.constant 3 : i32
      %dma_start3A_255 = arith.constant 3 : i32
      %dma_start3A_256 = arith.constant 0 : i32
      %dma_start3A_257 = arith.constant 0 : i32
      %dma_start3A_258 = tpu.memref_slice %arg7[%dma_start3A_254, %dma_start3A_256, %dma_start3A_257] : memref<5x72x128xf32, #tpu.memory_space<vmem>> -> memref<1x72x128xf32, #tpu.memory_space<vmem>>
      %dma_start3A_259 = tpu.memref_squeeze %dma_start3A_258 : memref<1x72x128xf32, #tpu.memory_space<vmem>> -> memref<72x128xf32, #tpu.memory_space<vmem>>
      %dma_start3A_260 = arith.constant 0 : i32
      %dma_start3A_261 = tpu.memref_slice %arg6[%dma_start3A_252, %dma_start3A_253, %dma_start3A_260] : memref<6x2x72xi32, #tpu.memory_space<vmem>> -> memref<1x1x72xi32, #tpu.memory_space<vmem>>
      %dma_start3A_262 = tpu.memref_squeeze %dma_start3A_261 : memref<1x1x72xi32, #tpu.memory_space<vmem>> -> memref<72xi32, #tpu.memory_space<vmem>>
      %dma_start3A_263 = arith.constant 0 : i32
      %dma_start3A_264 = arith.constant 0 : i32
      %dma_start3A_265 = tpu.memref_slice %arg2[%dma_start3A_263, %dma_start3A_264] : memref<10112x128xf32, #tpu.memory_space<hbm>> -> memref<10112x128xf32, #tpu.memory_space<hbm>>
      %dma_start3A_266 = tpu.memref_slice %arg9[%dma_start3A_255] : memref<5x!tpu.dma_semaphore, #tpu.memory_space<semaphore_mem>> -> memref<1x!tpu.dma_semaphore, #tpu.memory_space<semaphore_mem>>
      %dma_start3A_267 = tpu.memref_squeeze %dma_start3A_266 : memref<1x!tpu.dma_semaphore, #tpu.memory_space<semaphore_mem>> -> memref<!tpu.dma_semaphore, #tpu.memory_space<semaphore_mem>>
      tpu.enqueue_indirect_dma source(%dma_start3A_265 : memref<10112x128xf32, #tpu.memory_space<hbm>>) target(%dma_start3A_259 : memref<72x128xf32, #tpu.memory_space<vmem>>) offsets(%dma_start3A_262 : memref<72xi32, #tpu.memory_space<vmem>>) semaphore(%dma_start3A_267 : memref<!tpu.dma_semaphore, #tpu.memory_space<semaphore_mem>>)
      %dma_wait3A_268 = arith.constant 0 : i32
      %dma_wait3A_269 = arith.constant 4 : i32
      %dma_wait3A_270 = arith.constant 4 : i32
      %dma_wait3A_271 = arith.constant 0 : i32
      %dma_wait3A_272 = arith.constant 0 : i32
      %dma_wait3A_273 = tpu.memref_slice %arg6[%dma_wait3A_269, %dma_wait3A_271, %dma_wait3A_272] : memref<6x2x72xi32, #tpu.memory_space<vmem>> -> memref<1x2x72xi32, #tpu.memory_space<vmem>>
      %dma_wait3A_274 = tpu.memref_squeeze %dma_wait3A_273 : memref<1x2x72xi32, #tpu.memory_space<vmem>> -> memref<2x72xi32, #tpu.memory_space<vmem>>
      %dma_wait3A_275 = arith.constant 0 : i32
      %dma_wait3A_276 = arith.constant 0 : i32
      %dma_wait3A_277 = tpu.memref_slice %arg3[%dma_wait3A_268, %dma_wait3A_275, %dma_wait3A_276] : memref<4448x2x72xi32, #tpu.memory_space<hbm>> -> memref<1x2x72xi32, #tpu.memory_space<hbm>>
      %dma_wait3A_278 = tpu.memref_squeeze %dma_wait3A_277 : memref<1x2x72xi32, #tpu.memory_space<hbm>> -> memref<2x72xi32, #tpu.memory_space<hbm>>
      %dma_wait3A_279 = tpu.memref_slice %arg11[%dma_wait3A_270] : memref<6x!tpu.dma_semaphore, #tpu.memory_space<semaphore_mem>> -> memref<1x!tpu.dma_semaphore, #tpu.memory_space<semaphore_mem>>
      %dma_wait3A_280 = tpu.memref_squeeze %dma_wait3A_279 : memref<1x!tpu.dma_semaphore, #tpu.memory_space<semaphore_mem>> -> memref<!tpu.dma_semaphore, #tpu.memory_space<semaphore_mem>>
      %dma_wait3A_281 = arith.constant 0 : i32
      %dma_wait3A_282 = arith.constant 0 : i32
      %dma_wait3A_283 = tpu.memref_slice %arg6[%dma_wait3A_269, %dma_wait3A_281, %dma_wait3A_282] : memref<6x2x72xi32, #tpu.memory_space<vmem>> -> memref<1x2x72xi32, #tpu.memory_space<vmem>>
      %dma_wait3A_284 = tpu.memref_squeeze %dma_wait3A_283 : memref<1x2x72xi32, #tpu.memory_space<vmem>> -> memref<2x72xi32, #tpu.memory_space<vmem>>
      %dma_wait3A_285 = arith.constant 0 : i32
      %dma_wait3A_286 = arith.constant 0 : i32
      %dma_wait3A_287 = tpu.memref_slice %arg3[%dma_wait3A_268, %dma_wait3A_285, %dma_wait3A_286] : memref<4448x2x72xi32, #tpu.memory_space<hbm>> -> memref<1x2x72xi32, #tpu.memory_space<hbm>>
      %dma_wait3A_288 = tpu.memref_squeeze %dma_wait3A_287 : memref<1x2x72xi32, #tpu.memory_space<hbm>> -> memref<2x72xi32, #tpu.memory_space<hbm>>
      tpu.wait_dma2 semaphore(%dma_wait3A_280 : memref<!tpu.dma_semaphore, #tpu.memory_space<semaphore_mem>>) src(%dma_wait3A_288 : memref<2x72xi32, #tpu.memory_space<hbm>>) dst(%dma_wait3A_284 : memref<2x72xi32, #tpu.memory_space<vmem>>)
      %dma_start3A_289 = arith.constant 4 : i32
      %dma_start3A_290 = arith.constant 0 : i32
      %dma_start3A_291 = arith.constant 4 : i32
      %dma_start3A_292 = arith.constant 4 : i32
      %dma_start3A_293 = arith.constant 0 : i32
      %dma_start3A_294 = arith.constant 0 : i32
      %dma_start3A_295 = tpu.memref_slice %arg7[%dma_start3A_291, %dma_start3A_293, %dma_start3A_294] : memref<5x72x128xf32, #tpu.memory_space<vmem>> -> memref<1x72x128xf32, #tpu.memory_space<vmem>>
      %dma_start3A_296 = tpu.memref_squeeze %dma_start3A_295 : memref<1x72x128xf32, #tpu.memory_space<vmem>> -> memref<72x128xf32, #tpu.memory_space<vmem>>
      %dma_start3A_297 = arith.constant 0 : i32
      %dma_start3A_298 = tpu.memref_slice %arg6[%dma_start3A_289, %dma_start3A_290, %dma_start3A_297] : memref<6x2x72xi32, #tpu.memory_space<vmem>> -> memref<1x1x72xi32, #tpu.memory_space<vmem>>
      %dma_start3A_299 = tpu.memref_squeeze %dma_start3A_298 : memref<1x1x72xi32, #tpu.memory_space<vmem>> -> memref<72xi32, #tpu.memory_space<vmem>>
      %dma_start3A_300 = arith.constant 0 : i32
      %dma_start3A_301 = arith.constant 0 : i32
      %dma_start3A_302 = tpu.memref_slice %arg2[%dma_start3A_300, %dma_start3A_301] : memref<10112x128xf32, #tpu.memory_space<hbm>> -> memref<10112x128xf32, #tpu.memory_space<hbm>>
      %dma_start3A_303 = tpu.memref_slice %arg9[%dma_start3A_292] : memref<5x!tpu.dma_semaphore, #tpu.memory_space<semaphore_mem>> -> memref<1x!tpu.dma_semaphore, #tpu.memory_space<semaphore_mem>>
      %dma_start3A_304 = tpu.memref_squeeze %dma_start3A_303 : memref<1x!tpu.dma_semaphore, #tpu.memory_space<semaphore_mem>> -> memref<!tpu.dma_semaphore, #tpu.memory_space<semaphore_mem>>
      tpu.enqueue_indirect_dma source(%dma_start3A_302 : memref<10112x128xf32, #tpu.memory_space<hbm>>) target(%dma_start3A_296 : memref<72x128xf32, #tpu.memory_space<vmem>>) offsets(%dma_start3A_299 : memref<72xi32, #tpu.memory_space<vmem>>) semaphore(%dma_start3A_304 : memref<!tpu.dma_semaphore, #tpu.memory_space<semaphore_mem>>)
      %scan3A = arith.constant 0 : i32
      %scan3A_305 = arith.constant 0 : i32
      %scan3A_306 = arith.constant 133 : i32
      %scan3A_307 = arith.addi %scan3A_305, %scan3A_306 : i32
      %scan3A_308 = arith.constant 1 : i32
      scf.for %scan3A_327 = %scan3A_305 to %scan3A_307 step %scan3A_308  : i32 {
        %rem3A_328 = arith.constant 5 : i32
        %rem3A_329 = arith.remsi %scan3A_327, %rem3A_328 : i32
        %rem3A_330 = arith.constant 6 : i32
        %rem3A_331 = arith.remsi %scan3A_327, %rem3A_330 : i32
        %ge3A = arith.constant 1 : i32
        %ge3A_332 = arith.cmpi sge, %scan3A_327, %ge3A : i32
        %convert_element_type3A_333 = arith.extui %ge3A_332 : i1 to i32
        %cond3A_334 = arith.constant 0 : i32
        %cond3A_335 = arith.cmpi ne, %convert_element_type3A_333, %cond3A_334 : i32
        scf.if %cond3A_335 {
          %add3A_379 = arith.constant 5 : i32
          %add3A_380 = arith.addi %scan3A_327, %add3A_379 : i32
          %sub3A_381 = arith.constant 1 : i32
          %sub3A_382 = arith.subi %add3A_380, %sub3A_381 : i32
          %rem3A_383 = arith.constant 5 : i32
          %rem3A_384 = arith.remsi %sub3A_382, %rem3A_383 : i32
          %dma_wait3A_385 = arith.constant 0 : i32
          %dma_wait3A_386 = arith.constant 0 : i32
          %dma_wait3A_387 = arith.constant 1 : i32
          %dma_wait3A_388 = arith.constant 0 : i32
          %dma_wait3A_389 = arith.constant 0 : i32
          %dma_wait3A_390 = tpu.memref_slice %arg7[%dma_wait3A_385, %dma_wait3A_388, %dma_wait3A_389] : memref<5x72x128xf32, #tpu.memory_space<vmem>> -> memref<1x72x128xf32, #tpu.memory_space<vmem>>
          %dma_wait3A_391 = tpu.memref_squeeze %dma_wait3A_390 : memref<1x72x128xf32, #tpu.memory_space<vmem>> -> memref<72x128xf32, #tpu.memory_space<vmem>>
          %dma_wait3A_392 = arith.constant 0 : i32
          %dma_wait3A_393 = tpu.memref_slice %arg6[%dma_wait3A_386, %dma_wait3A_387, %dma_wait3A_392] : memref<6x2x72xi32, #tpu.memory_space<vmem>> -> memref<1x1x72xi32, #tpu.memory_space<vmem>>
          %dma_wait3A_394 = tpu.memref_squeeze %dma_wait3A_393 : memref<1x1x72xi32, #tpu.memory_space<vmem>> -> memref<72xi32, #tpu.memory_space<vmem>>
          %dma_wait3A_395 = arith.constant 0 : i32
          %dma_wait3A_396 = arith.constant 0 : i32
          %dma_wait3A_397 = tpu.memref_slice %arg8[%dma_wait3A_395, %dma_wait3A_396] : memref<10112x128xf32, #tpu.memory_space<vmem_shared>> -> memref<10112x128xf32, #tpu.memory_space<vmem_shared>>
          %dma_wait3A_398 = tpu.memref_slice %arg10[%rem3A_384] : memref<5x!tpu.dma_semaphore, #tpu.memory_space<semaphore_mem>> -> memref<1x!tpu.dma_semaphore, #tpu.memory_space<semaphore_mem>>
          %dma_wait3A_399 = tpu.memref_squeeze %dma_wait3A_398 : memref<1x!tpu.dma_semaphore, #tpu.memory_space<semaphore_mem>> -> memref<!tpu.dma_semaphore, #tpu.memory_space<semaphore_mem>>
          tpu.wait_indirect_dma semaphore(%dma_wait3A_399 : memref<!tpu.dma_semaphore, #tpu.memory_space<semaphore_mem>>) src(%dma_wait3A_391 : memref<72x128xf32, #tpu.memory_space<vmem>>) dst(%dma_wait3A_397 : memref<10112x128xf32, #tpu.memory_space<vmem_shared>>)
        } else {
        }
        %dma_wait3A_336 = arith.constant 0 : i32
        %dma_wait3A_337 = arith.constant 0 : i32
        %dma_wait3A_338 = arith.constant 0 : i32
        %dma_wait3A_339 = arith.constant 0 : i32
        %dma_wait3A_340 = tpu.memref_slice %arg7[%rem3A_329, %dma_wait3A_338, %dma_wait3A_339] : memref<5x72x128xf32, #tpu.memory_space<vmem>> -> memref<1x72x128xf32, #tpu.memory_space<vmem>>
        %dma_wait3A_341 = tpu.memref_squeeze %dma_wait3A_340 : memref<1x72x128xf32, #tpu.memory_space<vmem>> -> memref<72x128xf32, #tpu.memory_space<vmem>>
        %dma_wait3A_342 = arith.constant 0 : i32
        %dma_wait3A_343 = tpu.memref_slice %arg6[%dma_wait3A_336, %dma_wait3A_337, %dma_wait3A_342] : memref<6x2x72xi32, #tpu.memory_space<vmem>> -> memref<1x1x72xi32, #tpu.memory_space<vmem>>
        %dma_wait3A_344 = tpu.memref_squeeze %dma_wait3A_343 : memref<1x1x72xi32, #tpu.memory_space<vmem>> -> memref<72xi32, #tpu.memory_space<vmem>>
        %dma_wait3A_345 = arith.constant 0 : i32
        %dma_wait3A_346 = arith.constant 0 : i32
        %dma_wait3A_347 = tpu.memref_slice %arg2[%dma_wait3A_345, %dma_wait3A_346] : memref<10112x128xf32, #tpu.memory_space<hbm>> -> memref<10112x128xf32, #tpu.memory_space<hbm>>
        %dma_wait3A_348 = tpu.memref_slice %arg9[%rem3A_329] : memref<5x!tpu.dma_semaphore, #tpu.memory_space<semaphore_mem>> -> memref<1x!tpu.dma_semaphore, #tpu.memory_space<semaphore_mem>>
        %dma_wait3A_349 = tpu.memref_squeeze %dma_wait3A_348 : memref<1x!tpu.dma_semaphore, #tpu.memory_space<semaphore_mem>> -> memref<!tpu.dma_semaphore, #tpu.memory_space<semaphore_mem>>
        tpu.wait_indirect_dma semaphore(%dma_wait3A_349 : memref<!tpu.dma_semaphore, #tpu.memory_space<semaphore_mem>>) src(%dma_wait3A_347 : memref<10112x128xf32, #tpu.memory_space<hbm>>) dst(%dma_wait3A_341 : memref<72x128xf32, #tpu.memory_space<vmem>>)
        %dma_start3A_350 = arith.constant 1 : i32
        %dma_start3A_351 = arith.constant 0 : i32
        %dma_start3A_352 = arith.constant 0 : i32
        %dma_start3A_353 = tpu.memref_slice %arg7[%rem3A_329, %dma_start3A_351, %dma_start3A_352] : memref<5x72x128xf32, #tpu.memory_space<vmem>> -> memref<1x72x128xf32, #tpu.memory_space<vmem>>
        %dma_start3A_354 = tpu.memref_squeeze %dma_start3A_353 : memref<1x72x128xf32, #tpu.memory_space<vmem>> -> memref<72x128xf32, #tpu.memory_space<vmem>>
        %dma_start3A_355 = arith.constant 0 : i32
        %dma_start3A_356 = tpu.memref_slice %arg6[%rem3A_331, %dma_start3A_350, %dma_start3A_355] : memref<6x2x72xi32, #tpu.memory_space<vmem>> -> memref<1x1x72xi32, #tpu.memory_space<vmem>>
        %dma_start3A_357 = tpu.memref_squeeze %dma_start3A_356 : memref<1x1x72xi32, #tpu.memory_space<vmem>> -> memref<72xi32, #tpu.memory_space<vmem>>
        %dma_start3A_358 = arith.constant 0 : i32
        %dma_start3A_359 = arith.constant 0 : i32
        %dma_start3A_360 = tpu.memref_slice %arg8[%dma_start3A_358, %dma_start3A_359] : memref<10112x128xf32, #tpu.memory_space<vmem_shared>> -> memref<10112x128xf32, #tpu.memory_space<vmem_shared>>
        %dma_start3A_361 = tpu.memref_slice %arg10[%rem3A_329] : memref<5x!tpu.dma_semaphore, #tpu.memory_space<semaphore_mem>> -> memref<1x!tpu.dma_semaphore, #tpu.memory_space<semaphore_mem>>
        %dma_start3A_362 = tpu.memref_squeeze %dma_start3A_361 : memref<1x!tpu.dma_semaphore, #tpu.memory_space<semaphore_mem>> -> memref<!tpu.dma_semaphore, #tpu.memory_space<semaphore_mem>>
        tpu.enqueue_indirect_dma source(%dma_start3A_354 : memref<72x128xf32, #tpu.memory_space<vmem>>) target(%dma_start3A_360 : memref<10112x128xf32, #tpu.memory_space<vmem_shared>>) offsets(%dma_start3A_357 : memref<72xi32, #tpu.memory_space<vmem>>) semaphore(%dma_start3A_362 : memref<!tpu.dma_semaphore, #tpu.memory_space<semaphore_mem>>) {add = true}
        %add3A_363 = arith.constant 5 : i32
        %add3A_364 = arith.addi %scan3A_327, %add3A_363 : i32
        %lt3A = arith.constant 133 : i32
        %lt3A_365 = arith.cmpi slt, %add3A_364, %lt3A : i32
        %convert_element_type3A_366 = arith.extui %lt3A_365 : i1 to i32
        %cond3A_367 = arith.constant 0 : i32
        %cond3A_368 = arith.cmpi ne, %convert_element_type3A_366, %cond3A_367 : i32
        scf.if %cond3A_368 {
          %add3A_379 = arith.addi %add3A_11, %scan3A_327 : i32
          %add3A_380 = arith.constant 5 : i32
          %add3A_381 = arith.addi %add3A_379, %add3A_380 : i32
          %add3A_382 = arith.constant 5 : i32
          %add3A_383 = arith.addi %scan3A_327, %add3A_382 : i32
          %rem3A_384 = arith.constant 6 : i32
          %rem3A_385 = arith.remsi %add3A_383, %rem3A_384 : i32
          %dma_start3A_386 = arith.constant 0 : i32
          %dma_start3A_387 = arith.constant 0 : i32
          %dma_start3A_388 = tpu.memref_slice %arg6[%rem3A_385, %dma_start3A_386, %dma_start3A_387] : memref<6x2x72xi32, #tpu.memory_space<vmem>> -> memref<1x2x72xi32, #tpu.memory_space<vmem>>
          %dma_start3A_389 = tpu.memref_squeeze %dma_start3A_388 : memref<1x2x72xi32, #tpu.memory_space<vmem>> -> memref<2x72xi32, #tpu.memory_space<vmem>>
          %dma_start3A_390 = arith.constant 0 : i32
          %dma_start3A_391 = arith.constant 0 : i32
          %dma_start3A_392 = tpu.memref_slice %arg3[%add3A_381, %dma_start3A_390, %dma_start3A_391] : memref<4448x2x72xi32, #tpu.memory_space<hbm>> -> memref<1x2x72xi32, #tpu.memory_space<hbm>>
          %dma_start3A_393 = tpu.memref_squeeze %dma_start3A_392 : memref<1x2x72xi32, #tpu.memory_space<hbm>> -> memref<2x72xi32, #tpu.memory_space<hbm>>
          %dma_start3A_394 = tpu.memref_slice %arg11[%rem3A_385] : memref<6x!tpu.dma_semaphore, #tpu.memory_space<semaphore_mem>> -> memref<1x!tpu.dma_semaphore, #tpu.memory_space<semaphore_mem>>
          %dma_start3A_395 = tpu.memref_squeeze %dma_start3A_394 : memref<1x!tpu.dma_semaphore, #tpu.memory_space<semaphore_mem>> -> memref<!tpu.dma_semaphore, #tpu.memory_space<semaphore_mem>>
          %dma_start3A_396 = arith.constant 0 : i32
          %dma_start3A_397 = arith.constant 0 : i32
          %dma_start3A_398 = tpu.memref_slice %arg6[%rem3A_385, %dma_start3A_396, %dma_start3A_397] : memref<6x2x72xi32, #tpu.memory_space<vmem>> -> memref<1x2x72xi32, #tpu.memory_space<vmem>>
          %dma_start3A_399 = tpu.memref_squeeze %dma_start3A_398 : memref<1x2x72xi32, #tpu.memory_space<vmem>> -> memref<2x72xi32, #tpu.memory_space<vmem>>
          %dma_start3A_400 = arith.constant 0 : i32
          %dma_start3A_401 = arith.constant 0 : i32
          %dma_start3A_402 = tpu.memref_slice %arg3[%add3A_381, %dma_start3A_400, %dma_start3A_401] : memref<4448x2x72xi32, #tpu.memory_space<hbm>> -> memref<1x2x72xi32, #tpu.memory_space<hbm>>
          %dma_start3A_403 = tpu.memref_squeeze %dma_start3A_402 : memref<1x2x72xi32, #tpu.memory_space<hbm>> -> memref<2x72xi32, #tpu.memory_space<hbm>>
          tpu.enqueue_dma source(%dma_start3A_403 : memref<2x72xi32, #tpu.memory_space<hbm>>) target(%dma_start3A_399 : memref<2x72xi32, #tpu.memory_space<vmem>>) target_semaphore(%dma_start3A_395 : memref<!tpu.dma_semaphore, #tpu.memory_space<semaphore_mem>>)
        } else {
        }
        %add3A_369 = arith.constant 5 : i32
        %add3A_370 = arith.addi %scan3A_327, %add3A_369 : i32
        %sub3A = arith.constant 1 : i32
        %sub3A_371 = arith.subi %add3A_370, %sub3A : i32
        %ge3A_372 = arith.constant 1 : i32
        %ge3A_373 = arith.cmpi sge, %scan3A_327, %ge3A_372 : i32
        %lt3A_374 = arith.constant 133 : i32
        %lt3A_375 = arith.cmpi slt, %sub3A_371, %lt3A_374 : i32
        %and3A = arith.andi %ge3A_373, %lt3A_375 : i1
        %convert_element_type3A_376 = arith.extui %and3A : i1 to i32
        %cond3A_377 = arith.constant 0 : i32
        %cond3A_378 = arith.cmpi ne, %convert_element_type3A_376, %cond3A_377 : i32
        scf.if %cond3A_378 {
          %rem3A_379 = arith.constant 6 : i32
          %rem3A_380 = arith.remsi %sub3A_371, %rem3A_379 : i32
          %dma_wait3A_381 = arith.constant 0 : i32
          %dma_wait3A_382 = arith.constant 0 : i32
          %dma_wait3A_383 = arith.constant 0 : i32
          %dma_wait3A_384 = tpu.memref_slice %arg6[%rem3A_380, %dma_wait3A_382, %dma_wait3A_383] : memref<6x2x72xi32, #tpu.memory_space<vmem>> -> memref<1x2x72xi32, #tpu.memory_space<vmem>>
          %dma_wait3A_385 = tpu.memref_squeeze %dma_wait3A_384 : memref<1x2x72xi32, #tpu.memory_space<vmem>> -> memref<2x72xi32, #tpu.memory_space<vmem>>
          %dma_wait3A_386 = arith.constant 0 : i32
          %dma_wait3A_387 = arith.constant 0 : i32
          %dma_wait3A_388 = tpu.memref_slice %arg3[%dma_wait3A_381, %dma_wait3A_386, %dma_wait3A_387] : memref<4448x2x72xi32, #tpu.memory_space<hbm>> -> memref<1x2x72xi32, #tpu.memory_space<hbm>>
          %dma_wait3A_389 = tpu.memref_squeeze %dma_wait3A_388 : memref<1x2x72xi32, #tpu.memory_space<hbm>> -> memref<2x72xi32, #tpu.memory_space<hbm>>
          %dma_wait3A_390 = tpu.memref_slice %arg11[%rem3A_380] : memref<6x!tpu.dma_semaphore, #tpu.memory_space<semaphore_mem>> -> memref<1x!tpu.dma_semaphore, #tpu.memory_space<semaphore_mem>>
          %dma_wait3A_391 = tpu.memref_squeeze %dma_wait3A_390 : memref<1x!tpu.dma_semaphore, #tpu.memory_space<semaphore_mem>> -> memref<!tpu.dma_semaphore, #tpu.memory_space<semaphore_mem>>
          %dma_wait3A_392 = arith.constant 0 : i32
          %dma_wait3A_393 = arith.constant 0 : i32
          %dma_wait3A_394 = tpu.memref_slice %arg6[%rem3A_380, %dma_wait3A_392, %dma_wait3A_393] : memref<6x2x72xi32, #tpu.memory_space<vmem>> -> memref<1x2x72xi32, #tpu.memory_space<vmem>>
          %dma_wait3A_395 = tpu.memref_squeeze %dma_wait3A_394 : memref<1x2x72xi32, #tpu.memory_space<vmem>> -> memref<2x72xi32, #tpu.memory_space<vmem>>
          %dma_wait3A_396 = arith.constant 0 : i32
          %dma_wait3A_397 = arith.constant 0 : i32
          %dma_wait3A_398 = tpu.memref_slice %arg3[%dma_wait3A_381, %dma_wait3A_396, %dma_wait3A_397] : memref<4448x2x72xi32, #tpu.memory_space<hbm>> -> memref<1x2x72xi32, #tpu.memory_space<hbm>>
          %dma_wait3A_399 = tpu.memref_squeeze %dma_wait3A_398 : memref<1x2x72xi32, #tpu.memory_space<hbm>> -> memref<2x72xi32, #tpu.memory_space<hbm>>
          tpu.wait_dma2 semaphore(%dma_wait3A_391 : memref<!tpu.dma_semaphore, #tpu.memory_space<semaphore_mem>>) src(%dma_wait3A_399 : memref<2x72xi32, #tpu.memory_space<hbm>>) dst(%dma_wait3A_395 : memref<2x72xi32, #tpu.memory_space<vmem>>)
          %rem3A_400 = arith.constant 5 : i32
          %rem3A_401 = arith.remsi %sub3A_371, %rem3A_400 : i32
          %rem3A_402 = arith.constant 6 : i32
          %rem3A_403 = arith.remsi %sub3A_371, %rem3A_402 : i32
          %dma_start3A_404 = arith.constant 0 : i32
          %dma_start3A_405 = arith.constant 0 : i32
          %dma_start3A_406 = arith.constant 0 : i32
          %dma_start3A_407 = tpu.memref_slice %arg7[%rem3A_401, %dma_start3A_405, %dma_start3A_406] : memref<5x72x128xf32, #tpu.memory_space<vmem>> -> memref<1x72x128xf32, #tpu.memory_space<vmem>>
          %dma_start3A_408 = tpu.memref_squeeze %dma_start3A_407 : memref<1x72x128xf32, #tpu.memory_space<vmem>> -> memref<72x128xf32, #tpu.memory_space<vmem>>
          %dma_start3A_409 = arith.constant 0 : i32
          %dma_start3A_410 = tpu.memref_slice %arg6[%rem3A_403, %dma_start3A_404, %dma_start3A_409] : memref<6x2x72xi32, #tpu.memory_space<vmem>> -> memref<1x1x72xi32, #tpu.memory_space<vmem>>
          %dma_start3A_411 = tpu.memref_squeeze %dma_start3A_410 : memref<1x1x72xi32, #tpu.memory_space<vmem>> -> memref<72xi32, #tpu.memory_space<vmem>>
          %dma_start3A_412 = arith.constant 0 : i32
          %dma_start3A_413 = arith.constant 0 : i32
          %dma_start3A_414 = tpu.memref_slice %arg2[%dma_start3A_412, %dma_start3A_413] : memref<10112x128xf32, #tpu.memory_space<hbm>> -> memref<10112x128xf32, #tpu.memory_space<hbm>>
          %dma_start3A_415 = tpu.memref_slice %arg9[%rem3A_401] : memref<5x!tpu.dma_semaphore, #tpu.memory_space<semaphore_mem>> -> memref<1x!tpu.dma_semaphore, #tpu.memory_space<semaphore_mem>>
          %dma_start3A_416 = tpu.memref_squeeze %dma_start3A_415 : memref<1x!tpu.dma_semaphore, #tpu.memory_space<semaphore_mem>> -> memref<!tpu.dma_semaphore, #tpu.memory_space<semaphore_mem>>
          tpu.enqueue_indirect_dma source(%dma_start3A_414 : memref<10112x128xf32, #tpu.memory_space<hbm>>) target(%dma_start3A_408 : memref<72x128xf32, #tpu.memory_space<vmem>>) offsets(%dma_start3A_411 : memref<72xi32, #tpu.memory_space<vmem>>) semaphore(%dma_start3A_416 : memref<!tpu.dma_semaphore, #tpu.memory_space<semaphore_mem>>)
        } else {
        }
      }
      %scan3A_309 = arith.constant 133 : i32
      %rem3A = arith.constant 132 : i32
      %rem3A_310 = arith.constant 5 : i32
      %rem3A_311 = arith.remsi %rem3A, %rem3A_310 : i32
      %dma_wait3A_312 = arith.constant 0 : i32
      %dma_wait3A_313 = arith.constant 0 : i32
      %dma_wait3A_314 = arith.constant 1 : i32
      %dma_wait3A_315 = arith.constant 0 : i32
      %dma_wait3A_316 = arith.constant 0 : i32
      %dma_wait3A_317 = tpu.memref_slice %arg7[%dma_wait3A_312, %dma_wait3A_315, %dma_wait3A_316] : memref<5x72x128xf32, #tpu.memory_space<vmem>> -> memref<1x72x128xf32, #tpu.memory_space<vmem>>
      %dma_wait3A_318 = tpu.memref_squeeze %dma_wait3A_317 : memref<1x72x128xf32, #tpu.memory_space<vmem>> -> memref<72x128xf32, #tpu.memory_space<vmem>>
      %dma_wait3A_319 = arith.constant 0 : i32
      %dma_wait3A_320 = tpu.memref_slice %arg6[%dma_wait3A_313, %dma_wait3A_314, %dma_wait3A_319] : memref<6x2x72xi32, #tpu.memory_space<vmem>> -> memref<1x1x72xi32, #tpu.memory_space<vmem>>
      %dma_wait3A_321 = tpu.memref_squeeze %dma_wait3A_320 : memref<1x1x72xi32, #tpu.memory_space<vmem>> -> memref<72xi32, #tpu.memory_space<vmem>>
      %dma_wait3A_322 = arith.constant 0 : i32
      %dma_wait3A_323 = arith.constant 0 : i32
      %dma_wait3A_324 = tpu.memref_slice %arg8[%dma_wait3A_322, %dma_wait3A_323] : memref<10112x128xf32, #tpu.memory_space<vmem_shared>> -> memref<10112x128xf32, #tpu.memory_space<vmem_shared>>
      %dma_wait3A_325 = tpu.memref_slice %arg10[%rem3A_311] : memref<5x!tpu.dma_semaphore, #tpu.memory_space<semaphore_mem>> -> memref<1x!tpu.dma_semaphore, #tpu.memory_space<semaphore_mem>>
      %dma_wait3A_326 = tpu.memref_squeeze %dma_wait3A_325 : memref<1x!tpu.dma_semaphore, #tpu.memory_space<semaphore_mem>> -> memref<!tpu.dma_semaphore, #tpu.memory_space<semaphore_mem>>
      tpu.wait_indirect_dma semaphore(%dma_wait3A_326 : memref<!tpu.dma_semaphore, #tpu.memory_space<semaphore_mem>>) src(%dma_wait3A_318 : memref<72x128xf32, #tpu.memory_space<vmem>>) dst(%dma_wait3A_324 : memref<10112x128xf32, #tpu.memory_space<vmem_shared>>)
    } else {
    }
    %barrier3A_8 = arith.constant 0 : index
    tpu.barrier barrier_id(%barrier3A_8)
    "tpu.region"() ({
      %run_scoped3A = tpu.sem_alloc : memref<!tpu.dma_semaphore, #tpu.memory_space<semaphore_mem>>
      %dma_start3A = arith.constant 0 : i32
      %dma_start3A_9 = tpu.memref_slice %arg5[%arg0, %mul3A_0, %dma_start3A] : memref<2x10112x128xf32, #tpu.memory_space<hbm>> -> memref<1x632x128xf32, #tpu.memory_space<hbm>>
      %dma_start3A_10 = tpu.memref_squeeze %dma_start3A_9 : memref<1x632x128xf32, #tpu.memory_space<hbm>> -> memref<632x128xf32, #tpu.memory_space<hbm>>
      %dma_start3A_11 = arith.constant 0 : i32
      %dma_start3A_12 = tpu.memref_slice %arg8[%mul3A_0, %dma_start3A_11] : memref<10112x128xf32, #tpu.memory_space<vmem_shared>> -> memref<632x128xf32, #tpu.memory_space<vmem_shared>>
      tpu.enqueue_dma source(%dma_start3A_12 : memref<632x128xf32, #tpu.memory_space<vmem_shared>>) target(%dma_start3A_10 : memref<632x128xf32, #tpu.memory_space<hbm>>) target_semaphore(%run_scoped3A : memref<!tpu.dma_semaphore, #tpu.memory_space<semaphore_mem>>)
      %dma_wait3A = arith.constant 0 : i32
      %dma_wait3A_13 = tpu.memref_slice %arg5[%arg0, %mul3A_0, %dma_wait3A] : memref<2x10112x128xf32, #tpu.memory_space<hbm>> -> memref<1x632x128xf32, #tpu.memory_space<hbm>>
      %dma_wait3A_14 = tpu.memref_squeeze %dma_wait3A_13 : memref<1x632x128xf32, #tpu.memory_space<hbm>> -> memref<632x128xf32, #tpu.memory_space<hbm>>
      %dma_wait3A_15 = arith.constant 0 : i32
      %dma_wait3A_16 = tpu.memref_slice %arg8[%mul3A_0, %dma_wait3A_15] : memref<10112x128xf32, #tpu.memory_space<vmem_shared>> -> memref<632x128xf32, #tpu.memory_space<vmem_shared>>
      tpu.wait_dma2 semaphore(%run_scoped3A : memref<!tpu.dma_semaphore, #tpu.memory_space<semaphore_mem>>) src(%dma_wait3A_16 : memref<632x128xf32, #tpu.memory_space<vmem_shared>>) dst(%dma_wait3A_14 : memref<632x128xf32, #tpu.memory_space<hbm>>)
      tpu.yield
    }) : () -> ()
    return
  }
}

module attributes {stable_mosaic.version = 14 : i64} {
  func.func @_tc_first_body(%arg0: i32, %arg1: memref<2528x128xf32, #tpu.memory_space<vmem>>, %arg2: memref<2x2528x1xf32, #tpu.memory_space<vmem>>, %arg3: memref<128x128xf32, #tpu.memory_space<vmem>>, %arg4: memref<2528x128xf32, #tpu.memory_space<vmem>>) attributes {dimension_semantics = [#tpu.dimension_semantics<arbitrary>], iteration_bounds = array<i64: 4>, scalar_prefetch = 0 : i64, scratch_operands = 0 : i64, tpu.core_type = #tpu.core_type<tc>, window_params = [{transform_indices = @transform_0, window_bounds = array<i64: 2528, 128>}, {transform_indices = @transform_1, window_bounds = array<i64: 2, 2528, 1>}, {pipeline_mode = #tpu.pipeline_mode<synchronous>, transform_indices = @transform_2, window_bounds = array<i64: 128, 128>}, {transform_indices = @transform_3, window_bounds = array<i64: 2528, 128>}]} {
    %get3A = arith.constant 0 : index
    %get3A_0 = arith.constant 0 : index
    %get3A_1 = vector.load %arg1[%get3A, %get3A_0] : memref<2528x128xf32, #tpu.memory_space<vmem>>, vector<2528x128xf32>
    %get3A_2 = arith.constant 0 : index
    %get3A_3 = arith.constant 0 : index
    %get3A_4 = arith.constant 0 : index
    %get3A_5 = vector.load %arg2[%get3A_2, %get3A_3, %get3A_4] : memref<2x2528x1xf32, #tpu.memory_space<vmem>>, vector<1x2528x1xf32>
    %get3A_6 = vector.shape_cast %get3A_5 : vector<1x2528x1xf32> to vector<2528x1xf32>
    %get3A_7 = arith.constant 1 : index
    %get3A_8 = arith.constant 0 : index
    %get3A_9 = arith.constant 0 : index
    %get3A_10 = vector.load %arg2[%get3A_7, %get3A_8, %get3A_9] : memref<2x2528x1xf32, #tpu.memory_space<vmem>>, vector<1x2528x1xf32>
    %get3A_11 = vector.shape_cast %get3A_10 : vector<1x2528x1xf32> to vector<2528x1xf32>
    %add3A = arith.addf %get3A_6, %get3A_11 : vector<2528x1xf32>
    %max3A = arith.constant 1.000000e+00 : f32
    %max3A_12 = vector.broadcast %max3A : f32 to vector<2528x1xf32>
    %max3A_13 = arith.maximumf %add3A, %max3A_12 : vector<2528x1xf32>
    %sqrt3A = math.sqrt %max3A_13 : vector<2528x1xf32>
    %div3A = arith.constant 1.000000e+00 : f32
    %div3A_14 = vector.broadcast %div3A : f32 to vector<2528x1xf32>
    %div3A_15 = arith.divf %div3A_14, %sqrt3A : vector<2528x1xf32>
    %mul3A = vector.broadcast %div3A_15 : vector<2528x1xf32> to vector<2528x128xf32>
    %mul3A_16 = arith.mulf %get3A_1, %mul3A : vector<2528x128xf32>
    %get3A_17 = arith.constant 0 : index
    %get3A_18 = arith.constant 0 : index
    %get3A_19 = vector.load %arg3[%get3A_17, %get3A_18] : memref<128x128xf32, #tpu.memory_space<vmem>>, vector<128x128xf32>
    %dot_general3A = arith.constant dense<0.000000e+00> : vector<2528x128xf32>
    %dot_general3A_20 = tpu.matmul %mul3A_16, %get3A_19, %dot_general3A {dimension_numbers = #tpu.dot_dimension_numbers<[1], [0], [0], [1], [0, 0, 1, 1], [], []>, transpose_lhs_hint = false} : vector<2528x128xf32>, vector<128x128xf32>, vector<2528x128xf32> -> vector<2528x128xf32>
    %swap3A = arith.constant 0 : index
    %swap3A_21 = arith.constant 0 : index
    %swap3A_22 = vector.load %arg4[%swap3A, %swap3A_21] : memref<2528x128xf32, #tpu.memory_space<vmem>>, vector<2528x128xf32>
    tpu.vector_store %arg4[%swap3A, %swap3A_21], %dot_general3A_20 {strides = array<i32>} : memref<2528x128xf32, #tpu.memory_space<vmem>>, vector<2528x128xf32>,
    return
  }
  func.func @transform_0(%arg0: i32) -> (i32, i32) {
    %c0_i32 = arith.constant 0 : i32
    %c0_i32_0 = arith.constant 0 : i32
    return %arg0, %c0_i32 : i32, i32
  }
  func.func @transform_1(%arg0: i32) -> (i32, i32, i32) {
    %c0_i32 = arith.constant 0 : i32
    %c0_i32_0 = arith.constant 0 : i32
    %c0_i32_1 = arith.constant 0 : i32
    return %c0_i32, %arg0, %c0_i32_0 : i32, i32, i32
  }
  func.func @transform_2(%arg0: i32) -> (i32, i32) {
    %c0_i32 = arith.constant 0 : i32
    %c0_i32_0 = arith.constant 0 : i32
    %c0_i32_1 = arith.constant 0 : i32
    return %c0_i32, %c0_i32_0 : i32, i32
  }
  func.func @transform_3(%arg0: i32) -> (i32, i32) {
    %c0_i32 = arith.constant 0 : i32
    %c0_i32_0 = arith.constant 0 : i32
    return %arg0, %c0_i32 : i32, i32
  }
}

module attributes {stable_mosaic.version = 14 : i64} {
  func.func @_tc_mid_body(%arg0: i32, %arg1: memref<2x2528x128xf32, #tpu.memory_space<vmem>>, %arg2: memref<2x2528x1xf32, #tpu.memory_space<vmem>>, %arg3: memref<2x2528x1xf32, #tpu.memory_space<vmem>>, %arg4: memref<1x128xf32, #tpu.memory_space<vmem>>, %arg5: memref<128x128xf32, #tpu.memory_space<vmem>>, %arg6: memref<2528x128xf32, #tpu.memory_space<vmem>>) attributes {dimension_semantics = [#tpu.dimension_semantics<arbitrary>], iteration_bounds = array<i64: 4>, scalar_prefetch = 0 : i64, scratch_operands = 0 : i64, tpu.core_type = #tpu.core_type<tc>, window_params = [{transform_indices = @transform_0, window_bounds = array<i64: 2, 2528, 128>}, {transform_indices = @transform_1, window_bounds = array<i64: 2, 2528, 1>}, {transform_indices = @transform_2, window_bounds = array<i64: 2, 2528, 1>}, {pipeline_mode = #tpu.pipeline_mode<synchronous>, transform_indices = @transform_3, window_bounds = array<i64: 1, 128>}, {pipeline_mode = #tpu.pipeline_mode<synchronous>, transform_indices = @transform_4, window_bounds = array<i64: 128, 128>}, {transform_indices = @transform_5, window_bounds = array<i64: 2528, 128>}]} {
    %get3A = arith.constant 0 : index
    %get3A_0 = arith.constant 0 : index
    %get3A_1 = arith.constant 0 : index
    %get3A_2 = vector.load %arg1[%get3A, %get3A_0, %get3A_1] : memref<2x2528x128xf32, #tpu.memory_space<vmem>>, vector<1x2528x128xf32>
    %get3A_3 = vector.shape_cast %get3A_2 : vector<1x2528x128xf32> to vector<2528x128xf32>
    %get3A_4 = arith.constant 1 : index
    %get3A_5 = arith.constant 0 : index
    %get3A_6 = arith.constant 0 : index
    %get3A_7 = vector.load %arg1[%get3A_4, %get3A_5, %get3A_6] : memref<2x2528x128xf32, #tpu.memory_space<vmem>>, vector<1x2528x128xf32>
    %get3A_8 = vector.shape_cast %get3A_7 : vector<1x2528x128xf32> to vector<2528x128xf32>
    %add3A = arith.addf %get3A_3, %get3A_8 : vector<2528x128xf32>
    %get3A_9 = arith.constant 0 : index
    %get3A_10 = arith.constant 0 : index
    %get3A_11 = arith.constant 0 : index
    %get3A_12 = vector.load %arg2[%get3A_9, %get3A_10, %get3A_11] : memref<2x2528x1xf32, #tpu.memory_space<vmem>>, vector<1x2528x1xf32>
    %get3A_13 = vector.shape_cast %get3A_12 : vector<1x2528x1xf32> to vector<2528x1xf32>
    %get3A_14 = arith.constant 1 : index
    %get3A_15 = arith.constant 0 : index
    %get3A_16 = arith.constant 0 : index
    %get3A_17 = vector.load %arg2[%get3A_14, %get3A_15, %get3A_16] : memref<2x2528x1xf32, #tpu.memory_space<vmem>>, vector<1x2528x1xf32>
    %get3A_18 = vector.shape_cast %get3A_17 : vector<1x2528x1xf32> to vector<2528x1xf32>
    %add3A_19 = arith.addf %get3A_13, %get3A_18 : vector<2528x1xf32>
    %max3A = arith.constant 1.000000e+00 : f32
    %max3A_20 = vector.broadcast %max3A : f32 to vector<2528x1xf32>
    %max3A_21 = arith.maximumf %add3A_19, %max3A_20 : vector<2528x1xf32>
    %sqrt3A = math.sqrt %max3A_21 : vector<2528x1xf32>
    %div3A = arith.constant 1.000000e+00 : f32
    %div3A_22 = vector.broadcast %div3A : f32 to vector<2528x1xf32>
    %div3A_23 = arith.divf %div3A_22, %sqrt3A : vector<2528x1xf32>
    %mul3A = vector.broadcast %div3A_23 : vector<2528x1xf32> to vector<2528x128xf32>
    %mul3A_24 = arith.mulf %add3A, %mul3A : vector<2528x128xf32>
    %get3A_25 = arith.constant 0 : index
    %get3A_26 = arith.constant 0 : index
    %get3A_27 = vector.load %arg4[%get3A_25, %get3A_26] : memref<1x128xf32, #tpu.memory_space<vmem>>, vector<1x128xf32>
    %add3A_28 = vector.broadcast %get3A_27 : vector<1x128xf32> to vector<2528x128xf32>
    %add3A_29 = arith.addf %mul3A_24, %add3A_28 : vector<2528x128xf32>
    %max3A_30 = arith.constant 0.000000e+00 : f32
    %max3A_31 = vector.broadcast %max3A_30 : f32 to vector<2528x128xf32>
    %max3A_32 = arith.maximumf %add3A_29, %max3A_31 : vector<2528x128xf32>
    %get3A_33 = arith.constant 0 : index
    %get3A_34 = arith.constant 0 : index
    %get3A_35 = arith.constant 0 : index
    %get3A_36 = vector.load %arg3[%get3A_33, %get3A_34, %get3A_35] : memref<2x2528x1xf32, #tpu.memory_space<vmem>>, vector<1x2528x1xf32>
    %get3A_37 = vector.shape_cast %get3A_36 : vector<1x2528x1xf32> to vector<2528x1xf32>
    %get3A_38 = arith.constant 1 : index
    %get3A_39 = arith.constant 0 : index
    %get3A_40 = arith.constant 0 : index
    %get3A_41 = vector.load %arg3[%get3A_38, %get3A_39, %get3A_40] : memref<2x2528x1xf32, #tpu.memory_space<vmem>>, vector<1x2528x1xf32>
    %get3A_42 = vector.shape_cast %get3A_41 : vector<1x2528x1xf32> to vector<2528x1xf32>
    %add3A_43 = arith.addf %get3A_37, %get3A_42 : vector<2528x1xf32>
    %max3A_44 = arith.constant 1.000000e+00 : f32
    %max3A_45 = vector.broadcast %max3A_44 : f32 to vector<2528x1xf32>
    %max3A_46 = arith.maximumf %add3A_43, %max3A_45 : vector<2528x1xf32>
    %sqrt3A_47 = math.sqrt %max3A_46 : vector<2528x1xf32>
    %div3A_48 = arith.constant 1.000000e+00 : f32
    %div3A_49 = vector.broadcast %div3A_48 : f32 to vector<2528x1xf32>
    %div3A_50 = arith.divf %div3A_49, %sqrt3A_47 : vector<2528x1xf32>
    %mul3A_51 = vector.broadcast %div3A_50 : vector<2528x1xf32> to vector<2528x128xf32>
    %mul3A_52 = arith.mulf %max3A_32, %mul3A_51 : vector<2528x128xf32>
    %get3A_53 = arith.constant 0 : index
    %get3A_54 = arith.constant 0 : index
    %get3A_55 = vector.load %arg5[%get3A_53, %get3A_54] : memref<128x128xf32, #tpu.memory_space<vmem>>, vector<128x128xf32>
    %dot_general3A = arith.constant dense<0.000000e+00> : vector<2528x128xf32>
    %dot_general3A_56 = tpu.matmul %mul3A_52, %get3A_55, %dot_general3A {dimension_numbers = #tpu.dot_dimension_numbers<[1], [0], [0], [1], [0, 0, 1, 1], [], []>, transpose_lhs_hint = false} : vector<2528x128xf32>, vector<128x128xf32>, vector<2528x128xf32> -> vector<2528x128xf32>
    %swap3A = arith.constant 0 : index
    %swap3A_57 = arith.constant 0 : index
    %swap3A_58 = vector.load %arg6[%swap3A, %swap3A_57] : memref<2528x128xf32, #tpu.memory_space<vmem>>, vector<2528x128xf32>
    tpu.vector_store %arg6[%swap3A, %swap3A_57], %dot_general3A_56 {strides = array<i32>} : memref<2528x128xf32, #tpu.memory_space<vmem>>, vector<2528x128xf32>,
    return
  }
  func.func @transform_0(%arg0: i32) -> (i32, i32, i32) {
    %c0_i32 = arith.constant 0 : i32
    %c0_i32_0 = arith.constant 0 : i32
    %c0_i32_1 = arith.constant 0 : i32
    return %c0_i32, %arg0, %c0_i32_0 : i32, i32, i32
  }
  func.func @transform_1(%arg0: i32) -> (i32, i32, i32) {
    %c0_i32 = arith.constant 0 : i32
    %c0_i32_0 = arith.constant 0 : i32
    %c0_i32_1 = arith.constant 0 : i32
    return %c0_i32, %arg0, %c0_i32_0 : i32, i32, i32
  }
  func.func @transform_2(%arg0: i32) -> (i32, i32, i32) {
    %c0_i32 = arith.constant 0 : i32
    %c0_i32_0 = arith.constant 0 : i32
    %c0_i32_1 = arith.constant 0 : i32
    return %c0_i32, %arg0, %c0_i32_0 : i32, i32, i32
  }
  func.func @transform_3(%arg0: i32) -> (i32, i32) {
    %c0_i32 = arith.constant 0 : i32
    %c0_i32_0 = arith.constant 0 : i32
    %c0_i32_1 = arith.constant 0 : i32
    return %c0_i32, %c0_i32_0 : i32, i32
  }
  func.func @transform_4(%arg0: i32) -> (i32, i32) {
    %c0_i32 = arith.constant 0 : i32
    %c0_i32_0 = arith.constant 0 : i32
    %c0_i32_1 = arith.constant 0 : i32
    return %c0_i32, %c0_i32_0 : i32, i32
  }
  func.func @transform_5(%arg0: i32) -> (i32, i32) {
    %c0_i32 = arith.constant 0 : i32
    %c0_i32_0 = arith.constant 0 : i32
    return %arg0, %c0_i32 : i32, i32
  }
}

module attributes {stable_mosaic.version = 14 : i64} {
  func.func @_tc_scale_body(%arg0: i32, %arg1: memref<2x2528x128xf32, #tpu.memory_space<vmem>>, %arg2: memref<2x2528x1xf32, #tpu.memory_space<vmem>>, %arg3: memref<2x2528x1xf32, #tpu.memory_space<vmem>>, %arg4: memref<1x128xf32, #tpu.memory_space<vmem>>, %arg5: memref<2528x128xf32, #tpu.memory_space<vmem>>) attributes {dimension_semantics = [#tpu.dimension_semantics<arbitrary>], iteration_bounds = array<i64: 4>, scalar_prefetch = 0 : i64, scratch_operands = 0 : i64, tpu.core_type = #tpu.core_type<tc>, window_params = [{transform_indices = @transform_0, window_bounds = array<i64: 2, 2528, 128>}, {transform_indices = @transform_1, window_bounds = array<i64: 2, 2528, 1>}, {transform_indices = @transform_2, window_bounds = array<i64: 2, 2528, 1>}, {pipeline_mode = #tpu.pipeline_mode<synchronous>, transform_indices = @transform_3, window_bounds = array<i64: 1, 128>}, {transform_indices = @transform_4, window_bounds = array<i64: 2528, 128>}]} {
    %get3A = arith.constant 0 : index
    %get3A_0 = arith.constant 0 : index
    %get3A_1 = arith.constant 0 : index
    %get3A_2 = vector.load %arg1[%get3A, %get3A_0, %get3A_1] : memref<2x2528x128xf32, #tpu.memory_space<vmem>>, vector<1x2528x128xf32>
    %get3A_3 = vector.shape_cast %get3A_2 : vector<1x2528x128xf32> to vector<2528x128xf32>
    %get3A_4 = arith.constant 1 : index
    %get3A_5 = arith.constant 0 : index
    %get3A_6 = arith.constant 0 : index
    %get3A_7 = vector.load %arg1[%get3A_4, %get3A_5, %get3A_6] : memref<2x2528x128xf32, #tpu.memory_space<vmem>>, vector<1x2528x128xf32>
    %get3A_8 = vector.shape_cast %get3A_7 : vector<1x2528x128xf32> to vector<2528x128xf32>
    %add3A = arith.addf %get3A_3, %get3A_8 : vector<2528x128xf32>
    %get3A_9 = arith.constant 0 : index
    %get3A_10 = arith.constant 0 : index
    %get3A_11 = arith.constant 0 : index
    %get3A_12 = vector.load %arg2[%get3A_9, %get3A_10, %get3A_11] : memref<2x2528x1xf32, #tpu.memory_space<vmem>>, vector<1x2528x1xf32>
    %get3A_13 = vector.shape_cast %get3A_12 : vector<1x2528x1xf32> to vector<2528x1xf32>
    %get3A_14 = arith.constant 1 : index
    %get3A_15 = arith.constant 0 : index
    %get3A_16 = arith.constant 0 : index
    %get3A_17 = vector.load %arg2[%get3A_14, %get3A_15, %get3A_16] : memref<2x2528x1xf32, #tpu.memory_space<vmem>>, vector<1x2528x1xf32>
    %get3A_18 = vector.shape_cast %get3A_17 : vector<1x2528x1xf32> to vector<2528x1xf32>
    %add3A_19 = arith.addf %get3A_13, %get3A_18 : vector<2528x1xf32>
    %max3A = arith.constant 1.000000e+00 : f32
    %max3A_20 = vector.broadcast %max3A : f32 to vector<2528x1xf32>
    %max3A_21 = arith.maximumf %add3A_19, %max3A_20 : vector<2528x1xf32>
    %sqrt3A = math.sqrt %max3A_21 : vector<2528x1xf32>
    %div3A = arith.constant 1.000000e+00 : f32
    %div3A_22 = vector.broadcast %div3A : f32 to vector<2528x1xf32>
    %div3A_23 = arith.divf %div3A_22, %sqrt3A : vector<2528x1xf32>
    %mul3A = vector.broadcast %div3A_23 : vector<2528x1xf32> to vector<2528x128xf32>
    %mul3A_24 = arith.mulf %add3A, %mul3A : vector<2528x128xf32>
    %get3A_25 = arith.constant 0 : index
    %get3A_26 = arith.constant 0 : index
    %get3A_27 = vector.load %arg4[%get3A_25, %get3A_26] : memref<1x128xf32, #tpu.memory_space<vmem>>, vector<1x128xf32>
    %add3A_28 = vector.broadcast %get3A_27 : vector<1x128xf32> to vector<2528x128xf32>
    %add3A_29 = arith.addf %mul3A_24, %add3A_28 : vector<2528x128xf32>
    %max3A_30 = arith.constant 0.000000e+00 : f32
    %max3A_31 = vector.broadcast %max3A_30 : f32 to vector<2528x128xf32>
    %max3A_32 = arith.maximumf %add3A_29, %max3A_31 : vector<2528x128xf32>
    %get3A_33 = arith.constant 0 : index
    %get3A_34 = arith.constant 0 : index
    %get3A_35 = arith.constant 0 : index
    %get3A_36 = vector.load %arg3[%get3A_33, %get3A_34, %get3A_35] : memref<2x2528x1xf32, #tpu.memory_space<vmem>>, vector<1x2528x1xf32>
    %get3A_37 = vector.shape_cast %get3A_36 : vector<1x2528x1xf32> to vector<2528x1xf32>
    %get3A_38 = arith.constant 1 : index
    %get3A_39 = arith.constant 0 : index
    %get3A_40 = arith.constant 0 : index
    %get3A_41 = vector.load %arg3[%get3A_38, %get3A_39, %get3A_40] : memref<2x2528x1xf32, #tpu.memory_space<vmem>>, vector<1x2528x1xf32>
    %get3A_42 = vector.shape_cast %get3A_41 : vector<1x2528x1xf32> to vector<2528x1xf32>
    %add3A_43 = arith.addf %get3A_37, %get3A_42 : vector<2528x1xf32>
    %max3A_44 = arith.constant 1.000000e+00 : f32
    %max3A_45 = vector.broadcast %max3A_44 : f32 to vector<2528x1xf32>
    %max3A_46 = arith.maximumf %add3A_43, %max3A_45 : vector<2528x1xf32>
    %sqrt3A_47 = math.sqrt %max3A_46 : vector<2528x1xf32>
    %div3A_48 = arith.constant 1.000000e+00 : f32
    %div3A_49 = vector.broadcast %div3A_48 : f32 to vector<2528x1xf32>
    %div3A_50 = arith.divf %div3A_49, %sqrt3A_47 : vector<2528x1xf32>
    %mul3A_51 = vector.broadcast %div3A_50 : vector<2528x1xf32> to vector<2528x128xf32>
    %mul3A_52 = arith.mulf %max3A_32, %mul3A_51 : vector<2528x128xf32>
    %swap3A = arith.constant 0 : index
    %swap3A_53 = arith.constant 0 : index
    %swap3A_54 = vector.load %arg5[%swap3A, %swap3A_53] : memref<2528x128xf32, #tpu.memory_space<vmem>>, vector<2528x128xf32>
    tpu.vector_store %arg5[%swap3A, %swap3A_53], %mul3A_52 {strides = array<i32>} : memref<2528x128xf32, #tpu.memory_space<vmem>>, vector<2528x128xf32>,
    return
  }
  func.func @transform_0(%arg0: i32) -> (i32, i32, i32) {
    %c0_i32 = arith.constant 0 : i32
    %c0_i32_0 = arith.constant 0 : i32
    %c0_i32_1 = arith.constant 0 : i32
    return %c0_i32, %arg0, %c0_i32_0 : i32, i32, i32
  }
  func.func @transform_1(%arg0: i32) -> (i32, i32, i32) {
    %c0_i32 = arith.constant 0 : i32
    %c0_i32_0 = arith.constant 0 : i32
    %c0_i32_1 = arith.constant 0 : i32
    return %c0_i32, %arg0, %c0_i32_0 : i32, i32, i32
  }
  func.func @transform_2(%arg0: i32) -> (i32, i32, i32) {
    %c0_i32 = arith.constant 0 : i32
    %c0_i32_0 = arith.constant 0 : i32
    %c0_i32_1 = arith.constant 0 : i32
    return %c0_i32, %arg0, %c0_i32_0 : i32, i32, i32
  }
  func.func @transform_3(%arg0: i32) -> (i32, i32) {
    %c0_i32 = arith.constant 0 : i32
    %c0_i32_0 = arith.constant 0 : i32
    %c0_i32_1 = arith.constant 0 : i32
    return %c0_i32, %c0_i32_0 : i32, i32
  }
  func.func @transform_4(%arg0: i32) -> (i32, i32) {
    %c0_i32 = arith.constant 0 : i32
    %c0_i32_0 = arith.constant 0 : i32
    return %arg0, %c0_i32 : i32, i32
  }
}

module attributes {stable_mosaic.version = 14 : i64} {
  func.func @_tc_last_body(%arg0: i32, %arg1: memref<2x2528x128xf32, #tpu.memory_space<vmem>>, %arg2: memref<2x2528x1xf32, #tpu.memory_space<vmem>>, %arg3: memref<1x64xf32, #tpu.memory_space<vmem>>, %arg4: memref<128x64xf32, #tpu.memory_space<vmem>>, %arg5: memref<2528x64xf32, #tpu.memory_space<vmem>>) attributes {dimension_semantics = [#tpu.dimension_semantics<arbitrary>], iteration_bounds = array<i64: 4>, scalar_prefetch = 0 : i64, scratch_operands = 0 : i64, tpu.core_type = #tpu.core_type<tc>, window_params = [{transform_indices = @transform_0, window_bounds = array<i64: 2, 2528, 128>}, {transform_indices = @transform_1, window_bounds = array<i64: 2, 2528, 1>}, {pipeline_mode = #tpu.pipeline_mode<synchronous>, transform_indices = @transform_2, window_bounds = array<i64: 1, 64>}, {pipeline_mode = #tpu.pipeline_mode<synchronous>, transform_indices = @transform_3, window_bounds = array<i64: 128, 64>}, {transform_indices = @transform_4, window_bounds = array<i64: 2528, 64>}]} {
    %get3A = arith.constant 0 : index
    %get3A_0 = arith.constant 0 : index
    %get3A_1 = arith.constant 0 : index
    %get3A_2 = vector.load %arg1[%get3A, %get3A_0, %get3A_1] : memref<2x2528x128xf32, #tpu.memory_space<vmem>>, vector<1x2528x128xf32>
    %get3A_3 = vector.shape_cast %get3A_2 : vector<1x2528x128xf32> to vector<2528x128xf32>
    %get3A_4 = arith.constant 1 : index
    %get3A_5 = arith.constant 0 : index
    %get3A_6 = arith.constant 0 : index
    %get3A_7 = vector.load %arg1[%get3A_4, %get3A_5, %get3A_6] : memref<2x2528x128xf32, #tpu.memory_space<vmem>>, vector<1x2528x128xf32>
    %get3A_8 = vector.shape_cast %get3A_7 : vector<1x2528x128xf32> to vector<2528x128xf32>
    %add3A = arith.addf %get3A_3, %get3A_8 : vector<2528x128xf32>
    %get3A_9 = arith.constant 0 : index
    %get3A_10 = arith.constant 0 : index
    %get3A_11 = vector.load %arg4[%get3A_9, %get3A_10] : memref<128x64xf32, #tpu.memory_space<vmem>>, vector<128x64xf32>
    %dot_general3A = arith.constant dense<0.000000e+00> : vector<2528x64xf32>
    %dot_general3A_12 = tpu.matmul %add3A, %get3A_11, %dot_general3A {dimension_numbers = #tpu.dot_dimension_numbers<[1], [0], [0], [1], [0, 0, 1, 1], [], []>, transpose_lhs_hint = false} : vector<2528x128xf32>, vector<128x64xf32>, vector<2528x64xf32> -> vector<2528x64xf32>
    %get3A_13 = arith.constant 0 : index
    %get3A_14 = arith.constant 0 : index
    %get3A_15 = arith.constant 0 : index
    %get3A_16 = vector.load %arg2[%get3A_13, %get3A_14, %get3A_15] : memref<2x2528x1xf32, #tpu.memory_space<vmem>>, vector<1x2528x1xf32>
    %get3A_17 = vector.shape_cast %get3A_16 : vector<1x2528x1xf32> to vector<2528x1xf32>
    %get3A_18 = arith.constant 1 : index
    %get3A_19 = arith.constant 0 : index
    %get3A_20 = arith.constant 0 : index
    %get3A_21 = vector.load %arg2[%get3A_18, %get3A_19, %get3A_20] : memref<2x2528x1xf32, #tpu.memory_space<vmem>>, vector<1x2528x1xf32>
    %get3A_22 = vector.shape_cast %get3A_21 : vector<1x2528x1xf32> to vector<2528x1xf32>
    %add3A_23 = arith.addf %get3A_17, %get3A_22 : vector<2528x1xf32>
    %max3A = arith.constant 1.000000e+00 : f32
    %max3A_24 = vector.broadcast %max3A : f32 to vector<2528x1xf32>
    %max3A_25 = arith.maximumf %add3A_23, %max3A_24 : vector<2528x1xf32>
    %sqrt3A = math.sqrt %max3A_25 : vector<2528x1xf32>
    %div3A = arith.constant 1.000000e+00 : f32
    %div3A_26 = vector.broadcast %div3A : f32 to vector<2528x1xf32>
    %div3A_27 = arith.divf %div3A_26, %sqrt3A : vector<2528x1xf32>
    %mul3A = vector.broadcast %div3A_27 : vector<2528x1xf32> to vector<2528x64xf32>
    %mul3A_28 = arith.mulf %dot_general3A_12, %mul3A : vector<2528x64xf32>
    %get3A_29 = arith.constant 0 : index
    %get3A_30 = arith.constant 0 : index
    %get3A_31 = vector.load %arg3[%get3A_29, %get3A_30] : memref<1x64xf32, #tpu.memory_space<vmem>>, vector<1x64xf32>
    %add3A_32 = vector.broadcast %get3A_31 : vector<1x64xf32> to vector<2528x64xf32>
    %add3A_33 = arith.addf %mul3A_28, %add3A_32 : vector<2528x64xf32>
    %swap3A = arith.constant 0 : index
    %swap3A_34 = arith.constant 0 : index
    %swap3A_35 = vector.load %arg5[%swap3A, %swap3A_34] : memref<2528x64xf32, #tpu.memory_space<vmem>>, vector<2528x64xf32>
    tpu.vector_store %arg5[%swap3A, %swap3A_34], %add3A_33 {strides = array<i32>} : memref<2528x64xf32, #tpu.memory_space<vmem>>, vector<2528x64xf32>,
    return
  }
  func.func @transform_0(%arg0: i32) -> (i32, i32, i32) {
    %c0_i32 = arith.constant 0 : i32
    %c0_i32_0 = arith.constant 0 : i32
    %c0_i32_1 = arith.constant 0 : i32
    return %c0_i32, %arg0, %c0_i32_0 : i32, i32, i32
  }
  func.func @transform_1(%arg0: i32) -> (i32, i32, i32) {
    %c0_i32 = arith.constant 0 : i32
    %c0_i32_0 = arith.constant 0 : i32
    %c0_i32_1 = arith.constant 0 : i32
    return %c0_i32, %arg0, %c0_i32_0 : i32, i32, i32
  }
  func.func @transform_2(%arg0: i32) -> (i32, i32) {
    %c0_i32 = arith.constant 0 : i32
    %c0_i32_0 = arith.constant 0 : i32
    %c0_i32_1 = arith.constant 0 : i32
    return %c0_i32, %c0_i32_0 : i32, i32
  }
  func.func @transform_3(%arg0: i32) -> (i32, i32) {
    %c0_i32 = arith.constant 0 : i32
    %c0_i32_0 = arith.constant 0 : i32
    %c0_i32_1 = arith.constant 0 : i32
    return %c0_i32, %c0_i32_0 : i32, i32
  }
  func.func @transform_4(%arg0: i32) -> (i32, i32) {
    %c0_i32 = arith.constant 0 : i32
    %c0_i32_0 = arith.constant 0 : i32
    return %arg0, %c0_i32 : i32, i32
  }
}

</mosaic_0001>

<sc_bundles>
// kernel: _run.10.cloned.1.call-start
scs
__scs_entry_jumppad:
0x0: {  	(pc) =	sbr.rel $0x88, $3  }
0x1: {  	(tag) =	ssettag $0x0;
	lr =	simm.s32 $0x1  }
0x2: {  	[smem:$0x3F99] =	sst lr;
	_ =	strace $0xD0000000  }
0x3: {  	_ = 	snop  }
0x4: {  	_ = 	snop  }
0x5: {  	_ = 	snop  }
0x6: {  	_ = 	snop  }
0x7: {  	_ = 	snop  }
__scs_overlays_trampoline_lowered:
0x8: {  	[smem:$0x3FA8] =	sst s0  }
0x9: {  	[smem:$0x3FA9] =	sst s1  }
0xa: {  	[smem:$0x3FAA] =	sst s2  }
0xb: {  	[smem:$0x3FAB] =	sst s3  }
0xc: {  	[smem:$0x3FAC] =	sst s4  }
0xd: {  	[smem:$0x3FAD] =	sst s5  }
0xe: {  	[smem:$0x3FAE] =	sst s6  }
0xf: {  	[smem:$0x3FAF] =	sst s7  }
0x10: {  	[smem:$0x3FB0] =	sst s8  }
0x11: {  	[smem:$0x3FB1] =	sst s9;
	s0 =	simm.s32 @!p0 $0x0  }
0x12: {  	s1 =	sld [smem:$0x3F97];
	s0 =	simm.s32 @p0 $0x1  }
0x13: {  	[smem:$0x3FB2] =	sst s0;
	s0 =	simm.s32 @!p1 $0x0  }
0x14: {  	s2 =	sld [smem:$0x3F96];
	s0 =	simm.s32 @p1 $0x1  }
0x15: {  	[smem:$0x3FB3] =	sst s0;
	s0 =	simm.s32 @!p2 $0x0  }
0x16: {  	s3 =	sld [smem:$0x3FDB];
	s0 =	simm.s32 @p2 $0x1  }
0x17: {  	s4 =	simm.s32 $0x1BF5;
	[smem:$0x3FB5] =	sst s0  }
0x18: {  	s0 =	sld [smem:$0x3F98];
	_ =	swait.ge [sflag:s4], $0x0  }
0x19: {  	s7 =	sld [smem:$0x3F99]  }
0x1a: {  	s8 =	sadd.s32 $0xFFFFE003, lr  }
0x1b: {  	s9 =	sadd.s32 $0xFFFFFEF7, lr;
	s5 =	simm.s32 $0xFFFFFFFF;
	p2 =	slt.u32 s8, $0xFFFFF086  }
0x1c: {  	p1 =	slt.u32 s9, $0xF7A;
	s5 =	simm.s32 @!p2 $0x0  }
0x1d: {  	s5 =	simm.s32 @p1 $0x1;
	p0 =	seq.s32 s7, s2  }
0x1e: {  	s7 =	smul.u32 @!p0 $0xF7A, s2;
	p2 =	seq.s32 @!p0 s5, $0x0  }
0x1f: {  	s9 =	smul.u32 $0xF7A, s1;
	s8 =	simm.s32 @!p0 $0x1BF5;
	p2 =	por !p2, p0  }
0x20: {  	[sflag:s8] =	ssyncset.s32 @!p0 $0xFFFFF086;
	s6 =	sadd.s32 @!p0 s3, s7;
	s7 =	simm.s32 @!p0 $0x108  }
0x21: {  	s3 =	sadd.s32 s3, s9;
	s6 =	sadd.s32 @!p0 $0x88, s6;
	s7 =	simm.s32 @p2 $0x1082  }
0x22: {  	[simem:s7], [sflag:s8] =	dma.local @!p0 [hbm:s6], $0xF7A  }
0x23: {  	s9 =	sor.u32 $0xD0000000, s2;
	s6 =	simm.s32 $0x108;
	_ =	swait.ge @!p0 [sflag:s8], $0x0  }
0x24: {  	s3 =	sadd.s32 $0x88, s3;
	s6 =	simm.s32 @!p1 $0x1082;
	[sflag:s4] =	ssyncset.s32 $0xFFFFF086  }
0x25: {  	[simem:s6], [sflag:s4] =	dma.local [hbm:s3], $0xF7A  }
0x26: {  	[smem:$0x3F99] =	sst s1;
	(tag) =	ssettag s2;
	_ =	strace s9  }
0x27: {  	s1 =	sld [smem:$0x3FA9]  }
0x28: {  	s2 =	sld [smem:$0x3FAA]  }
0x29: {  	s4 =	sld [smem:$0x3FAC]  }
0x2a: {  	p0 =	seq.s32 s5, $0x0;
	s5 =	sld [smem:$0x3FAD]  }
0x2b: {  	s6 =	sld [smem:$0x3FAE]  }
0x2c: {  	s7 =	sld [smem:$0x3FAF]  }
0x2d: {  	s3 =	simm.s32 $0x108;
	s8 =	sld [smem:$0x3FB0]  }
0x2e: {  	s3 =	simm.s32 @!p0 $0x1082;
	s9 =	sld [smem:$0x3FB1]  }
0x2f: {  	lr =	sadd.s32 s0, s3;
	s0 =	sld [smem:$0x3FA8]  }
0x30: {  	s3 =	sld [smem:$0x3FAB]  }
0x31: {  	[smem:$0x3FB4] =	sst s10  }
0x32: {  	s10 =	sld [smem:$0x3FB2];
	_ =	sdelay $0x3  }
0x33: {  	p0 =	seq.s32 s10, $0x1;
	s10 =	sld [smem:$0x3FB4];
	_ =	sdelay $0x3  }
0x34: {  	[smem:$0x3FB4] =	sst s10  }
0x35: {  	s10 =	sld [smem:$0x3FB3];
	_ =	sdelay $0x3  }
0x36: {  	p1 =	seq.s32 s10, $0x1;
	s10 =	sld [smem:$0x3FB4];
	_ =	sdelay $0x3  }
0x37: {  	[smem:$0x3FB4] =	sst s10  }
0x38: {  	s10 =	sld [smem:$0x3FB5]  }
0x39: {  	_ = 	snop;
	(pc) =	sbr.ind lr, $3  }
0x3a: {  	_ = 	snop  }
0x3b: {  	_ = 	snop  }
0x3c: {  	p2 =	seq.s32 s10, $0x1;
	s10 =	sld [smem:$0x3FB4]  }
0x3d: {  	_ =	shalt  }
0x3e: {  	_ =	shalt  }
0x3f: {  	_ =	shalt  }
0x40: {  	_ =	shalt  }
0x41: {  	_ =	shalt  }
0x42: {  	_ =	shalt  }
0x43: {  	_ =	shalt  }
0x44: {  	_ =	shalt  }
0x45: {  	_ =	shalt  }
0x46: {  	_ =	shalt  }
0x47: {  	_ =	shalt  }
0x48: {  	_ =	shalt  }
0x49: {  	_ =	shalt  }
0x4a: {  	_ =	shalt  }
0x4b: {  	_ =	shalt  }
0x4c: {  	_ =	shalt  }
0x4d: {  	_ =	shalt  }
0x4e: {  	_ =	shalt  }
0x4f: {  	_ =	shalt  }
0x50: {  	_ =	shalt  }
0x51: {  	_ =	shalt  }
0x52: {  	_ =	shalt  }
0x53: {  	_ =	shalt  }
0x54: {  	_ =	shalt  }
0x55: {  	_ =	shalt  }
0x56: {  	_ =	shalt  }
0x57: {  	_ =	shalt  }
0x58: {  	_ =	shalt  }
0x59: {  	_ =	shalt  }
0x5a: {  	_ =	shalt  }
0x5b: {  	_ =	shalt  }
0x5c: {  	_ =	shalt  }
0x5d: {  	_ =	shalt  }
0x5e: {  	_ =	shalt  }
0x5f: {  	_ =	shalt  }
0x60: {  	_ =	shalt  }
0x61: {  	_ =	shalt  }
0x62: {  	_ =	shalt  }
0x63: {  	_ =	shalt  }
0x64: {  	_ =	shalt  }
0x65: {  	_ =	shalt  }
0x66: {  	_ =	shalt  }
0x67: {  	_ =	shalt  }
0x68: {  	_ =	shalt  }
0x69: {  	_ =	shalt  }
0x6a: {  	_ =	shalt  }
0x6b: {  	_ =	shalt  }
0x6c: {  	_ =	shalt  }
0x6d: {  	_ =	shalt  }
0x6e: {  	_ =	shalt  }
0x6f: {  	_ =	shalt  }
0x70: {  	_ =	shalt  }
0x71: {  	_ =	shalt  }
0x72: {  	_ =	shalt  }
0x73: {  	_ =	shalt  }
0x74: {  	_ =	shalt  }
0x75: {  	_ =	shalt  }
0x76: {  	_ =	shalt  }
0x77: {  	_ =	shalt  }
0x78: {  	_ =	shalt  }
0x79: {  	_ =	shalt  }
0x7a: {  	_ =	shalt  }
0x7b: {  	_ =	shalt  }
0x7c: {  	_ =	shalt  }
0x7d: {  	_ =	shalt  }
0x7e: {  	_ =	shalt  }
0x7f: {  	_ =	shalt  }
0x80: {  	_ =	shalt  }
0x81: {  	_ =	shalt  }
0x82: {  	_ =	shalt  }
0x83: {  	_ =	shalt  }
0x84: {  	_ =	shalt  }
0x85: {  	_ =	shalt  }
0x86: {  	_ =	shalt  }
0x87: {  	_ =	shalt  }
.Lfunc_end0:
.L_simem_size_0:
called_computation_lowered:
.L_overlay_start_0:
0x88: {  	s2 =	sld [smem:$0x3FD9]  }
0x89: {  	s3 =	sld [smem:$0x3FFE];
	_ =	sdelay $0x1  }
0x8a: {  	s1 =	srdreg.scid  }
0x8b: {  	s0 =	sand.u32 $0x1, s1  }
0x8c: {  	s17 =	sshll.u32 s0, $0xA;
	s2 =	sadd.s32 s3, s2  }
0x8d: {  	s2 =	sadd.s32 s2, s17  }
0x8e: {  	[smem:$0x3FC0] =	sst s2  }
0x8f: {  	_ = 	snop  }
0x90: {  	s2 =	sld [smem:$0x3FD0];
	(tm) =	ssettm $0x1  }
0x91: {  	s18 =	sld [smem:$0x3FFB];
	_ =	sdelay $0x3  }
0x92: {  	_ =	strace s18  }
0x93: {  	s3 =	sld [smem:$0x3FFC];
	_ =	sdelay $0x3  }
0x94: {  	_ =	strace s3  }
0x95: {  	s3 =	sld [smem:$0x3FFD];
	_ =	sdelay $0x3  }
0x96: {  	_ =	strace s3  }
0x97: {  	_ =	strace $0x8FFFFFFF  }
0x98: {  	s19 =	sld [smem:$0x3FDB];
	_ =	sdelay $0x1  }
0x99: {  	s4 =	simm.s32 $_scs_section_size  }
0x9a: {  	s5 =	simm.s32 $_size__tile_overlayer_lowered;
	s6 =	simm.s32 $_tile_overlayer_lowered  }
0x9b: {  	s22 =	simm.s32 $0x1BFF;
	s21 =	sshll.u32 s6, $0x1;
	s3 =	sadd.s32 s4, s19  }
0x9c: {  	s7 =	simm.s32 $0x0;
	s20 =	sshll.u32 s5, $0x1;
	s5 =	sadd.s32 s21, s3  }
0x9d: {  	[timem:s7], [sflag:s22] =	dma.local [hbm:s5], s20  }
0x9e: {  	_ =	swait.ge [sflag:s22], s20  }
0x9f: {  	s4 =	ssub.s32 $0x0, s20;
	[sflag:s22] =	ssyncset.done $0x0  }
0xa0: {  	[sflag:s22] =	ssyncadd.s32 s4;
	_ =	sdelay $0x1  }
0xa1: {  	s23 =	simm.s32 $0x1B8B  }
0xa2: {  	_ =	swait.ge [sflag:s23], $0x1  }
0xa3: {  	[sflag:s23] =	ssyncset.done $0x0  }
0xa4: {  	s25 =	simm.s32 $0x1B8E;
	s24 =	sld [smem:$0x3FFE];
	[sflag:s23] =	ssyncadd.s32 $0xFFFFFFFF  }
0xa5: {  	s26 =	simm.s32 $execute0_lowered;
	[smem:$0x3FD2] =	sst s25  }
0xa6: {  	s5 =	sshll.u32 s26, $0x1;
	_ =	strace $0x80000046;
	[dreg:$0x1] =	wrdreg $0xFFFFFFFF  }
0xa7: {  	s28 =	simm.s32 $_size_execute0_lowered;
	s3 =	sadd.s32 s3, s5;
	[dreg:$0x0] =	wrdreg $0x0  }
0xa8: {  	s5 =	sshll.u32 s28, $0x1;
	[dreg:$0x2] =	wrdreg s3  }
0xa9: {  	[dreg:$0x3] =	wrdreg s5  }
0xaa: {  	[dreg:$0x4] =	wrdreg $0xC0  }
0xab: {  	_ =	task [dreg:s7], $0x5FFFF  }
0xac: {  	[dreg:$0x1] =	wrdreg $0xFFFFFFFF  }
0xad: {  	[dreg:$0x0] =	wrdreg $0x60  }
0xae: {  	[dreg:$0x2] =	wrdreg s2  }
0xaf: {  	[dreg:$0x3] =	wrdreg s24  }
0xb0: {  	[dreg:$0x4] =	wrdreg $0x90800  }
0xb1: {  	[dreg:$0x5] =	wrdreg $0x92F80  }
0xb2: {  	[dreg:$0x6] =	wrdreg $0x9  }
0xb3: {  	_ =	task.clear_ibuf [dreg:s7], $0x7FFFF;
	_ =	strace $0x90000046  }
0xb4: {  	s29 =	simm.s32 $0x9;
	_ =	strace $0x80000048  }
0xb5: {  	_ =	swait.ge [sflag:s29], $0x1  }
0xb6: {  	[sflag:s29] =	ssyncadd.s32 $0xFFFFFFFF  }
0xb7: {  	_ =	strace $0x90000048  }
0xb8: {  	_ =	sfence  }
0xb9: {  	s30 =	sld [smem:$0x0];
	_ =	sdelay $0x2  }
0xba: {  	s31 =	sshll.u32 s1, $0xD;
	s1 =	sshrl.u32 s1, $0x2  }
0xbb: {  	s3 =	sand.u32 $0x4000, s31;
	s1 =	sadd.s32 s1, s30  }
0xbc: {  	s0 =	sor.u32 s3, s0;
	s1 =	sshll.u32 s1, $0x11  }
0xbd: {  	s0 =	sor.u32 s1, s0  }
0xbe: {  	s0 =	sadd.s32 $0x8F2B, s0  }
0xbf: {  	[sflag:s0] =	ssyncadd.remote.s32 $0x1  }
0xc0: {  	_ =	sfence.sel $0xFFFF  }
0xc1: {  	[dreg:$0x0] =	wrdreg $0xFFFFFFFF;
	(pc) =	sbr.abs _section_cstart, $3  }
0xc2: {  	[dreg:$0x1] =	wrdreg $0xFFFFFFFF  }
0xc3: {  	_ =	task.clear_ibuf [dreg:s7], $0x2FFFF;
	_ =	strace $0x9FFFFFFF  }
0xc4: {  	(tm) =	ssettm $0x7FFFFFFF  }
0xc5: {  	_ =	shalt  }
tec
execute0_lowered:
.L_overlay_start_1:
0x0: {  	(tag) =	ssettag $0x1  }
0x1: {  	s7 =	rddreg [dreg:$0x0]  }
0x2: {  	s20 =	rddreg [dreg:$0x1];
	s1 =	srdreg.scid  }
0x3: {  	s0 =	stileid.u32;
	s2 =	rddreg [dreg:$0x2]  }
0x4: {  	s3 =	rddreg [dreg:$0x3];
	s4 =	simm.s32 $0x0;
	s22 =	simm.s32 $0x2  }
0x5: {  	s23 =	simm.s32 $0x4800;
	s24 =	simm.s32 $0x9000;
	s25 =	simm.s32 $0x48  }
0x6: {  	s26 =	simm.s32 $0x1;
	s13 =	sand.u32 $0x1, s1;
	s1 =	rddreg [dreg:$0x4]  }
0x7: {  	s28 =	simm.s32 $0x0;
	s31 =	sshll.u32 s0, $0x1;
	[smem:$0x7FF] =	sst s4  }
0x8: {  	s10 =	smul.u32 $0x280, s0;
	s6 =	sadd.s32 $0x15400, s20;
	s17 =	sadd.s32 $0x15CB0, s20  }
0x9: {  	s18 =	sadd.s32 $0x168B0, s20;
	s19 =	sadd.s32 $0x162B0, s20;
	p0 =	seq.s32 s0, $0xF  }
0xa: {  	s5 =	sor.u32 s13, s31;
	_ =	strace $0x80000047;
	s11 =	ssub.s32 $0x2, s13  }
0xb: {  	p4 =	seq.s32 s13, $0x1;
	s8 =	smul.u32 $0x900, s5;
	s5 =	sadd.s32 $0x15600, s20  }
0xc: {  	s12 =	sshrl.u32 s10, $0x3;
	s14 =	sshrl.u32 s11, $0x1;
	p1 =	por !p4, !p0  }
0xd: {  	p2 =	por p4, !p0;
	p3 =	por !p4, p0;
	p4 =	por p4, p0  }
0xe: {  	s16 =	sadd.s32 s12, s20;
	s21 =	ssub.s32 s11, s14;
	s11 =	sadd.s32 $0x2580, s2  }
0xf: {  	s12 =	sadd.s32 $0x2580, s3;
	s9 =	sadd.s32 s8, s20;
	s7 =	sadd.s32 s7, s8  }
0x10: {  	s13 =	sadd.s32 $0x15800, s16;
	s14 =	sadd.s32 $0x16400, s16;
	s15 =	sadd.s32 $0x15E00, s16  }
0x11: {  	s16 =	sadd.s32 $0x16A00, s16;
	s20 =	sadd.s32 $0x16EB0, s20;
	s21 =	smax.u32 s21, $0x1  }
0x12: {  	s8 =	sadd.s32 $0x3400, s9;
	s9 =	sadd.s32 s10, s2;
	s10 =	sadd.s32 s10, s3  }
.LBB2_1:
0x13: {  	[tilespmem:s4], [sflag:$0x2] =	stream.linear.gather [hbm4b:s7+s4], $0x4580, $0x38;
	[tilespmem:$0x9570] =	vst v63  }
0x14: {  	_ =	swait.ge [sflag:s22], $0x4580  }
0x15: {  	[sflag:s22] =	ssyncset.done $0x0  }
0x16: {  	[sflag:s22] =	ssyncadd.s32 $0xFFFFBA80  }
0x17: {  	[tilespmem:s23], [sflag:$0x2] =	stream.linear.gather [hbm4b:s8+s4], $0x4580, $0x38;
	[tilespmem:$0x9570] =	vst v63  }
0x18: {  	_ =	swait.ge [sflag:s22], $0x4580  }
0x19: {  	[sflag:s22] =	ssyncset.done $0x0  }
0x1a: {  	[sflag:s22] =	ssyncadd.s32 $0xFFFFBA80  }
0x1b: {  	[tilespmem:s24], [sflag:$0x2] =	stream.linear.gather [hbm4b:s5+s4], $0x80, $0x38;
	[tilespmem:$0x9570] =	vst v63  }
0x1c: {  	_ =	swait.ge [sflag:s22], $0x80  }
0x1d: {  	[sflag:s22] =	ssyncset.done $0x0  }
0x1e: {  	s29 =	sshrl.u32 @p0 s11, $0x3;
	s30 =	simm.s32 @p0 $0x1FC2;
	[sflag:s22] =	ssyncadd.s32 $0xFFFFFF80  }
0x1f: {  	[spmem:s29], [sflag:s30] =	dma.local @p0 [hbm:s6], $0x40  }
0x20: {  	s29 =	simm.s32 @p0 $0x2  }
0x21: {  	_ =	swait.ge @p0 [sflag:s29], $0x40  }
0x22: {  	[sflag:s29] =	ssyncset.done @p0 $0x0  }
0x23: {  	s31 =	sshrl.u32 @p0 s12, $0x3;
	[sflag:s29] =	ssyncadd.s32 @p0 $0xFFFFFFC0  }
0x24: {  	[spmem:s31], [sflag:s30] =	dma.local @p0 [hbm:s6], $0x40  }
0x25: {  	_ =	swait.ge @p0 [sflag:s29], $0x40  }
0x26: {  	s30 =	sshll.u32 @!p0 s0, $0x6;
	[sflag:s29] =	ssyncset.done @p0 $0x0  }
0x27: {  	[sflag:s29] =	ssyncadd.s32 @p0 $0xFFFFFFC0;
	s29 =	sor.u32 @!p0 $0x1C02, s30;
	s30 =	sshrl.u32 @!p0 s9, $0x3  }
0x28: {  	[spmem:s30], [sflag:s29] =	dma.local @!p0 [hbm:s6], $0x50  }
0x29: {  	s30 =	simm.s32 @!p0 $0x2  }
0x2a: {  	_ =	swait.ge @!p0 [sflag:s30], $0x50  }
0x2b: {  	[sflag:s30] =	ssyncset.done @!p0 $0x0  }
0x2c: {  	s31 =	sshrl.u32 @!p0 s10, $0x3;
	[sflag:s30] =	ssyncadd.s32 @!p0 $0xFFFFFFB0  }
0x2d: {  	[spmem:s31], [sflag:s29] =	dma.local @!p0 [hbm:s6], $0x50  }
0x2e: {  	_ =	swait.ge @!p0 [sflag:s30], $0x50  }
0x2f: {  	[sflag:s30] =	ssyncset.done @!p0 $0x0  }
0x30: {  	[sflag:s30] =	ssyncadd.s32 @!p0 $0xFFFFFFB0  }
0x31: {  	s29 =	simm.s32 $0x0;
	[bflag:$0x0] =	sbarrier.arrive $0xFFFF  }
0x32: {  	[spmem:s2] =	stream.indirect.scatter.add.f32 [tilespmem:s24], [sflag:$0x1], $0x1, s29, s25, $0xb8;
	[tilespmem:$0x9570] =	vst v63  }
0x33: {  	s30 =	simm.s32 $0x4800;
	s29 =	simm.s32 $0x200  }
.LBB2_2:
0x34: {  	[spmem:s3] =	stream.indirect.scatter.add.f32 [tilespmem:s24], [sflag:$0x1], $0x1, s30, s25, $0xb8;
	[tilespmem:$0x9570] =	vst v63  }
0x35: {  	s30 =	smov.u32 s29;
	p5 =	sne.s32 s29, $0x11400  }
.Ltmp0:
0x36: {  	s29 =	sadd.s32 $0x200, s29;
	(pc) =	sbr.rel @p5 .LBB2_2-.Ltmp0, $4  }
0x37: {  	_ = 	snop  }
0x38: {  	s30 =	sshra.s32 s30, $0x2  }
0x39: {  	[spmem:s2] =	stream.indirect.scatter.add.f32 [tilespmem:s24], [sflag:$0x1], $0x1, s30, s25, $0xb8;
	[tilespmem:$0x9570] =	vst v63  }
0x3a: {  	s30 =	sadd.s32 $0x4800, s30  }
0x3b: {  	[spmem:s3] =	stream.indirect.scatter.add.f32 [tilespmem:s24], [sflag:$0x1], $0x1, s30, s25, $0xb8;
	[tilespmem:$0x9570] =	vst v63  }
0x3c: {  	_ =	swait.ge [sflag:s26], $0x48  }
0x3d: {  	[sflag:s26] =	ssyncset.done $0x0  }
0x3e: {  	[sflag:s26] =	ssyncadd.s32 $0xFFFFFFB8  }
0x3f: {  	_ =	swait.ge [sflag:s26], $0x48  }
0x40: {  	s29 =	simm.s32 $0x8A;
	[sflag:s26] =	ssyncset.done $0x0  }
.LBB2_4:
0x41: {  	p5 =	sne.s32 s29, $0x1;
	s29 =	sadd.s32 $0xFFFFFFFF, s29;
	[sflag:s26] =	ssyncadd.s32 $0xFFFFFFB8  }
.Ltmp1:
0x42: {  	_ =	swait.ge [sflag:s26], $0x48;
	(pc) =	sbr.rel @p5 .LBB2_4-.Ltmp1, $4  }
0x43: {  	[sflag:s26] =	ssyncset.done $0x0  }
0x44: {  	[sflag:s26] =	ssyncadd.s32 $0xFFFFFFB8  }
0x45: {  	_ =	swait.ge [sflag:s26], $0x48  }
0x46: {  	[sflag:s26] =	ssyncset.done $0x0  }
0x47: {  	[sflag:s26] =	ssyncadd.s32 $0xFFFFFFB8  }
0x48: {  	s29 =	sshrl.u32 @!p1 s11, $0x3;
	s30 =	simm.s32 @!p1 $0x1FC2;
	[bflag:$0x0] =	sbarrier.arrive $0xFFFF  }
0x49: {  	[hbm:s19], [sflag:s30] =	dma.local @!p1 [spmem:s29], $0x40  }
0x4a: {  	s29 =	simm.s32 @!p1 $0x2  }
0x4b: {  	_ =	swait.ge @!p1 [sflag:s29], $0x40  }
0x4c: {  	[sflag:s29] =	ssyncset.done @!p1 $0x0  }
0x4d: {  	s31 =	sshrl.u32 @!p1 s12, $0x3;
	[sflag:s29] =	ssyncadd.s32 @!p1 $0xFFFFFFC0  }
0x4e: {  	[hbm:s20], [sflag:s30] =	dma.local @!p1 [spmem:s31], $0x40  }
0x4f: {  	_ =	swait.ge @!p1 [sflag:s29], $0x40  }
0x50: {  	[sflag:s29] =	ssyncset.done @!p1 $0x0  }
0x51: {  	s30 =	simm.s32 @!p2 $0x1FC2;
	[sflag:s29] =	ssyncadd.s32 @!p1 $0xFFFFFFC0;
	s29 =	sshrl.u32 @!p2 s11, $0x3  }
0x52: {  	[hbm:s17], [sflag:s30] =	dma.local @!p2 [spmem:s29], $0x40  }
0x53: {  	s29 =	simm.s32 @!p2 $0x2  }
0x54: {  	_ =	swait.ge @!p2 [sflag:s29], $0x40  }
0x55: {  	[sflag:s29] =	ssyncset.done @!p2 $0x0  }
0x56: {  	s31 =	sshrl.u32 @!p2 s12, $0x3;
	[sflag:s29] =	ssyncadd.s32 @!p2 $0xFFFFFFC0  }
0x57: {  	[hbm:s18], [sflag:s30] =	dma.local @!p2 [spmem:s31], $0x40  }
0x58: {  	_ =	swait.ge @!p2 [sflag:s29], $0x40  }
0x59: {  	s30 =	sshll.u32 @!p3 s0, $0x6;
	[sflag:s29] =	ssyncset.done @!p2 $0x0  }
0x5a: {  	[sflag:s29] =	ssyncadd.s32 @!p2 $0xFFFFFFC0;
	s29 =	sor.u32 @!p3 $0x1C02, s30;
	s30 =	sshrl.u32 @!p3 s9, $0x3  }
0x5b: {  	[hbm:s15], [sflag:s29] =	dma.local @!p3 [spmem:s30], $0x50  }
0x5c: {  	s30 =	simm.s32 @!p3 $0x2  }
0x5d: {  	_ =	swait.ge @!p3 [sflag:s30], $0x50  }
0x5e: {  	[sflag:s30] =	ssyncset.done @!p3 $0x0  }
0x5f: {  	s31 =	sshrl.u32 @!p3 s10, $0x3;
	[sflag:s30] =	ssyncadd.s32 @!p3 $0xFFFFFFB0  }
0x60: {  	[hbm:s16], [sflag:s29] =	dma.local @!p3 [spmem:s31], $0x50  }
0x61: {  	_ =	swait.ge @!p3 [sflag:s30], $0x50  }
0x62: {  	s29 =	sshll.u32 @!p4 s0, $0x6;
	[sflag:s30] =	ssyncset.done @!p3 $0x0  }
0x63: {  	s29 =	sor.u32 @!p4 $0x1C02, s29;
	[sflag:s30] =	ssyncadd.s32 @!p3 $0xFFFFFFB0;
	s30 =	sshrl.u32 @!p4 s9, $0x3  }
0x64: {  	[hbm:s13], [sflag:s29] =	dma.local @!p4 [spmem:s30], $0x50  }
0x65: {  	s30 =	simm.s32 @!p4 $0x2  }
0x66: {  	s28 =	sadd.s32 $0x1, s28;
	_ =	swait.ge @!p4 [sflag:s30], $0x50  }
0x67: {  	p5 =	sne.s32 s28, s21;
	[sflag:s30] =	ssyncset.done @!p4 $0x0  }
.Ltmp2:
0x68: {  	s31 =	sshrl.u32 @!p4 s10, $0x3;
	[sflag:s30] =	ssyncadd.s32 @!p4 $0xFFFFFFB0;
	(pc) =	sbr.rel @p5 .LBB2_1-.Ltmp2, $4  }
0x69: {  	[hbm:s14], [sflag:s29] =	dma.local @!p4 [spmem:s31], $0x50  }
0x6a: {  	_ =	swait.ge @!p4 [sflag:s30], $0x50  }
0x6b: {  	[sflag:s30] =	ssyncset.done @!p4 $0x0  }
0x6c: {  	[sflag:s30] =	ssyncadd.s32 @!p4 $0xFFFFFFB0  }
0x6d: {  	_ =	sfence.sel $0x180000  }
0x6e: {  	[bflag:$0x0] =	sbarrier.arrive $0xFFFF  }
0x6f: {  	p0 =	sne.s32 s0, $0x0;
	_ =	strace $0x90000047  }
0x70: {  	s0 =	sadd.s32 @!p0 $0x100000, s1;
	[bflag:$0x2] =	sbarrier.arrive $0xFFFF  }
0x71: {  	[sflag:s0] =	ssyncadd.tile.s32 @!p0 $0x1;
	_ =	shalt  }
.Lfunc_end2:
_tile_overlayer_lowered:
.L_overlay_start_2:
0x72: {  	(tag) =	ssettag $0x2  }
0x73: {  	s0 =	rddreg [dreg:$0x0];
	s2 =	stileid.u32  }
0x74: {  	s1 =	rddreg [dreg:$0x1];
	p0 =	sne.s32 s2, $0x0  }
0x75: {  	s3 =	rddreg [dreg:$0x2];
	[bflag:$0x3] =	sbarrier.arrive $0xFFFF;
	s2 =	simm.s32 @!p0 $0x1C02  }
0x76: {  	[timem:s3], [sflag:s2] =	dma.local @!p0 [hbm:s0], s1  }
0x77: {  	s0 =	simm.s32 @!p0 $0x2  }
0x78: {  	_ =	swait.ge @!p0 [sflag:s0], s1  }
0x79: {  	s1 =	ssub.s32 @!p0 $0x0, s1;
	[sflag:s0] =	ssyncset.done @!p0 $0x0  }
0x7a: {  	[sflag:s0] =	ssyncadd.s32 @!p0 s1  }
0x7b: {  	[bflag:$0x3] =	sbarrier.arrive $0xFFFF  }
0x7c: {  	_ =	shalt  }

// kernel: _run.13.cloned.1.call-start
scs
__scs_entry_jumppad:
0x0: {  	(pc) =	sbr.rel $0x88, $3  }
0x1: {  	(tag) =	ssettag $0x0;
	lr =	simm.s32 $0x1  }
0x2: {  	[smem:$0x3F99] =	sst lr;
	_ =	strace $0xD0000000  }
0x3: {  	_ = 	snop  }
0x4: {  	_ = 	snop  }
0x5: {  	_ = 	snop  }
0x6: {  	_ = 	snop  }
0x7: {  	_ = 	snop  }
__scs_overlays_trampoline_lowered:
0x8: {  	[smem:$0x3FA8] =	sst s0  }
0x9: {  	[smem:$0x3FA9] =	sst s1  }
0xa: {  	[smem:$0x3FAA] =	sst s2  }
0xb: {  	[smem:$0x3FAB] =	sst s3  }
0xc: {  	[smem:$0x3FAC] =	sst s4  }
0xd: {  	[smem:$0x3FAD] =	sst s5  }
0xe: {  	[smem:$0x3FAE] =	sst s6  }
0xf: {  	[smem:$0x3FAF] =	sst s7  }
0x10: {  	[smem:$0x3FB0] =	sst s8  }
0x11: {  	[smem:$0x3FB1] =	sst s9;
	s0 =	simm.s32 @!p0 $0x0  }
0x12: {  	s1 =	sld [smem:$0x3F97];
	s0 =	simm.s32 @p0 $0x1  }
0x13: {  	[smem:$0x3FB2] =	sst s0;
	s0 =	simm.s32 @!p1 $0x0  }
0x14: {  	s2 =	sld [smem:$0x3F96];
	s0 =	simm.s32 @p1 $0x1  }
0x15: {  	[smem:$0x3FB3] =	sst s0;
	s0 =	simm.s32 @!p2 $0x0  }
0x16: {  	s3 =	sld [smem:$0x3FDB];
	s0 =	simm.s32 @p2 $0x1  }
0x17: {  	s4 =	simm.s32 $0x1BF5;
	[smem:$0x3FB5] =	sst s0  }
0x18: {  	s0 =	sld [smem:$0x3F98];
	_ =	swait.ge [sflag:s4], $0x0  }
0x19: {  	s7 =	sld [smem:$0x3F99]  }
0x1a: {  	s8 =	sadd.s32 $0xFFFFE003, lr  }
0x1b: {  	s9 =	sadd.s32 $0xFFFFFEF7, lr;
	s5 =	simm.s32 $0xFFFFFFFF;
	p2 =	slt.u32 s8, $0xFFFFF086  }
0x1c: {  	p1 =	slt.u32 s9, $0xF7A;
	s5 =	simm.s32 @!p2 $0x0  }
0x1d: {  	s5 =	simm.s32 @p1 $0x1;
	p0 =	seq.s32 s7, s2  }
0x1e: {  	s7 =	smul.u32 @!p0 $0xF7A, s2;
	p2 =	seq.s32 @!p0 s5, $0x0  }
0x1f: {  	s9 =	smul.u32 $0xF7A, s1;
	s8 =	simm.s32 @!p0 $0x1BF5;
	p2 =	por !p2, p0  }
0x20: {  	[sflag:s8] =	ssyncset.s32 @!p0 $0xFFFFF086;
	s6 =	sadd.s32 @!p0 s3, s7;
	s7 =	simm.s32 @!p0 $0x108  }
0x21: {  	s3 =	sadd.s32 s3, s9;
	s6 =	sadd.s32 @!p0 $0x88, s6;
	s7 =	simm.s32 @p2 $0x1082  }
0x22: {  	[simem:s7], [sflag:s8] =	dma.local @!p0 [hbm:s6], $0xF7A  }
0x23: {  	s9 =	sor.u32 $0xD0000000, s2;
	s6 =	simm.s32 $0x108;
	_ =	swait.ge @!p0 [sflag:s8], $0x0  }
0x24: {  	s3 =	sadd.s32 $0x88, s3;
	s6 =	simm.s32 @!p1 $0x1082;
	[sflag:s4] =	ssyncset.s32 $0xFFFFF086  }
0x25: {  	[simem:s6], [sflag:s4] =	dma.local [hbm:s3], $0xF7A  }
0x26: {  	[smem:$0x3F99] =	sst s1;
	(tag) =	ssettag s2;
	_ =	strace s9  }
0x27: {  	s1 =	sld [smem:$0x3FA9]  }
0x28: {  	s2 =	sld [smem:$0x3FAA]  }
0x29: {  	s4 =	sld [smem:$0x3FAC]  }
0x2a: {  	p0 =	seq.s32 s5, $0x0;
	s5 =	sld [smem:$0x3FAD]  }
0x2b: {  	s6 =	sld [smem:$0x3FAE]  }
0x2c: {  	s7 =	sld [smem:$0x3FAF]  }
0x2d: {  	s3 =	simm.s32 $0x108;
	s8 =	sld [smem:$0x3FB0]  }
0x2e: {  	s3 =	simm.s32 @!p0 $0x1082;
	s9 =	sld [smem:$0x3FB1]  }
0x2f: {  	lr =	sadd.s32 s0, s3;
	s0 =	sld [smem:$0x3FA8]  }
0x30: {  	s3 =	sld [smem:$0x3FAB]  }
0x31: {  	[smem:$0x3FB4] =	sst s10  }
0x32: {  	s10 =	sld [smem:$0x3FB2];
	_ =	sdelay $0x3  }
0x33: {  	p0 =	seq.s32 s10, $0x1;
	s10 =	sld [smem:$0x3FB4];
	_ =	sdelay $0x3  }
0x34: {  	[smem:$0x3FB4] =	sst s10  }
0x35: {  	s10 =	sld [smem:$0x3FB3];
	_ =	sdelay $0x3  }
0x36: {  	p1 =	seq.s32 s10, $0x1;
	s10 =	sld [smem:$0x3FB4];
	_ =	sdelay $0x3  }
0x37: {  	[smem:$0x3FB4] =	sst s10  }
0x38: {  	s10 =	sld [smem:$0x3FB5]  }
0x39: {  	_ = 	snop;
	(pc) =	sbr.ind lr, $3  }
0x3a: {  	_ = 	snop  }
0x3b: {  	_ = 	snop  }
0x3c: {  	p2 =	seq.s32 s10, $0x1;
	s10 =	sld [smem:$0x3FB4]  }
0x3d: {  	_ =	shalt  }
0x3e: {  	_ =	shalt  }
0x3f: {  	_ =	shalt  }
0x40: {  	_ =	shalt  }
0x41: {  	_ =	shalt  }
0x42: {  	_ =	shalt  }
0x43: {  	_ =	shalt  }
0x44: {  	_ =	shalt  }
0x45: {  	_ =	shalt  }
0x46: {  	_ =	shalt  }
0x47: {  	_ =	shalt  }
0x48: {  	_ =	shalt  }
0x49: {  	_ =	shalt  }
0x4a: {  	_ =	shalt  }
0x4b: {  	_ =	shalt  }
0x4c: {  	_ =	shalt  }
0x4d: {  	_ =	shalt  }
0x4e: {  	_ =	shalt  }
0x4f: {  	_ =	shalt  }
0x50: {  	_ =	shalt  }
0x51: {  	_ =	shalt  }
0x52: {  	_ =	shalt  }
0x53: {  	_ =	shalt  }
0x54: {  	_ =	shalt  }
0x55: {  	_ =	shalt  }
0x56: {  	_ =	shalt  }
0x57: {  	_ =	shalt  }
0x58: {  	_ =	shalt  }
0x59: {  	_ =	shalt  }
0x5a: {  	_ =	shalt  }
0x5b: {  	_ =	shalt  }
0x5c: {  	_ =	shalt  }
0x5d: {  	_ =	shalt  }
0x5e: {  	_ =	shalt  }
0x5f: {  	_ =	shalt  }
0x60: {  	_ =	shalt  }
0x61: {  	_ =	shalt  }
0x62: {  	_ =	shalt  }
0x63: {  	_ =	shalt  }
0x64: {  	_ =	shalt  }
0x65: {  	_ =	shalt  }
0x66: {  	_ =	shalt  }
0x67: {  	_ =	shalt  }
0x68: {  	_ =	shalt  }
0x69: {  	_ =	shalt  }
0x6a: {  	_ =	shalt  }
0x6b: {  	_ =	shalt  }
0x6c: {  	_ =	shalt  }
0x6d: {  	_ =	shalt  }
0x6e: {  	_ =	shalt  }
0x6f: {  	_ =	shalt  }
0x70: {  	_ =	shalt  }
0x71: {  	_ =	shalt  }
0x72: {  	_ =	shalt  }
0x73: {  	_ =	shalt  }
0x74: {  	_ =	shalt  }
0x75: {  	_ =	shalt  }
0x76: {  	_ =	shalt  }
0x77: {  	_ =	shalt  }
0x78: {  	_ =	shalt  }
0x79: {  	_ =	shalt  }
0x7a: {  	_ =	shalt  }
0x7b: {  	_ =	shalt  }
0x7c: {  	_ =	shalt  }
0x7d: {  	_ =	shalt  }
0x7e: {  	_ =	shalt  }
0x7f: {  	_ =	shalt  }
0x80: {  	_ =	shalt  }
0x81: {  	_ =	shalt  }
0x82: {  	_ =	shalt  }
0x83: {  	_ =	shalt  }
0x84: {  	_ =	shalt  }
0x85: {  	_ =	shalt  }
0x86: {  	_ =	shalt  }
0x87: {  	_ =	shalt  }
.Lfunc_end0:
.L_simem_size_0:
called_computation.1_lowered:
.L_overlay_start_0:
0x88: {  	s2 =	sld [smem:$0x3FD9]  }
0x89: {  	s3 =	sld [smem:$0x3FFE];
	_ =	sdelay $0x1  }
0x8a: {  	s1 =	srdreg.scid  }
0x8b: {  	s0 =	sand.u32 $0x1, s1  }
0x8c: {  	s17 =	sshll.u32 s0, $0xA;
	s2 =	sadd.s32 s3, s2  }
0x8d: {  	s2 =	sadd.s32 s2, s17  }
0x8e: {  	[smem:$0x3FC0] =	sst s2  }
0x8f: {  	_ = 	snop  }
0x90: {  	s2 =	sld [smem:$0x3FD0];
	(tm) =	ssettm $0x1  }
0x91: {  	s18 =	sld [smem:$0x3FFB];
	_ =	sdelay $0x3  }
0x92: {  	_ =	strace s18  }
0x93: {  	s3 =	sld [smem:$0x3FFC];
	_ =	sdelay $0x3  }
0x94: {  	_ =	strace s3  }
0x95: {  	s3 =	sld [smem:$0x3FFD];
	_ =	sdelay $0x3  }
0x96: {  	_ =	strace s3  }
0x97: {  	_ =	strace $0x8FFFFFFF  }
0x98: {  	s19 =	sld [smem:$0x3FDB];
	_ =	sdelay $0x1  }
0x99: {  	s4 =	simm.s32 $_scs_section_size  }
0x9a: {  	s5 =	simm.s32 $_size__tile_overlayer_lowered;
	s6 =	simm.s32 $_tile_overlayer_lowered  }
0x9b: {  	s22 =	simm.s32 $0x1BFF;
	s21 =	sshll.u32 s6, $0x1;
	s3 =	sadd.s32 s4, s19  }
0x9c: {  	s7 =	simm.s32 $0x0;
	s20 =	sshll.u32 s5, $0x1;
	s5 =	sadd.s32 s21, s3  }
0x9d: {  	[timem:s7], [sflag:s22] =	dma.local [hbm:s5], s20  }
0x9e: {  	_ =	swait.ge [sflag:s22], s20  }
0x9f: {  	s4 =	ssub.s32 $0x0, s20;
	[sflag:s22] =	ssyncset.done $0x0  }
0xa0: {  	[sflag:s22] =	ssyncadd.s32 s4;
	_ =	sdelay $0x1  }
0xa1: {  	s23 =	simm.s32 $0x1B8B  }
0xa2: {  	_ =	swait.ge [sflag:s23], $0x1  }
0xa3: {  	[sflag:s23] =	ssyncset.done $0x0  }
0xa4: {  	s25 =	simm.s32 $0x1B8E;
	s24 =	sld [smem:$0x3FFE];
	[sflag:s23] =	ssyncadd.s32 $0xFFFFFFFF  }
0xa5: {  	s26 =	simm.s32 $execute0_lowered;
	[smem:$0x3FD2] =	sst s25  }
0xa6: {  	s5 =	sshll.u32 s26, $0x1;
	_ =	strace $0x80000049;
	[dreg:$0x1] =	wrdreg $0xFFFFFFFF  }
0xa7: {  	s28 =	simm.s32 $_size_execute0_lowered;
	s3 =	sadd.s32 s3, s5;
	[dreg:$0x0] =	wrdreg $0x0  }
0xa8: {  	s5 =	sshll.u32 s28, $0x1;
	[dreg:$0x2] =	wrdreg s3  }
0xa9: {  	[dreg:$0x3] =	wrdreg s5  }
0xaa: {  	[dreg:$0x4] =	wrdreg $0xC0  }
0xab: {  	_ =	task [dreg:s7], $0x5FFFF  }
0xac: {  	[dreg:$0x1] =	wrdreg $0xFFFFFFFF  }
0xad: {  	[dreg:$0x0] =	wrdreg $0x60  }
0xae: {  	[dreg:$0x2] =	wrdreg s24  }
0xaf: {  	[dreg:$0x3] =	wrdreg s2  }
0xb0: {  	[dreg:$0x4] =	wrdreg $0xBA000  }
0xb1: {  	[dreg:$0x5] =	wrdreg $0x9  }
0xb2: {  	_ =	task.clear_ibuf [dreg:s7], $0x6FFFF;
	_ =	strace $0x90000049  }
0xb3: {  	s29 =	simm.s32 $0x9;
	_ =	strace $0x8000004B  }
0xb4: {  	_ =	swait.ge [sflag:s29], $0x1  }
0xb5: {  	[sflag:s29] =	ssyncadd.s32 $0xFFFFFFFF  }
0xb6: {  	_ =	strace $0x9000004B  }
0xb7: {  	_ =	sfence  }
0xb8: {  	s30 =	sld [smem:$0x0];
	_ =	sdelay $0x2  }
0xb9: {  	s31 =	sshll.u32 s1, $0xD;
	s1 =	sshrl.u32 s1, $0x2  }
0xba: {  	s3 =	sand.u32 $0x4000, s31;
	s1 =	sadd.s32 s1, s30  }
0xbb: {  	s0 =	sor.u32 s3, s0;
	s1 =	sshll.u32 s1, $0x11  }
0xbc: {  	s0 =	sor.u32 s1, s0  }
0xbd: {  	s0 =	sadd.s32 $0x8F2B, s0  }
0xbe: {  	[sflag:s0] =	ssyncadd.remote.s32 $0x1  }
0xbf: {  	_ =	sfence.sel $0xFFFF  }
0xc0: {  	[dreg:$0x0] =	wrdreg $0xFFFFFFFF;
	(pc) =	sbr.abs _section_cstart, $3  }
0xc1: {  	[dreg:$0x1] =	wrdreg $0xFFFFFFFF  }
0xc2: {  	_ =	task.clear_ibuf [dreg:s7], $0x2FFFF;
	_ =	strace $0x9FFFFFFF  }
0xc3: {  	(tm) =	ssettm $0x7FFFFFFF  }
tec
execute0_lowered:
.L_overlay_start_1:
0x0: {  	(tag) =	ssettag $0x1  }
0x1: {  	s0 =	rddreg [dreg:$0x0];
	s11 =	stileid.u32  }
0x2: {  	s2 =	rddreg [dreg:$0x2];
	s6 =	smul.u32 $0x13C00, s11  }
0x3: {  	s1 =	srdreg.scid;
	s8 =	smul.u32 $0x4F000, s11  }
0x4: {  	s4 =	simm.s32 $0x0;
	s28 =	simm.s32 $0xB;
	s14 =	smul.u32 $0x9100, s11  }
0x5: {  	s29 =	simm.s32 $0x48;
	s31 =	simm.s32 $0xC;
	s15 =	smul.u32 $0x1220, s11  }
0x6: {  	s1 =	sand.u32 $0x1, s1;
	[smem:$0x7FF] =	sst s4;
	s17 =	smul.u32 $0x8500, s11  }
0x7: {  	s5 =	sadd.s32 $0x88C00, s0;
	s9 =	sadd.s32 $0x17000, s0;
	s18 =	smul.u32 $0x10A0, s11  }
0x8: {  	s3 =	smul.u32 $0x13C000, s1;
	_ =	strace $0x8000004A;
	s26 =	ssub.s32 $0x2, s1  }
0x9: {  	p0 =	seq.s32 s1, $0x1;
	s12 =	sshrl.u32 s8, $0x2;
	s16 =	sshrl.u32 s14, $0x3  }
0xa: {  	s10 =	sadd.s32 s12, s2;
	s12 =	sadd.s32 s9, s15;
	s1 =	sadd.s32 s9, s16  }
0xb: {  	s7 =	sshrl.u32 s26, $0x1;
	s19 =	sadd.s32 $0x20, s1;
	[dreg:$0x4] =	wrdreg s12  }
0xc: {  	s8 =	sshrl.u32 s17, $0x3;
	s20 =	sadd.s32 $0x40, s1;
	[dreg:$0x5] =	wrdreg s19  }
0xd: {  	s30 =	ssub.s32 s26, s7;
	s21 =	sadd.s32 $0x60, s1;
	[dreg:$0x6] =	wrdreg s20  }
0xe: {  	s7 =	sadd.s32 s9, s18;
	s1 =	sadd.s32 $0x80, s1;
	[dreg:$0x7] =	wrdreg s21  }
0xf: {  	s8 =	sadd.s32 s9, s8;
	s22 =	sadd.s32 $0x12200, s7;
	[dreg:$0x8] =	wrdreg s1  }
0x10: {  	s13 =	sshll.u32 s11, $0x6;
	s23 =	sadd.s32 $0x12220, s8;
	[dreg:$0x9] =	wrdreg s22  }
0x11: {  	s3 =	sadd.s32 s6, s3;
	s24 =	sadd.s32 $0x12240, s8;
	[dreg:$0xa] =	wrdreg s23  }
0x12: {  	s6 =	sor.u32 $0x1C11, s13;
	s25 =	sadd.s32 $0x12260, s8;
	[dreg:$0xb] =	wrdreg s24  }
0x13: {  	s3 =	sshrl.u32 s3, $0x3;
	s26 =	sadd.s32 $0x12280, s8;
	[dreg:$0xc] =	wrdreg s25  }
.Ltmp0:
0x14: {  	s30 =	smax.u32 s30, $0x1;
	[dreg:$0xd] =	wrdreg s26;
	(pc) =	sbr.rel .LBB2_1-.Ltmp0, $4  }
0x15: {  	s8 =	simm.s32 $0xE;
	s0 =	sadd.s32 s3, s0;
	[dreg:$0xf] =	wrdreg s30  }
0x16: {  	s23 =	sadd.s32 $0xA0, s12;
	s20 =	sadd.s32 $0x122A0, s7;
	s21 =	sshrl.u32 s10, $0x3  }
0x17: {  	s22 =	simm.s32 $0x11;
	s26 =	simm.s32 $0x400;
	s0 =	sadd.s32 $0xB0400, s0  }
0x18: {  	s3 =	simm.s32 $0xD;
	s10 =	simm.s32 $0xF;
	[dreg:$0xe] =	wrdreg s0  }
.LBB2_4:
0x19: {  	s0 =	sshrl.u32 @!p1 s0, $0xA  }
0x1a: {  	_ =	swait.ge [sflag:s30], $0x2400;
	s0 =	smul.u32 @!p1 $0x5, s0  }
0x1b: {  	s9 =	ssub.s32 @!p4 s9, s17;
	[sflag:s30] =	ssyncset.done $0x0  }
0x1c: {  	s11 =	sadd.s32 $0x600, s11;
	[sflag:s30] =	ssyncadd.s32 $0xFFFFDC00;
	s0 =	ssub.s32 @!p1 s13, s0  }
0x1d: {  	[spmem:s2] =	stream.indirect.scatter.add.f32 [tilespmem:s11], [sflag:s7], $0x80, s24, s29, $0xb8;
	[tilespmem:$0x1F600] =	vst v63  }
0x1e: {  	s7 =	sand.u32 @!p4 $0xFF, s9;
	s0 =	sand.u32 @!p1 $0xFF, s0  }
0x1f: {  	s9 =	sshll.u32 @!p4 s7, $0x8;
	s7 =	sadd.s32 @!p4 $0xB, s7;
	s11 =	smul.u32 @!p1 $0x9000, s0  }
0x20: {  	[tilespmem:s9], [sflag:s7] =	stream.linear.gather @!p4 [hbm4b:s14+s1], $0x100, $0x38;
	[tilespmem:$0x1F600] =	vst v63  }
0x21: {  	_ =	swait.ge @!p1 [sflag:s15], $0x100  }
0x22: {  	s1 =	simm.s32 @!p1 $0x48;
	s7 =	sshrl.u32 @!p1 s11, $0x2;
	[sflag:s15] =	ssyncset.done @!p1 $0x0  }
0x23: {  	s0 =	sadd.s32 @!p1 $0x1, s0;
	s7 =	sadd.s32 @!p1 $0x600, s7;
	[sflag:s15] =	ssyncadd.s32 @!p1 $0xFFFFFF00  }
0x24: {  	[tilespmem:s7], [sflag:s0] =	stream.indirect.gather @!p1 [hbm4b:s5+s1], $0x80, s16, s1, $0xb8;
	[tilespmem:$0x1F600] =	vst v63  }
0x25: {  	s0 =	simm.s32 $0xA  }
.LBB2_8:
0x26: {  	_ =	swait.ge [sflag:s0], $0x2400  }
0x27: {  	[sflag:s0] =	ssyncset.done $0x0  }
0x28: {  	[sflag:s0] =	ssyncadd.s32 $0xFFFFDC00  }
0x29: {  	[bflag:$0x0] =	sbarrier.arrive $0xFFFF  }
0x2a: {  	s25 =	rddreg [dreg:$0xe]  }
0x2b: {  	[hbm:s25], [sflag:s6] =	dma.local [spmem:s21], $0x2780  }
0x2c: {  	_ =	swait.ge [sflag:s22], $0x2780  }
0x2d: {  	s4 =	sadd.s32 $0x1, s4;
	s30 =	rddreg [dreg:$0xf]  }
0x2e: {  	p1 =	sne.s32 s4, s30  }
.Ltmp1:
0x2f: {  	_ = 	snop;
	(pc) =	sbr.rel @!p1 .LBB2_9-.Ltmp1, $3  }
0x30: {  	_ =	sdelay $0x1  }
0x31: {  	[sflag:s22] =	ssyncset.done $0x0  }
0x32: {  	[sflag:s22] =	ssyncadd.s32 $0xFFFFD880  }
.LBB2_1:
0x33: {  	s0 =	rddreg [dreg:$0x1]  }
0x34: {  	[spmem:s21], [sflag:s6] =	dma.local [hbm:s0], $0x2780  }
.Ltmp2:
0x35: {  	_ =	swait.ge [sflag:s22], $0x2780;
	(pc) =	sbr.rel @!p0 .LBB2_2-.Ltmp2, $4  }
0x36: {  	[sflag:s22] =	ssyncset.done $0x0  }
0x37: {  	[sflag:s22] =	ssyncadd.s32 $0xFFFFD880  }
0x38: {  	[bflag:$0x0] =	sbarrier.arrive $0xFFFF  }
0x39: {  	s0 =	simm.s32 $0x0  }
0x3a: {  	s1 =	rddreg [dreg:$0x9]  }
0x3b: {  	s19 =	rddreg [dreg:$0xa]  }
0x3c: {  	[tilespmem:s0], [sflag:$0xB] =	stream.linear.gather [hbm4b:s1+s0], $0x100, $0x38;
	[tilespmem:$0x1F600] =	vst v63  }
0x3d: {  	s7 =	simm.s32 $0x100;
	s24 =	rddreg [dreg:$0xb]  }
0x3e: {  	[tilespmem:s7], [sflag:$0xC] =	stream.linear.gather [hbm4b:s19+s0], $0x100, $0x38;
	[tilespmem:$0x1F600] =	vst v63  }
0x3f: {  	s9 =	simm.s32 $0x200;
	s25 =	rddreg [dreg:$0xc];
	p3 =	por $0x1, $0x1  }
0x40: {  	[tilespmem:s9], [sflag:$0xD] =	stream.linear.gather [hbm4b:s24+s0], $0x100, $0x38;
	[tilespmem:$0x1F600] =	vst v63  }
0x41: {  	s11 =	simm.s32 $0x300;
	s12 =	rddreg [dreg:$0xd];
	s1 =	simm.s32 @!p3 $0x4  }
0x42: {  	[tilespmem:s11], [sflag:$0xE] =	stream.linear.gather [hbm4b:s25+s0], $0x100, $0x38;
	[tilespmem:$0x1F600] =	vst v63  }
0x43: {  	s13 =	simm.s32 $0x600;
	s14 =	simm.s32 $0x2A00;
	s1 =	sand.u32 @!p3 $0xFF, s1  }
0x44: {  	[tilespmem:s26], [sflag:$0xF] =	stream.linear.gather [hbm4b:s12+s0], $0x100, $0x38;
	[tilespmem:$0x1F600] =	vst v63  }
0x45: {  	s15 =	simm.s32 $0x4E00;
	s1 =	smul.u32 @!p3 $0xCD, s1;
	_ =	swait.ge [sflag:s28], $0x100  }
0x46: {  	s16 =	simm.s32 $0x7200;
	s17 =	smul.u32 $0xCD, s0;
	[sflag:s28] =	ssyncset.done $0x0  }
0x47: {  	s18 =	simm.s32 $0x9600;
	s1 =	sshrl.u32 @!p3 s1, $0xA;
	[sflag:s28] =	ssyncadd.s32 $0xFFFFFF00  }
0x48: {  	[tilespmem:s13], [sflag:$0x1] =	stream.indirect.gather [hbm4b:s5+s29], $0x80, s0, s29, $0xb8;
	[tilespmem:$0x1F600] =	vst v63  }
0x49: {  	p2 =	por $0x0, $0x0;
	s1 =	smul.u32 @!p3 $0x5, s1;
	_ =	swait.ge [sflag:s31], $0x100  }
0x4a: {  	p1 =	por $0x1, $0x1;
	p4 =	por p2, p2;
	[sflag:s31] =	ssyncset.done $0x0  }
0x4b: {  	s19 =	smul.u32 $0xAB, s0;
	s1 =	ssub.s32 @!p3 $0x4, s1;
	[sflag:s31] =	ssyncadd.s32 $0xFFFFFF00  }
0x4c: {  	[tilespmem:s14], [sflag:$0x2] =	stream.indirect.gather [hbm4b:s5+s29], $0x80, s7, s29, $0xb8;
	[tilespmem:$0x1F600] =	vst v63  }
0x4d: {  	s12 =	simm.s32 $0x1;
	s0 =	sshrl.u32 s19, $0xA;
	_ =	swait.ge [sflag:s3], $0x100  }
0x4e: {  	s1 =	sand.u32 @!p3 $0xFF, s1;
	s0 =	sand.u32 $0x3F, s0;
	[sflag:s3] =	ssyncset.done $0x0  }
0x4f: {  	s1 =	sadd.s32 @!p3 $0x6, s1;
	s0 =	smul.u32 $0x6, s0;
	[sflag:s3] =	ssyncadd.s32 $0xFFFFFF00  }
0x50: {  	[tilespmem:s15], [sflag:$0x3] =	stream.indirect.gather [hbm4b:s5+s29], $0x80, s9, s29, $0xb8;
	[tilespmem:$0x1F600] =	vst v63  }
0x51: {  	s13 =	simm.s32 @!p1 $0x4;
	s7 =	sshrl.u32 s17, $0xA;
	_ =	swait.ge [sflag:s8], $0x100  }
0x52: {  	s0 =	ssub.s32 $0x0, s0;
	s7 =	sand.u32 $0x3F, s7;
	[sflag:s8] =	ssyncset.done $0x0  }
0x53: {  	s0 =	sand.u32 $0xFF, s0;
	s7 =	smul.u32 $0x5, s7;
	[sflag:s8] =	ssyncadd.s32 $0xFFFFFF00  }
0x54: {  	[tilespmem:s16], [sflag:$0x4] =	stream.indirect.gather [hbm4b:s5+s29], $0x80, s11, s29, $0xb8;
	[tilespmem:$0x1F600] =	vst v63  }
0x55: {  	s14 =	sand.u32 @!p1 $0xFF, s13;
	s25 =	sshll.u32 s0, $0x8;
	_ =	swait.ge [sflag:s10], $0x100  }
0x56: {  	s0 =	smul.u32 @!p1 $0xCD, s14;
	s7 =	ssub.s32 $0x0, s7;
	[sflag:s10] =	ssyncset.done $0x0  }
0x57: {  	s9 =	smul.u32 @!p1 $0xAB, s14;
	s7 =	sand.u32 $0xFF, s7;
	[sflag:s10] =	ssyncadd.s32 $0xFFFFFF00  }
0x58: {  	[tilespmem:s18], [sflag:$0x5] =	stream.indirect.gather [hbm4b:s5+s29], $0x80, s26, s29, $0xb8;
	[tilespmem:$0x1F600] =	vst v63  }
0x59: {  	s24 =	smul.u32 $0x9000, s7;
	s9 =	sshrl.u32 @!p1 s9, $0xA;
	_ =	swait.ge @!p3 [sflag:s1], $0x2400  }
0x5a: {  	s19 =	smov.u32 s20;
	s15 =	smul.u32 @!p1 $0x6, s9;
	[sflag:s1] =	ssyncset.done @!p3 $0x0  }
0x5b: {  	s9 =	simm.s32 @!p2 $0x5;
	[sflag:s1] =	ssyncadd.s32 @!p3 $0xFFFFDC00;
	p3 =	por $0x1, $0x1  }
.Ltmp3:
0x5c: {  	s14 =	smov.u32 s20;
	s16 =	sand.u32 @!p2 $0xFF, s9;
	(pc) =	sbr.rel @!p3 .LBB2_7-.Ltmp3, $4  }
0x5d: {  	s30 =	sadd.s32 $0x1, s7;
	s15 =	ssub.s32 @!p1 $0x4, s15;
	s18 =	smul.u32 @!p2 $0xAB, s16  }
0x5e: {  	s7 =	sadd.s32 $0x6, s7;
	s11 =	sshrl.u32 s24, $0x2;
	s17 =	sand.u32 @!p1 $0xFF, s15  }
0x5f: {  	s24 =	sor.u32 $0x80, s25;
	s15 =	sadd.s32 @!p1 $0xB, s17;
	s18 =	sshrl.u32 @!p2 s18, $0xA  }
0x60: {  	s16 =	sshll.u32 @!p1 s17, $0x8;
	s1 =	simm.s32 @!p2 $0x0;
	s17 =	smul.u32 @!p2 $0x6, s18  }
.LBB2_6:
0x61: {  	s18 =	sshrl.u32 @!p1 s0, $0xA  }
0x62: {  	s25 =	simm.s32 @!p1 $0x48;
	s19 =	sadd.s32 $0x20, s19;
	s0 =	smov.u32 s12  }
0x63: {  	_ =	swait.ge [sflag:s30], $0x2400;
	s9 =	ssub.s32 @!p4 s9, s17;
	s17 =	smul.u32 @!p1 $0x5, s18  }
0x64: {  	s11 =	sadd.s32 $0x600, s11;
	[sflag:s30] =	ssyncset.done $0x0;
	s9 =	sand.u32 @!p4 $0xFF, s9  }
0x65: {  	[sflag:s30] =	ssyncadd.s32 $0xFFFFDC00;
	s18 =	sshll.u32 @!p4 s9, $0x8;
	s13 =	ssub.s32 @!p1 s13, s17  }
0x66: {  	[spmem:s2] =	stream.indirect.scatter.add.f32 [tilespmem:s11], [sflag:s7], $0x80, s24, s29, $0xb8;
	[tilespmem:$0x1F600] =	vst v63  }
0x67: {  	p3 =	seq.s32 s12, $0x0;
	s7 =	sadd.s32 @!p4 $0xB, s9;
	s9 =	sand.u32 @!p1 $0xFF, s13  }
0x68: {  	p2 =	sgt.u32 s12, $0x7F;
	s11 =	sadd.s32 @!p3 $0x4, s12;
	s13 =	smul.u32 @!p1 $0x9000, s9  }
0x69: {  	[tilespmem:s18], [sflag:s7] =	stream.linear.gather @!p4 [hbm4b:s14+s1], $0x100, $0x38;
	[tilespmem:$0x1F600] =	vst v63  }
0x6a: {  	s1 =	sand.u32 @!p3 $0xFF, s11;
	s7 =	sshrl.u32 @!p1 s13, $0x2;
	_ =	swait.ge @!p1 [sflag:s15], $0x100  }
0x6b: {  	s1 =	smul.u32 @!p3 $0xCD, s1;
	s7 =	sadd.s32 @!p1 $0x600, s7;
	[sflag:s15] =	ssyncset.done @!p1 $0x0  }
0x6c: {  	s9 =	sadd.s32 @!p1 $0x1, s9;
	s13 =	smul.u32 $0xCD, s12;
	[sflag:s15] =	ssyncadd.s32 @!p1 $0xFFFFFF00  }
0x6d: {  	[tilespmem:s7], [sflag:s9] =	stream.indirect.gather @!p1 [hbm4b:s5+s25], $0x80, s16, s25, $0xb8;
	[tilespmem:$0x1F600] =	vst v63  }
0x6e: {  	s1 =	sshrl.u32 @!p3 s1, $0xA;
	s7 =	sshrl.u32 s13, $0xA;
	s9 =	sadd.s32 $0xFFFFFFFF, s12  }
0x6f: {  	s1 =	smul.u32 @!p3 $0x5, s1;
	s7 =	sand.u32 $0x3F, s7;
	p1 =	sgt.u32 s9, $0x7F  }
0x70: {  	s12 =	sadd.s32 $0x2, s9;
	s7 =	smul.u32 $0x5, s7;
	s13 =	sadd.s32 @!p1 $0x4, s0  }
0x71: {  	s9 =	smul.u32 $0xAB, s0;
	s1 =	ssub.s32 @!p3 s11, s1;
	s17 =	sand.u32 @!p1 $0xFF, s13  }
0x72: {  	s1 =	sand.u32 @!p3 $0xFF, s1;
	s7 =	ssub.s32 s0, s7;
	s11 =	smul.u32 @!p1 $0xAB, s17  }
0x73: {  	s14 =	sshrl.u32 s9, $0xA;
	s1 =	sadd.s32 @!p3 $0x6, s1;
	s7 =	sand.u32 $0xFF, s7  }
0x74: {  	s9 =	sadd.s32 @!p2 $0x5, s0;
	s30 =	sadd.s32 $0x1, s7;
	_ =	swait.ge @!p3 [sflag:s1], $0x2400  }
0x75: {  	s15 =	smul.u32 $0x9000, s7;
	s11 =	sshrl.u32 @!p1 s11, $0xA;
	[sflag:s1] =	ssyncset.done @!p3 $0x0  }
0x76: {  	s14 =	sand.u32 $0x3F, s14;
	s16 =	smul.u32 @!p1 $0x6, s11;
	[sflag:s1] =	ssyncadd.s32 @!p3 $0xFFFFDC00  }
0x77: {  	s14 =	smul.u32 $0x6, s14;
	s11 =	sshrl.u32 s15, $0x2;
	p3 =	sne.s32 s12, $0x85  }
0x78: {  	s15 =	sand.u32 @!p2 $0xFF, s9;
	s1 =	simm.s32 @!p2 $0x0;
	s16 =	ssub.s32 @!p1 s13, s16  }
.Ltmp4:
0x79: {  	s7 =	sadd.s32 $0x6, s7;
	s16 =	sand.u32 @!p1 $0xFF, s16;
	(pc) =	sbr.rel @p3 .LBB2_6-.Ltmp4, $4  }
0x7a: {  	s0 =	ssub.s32 s0, s14;
	s18 =	smul.u32 @!p2 $0xAB, s15;
	s15 =	sadd.s32 @!p1 $0xB, s16  }
0x7b: {  	s14 =	smov.u32 s19;
	s0 =	sand.u32 $0xFF, s0;
	s16 =	sshll.u32 @!p1 s16, $0x8  }
0x7c: {  	s24 =	sshll.u32 s0, $0x8;
	s0 =	smul.u32 @!p1 $0xCD, s17;
	s18 =	sshrl.u32 @!p2 s18, $0xA  }
0x7d: {  	p4 =	por p2, p2;
	s24 =	sor.u32 $0x80, s24;
	s17 =	smul.u32 @!p2 $0x6, s18  }
.LBB2_7:
0x7e: {  	s0 =	sshrl.u32 @!p1 s0, $0xA  }
0x7f: {  	_ =	swait.ge [sflag:s30], $0x2400;
	s0 =	smul.u32 @!p1 $0x5, s0  }
0x80: {  	s11 =	sadd.s32 $0x600, s11;
	[sflag:s30] =	ssyncset.done $0x0  }
0x81: {  	s9 =	ssub.s32 @!p4 s9, s17;
	[sflag:s30] =	ssyncadd.s32 $0xFFFFDC00;
	s0 =	ssub.s32 @!p1 s13, s0  }
0x82: {  	[spmem:s2] =	stream.indirect.scatter.add.f32 [tilespmem:s11], [sflag:s7], $0x80, s24, s29, $0xb8;
	[tilespmem:$0x1F600] =	vst v63  }
0x83: {  	s7 =	sand.u32 @!p4 $0xFF, s9;
	s0 =	sand.u32 @!p1 $0xFF, s0  }
0x84: {  	s9 =	sshll.u32 @!p4 s7, $0x8;
	s7 =	sadd.s32 @!p4 $0xB, s7;
	s11 =	smul.u32 @!p1 $0x9000, s0  }
0x85: {  	[tilespmem:s9], [sflag:s7] =	stream.linear.gather @!p4 [hbm4b:s14+s1], $0x100, $0x38;
	[tilespmem:$0x1F600] =	vst v63  }
.Ltmp5:
0x86: {  	_ =	swait.ge @!p1 [sflag:s15], $0x100;
	(pc) =	sbr.rel .LBB2_8-.Ltmp5, $4  }
0x87: {  	s1 =	simm.s32 @!p1 $0x48;
	s7 =	sshrl.u32 @!p1 s11, $0x2;
	[sflag:s15] =	ssyncset.done @!p1 $0x0  }
0x88: {  	s0 =	sadd.s32 @!p1 $0x1, s0;
	s7 =	sadd.s32 @!p1 $0x600, s7;
	[sflag:s15] =	ssyncadd.s32 @!p1 $0xFFFFFF00  }
0x89: {  	[tilespmem:s7], [sflag:s0] =	stream.indirect.gather @!p1 [hbm4b:s5+s1], $0x80, s16, s1, $0xb8;
	[tilespmem:$0x1F600] =	vst v63  }
0x8a: {  	s0 =	simm.s32 $0x8  }
.LBB2_2:
0x8b: {  	s1 =	rddreg [dreg:$0x4]  }
0x8c: {  	s19 =	rddreg [dreg:$0x5]  }
0x8d: {  	[tilespmem:s0], [sflag:$0xB] =	stream.linear.gather [hbm4b:s1+s0], $0x100, $0x38;
	[tilespmem:$0x1F600] =	vst v63  }
0x8e: {  	s7 =	simm.s32 $0x100;
	s24 =	rddreg [dreg:$0x6]  }
0x8f: {  	[tilespmem:s7], [sflag:$0xC] =	stream.linear.gather [hbm4b:s19+s0], $0x100, $0x38;
	[tilespmem:$0x1F600] =	vst v63  }
0x90: {  	s9 =	simm.s32 $0x200;
	s25 =	rddreg [dreg:$0x7];
	p3 =	por $0x1, $0x1  }
0x91: {  	[tilespmem:s9], [sflag:$0xD] =	stream.linear.gather [hbm4b:s24+s0], $0x100, $0x38;
	[tilespmem:$0x1F600] =	vst v63  }
0x92: {  	s11 =	simm.s32 $0x300;
	s12 =	rddreg [dreg:$0x8];
	s1 =	simm.s32 @!p3 $0x4  }
0x93: {  	[tilespmem:s11], [sflag:$0xE] =	stream.linear.gather [hbm4b:s25+s0], $0x100, $0x38;
	[tilespmem:$0x1F600] =	vst v63  }
0x94: {  	s13 =	simm.s32 $0x600;
	s14 =	simm.s32 $0x2A00;
	s1 =	sand.u32 @!p3 $0xFF, s1  }
0x95: {  	[tilespmem:s26], [sflag:$0xF] =	stream.linear.gather [hbm4b:s12+s0], $0x100, $0x38;
	[tilespmem:$0x1F600] =	vst v63  }
0x96: {  	s15 =	simm.s32 $0x4E00;
	s1 =	smul.u32 @!p3 $0xCD, s1;
	_ =	swait.ge [sflag:s28], $0x100  }
0x97: {  	s16 =	simm.s32 $0x7200;
	s17 =	smul.u32 $0xCD, s0;
	[sflag:s28] =	ssyncset.done $0x0  }
0x98: {  	s18 =	simm.s32 $0x9600;
	s1 =	sshrl.u32 @!p3 s1, $0xA;
	[sflag:s28] =	ssyncadd.s32 $0xFFFFFF00  }
0x99: {  	[tilespmem:s13], [sflag:$0x1] =	stream.indirect.gather [hbm4b:s5+s29], $0x80, s0, s29, $0xb8;
	[tilespmem:$0x1F600] =	vst v63  }
0x9a: {  	p2 =	por $0x0, $0x0;
	s1 =	smul.u32 @!p3 $0x5, s1;
	_ =	swait.ge [sflag:s31], $0x100  }
0x9b: {  	p1 =	por $0x1, $0x1;
	p4 =	por p2, p2;
	[sflag:s31] =	ssyncset.done $0x0  }
0x9c: {  	s19 =	smul.u32 $0xAB, s0;
	s1 =	ssub.s32 @!p3 $0x4, s1;
	[sflag:s31] =	ssyncadd.s32 $0xFFFFFF00  }
0x9d: {  	[tilespmem:s14], [sflag:$0x2] =	stream.indirect.gather [hbm4b:s5+s29], $0x80, s7, s29, $0xb8;
	[tilespmem:$0x1F600] =	vst v63  }
0x9e: {  	s12 =	simm.s32 $0x1;
	s0 =	sshrl.u32 s19, $0xA;
	_ =	swait.ge [sflag:s3], $0x100  }
0x9f: {  	s1 =	sand.u32 @!p3 $0xFF, s1;
	s0 =	sand.u32 $0x3F, s0;
	[sflag:s3] =	ssyncset.done $0x0  }
0xa0: {  	s1 =	sadd.s32 @!p3 $0x6, s1;
	s0 =	smul.u32 $0x6, s0;
	[sflag:s3] =	ssyncadd.s32 $0xFFFFFF00  }
0xa1: {  	[tilespmem:s15], [sflag:$0x3] =	stream.indirect.gather [hbm4b:s5+s29], $0x80, s9, s29, $0xb8;
	[tilespmem:$0x1F600] =	vst v63  }
0xa2: {  	s13 =	simm.s32 @!p1 $0x4;
	s7 =	sshrl.u32 s17, $0xA;
	_ =	swait.ge [sflag:s8], $0x100  }
0xa3: {  	s0 =	ssub.s32 $0x0, s0;
	s7 =	sand.u32 $0x3F, s7;
	[sflag:s8] =	ssyncset.done $0x0  }
0xa4: {  	s0 =	sand.u32 $0xFF, s0;
	s7 =	smul.u32 $0x5, s7;
	[sflag:s8] =	ssyncadd.s32 $0xFFFFFF00  }
0xa5: {  	[tilespmem:s16], [sflag:$0x4] =	stream.indirect.gather [hbm4b:s5+s29], $0x80, s11, s29, $0xb8;
	[tilespmem:$0x1F600] =	vst v63  }
0xa6: {  	s14 =	sand.u32 @!p1 $0xFF, s13;
	s25 =	sshll.u32 s0, $0x8;
	_ =	swait.ge [sflag:s10], $0x100  }
0xa7: {  	s0 =	smul.u32 @!p1 $0xCD, s14;
	s7 =	ssub.s32 $0x0, s7;
	[sflag:s10] =	ssyncset.done $0x0  }
0xa8: {  	s9 =	smul.u32 @!p1 $0xAB, s14;
	s7 =	sand.u32 $0xFF, s7;
	[sflag:s10] =	ssyncadd.s32 $0xFFFFFF00  }
0xa9: {  	[tilespmem:s18], [sflag:$0x5] =	stream.indirect.gather [hbm4b:s5+s29], $0x80, s26, s29, $0xb8;
	[tilespmem:$0x1F600] =	vst v63  }
0xaa: {  	s24 =	smul.u32 $0x9000, s7;
	s9 =	sshrl.u32 @!p1 s9, $0xA;
	_ =	swait.ge @!p3 [sflag:s1], $0x2400  }
0xab: {  	s14 =	smov.u32 s23;
	s15 =	smul.u32 @!p1 $0x6, s9;
	[sflag:s1] =	ssyncset.done @!p3 $0x0  }
0xac: {  	s9 =	simm.s32 @!p2 $0x5;
	[sflag:s1] =	ssyncadd.s32 @!p3 $0xFFFFDC00;
	p3 =	por $0x0, $0x0  }
.Ltmp6:
0xad: {  	s30 =	sadd.s32 $0x1, s7;
	s16 =	sand.u32 @!p2 $0xFF, s9;
	(pc) =	sbr.rel @p3 .LBB2_4-.Ltmp6, $4  }
0xae: {  	s7 =	sadd.s32 $0x6, s7;
	s15 =	ssub.s32 @!p1 $0x4, s15;
	s19 =	smul.u32 @!p2 $0xAB, s16  }
0xaf: {  	s11 =	sshrl.u32 s24, $0x2;
	s24 =	sor.u32 $0x80, s25;
	s17 =	sand.u32 @!p1 $0xFF, s15  }
0xb0: {  	s15 =	sadd.s32 @!p1 $0xB, s17;
	s16 =	sshll.u32 @!p1 s17, $0x8;
	s19 =	sshrl.u32 @!p2 s19, $0xA  }
0xb1: {  	s17 =	smul.u32 @!p2 $0x6, s19;
	s19 =	smov.u32 s23;
	s1 =	simm.s32 @!p2 $0x0  }
.LBB2_3:
0xb2: {  	s25 =	sshrl.u32 @!p1 s0, $0xA  }
0xb3: {  	s18 =	simm.s32 @!p1 $0x48;
	s19 =	sadd.s32 $0x20, s19;
	s0 =	smov.u32 s12  }
0xb4: {  	s9 =	ssub.s32 @!p4 s9, s17;
	_ =	swait.ge [sflag:s30], $0x2400;
	s17 =	smul.u32 @!p1 $0x5, s25  }
0xb5: {  	s11 =	sadd.s32 $0x600, s11;
	s9 =	sand.u32 @!p4 $0xFF, s9;
	[sflag:s30] =	ssyncset.done $0x0  }
0xb6: {  	s25 =	sshll.u32 @!p4 s9, $0x8;
	[sflag:s30] =	ssyncadd.s32 $0xFFFFDC00;
	s13 =	ssub.s32 @!p1 s13, s17  }
0xb7: {  	[spmem:s2] =	stream.indirect.scatter.add.f32 [tilespmem:s11], [sflag:s7], $0x80, s24, s29, $0xb8;
	[tilespmem:$0x1F600] =	vst v63  }
0xb8: {  	p3 =	seq.s32 s12, $0x0;
	s7 =	sadd.s32 @!p4 $0xB, s9;
	s9 =	sand.u32 @!p1 $0xFF, s13  }
0xb9: {  	p2 =	sgt.u32 s12, $0x8B;
	s11 =	sadd.s32 @!p3 $0x4, s12;
	s13 =	smul.u32 @!p1 $0x9000, s9  }
0xba: {  	[tilespmem:s25], [sflag:s7] =	stream.linear.gather @!p4 [hbm4b:s14+s1], $0x100, $0x38;
	[tilespmem:$0x1F600] =	vst v63  }
0xbb: {  	s1 =	sand.u32 @!p3 $0xFF, s11;
	s7 =	sshrl.u32 @!p1 s13, $0x2;
	_ =	swait.ge @!p1 [sflag:s15], $0x100  }
0xbc: {  	s1 =	smul.u32 @!p3 $0xCD, s1;
	s7 =	sadd.s32 @!p1 $0x600, s7;
	[sflag:s15] =	ssyncset.done @!p1 $0x0  }
0xbd: {  	s9 =	sadd.s32 @!p1 $0x1, s9;
	s13 =	smul.u32 $0xCD, s12;
	[sflag:s15] =	ssyncadd.s32 @!p1 $0xFFFFFF00  }
0xbe: {  	[tilespmem:s7], [sflag:s9] =	stream.indirect.gather @!p1 [hbm4b:s5+s18], $0x80, s16, s18, $0xb8;
	[tilespmem:$0x1F600] =	vst v63  }
0xbf: {  	s1 =	sshrl.u32 @!p3 s1, $0xA;
	s7 =	sshrl.u32 s13, $0xA;
	s9 =	sadd.s32 $0xFFFFFFFF, s12  }
0xc0: {  	s1 =	smul.u32 @!p3 $0x5, s1;
	s7 =	sand.u32 $0x3F, s7;
	p1 =	sgt.u32 s9, $0x8B  }
0xc1: {  	s12 =	sadd.s32 $0x2, s9;
	s7 =	smul.u32 $0x5, s7;
	s13 =	sadd.s32 @!p1 $0x4, s0  }
0xc2: {  	s9 =	smul.u32 $0xAB, s0;
	s1 =	ssub.s32 @!p3 s11, s1;
	s17 =	sand.u32 @!p1 $0xFF, s13  }
0xc3: {  	s1 =	sand.u32 @!p3 $0xFF, s1;
	s7 =	ssub.s32 s0, s7;
	s11 =	smul.u32 @!p1 $0xAB, s17  }
0xc4: {  	s14 =	sshrl.u32 s9, $0xA;
	s1 =	sadd.s32 @!p3 $0x6, s1;
	s7 =	sand.u32 $0xFF, s7  }
0xc5: {  	s9 =	sadd.s32 @!p2 $0x5, s0;
	s30 =	sadd.s32 $0x1, s7;
	_ =	swait.ge @!p3 [sflag:s1], $0x2400  }
0xc6: {  	s15 =	smul.u32 $0x9000, s7;
	s11 =	sshrl.u32 @!p1 s11, $0xA;
	[sflag:s1] =	ssyncset.done @!p3 $0x0  }
0xc7: {  	s14 =	sand.u32 $0x3F, s14;
	s16 =	smul.u32 @!p1 $0x6, s11;
	[sflag:s1] =	ssyncadd.s32 @!p3 $0xFFFFDC00  }
0xc8: {  	s14 =	smul.u32 $0x6, s14;
	s11 =	sshrl.u32 s15, $0x2;
	p3 =	seq.s32 s12, $0x91  }
0xc9: {  	s15 =	sand.u32 @!p2 $0xFF, s9;
	s1 =	simm.s32 @!p2 $0x0;
	s16 =	ssub.s32 @!p1 s13, s16  }
.Ltmp7:
0xca: {  	s7 =	sadd.s32 $0x6, s7;
	s16 =	sand.u32 @!p1 $0xFF, s16;
	(pc) =	sbr.rel @!p3 .LBB2_3-.Ltmp7, $4  }
0xcb: {  	s0 =	ssub.s32 s0, s14;
	s18 =	smul.u32 @!p2 $0xAB, s15;
	s15 =	sadd.s32 @!p1 $0xB, s16  }
0xcc: {  	s14 =	smov.u32 s19;
	s0 =	sand.u32 $0xFF, s0;
	s16 =	sshll.u32 @!p1 s16, $0x8  }
0xcd: {  	s24 =	sshll.u32 s0, $0x8;
	s0 =	smul.u32 @!p1 $0xCD, s17;
	s18 =	sshrl.u32 @!p2 s18, $0xA  }
0xce: {  	p4 =	por p2, p2;
	s24 =	sor.u32 $0x80, s24;
	s17 =	smul.u32 @!p2 $0x6, s18  }
.Ltmp8:
0xcf: {  	_ = 	snop;
	(pc) =	sbr.rel .LBB2_4-.Ltmp8, $1  }
0xd0: {  	_ =	sdelay $0x3  }
.LBB2_9:
0xd1: {  	_ =	sfence.sel $0x180000  }
0xd2: {  	[bflag:$0x0] =	sbarrier.arrive $0xFFFF  }
0xd3: {  	_ =	strace $0x9000004A  }
0xd4: {  	s0 =	stileid.u32;
	[bflag:$0x2] =	sbarrier.arrive $0xFFFF  }
0xd5: {  	p0 =	sne.s32 s0, $0x0;
	s0 =	rddreg [dreg:$0x3]  }
0xd6: {  	s0 =	sadd.s32 @!p0 $0x100000, s0  }
0xd7: {  	[sflag:s0] =	ssyncadd.tile.s32 @!p0 $0x1;
	_ =	shalt  }
.Lfunc_end2:
_tile_overlayer_lowered:
.L_overlay_start_2:
0xd8: {  	(tag) =	ssettag $0x2  }
0xd9: {  	s0 =	rddreg [dreg:$0x0];
	s2 =	stileid.u32  }
0xda: {  	s1 =	rddreg [dreg:$0x1];
	p0 =	sne.s32 s2, $0x0  }
0xdb: {  	s3 =	rddreg [dreg:$0x2];
	[bflag:$0x3] =	sbarrier.arrive $0xFFFF;
	s2 =	simm.s32 @!p0 $0x1C11  }
0xdc: {  	[timem:s3], [sflag:s2] =	dma.local @!p0 [hbm:s0], s1  }
0xdd: {  	s0 =	simm.s32 @!p0 $0x11  }
0xde: {  	_ =	swait.ge @!p0 [sflag:s0], s1  }
0xdf: {  	s1 =	ssub.s32 @!p0 $0x0, s1;
	[sflag:s0] =	ssyncset.done @!p0 $0x0  }
0xe0: {  	[sflag:s0] =	ssyncadd.s32 @!p0 s1  }
0xe1: {  	[bflag:$0x3] =	sbarrier.arrive $0xFFFF  }
0xe2: {  	_ =	shalt  }

// kernel: _run.16.cloned.1.call-start
scs
__scs_entry_jumppad:
0x0: {  	(pc) =	sbr.rel $0x88, $3  }
0x1: {  	(tag) =	ssettag $0x0;
	lr =	simm.s32 $0x1  }
0x2: {  	[smem:$0x3F99] =	sst lr;
	_ =	strace $0xD0000000  }
0x3: {  	_ = 	snop  }
0x4: {  	_ = 	snop  }
0x5: {  	_ = 	snop  }
0x6: {  	_ = 	snop  }
0x7: {  	_ = 	snop  }
__scs_overlays_trampoline_lowered:
0x8: {  	[smem:$0x3FA8] =	sst s0  }
0x9: {  	[smem:$0x3FA9] =	sst s1  }
0xa: {  	[smem:$0x3FAA] =	sst s2  }
0xb: {  	[smem:$0x3FAB] =	sst s3  }
0xc: {  	[smem:$0x3FAC] =	sst s4  }
0xd: {  	[smem:$0x3FAD] =	sst s5  }
0xe: {  	[smem:$0x3FAE] =	sst s6  }
0xf: {  	[smem:$0x3FAF] =	sst s7  }
0x10: {  	[smem:$0x3FB0] =	sst s8  }
0x11: {  	[smem:$0x3FB1] =	sst s9;
	s0 =	simm.s32 @!p0 $0x0  }
0x12: {  	s1 =	sld [smem:$0x3F97];
	s0 =	simm.s32 @p0 $0x1  }
0x13: {  	[smem:$0x3FB2] =	sst s0;
	s0 =	simm.s32 @!p1 $0x0  }
0x14: {  	s2 =	sld [smem:$0x3F96];
	s0 =	simm.s32 @p1 $0x1  }
0x15: {  	[smem:$0x3FB3] =	sst s0;
	s0 =	simm.s32 @!p2 $0x0  }
0x16: {  	s3 =	sld [smem:$0x3FDB];
	s0 =	simm.s32 @p2 $0x1  }
0x17: {  	s4 =	simm.s32 $0x1BF5;
	[smem:$0x3FB5] =	sst s0  }
0x18: {  	s0 =	sld [smem:$0x3F98];
	_ =	swait.ge [sflag:s4], $0x0  }
0x19: {  	s7 =	sld [smem:$0x3F99]  }
0x1a: {  	s8 =	sadd.s32 $0xFFFFE003, lr  }
0x1b: {  	s9 =	sadd.s32 $0xFFFFFEF7, lr;
	s5 =	simm.s32 $0xFFFFFFFF;
	p2 =	slt.u32 s8, $0xFFFFF086  }
0x1c: {  	p1 =	slt.u32 s9, $0xF7A;
	s5 =	simm.s32 @!p2 $0x0  }
0x1d: {  	s5 =	simm.s32 @p1 $0x1;
	p0 =	seq.s32 s7, s2  }
0x1e: {  	s7 =	smul.u32 @!p0 $0xF7A, s2;
	p2 =	seq.s32 @!p0 s5, $0x0  }
0x1f: {  	s9 =	smul.u32 $0xF7A, s1;
	s8 =	simm.s32 @!p0 $0x1BF5;
	p2 =	por !p2, p0  }
0x20: {  	[sflag:s8] =	ssyncset.s32 @!p0 $0xFFFFF086;
	s6 =	sadd.s32 @!p0 s3, s7;
	s7 =	simm.s32 @!p0 $0x108  }
0x21: {  	s3 =	sadd.s32 s3, s9;
	s6 =	sadd.s32 @!p0 $0x88, s6;
	s7 =	simm.s32 @p2 $0x1082  }
0x22: {  	[simem:s7], [sflag:s8] =	dma.local @!p0 [hbm:s6], $0xF7A  }
0x23: {  	s9 =	sor.u32 $0xD0000000, s2;
	s6 =	simm.s32 $0x108;
	_ =	swait.ge @!p0 [sflag:s8], $0x0  }
0x24: {  	s3 =	sadd.s32 $0x88, s3;
	s6 =	simm.s32 @!p1 $0x1082;
	[sflag:s4] =	ssyncset.s32 $0xFFFFF086  }
0x25: {  	[simem:s6], [sflag:s4] =	dma.local [hbm:s3], $0xF7A  }
0x26: {  	[smem:$0x3F99] =	sst s1;
	(tag) =	ssettag s2;
	_ =	strace s9  }
0x27: {  	s1 =	sld [smem:$0x3FA9]  }
0x28: {  	s2 =	sld [smem:$0x3FAA]  }
0x29: {  	s4 =	sld [smem:$0x3FAC]  }
0x2a: {  	p0 =	seq.s32 s5, $0x0;
	s5 =	sld [smem:$0x3FAD]  }
0x2b: {  	s6 =	sld [smem:$0x3FAE]  }
0x2c: {  	s7 =	sld [smem:$0x3FAF]  }
0x2d: {  	s3 =	simm.s32 $0x108;
	s8 =	sld [smem:$0x3FB0]  }
0x2e: {  	s3 =	simm.s32 @!p0 $0x1082;
	s9 =	sld [smem:$0x3FB1]  }
0x2f: {  	lr =	sadd.s32 s0, s3;
	s0 =	sld [smem:$0x3FA8]  }
0x30: {  	s3 =	sld [smem:$0x3FAB]  }
0x31: {  	[smem:$0x3FB4] =	sst s10  }
0x32: {  	s10 =	sld [smem:$0x3FB2];
	_ =	sdelay $0x3  }
0x33: {  	p0 =	seq.s32 s10, $0x1;
	s10 =	sld [smem:$0x3FB4];
	_ =	sdelay $0x3  }
0x34: {  	[smem:$0x3FB4] =	sst s10  }
0x35: {  	s10 =	sld [smem:$0x3FB3];
	_ =	sdelay $0x3  }
0x36: {  	p1 =	seq.s32 s10, $0x1;
	s10 =	sld [smem:$0x3FB4];
	_ =	sdelay $0x3  }
0x37: {  	[smem:$0x3FB4] =	sst s10  }
0x38: {  	s10 =	sld [smem:$0x3FB5]  }
0x39: {  	_ = 	snop;
	(pc) =	sbr.ind lr, $3  }
0x3a: {  	_ = 	snop  }
0x3b: {  	_ = 	snop  }
0x3c: {  	p2 =	seq.s32 s10, $0x1;
	s10 =	sld [smem:$0x3FB4]  }
0x3d: {  	_ =	shalt  }
0x3e: {  	_ =	shalt  }
0x3f: {  	_ =	shalt  }
0x40: {  	_ =	shalt  }
0x41: {  	_ =	shalt  }
0x42: {  	_ =	shalt  }
0x43: {  	_ =	shalt  }
0x44: {  	_ =	shalt  }
0x45: {  	_ =	shalt  }
0x46: {  	_ =	shalt  }
0x47: {  	_ =	shalt  }
0x48: {  	_ =	shalt  }
0x49: {  	_ =	shalt  }
0x4a: {  	_ =	shalt  }
0x4b: {  	_ =	shalt  }
0x4c: {  	_ =	shalt  }
0x4d: {  	_ =	shalt  }
0x4e: {  	_ =	shalt  }
0x4f: {  	_ =	shalt  }
0x50: {  	_ =	shalt  }
0x51: {  	_ =	shalt  }
0x52: {  	_ =	shalt  }
0x53: {  	_ =	shalt  }
0x54: {  	_ =	shalt  }
0x55: {  	_ =	shalt  }
0x56: {  	_ =	shalt  }
0x57: {  	_ =	shalt  }
0x58: {  	_ =	shalt  }
0x59: {  	_ =	shalt  }
0x5a: {  	_ =	shalt  }
0x5b: {  	_ =	shalt  }
0x5c: {  	_ =	shalt  }
0x5d: {  	_ =	shalt  }
0x5e: {  	_ =	shalt  }
0x5f: {  	_ =	shalt  }
0x60: {  	_ =	shalt  }
0x61: {  	_ =	shalt  }
0x62: {  	_ =	shalt  }
0x63: {  	_ =	shalt  }
0x64: {  	_ =	shalt  }
0x65: {  	_ =	shalt  }
0x66: {  	_ =	shalt  }
0x67: {  	_ =	shalt  }
0x68: {  	_ =	shalt  }
0x69: {  	_ =	shalt  }
0x6a: {  	_ =	shalt  }
0x6b: {  	_ =	shalt  }
0x6c: {  	_ =	shalt  }
0x6d: {  	_ =	shalt  }
0x6e: {  	_ =	shalt  }
0x6f: {  	_ =	shalt  }
0x70: {  	_ =	shalt  }
0x71: {  	_ =	shalt  }
0x72: {  	_ =	shalt  }
0x73: {  	_ =	shalt  }
0x74: {  	_ =	shalt  }
0x75: {  	_ =	shalt  }
0x76: {  	_ =	shalt  }
0x77: {  	_ =	shalt  }
0x78: {  	_ =	shalt  }
0x79: {  	_ =	shalt  }
0x7a: {  	_ =	shalt  }
0x7b: {  	_ =	shalt  }
0x7c: {  	_ =	shalt  }
0x7d: {  	_ =	shalt  }
0x7e: {  	_ =	shalt  }
0x7f: {  	_ =	shalt  }
0x80: {  	_ =	shalt  }
0x81: {  	_ =	shalt  }
0x82: {  	_ =	shalt  }
0x83: {  	_ =	shalt  }
0x84: {  	_ =	shalt  }
0x85: {  	_ =	shalt  }
0x86: {  	_ =	shalt  }
0x87: {  	_ =	shalt  }
.Lfunc_end0:
.L_simem_size_0:
called_computation.2_lowered:
.L_overlay_start_0:
0x88: {  	s2 =	sld [smem:$0x3FD9]  }
0x89: {  	s3 =	sld [smem:$0x3FFE];
	_ =	sdelay $0x1  }
0x8a: {  	s1 =	srdreg.scid  }
0x8b: {  	s0 =	sand.u32 $0x1, s1  }
0x8c: {  	s17 =	sshll.u32 s0, $0xA;
	s2 =	sadd.s32 s3, s2  }
0x8d: {  	s2 =	sadd.s32 s2, s17  }
0x8e: {  	[smem:$0x3FC0] =	sst s2  }
0x8f: {  	_ = 	snop  }
0x90: {  	s2 =	sld [smem:$0x3FD0];
	(tm) =	ssettm $0x1  }
0x91: {  	s18 =	sld [smem:$0x3FFB];
	_ =	sdelay $0x3  }
0x92: {  	_ =	strace s18  }
0x93: {  	s3 =	sld [smem:$0x3FFC];
	_ =	sdelay $0x3  }
0x94: {  	_ =	strace s3  }
0x95: {  	s3 =	sld [smem:$0x3FFD];
	_ =	sdelay $0x3  }
0x96: {  	_ =	strace s3  }
0x97: {  	_ =	strace $0x8FFFFFFF  }
0x98: {  	s19 =	sld [smem:$0x3FDB];
	_ =	sdelay $0x1  }
0x99: {  	s4 =	simm.s32 $_scs_section_size  }
0x9a: {  	s5 =	simm.s32 $_size__tile_overlayer_lowered;
	s6 =	simm.s32 $_tile_overlayer_lowered  }
0x9b: {  	s22 =	simm.s32 $0x1BFF;
	s21 =	sshll.u32 s6, $0x1;
	s3 =	sadd.s32 s4, s19  }
0x9c: {  	s7 =	simm.s32 $0x0;
	s20 =	sshll.u32 s5, $0x1;
	s5 =	sadd.s32 s21, s3  }
0x9d: {  	[timem:s7], [sflag:s22] =	dma.local [hbm:s5], s20  }
0x9e: {  	_ =	swait.ge [sflag:s22], s20  }
0x9f: {  	s4 =	ssub.s32 $0x0, s20;
	[sflag:s22] =	ssyncset.done $0x0  }
0xa0: {  	[sflag:s22] =	ssyncadd.s32 s4;
	_ =	sdelay $0x1  }
0xa1: {  	s23 =	simm.s32 $0x1B8B  }
0xa2: {  	_ =	swait.ge [sflag:s23], $0x1  }
0xa3: {  	[sflag:s23] =	ssyncset.done $0x0  }
0xa4: {  	s25 =	simm.s32 $0x1B8E;
	s24 =	sld [smem:$0x3FFE];
	[sflag:s23] =	ssyncadd.s32 $0xFFFFFFFF  }
0xa5: {  	s26 =	simm.s32 $execute0_lowered;
	[smem:$0x3FD2] =	sst s25  }
0xa6: {  	s5 =	sshll.u32 s26, $0x1;
	_ =	strace $0x8000004C;
	[dreg:$0x1] =	wrdreg $0xFFFFFFFF  }
0xa7: {  	s28 =	simm.s32 $_size_execute0_lowered;
	s3 =	sadd.s32 s3, s5;
	[dreg:$0x0] =	wrdreg $0x0  }
0xa8: {  	s5 =	sshll.u32 s28, $0x1;
	[dreg:$0x2] =	wrdreg s3  }
0xa9: {  	[dreg:$0x3] =	wrdreg s5  }
0xaa: {  	[dreg:$0x4] =	wrdreg $0xC0  }
0xab: {  	_ =	task [dreg:s7], $0x5FFFF  }
0xac: {  	[dreg:$0x1] =	wrdreg $0xFFFFFFFF  }
0xad: {  	[dreg:$0x0] =	wrdreg $0x60  }
0xae: {  	[dreg:$0x2] =	wrdreg s24  }
0xaf: {  	[dreg:$0x3] =	wrdreg s2  }
0xb0: {  	[dreg:$0x4] =	wrdreg $0xBA000  }
0xb1: {  	[dreg:$0x5] =	wrdreg $0x9  }
0xb2: {  	_ =	task.clear_ibuf [dreg:s7], $0x6FFFF;
	_ =	strace $0x9000004C  }
0xb3: {  	s29 =	simm.s32 $0x9;
	_ =	strace $0x8000004E  }
0xb4: {  	_ =	swait.ge [sflag:s29], $0x1  }
0xb5: {  	[sflag:s29] =	ssyncadd.s32 $0xFFFFFFFF  }
0xb6: {  	_ =	strace $0x9000004E  }
0xb7: {  	_ =	sfence  }
0xb8: {  	s30 =	sld [smem:$0x0];
	_ =	sdelay $0x2  }
0xb9: {  	s31 =	sshll.u32 s1, $0xD;
	s1 =	sshrl.u32 s1, $0x2  }
0xba: {  	s3 =	sand.u32 $0x4000, s31;
	s1 =	sadd.s32 s1, s30  }
0xbb: {  	s0 =	sor.u32 s3, s0;
	s1 =	sshll.u32 s1, $0x11  }
0xbc: {  	s0 =	sor.u32 s1, s0  }
0xbd: {  	s0 =	sadd.s32 $0x8F2B, s0  }
0xbe: {  	[sflag:s0] =	ssyncadd.remote.s32 $0x1  }
0xbf: {  	_ =	sfence.sel $0xFFFF  }
0xc0: {  	[dreg:$0x0] =	wrdreg $0xFFFFFFFF;
	(pc) =	sbr.abs _section_cstart, $3  }
0xc1: {  	[dreg:$0x1] =	wrdreg $0xFFFFFFFF  }
0xc2: {  	_ =	task.clear_ibuf [dreg:s7], $0x2FFFF;
	_ =	strace $0x9FFFFFFF  }
0xc3: {  	(tm) =	ssettm $0x7FFFFFFF  }
tec
execute0_lowered:
.L_overlay_start_1:
0x0: {  	(tag) =	ssettag $0x1  }
0x1: {  	s0 =	rddreg [dreg:$0x0];
	s11 =	stileid.u32  }
0x2: {  	s2 =	rddreg [dreg:$0x2];
	s6 =	smul.u32 $0x13C00, s11  }
0x3: {  	s1 =	srdreg.scid;
	s8 =	smul.u32 $0x4F000, s11  }
0x4: {  	s4 =	simm.s32 $0x0;
	s28 =	simm.s32 $0xB;
	s14 =	smul.u32 $0x9100, s11  }
0x5: {  	s29 =	simm.s32 $0x48;
	s31 =	simm.s32 $0xC;
	s15 =	smul.u32 $0x1220, s11  }
0x6: {  	s1 =	sand.u32 $0x1, s1;
	[smem:$0x7FF] =	sst s4;
	s17 =	smul.u32 $0x8500, s11  }
0x7: {  	s5 =	sadd.s32 $0x88C00, s0;
	s9 =	sadd.s32 $0x17000, s0;
	s18 =	smul.u32 $0x10A0, s11  }
0x8: {  	s3 =	smul.u32 $0x13C000, s1;
	_ =	strace $0x8000004D;
	s26 =	ssub.s32 $0x2, s1  }
0x9: {  	p0 =	seq.s32 s1, $0x1;
	s12 =	sshrl.u32 s8, $0x2;
	s16 =	sshrl.u32 s14, $0x3  }
0xa: {  	s10 =	sadd.s32 s12, s2;
	s12 =	sadd.s32 s9, s15;
	s1 =	sadd.s32 s9, s16  }
0xb: {  	s7 =	sshrl.u32 s26, $0x1;
	s19 =	sadd.s32 $0x20, s1;
	[dreg:$0x4] =	wrdreg s12  }
0xc: {  	s8 =	sshrl.u32 s17, $0x3;
	s20 =	sadd.s32 $0x40, s1;
	[dreg:$0x5] =	wrdreg s19  }
0xd: {  	s30 =	ssub.s32 s26, s7;
	s21 =	sadd.s32 $0x60, s1;
	[dreg:$0x6] =	wrdreg s20  }
0xe: {  	s7 =	sadd.s32 s9, s18;
	s1 =	sadd.s32 $0x80, s1;
	[dreg:$0x7] =	wrdreg s21  }
0xf: {  	s8 =	sadd.s32 s9, s8;
	s22 =	sadd.s32 $0x12200, s7;
	[dreg:$0x8] =	wrdreg s1  }
0x10: {  	s13 =	sshll.u32 s11, $0x6;
	s23 =	sadd.s32 $0x12220, s8;
	[dreg:$0x9] =	wrdreg s22  }
0x11: {  	s3 =	sadd.s32 s6, s3;
	s24 =	sadd.s32 $0x12240, s8;
	[dreg:$0xa] =	wrdreg s23  }
0x12: {  	s6 =	sor.u32 $0x1C11, s13;
	s25 =	sadd.s32 $0x12260, s8;
	[dreg:$0xb] =	wrdreg s24  }
0x13: {  	s3 =	sshrl.u32 s3, $0x3;
	s26 =	sadd.s32 $0x12280, s8;
	[dreg:$0xc] =	wrdreg s25  }
.Ltmp0:
0x14: {  	s30 =	smax.u32 s30, $0x1;
	[dreg:$0xd] =	wrdreg s26;
	(pc) =	sbr.rel .LBB2_1-.Ltmp0, $4  }
0x15: {  	s8 =	simm.s32 $0xE;
	s0 =	sadd.s32 s3, s0;
	[dreg:$0xf] =	wrdreg s30  }
0x16: {  	s23 =	sadd.s32 $0xA0, s12;
	s20 =	sadd.s32 $0x122A0, s7;
	s21 =	sshrl.u32 s10, $0x3  }
0x17: {  	s22 =	simm.s32 $0x11;
	s26 =	simm.s32 $0x400;
	s0 =	sadd.s32 $0xB0400, s0  }
0x18: {  	s3 =	simm.s32 $0xD;
	s10 =	simm.s32 $0xF;
	[dreg:$0xe] =	wrdreg s0  }
.LBB2_4:
0x19: {  	s0 =	sshrl.u32 @!p1 s0, $0xA  }
0x1a: {  	_ =	swait.ge [sflag:s30], $0x2400;
	s0 =	smul.u32 @!p1 $0x5, s0  }
0x1b: {  	s9 =	ssub.s32 @!p4 s9, s17;
	[sflag:s30] =	ssyncset.done $0x0  }
0x1c: {  	s11 =	sadd.s32 $0x600, s11;
	[sflag:s30] =	ssyncadd.s32 $0xFFFFDC00;
	s0 =	ssub.s32 @!p1 s13, s0  }
0x1d: {  	[spmem:s2] =	stream.indirect.scatter.add.f32 [tilespmem:s11], [sflag:s7], $0x80, s24, s29, $0xb8;
	[tilespmem:$0x1F600] =	vst v63  }
0x1e: {  	s7 =	sand.u32 @!p4 $0xFF, s9;
	s0 =	sand.u32 @!p1 $0xFF, s0  }
0x1f: {  	s9 =	sshll.u32 @!p4 s7, $0x8;
	s7 =	sadd.s32 @!p4 $0xB, s7;
	s11 =	smul.u32 @!p1 $0x9000, s0  }
0x20: {  	[tilespmem:s9], [sflag:s7] =	stream.linear.gather @!p4 [hbm4b:s14+s1], $0x100, $0x38;
	[tilespmem:$0x1F600] =	vst v63  }
0x21: {  	_ =	swait.ge @!p1 [sflag:s15], $0x100  }
0x22: {  	s1 =	simm.s32 @!p1 $0x48;
	s7 =	sshrl.u32 @!p1 s11, $0x2;
	[sflag:s15] =	ssyncset.done @!p1 $0x0  }
0x23: {  	s0 =	sadd.s32 @!p1 $0x1, s0;
	s7 =	sadd.s32 @!p1 $0x600, s7;
	[sflag:s15] =	ssyncadd.s32 @!p1 $0xFFFFFF00  }
0x24: {  	[tilespmem:s7], [sflag:s0] =	stream.indirect.gather @!p1 [hbm4b:s5+s1], $0x80, s16, s1, $0xb8;
	[tilespmem:$0x1F600] =	vst v63  }
0x25: {  	s0 =	simm.s32 $0xA  }
.LBB2_8:
0x26: {  	_ =	swait.ge [sflag:s0], $0x2400  }
0x27: {  	[sflag:s0] =	ssyncset.done $0x0  }
0x28: {  	[sflag:s0] =	ssyncadd.s32 $0xFFFFDC00  }
0x29: {  	[bflag:$0x0] =	sbarrier.arrive $0xFFFF  }
0x2a: {  	s25 =	rddreg [dreg:$0xe]  }
0x2b: {  	[hbm:s25], [sflag:s6] =	dma.local [spmem:s21], $0x2780  }
0x2c: {  	_ =	swait.ge [sflag:s22], $0x2780  }
0x2d: {  	s4 =	sadd.s32 $0x1, s4;
	s30 =	rddreg [dreg:$0xf]  }
0x2e: {  	p1 =	sne.s32 s4, s30  }
.Ltmp1:
0x2f: {  	_ = 	snop;
	(pc) =	sbr.rel @!p1 .LBB2_9-.Ltmp1, $3  }
0x30: {  	_ =	sdelay $0x1  }
0x31: {  	[sflag:s22] =	ssyncset.done $0x0  }
0x32: {  	[sflag:s22] =	ssyncadd.s32 $0xFFFFD880  }
.LBB2_1:
0x33: {  	s0 =	rddreg [dreg:$0x1]  }
0x34: {  	[spmem:s21], [sflag:s6] =	dma.local [hbm:s0], $0x2780  }
.Ltmp2:
0x35: {  	_ =	swait.ge [sflag:s22], $0x2780;
	(pc) =	sbr.rel @!p0 .LBB2_2-.Ltmp2, $4  }
0x36: {  	[sflag:s22] =	ssyncset.done $0x0  }
0x37: {  	[sflag:s22] =	ssyncadd.s32 $0xFFFFD880  }
0x38: {  	[bflag:$0x0] =	sbarrier.arrive $0xFFFF  }
0x39: {  	s0 =	simm.s32 $0x0  }
0x3a: {  	s1 =	rddreg [dreg:$0x9]  }
0x3b: {  	s19 =	rddreg [dreg:$0xa]  }
0x3c: {  	[tilespmem:s0], [sflag:$0xB] =	stream.linear.gather [hbm4b:s1+s0], $0x100, $0x38;
	[tilespmem:$0x1F600] =	vst v63  }
0x3d: {  	s7 =	simm.s32 $0x100;
	s24 =	rddreg [dreg:$0xb]  }
0x3e: {  	[tilespmem:s7], [sflag:$0xC] =	stream.linear.gather [hbm4b:s19+s0], $0x100, $0x38;
	[tilespmem:$0x1F600] =	vst v63  }
0x3f: {  	s9 =	simm.s32 $0x200;
	s25 =	rddreg [dreg:$0xc];
	p3 =	por $0x1, $0x1  }
0x40: {  	[tilespmem:s9], [sflag:$0xD] =	stream.linear.gather [hbm4b:s24+s0], $0x100, $0x38;
	[tilespmem:$0x1F600] =	vst v63  }
0x41: {  	s11 =	simm.s32 $0x300;
	s12 =	rddreg [dreg:$0xd];
	s1 =	simm.s32 @!p3 $0x4  }
0x42: {  	[tilespmem:s11], [sflag:$0xE] =	stream.linear.gather [hbm4b:s25+s0], $0x100, $0x38;
	[tilespmem:$0x1F600] =	vst v63  }
0x43: {  	s13 =	simm.s32 $0x600;
	s14 =	simm.s32 $0x2A00;
	s1 =	sand.u32 @!p3 $0xFF, s1  }
0x44: {  	[tilespmem:s26], [sflag:$0xF] =	stream.linear.gather [hbm4b:s12+s0], $0x100, $0x38;
	[tilespmem:$0x1F600] =	vst v63  }
0x45: {  	s15 =	simm.s32 $0x4E00;
	s1 =	smul.u32 @!p3 $0xCD, s1;
	_ =	swait.ge [sflag:s28], $0x100  }
0x46: {  	s16 =	simm.s32 $0x7200;
	s17 =	smul.u32 $0xCD, s0;
	[sflag:s28] =	ssyncset.done $0x0  }
0x47: {  	s18 =	simm.s32 $0x9600;
	s1 =	sshrl.u32 @!p3 s1, $0xA;
	[sflag:s28] =	ssyncadd.s32 $0xFFFFFF00  }
0x48: {  	[tilespmem:s13], [sflag:$0x1] =	stream.indirect.gather [hbm4b:s5+s29], $0x80, s0, s29, $0xb8;
	[tilespmem:$0x1F600] =	vst v63  }
0x49: {  	p2 =	por $0x0, $0x0;
	s1 =	smul.u32 @!p3 $0x5, s1;
	_ =	swait.ge [sflag:s31], $0x100  }
0x4a: {  	p1 =	por $0x1, $0x1;
	p4 =	por p2, p2;
	[sflag:s31] =	ssyncset.done $0x0  }
0x4b: {  	s19 =	smul.u32 $0xAB, s0;
	s1 =	ssub.s32 @!p3 $0x4, s1;
	[sflag:s31] =	ssyncadd.s32 $0xFFFFFF00  }
0x4c: {  	[tilespmem:s14], [sflag:$0x2] =	stream.indirect.gather [hbm4b:s5+s29], $0x80, s7, s29, $0xb8;
	[tilespmem:$0x1F600] =	vst v63  }
0x4d: {  	s12 =	simm.s32 $0x1;
	s0 =	sshrl.u32 s19, $0xA;
	_ =	swait.ge [sflag:s3], $0x100  }
0x4e: {  	s1 =	sand.u32 @!p3 $0xFF, s1;
	s0 =	sand.u32 $0x3F, s0;
	[sflag:s3] =	ssyncset.done $0x0  }
0x4f: {  	s1 =	sadd.s32 @!p3 $0x6, s1;
	s0 =	smul.u32 $0x6, s0;
	[sflag:s3] =	ssyncadd.s32 $0xFFFFFF00  }
0x50: {  	[tilespmem:s15], [sflag:$0x3] =	stream.indirect.gather [hbm4b:s5+s29], $0x80, s9, s29, $0xb8;
	[tilespmem:$0x1F600] =	vst v63  }
0x51: {  	s13 =	simm.s32 @!p1 $0x4;
	s7 =	sshrl.u32 s17, $0xA;
	_ =	swait.ge [sflag:s8], $0x100  }
0x52: {  	s0 =	ssub.s32 $0x0, s0;
	s7 =	sand.u32 $0x3F, s7;
	[sflag:s8] =	ssyncset.done $0x0  }
0x53: {  	s0 =	sand.u32 $0xFF, s0;
	s7 =	smul.u32 $0x5, s7;
	[sflag:s8] =	ssyncadd.s32 $0xFFFFFF00  }
0x54: {  	[tilespmem:s16], [sflag:$0x4] =	stream.indirect.gather [hbm4b:s5+s29], $0x80, s11, s29, $0xb8;
	[tilespmem:$0x1F600] =	vst v63  }
0x55: {  	s14 =	sand.u32 @!p1 $0xFF, s13;
	s25 =	sshll.u32 s0, $0x8;
	_ =	swait.ge [sflag:s10], $0x100  }
0x56: {  	s0 =	smul.u32 @!p1 $0xCD, s14;
	s7 =	ssub.s32 $0x0, s7;
	[sflag:s10] =	ssyncset.done $0x0  }
0x57: {  	s9 =	smul.u32 @!p1 $0xAB, s14;
	s7 =	sand.u32 $0xFF, s7;
	[sflag:s10] =	ssyncadd.s32 $0xFFFFFF00  }
0x58: {  	[tilespmem:s18], [sflag:$0x5] =	stream.indirect.gather [hbm4b:s5+s29], $0x80, s26, s29, $0xb8;
	[tilespmem:$0x1F600] =	vst v63  }
0x59: {  	s24 =	smul.u32 $0x9000, s7;
	s9 =	sshrl.u32 @!p1 s9, $0xA;
	_ =	swait.ge @!p3 [sflag:s1], $0x2400  }
0x5a: {  	s19 =	smov.u32 s20;
	s15 =	smul.u32 @!p1 $0x6, s9;
	[sflag:s1] =	ssyncset.done @!p3 $0x0  }
0x5b: {  	s9 =	simm.s32 @!p2 $0x5;
	[sflag:s1] =	ssyncadd.s32 @!p3 $0xFFFFDC00;
	p3 =	por $0x1, $0x1  }
.Ltmp3:
0x5c: {  	s14 =	smov.u32 s20;
	s16 =	sand.u32 @!p2 $0xFF, s9;
	(pc) =	sbr.rel @!p3 .LBB2_7-.Ltmp3, $4  }
0x5d: {  	s30 =	sadd.s32 $0x1, s7;
	s15 =	ssub.s32 @!p1 $0x4, s15;
	s18 =	smul.u32 @!p2 $0xAB, s16  }
0x5e: {  	s7 =	sadd.s32 $0x6, s7;
	s11 =	sshrl.u32 s24, $0x2;
	s17 =	sand.u32 @!p1 $0xFF, s15  }
0x5f: {  	s24 =	sor.u32 $0x80, s25;
	s15 =	sadd.s32 @!p1 $0xB, s17;
	s18 =	sshrl.u32 @!p2 s18, $0xA  }
0x60: {  	s16 =	sshll.u32 @!p1 s17, $0x8;
	s1 =	simm.s32 @!p2 $0x0;
	s17 =	smul.u32 @!p2 $0x6, s18  }
.LBB2_6:
0x61: {  	s18 =	sshrl.u32 @!p1 s0, $0xA  }
0x62: {  	s25 =	simm.s32 @!p1 $0x48;
	s19 =	sadd.s32 $0x20, s19;
	s0 =	smov.u32 s12  }
0x63: {  	_ =	swait.ge [sflag:s30], $0x2400;
	s9 =	ssub.s32 @!p4 s9, s17;
	s17 =	smul.u32 @!p1 $0x5, s18  }
0x64: {  	s11 =	sadd.s32 $0x600, s11;
	[sflag:s30] =	ssyncset.done $0x0;
	s9 =	sand.u32 @!p4 $0xFF, s9  }
0x65: {  	[sflag:s30] =	ssyncadd.s32 $0xFFFFDC00;
	s18 =	sshll.u32 @!p4 s9, $0x8;
	s13 =	ssub.s32 @!p1 s13, s17  }
0x66: {  	[spmem:s2] =	stream.indirect.scatter.add.f32 [tilespmem:s11], [sflag:s7], $0x80, s24, s29, $0xb8;
	[tilespmem:$0x1F600] =	vst v63  }
0x67: {  	p3 =	seq.s32 s12, $0x0;
	s7 =	sadd.s32 @!p4 $0xB, s9;
	s9 =	sand.u32 @!p1 $0xFF, s13  }
0x68: {  	p2 =	sgt.u32 s12, $0x7F;
	s11 =	sadd.s32 @!p3 $0x4, s12;
	s13 =	smul.u32 @!p1 $0x9000, s9  }
0x69: {  	[tilespmem:s18], [sflag:s7] =	stream.linear.gather @!p4 [hbm4b:s14+s1], $0x100, $0x38;
	[tilespmem:$0x1F600] =	vst v63  }
0x6a: {  	s1 =	sand.u32 @!p3 $0xFF, s11;
	s7 =	sshrl.u32 @!p1 s13, $0x2;
	_ =	swait.ge @!p1 [sflag:s15], $0x100  }
0x6b: {  	s1 =	smul.u32 @!p3 $0xCD, s1;
	s7 =	sadd.s32 @!p1 $0x600, s7;
	[sflag:s15] =	ssyncset.done @!p1 $0x0  }
0x6c: {  	s9 =	sadd.s32 @!p1 $0x1, s9;
	s13 =	smul.u32 $0xCD, s12;
	[sflag:s15] =	ssyncadd.s32 @!p1 $0xFFFFFF00  }
0x6d: {  	[tilespmem:s7], [sflag:s9] =	stream.indirect.gather @!p1 [hbm4b:s5+s25], $0x80, s16, s25, $0xb8;
	[tilespmem:$0x1F600] =	vst v63  }
0x6e: {  	s1 =	sshrl.u32 @!p3 s1, $0xA;
	s7 =	sshrl.u32 s13, $0xA;
	s9 =	sadd.s32 $0xFFFFFFFF, s12  }
0x6f: {  	s1 =	smul.u32 @!p3 $0x5, s1;
	s7 =	sand.u32 $0x3F, s7;
	p1 =	sgt.u32 s9, $0x7F  }
0x70: {  	s12 =	sadd.s32 $0x2, s9;
	s7 =	smul.u32 $0x5, s7;
	s13 =	sadd.s32 @!p1 $0x4, s0  }
0x71: {  	s9 =	smul.u32 $0xAB, s0;
	s1 =	ssub.s32 @!p3 s11, s1;
	s17 =	sand.u32 @!p1 $0xFF, s13  }
0x72: {  	s1 =	sand.u32 @!p3 $0xFF, s1;
	s7 =	ssub.s32 s0, s7;
	s11 =	smul.u32 @!p1 $0xAB, s17  }
0x73: {  	s14 =	sshrl.u32 s9, $0xA;
	s1 =	sadd.s32 @!p3 $0x6, s1;
	s7 =	sand.u32 $0xFF, s7  }
0x74: {  	s9 =	sadd.s32 @!p2 $0x5, s0;
	s30 =	sadd.s32 $0x1, s7;
	_ =	swait.ge @!p3 [sflag:s1], $0x2400  }
0x75: {  	s15 =	smul.u32 $0x9000, s7;
	s11 =	sshrl.u32 @!p1 s11, $0xA;
	[sflag:s1] =	ssyncset.done @!p3 $0x0  }
0x76: {  	s14 =	sand.u32 $0x3F, s14;
	s16 =	smul.u32 @!p1 $0x6, s11;
	[sflag:s1] =	ssyncadd.s32 @!p3 $0xFFFFDC00  }
0x77: {  	s14 =	smul.u32 $0x6, s14;
	s11 =	sshrl.u32 s15, $0x2;
	p3 =	sne.s32 s12, $0x85  }
0x78: {  	s15 =	sand.u32 @!p2 $0xFF, s9;
	s1 =	simm.s32 @!p2 $0x0;
	s16 =	ssub.s32 @!p1 s13, s16  }
.Ltmp4:
0x79: {  	s7 =	sadd.s32 $0x6, s7;
	s16 =	sand.u32 @!p1 $0xFF, s16;
	(pc) =	sbr.rel @p3 .LBB2_6-.Ltmp4, $4  }
0x7a: {  	s0 =	ssub.s32 s0, s14;
	s18 =	smul.u32 @!p2 $0xAB, s15;
	s15 =	sadd.s32 @!p1 $0xB, s16  }
0x7b: {  	s14 =	smov.u32 s19;
	s0 =	sand.u32 $0xFF, s0;
	s16 =	sshll.u32 @!p1 s16, $0x8  }
0x7c: {  	s24 =	sshll.u32 s0, $0x8;
	s0 =	smul.u32 @!p1 $0xCD, s17;
	s18 =	sshrl.u32 @!p2 s18, $0xA  }
0x7d: {  	p4 =	por p2, p2;
	s24 =	sor.u32 $0x80, s24;
	s17 =	smul.u32 @!p2 $0x6, s18  }
.LBB2_7:
0x7e: {  	s0 =	sshrl.u32 @!p1 s0, $0xA  }
0x7f: {  	_ =	swait.ge [sflag:s30], $0x2400;
	s0 =	smul.u32 @!p1 $0x5, s0  }
0x80: {  	s11 =	sadd.s32 $0x600, s11;
	[sflag:s30] =	ssyncset.done $0x0  }
0x81: {  	s9 =	ssub.s32 @!p4 s9, s17;
	[sflag:s30] =	ssyncadd.s32 $0xFFFFDC00;
	s0 =	ssub.s32 @!p1 s13, s0  }
0x82: {  	[spmem:s2] =	stream.indirect.scatter.add.f32 [tilespmem:s11], [sflag:s7], $0x80, s24, s29, $0xb8;
	[tilespmem:$0x1F600] =	vst v63  }
0x83: {  	s7 =	sand.u32 @!p4 $0xFF, s9;
	s0 =	sand.u32 @!p1 $0xFF, s0  }
0x84: {  	s9 =	sshll.u32 @!p4 s7, $0x8;
	s7 =	sadd.s32 @!p4 $0xB, s7;
	s11 =	smul.u32 @!p1 $0x9000, s0  }
0x85: {  	[tilespmem:s9], [sflag:s7] =	stream.linear.gather @!p4 [hbm4b:s14+s1], $0x100, $0x38;
	[tilespmem:$0x1F600] =	vst v63  }
.Ltmp5:
0x86: {  	_ =	swait.ge @!p1 [sflag:s15], $0x100;
	(pc) =	sbr.rel .LBB2_8-.Ltmp5, $4  }
0x87: {  	s1 =	simm.s32 @!p1 $0x48;
	s7 =	sshrl.u32 @!p1 s11, $0x2;
	[sflag:s15] =	ssyncset.done @!p1 $0x0  }
0x88: {  	s0 =	sadd.s32 @!p1 $0x1, s0;
	s7 =	sadd.s32 @!p1 $0x600, s7;
	[sflag:s15] =	ssyncadd.s32 @!p1 $0xFFFFFF00  }
0x89: {  	[tilespmem:s7], [sflag:s0] =	stream.indirect.gather @!p1 [hbm4b:s5+s1], $0x80, s16, s1, $0xb8;
	[tilespmem:$0x1F600] =	vst v63  }
0x8a: {  	s0 =	simm.s32 $0x8  }
.LBB2_2:
0x8b: {  	s1 =	rddreg [dreg:$0x4]  }
0x8c: {  	s19 =	rddreg [dreg:$0x5]  }
0x8d: {  	[tilespmem:s0], [sflag:$0xB] =	stream.linear.gather [hbm4b:s1+s0], $0x100, $0x38;
	[tilespmem:$0x1F600] =	vst v63  }
0x8e: {  	s7 =	simm.s32 $0x100;
	s24 =	rddreg [dreg:$0x6]  }
0x8f: {  	[tilespmem:s7], [sflag:$0xC] =	stream.linear.gather [hbm4b:s19+s0], $0x100, $0x38;
	[tilespmem:$0x1F600] =	vst v63  }
0x90: {  	s9 =	simm.s32 $0x200;
	s25 =	rddreg [dreg:$0x7];
	p3 =	por $0x1, $0x1  }
0x91: {  	[tilespmem:s9], [sflag:$0xD] =	stream.linear.gather [hbm4b:s24+s0], $0x100, $0x38;
	[tilespmem:$0x1F600] =	vst v63  }
0x92: {  	s11 =	simm.s32 $0x300;
	s12 =	rddreg [dreg:$0x8];
	s1 =	simm.s32 @!p3 $0x4  }
0x93: {  	[tilespmem:s11], [sflag:$0xE] =	stream.linear.gather [hbm4b:s25+s0], $0x100, $0x38;
	[tilespmem:$0x1F600] =	vst v63  }
0x94: {  	s13 =	simm.s32 $0x600;
	s14 =	simm.s32 $0x2A00;
	s1 =	sand.u32 @!p3 $0xFF, s1  }
0x95: {  	[tilespmem:s26], [sflag:$0xF] =	stream.linear.gather [hbm4b:s12+s0], $0x100, $0x38;
	[tilespmem:$0x1F600] =	vst v63  }
0x96: {  	s15 =	simm.s32 $0x4E00;
	s1 =	smul.u32 @!p3 $0xCD, s1;
	_ =	swait.ge [sflag:s28], $0x100  }
0x97: {  	s16 =	simm.s32 $0x7200;
	s17 =	smul.u32 $0xCD, s0;
	[sflag:s28] =	ssyncset.done $0x0  }
0x98: {  	s18 =	simm.s32 $0x9600;
	s1 =	sshrl.u32 @!p3 s1, $0xA;
	[sflag:s28] =	ssyncadd.s32 $0xFFFFFF00  }
0x99: {  	[tilespmem:s13], [sflag:$0x1] =	stream.indirect.gather [hbm4b:s5+s29], $0x80, s0, s29, $0xb8;
	[tilespmem:$0x1F600] =	vst v63  }
0x9a: {  	p2 =	por $0x0, $0x0;
	s1 =	smul.u32 @!p3 $0x5, s1;
	_ =	swait.ge [sflag:s31], $0x100  }
0x9b: {  	p1 =	por $0x1, $0x1;
	p4 =	por p2, p2;
	[sflag:s31] =	ssyncset.done $0x0  }
0x9c: {  	s19 =	smul.u32 $0xAB, s0;
	s1 =	ssub.s32 @!p3 $0x4, s1;
	[sflag:s31] =	ssyncadd.s32 $0xFFFFFF00  }
0x9d: {  	[tilespmem:s14], [sflag:$0x2] =	stream.indirect.gather [hbm4b:s5+s29], $0x80, s7, s29, $0xb8;
	[tilespmem:$0x1F600] =	vst v63  }
0x9e: {  	s12 =	simm.s32 $0x1;
	s0 =	sshrl.u32 s19, $0xA;
	_ =	swait.ge [sflag:s3], $0x100  }
0x9f: {  	s1 =	sand.u32 @!p3 $0xFF, s1;
	s0 =	sand.u32 $0x3F, s0;
	[sflag:s3] =	ssyncset.done $0x0  }
0xa0: {  	s1 =	sadd.s32 @!p3 $0x6, s1;
	s0 =	smul.u32 $0x6, s0;
	[sflag:s3] =	ssyncadd.s32 $0xFFFFFF00  }
0xa1: {  	[tilespmem:s15], [sflag:$0x3] =	stream.indirect.gather [hbm4b:s5+s29], $0x80, s9, s29, $0xb8;
	[tilespmem:$0x1F600] =	vst v63  }
0xa2: {  	s13 =	simm.s32 @!p1 $0x4;
	s7 =	sshrl.u32 s17, $0xA;
	_ =	swait.ge [sflag:s8], $0x100  }
0xa3: {  	s0 =	ssub.s32 $0x0, s0;
	s7 =	sand.u32 $0x3F, s7;
	[sflag:s8] =	ssyncset.done $0x0  }
0xa4: {  	s0 =	sand.u32 $0xFF, s0;
	s7 =	smul.u32 $0x5, s7;
	[sflag:s8] =	ssyncadd.s32 $0xFFFFFF00  }
0xa5: {  	[tilespmem:s16], [sflag:$0x4] =	stream.indirect.gather [hbm4b:s5+s29], $0x80, s11, s29, $0xb8;
	[tilespmem:$0x1F600] =	vst v63  }
0xa6: {  	s14 =	sand.u32 @!p1 $0xFF, s13;
	s25 =	sshll.u32 s0, $0x8;
	_ =	swait.ge [sflag:s10], $0x100  }
0xa7: {  	s0 =	smul.u32 @!p1 $0xCD, s14;
	s7 =	ssub.s32 $0x0, s7;
	[sflag:s10] =	ssyncset.done $0x0  }
0xa8: {  	s9 =	smul.u32 @!p1 $0xAB, s14;
	s7 =	sand.u32 $0xFF, s7;
	[sflag:s10] =	ssyncadd.s32 $0xFFFFFF00  }
0xa9: {  	[tilespmem:s18], [sflag:$0x5] =	stream.indirect.gather [hbm4b:s5+s29], $0x80, s26, s29, $0xb8;
	[tilespmem:$0x1F600] =	vst v63  }
0xaa: {  	s24 =	smul.u32 $0x9000, s7;
	s9 =	sshrl.u32 @!p1 s9, $0xA;
	_ =	swait.ge @!p3 [sflag:s1], $0x2400  }
0xab: {  	s14 =	smov.u32 s23;
	s15 =	smul.u32 @!p1 $0x6, s9;
	[sflag:s1] =	ssyncset.done @!p3 $0x0  }
0xac: {  	s9 =	simm.s32 @!p2 $0x5;
	[sflag:s1] =	ssyncadd.s32 @!p3 $0xFFFFDC00;
	p3 =	por $0x0, $0x0  }
.Ltmp6:
0xad: {  	s30 =	sadd.s32 $0x1, s7;
	s16 =	sand.u32 @!p2 $0xFF, s9;
	(pc) =	sbr.rel @p3 .LBB2_4-.Ltmp6, $4  }
0xae: {  	s7 =	sadd.s32 $0x6, s7;
	s15 =	ssub.s32 @!p1 $0x4, s15;
	s19 =	smul.u32 @!p2 $0xAB, s16  }
0xaf: {  	s11 =	sshrl.u32 s24, $0x2;
	s24 =	sor.u32 $0x80, s25;
	s17 =	sand.u32 @!p1 $0xFF, s15  }
0xb0: {  	s15 =	sadd.s32 @!p1 $0xB, s17;
	s16 =	sshll.u32 @!p1 s17, $0x8;
	s19 =	sshrl.u32 @!p2 s19, $0xA  }
0xb1: {  	s17 =	smul.u32 @!p2 $0x6, s19;
	s19 =	smov.u32 s23;
	s1 =	simm.s32 @!p2 $0x0  }
.LBB2_3:
0xb2: {  	s25 =	sshrl.u32 @!p1 s0, $0xA  }
0xb3: {  	s18 =	simm.s32 @!p1 $0x48;
	s19 =	sadd.s32 $0x20, s19;
	s0 =	smov.u32 s12  }
0xb4: {  	s9 =	ssub.s32 @!p4 s9, s17;
	_ =	swait.ge [sflag:s30], $0x2400;
	s17 =	smul.u32 @!p1 $0x5, s25  }
0xb5: {  	s11 =	sadd.s32 $0x600, s11;
	s9 =	sand.u32 @!p4 $0xFF, s9;
	[sflag:s30] =	ssyncset.done $0x0  }
0xb6: {  	s25 =	sshll.u32 @!p4 s9, $0x8;
	[sflag:s30] =	ssyncadd.s32 $0xFFFFDC00;
	s13 =	ssub.s32 @!p1 s13, s17  }
0xb7: {  	[spmem:s2] =	stream.indirect.scatter.add.f32 [tilespmem:s11], [sflag:s7], $0x80, s24, s29, $0xb8;
	[tilespmem:$0x1F600] =	vst v63  }
0xb8: {  	p3 =	seq.s32 s12, $0x0;
	s7 =	sadd.s32 @!p4 $0xB, s9;
	s9 =	sand.u32 @!p1 $0xFF, s13  }
0xb9: {  	p2 =	sgt.u32 s12, $0x8B;
	s11 =	sadd.s32 @!p3 $0x4, s12;
	s13 =	smul.u32 @!p1 $0x9000, s9  }
0xba: {  	[tilespmem:s25], [sflag:s7] =	stream.linear.gather @!p4 [hbm4b:s14+s1], $0x100, $0x38;
	[tilespmem:$0x1F600] =	vst v63  }
0xbb: {  	s1 =	sand.u32 @!p3 $0xFF, s11;
	s7 =	sshrl.u32 @!p1 s13, $0x2;
	_ =	swait.ge @!p1 [sflag:s15], $0x100  }
0xbc: {  	s1 =	smul.u32 @!p3 $0xCD, s1;
	s7 =	sadd.s32 @!p1 $0x600, s7;
	[sflag:s15] =	ssyncset.done @!p1 $0x0  }
0xbd: {  	s9 =	sadd.s32 @!p1 $0x1, s9;
	s13 =	smul.u32 $0xCD, s12;
	[sflag:s15] =	ssyncadd.s32 @!p1 $0xFFFFFF00  }
0xbe: {  	[tilespmem:s7], [sflag:s9] =	stream.indirect.gather @!p1 [hbm4b:s5+s18], $0x80, s16, s18, $0xb8;
	[tilespmem:$0x1F600] =	vst v63  }
0xbf: {  	s1 =	sshrl.u32 @!p3 s1, $0xA;
	s7 =	sshrl.u32 s13, $0xA;
	s9 =	sadd.s32 $0xFFFFFFFF, s12  }
0xc0: {  	s1 =	smul.u32 @!p3 $0x5, s1;
	s7 =	sand.u32 $0x3F, s7;
	p1 =	sgt.u32 s9, $0x8B  }
0xc1: {  	s12 =	sadd.s32 $0x2, s9;
	s7 =	smul.u32 $0x5, s7;
	s13 =	sadd.s32 @!p1 $0x4, s0  }
0xc2: {  	s9 =	smul.u32 $0xAB, s0;
	s1 =	ssub.s32 @!p3 s11, s1;
	s17 =	sand.u32 @!p1 $0xFF, s13  }
0xc3: {  	s1 =	sand.u32 @!p3 $0xFF, s1;
	s7 =	ssub.s32 s0, s7;
	s11 =	smul.u32 @!p1 $0xAB, s17  }
0xc4: {  	s14 =	sshrl.u32 s9, $0xA;
	s1 =	sadd.s32 @!p3 $0x6, s1;
	s7 =	sand.u32 $0xFF, s7  }
0xc5: {  	s9 =	sadd.s32 @!p2 $0x5, s0;
	s30 =	sadd.s32 $0x1, s7;
	_ =	swait.ge @!p3 [sflag:s1], $0x2400  }
0xc6: {  	s15 =	smul.u32 $0x9000, s7;
	s11 =	sshrl.u32 @!p1 s11, $0xA;
	[sflag:s1] =	ssyncset.done @!p3 $0x0  }
0xc7: {  	s14 =	sand.u32 $0x3F, s14;
	s16 =	smul.u32 @!p1 $0x6, s11;
	[sflag:s1] =	ssyncadd.s32 @!p3 $0xFFFFDC00  }
0xc8: {  	s14 =	smul.u32 $0x6, s14;
	s11 =	sshrl.u32 s15, $0x2;
	p3 =	seq.s32 s12, $0x91  }
0xc9: {  	s15 =	sand.u32 @!p2 $0xFF, s9;
	s1 =	simm.s32 @!p2 $0x0;
	s16 =	ssub.s32 @!p1 s13, s16  }
.Ltmp7:
0xca: {  	s7 =	sadd.s32 $0x6, s7;
	s16 =	sand.u32 @!p1 $0xFF, s16;
	(pc) =	sbr.rel @!p3 .LBB2_3-.Ltmp7, $4  }
0xcb: {  	s0 =	ssub.s32 s0, s14;
	s18 =	smul.u32 @!p2 $0xAB, s15;
	s15 =	sadd.s32 @!p1 $0xB, s16  }
0xcc: {  	s14 =	smov.u32 s19;
	s0 =	sand.u32 $0xFF, s0;
	s16 =	sshll.u32 @!p1 s16, $0x8  }
0xcd: {  	s24 =	sshll.u32 s0, $0x8;
	s0 =	smul.u32 @!p1 $0xCD, s17;
	s18 =	sshrl.u32 @!p2 s18, $0xA  }
0xce: {  	p4 =	por p2, p2;
	s24 =	sor.u32 $0x80, s24;
	s17 =	smul.u32 @!p2 $0x6, s18  }
.Ltmp8:
0xcf: {  	_ = 	snop;
	(pc) =	sbr.rel .LBB2_4-.Ltmp8, $1  }
0xd0: {  	_ =	sdelay $0x3  }
.LBB2_9:
0xd1: {  	_ =	sfence.sel $0x180000  }
0xd2: {  	[bflag:$0x0] =	sbarrier.arrive $0xFFFF  }
0xd3: {  	_ =	strace $0x9000004D  }
0xd4: {  	s0 =	stileid.u32;
	[bflag:$0x2] =	sbarrier.arrive $0xFFFF  }
0xd5: {  	p0 =	sne.s32 s0, $0x0;
	s0 =	rddreg [dreg:$0x3]  }
0xd6: {  	s0 =	sadd.s32 @!p0 $0x100000, s0  }
0xd7: {  	[sflag:s0] =	ssyncadd.tile.s32 @!p0 $0x1;
	_ =	shalt  }
.Lfunc_end2:
_tile_overlayer_lowered:
.L_overlay_start_2:
0xd8: {  	(tag) =	ssettag $0x2  }
0xd9: {  	s0 =	rddreg [dreg:$0x0];
	s2 =	stileid.u32  }
0xda: {  	s1 =	rddreg [dreg:$0x1];
	p0 =	sne.s32 s2, $0x0  }
0xdb: {  	s3 =	rddreg [dreg:$0x2];
	[bflag:$0x3] =	sbarrier.arrive $0xFFFF;
	s2 =	simm.s32 @!p0 $0x1C11  }
0xdc: {  	[timem:s3], [sflag:s2] =	dma.local @!p0 [hbm:s0], s1  }
0xdd: {  	s0 =	simm.s32 @!p0 $0x11  }
0xde: {  	_ =	swait.ge @!p0 [sflag:s0], s1  }
0xdf: {  	s1 =	ssub.s32 @!p0 $0x0, s1;
	[sflag:s0] =	ssyncset.done @!p0 $0x0  }
0xe0: {  	[sflag:s0] =	ssyncadd.s32 @!p0 s1  }
0xe1: {  	[bflag:$0x3] =	sbarrier.arrive $0xFFFF  }
0xe2: {  	_ =	shalt  }

// kernel: _run.19.cloned.1.call-start
scs
__scs_entry_jumppad:
0x0: {  	(pc) =	sbr.rel $0x88, $3  }
0x1: {  	(tag) =	ssettag $0x0;
	lr =	simm.s32 $0x1  }
0x2: {  	[smem:$0x3F99] =	sst lr;
	_ =	strace $0xD0000000  }
0x3: {  	_ = 	snop  }
0x4: {  	_ = 	snop  }
0x5: {  	_ = 	snop  }
0x6: {  	_ = 	snop  }
0x7: {  	_ = 	snop  }
__scs_overlays_trampoline_lowered:
0x8: {  	[smem:$0x3FA8] =	sst s0  }
0x9: {  	[smem:$0x3FA9] =	sst s1  }
0xa: {  	[smem:$0x3FAA] =	sst s2  }
0xb: {  	[smem:$0x3FAB] =	sst s3  }
0xc: {  	[smem:$0x3FAC] =	sst s4  }
0xd: {  	[smem:$0x3FAD] =	sst s5  }
0xe: {  	[smem:$0x3FAE] =	sst s6  }
0xf: {  	[smem:$0x3FAF] =	sst s7  }
0x10: {  	[smem:$0x3FB0] =	sst s8  }
0x11: {  	[smem:$0x3FB1] =	sst s9;
	s0 =	simm.s32 @!p0 $0x0  }
0x12: {  	s1 =	sld [smem:$0x3F97];
	s0 =	simm.s32 @p0 $0x1  }
0x13: {  	[smem:$0x3FB2] =	sst s0;
	s0 =	simm.s32 @!p1 $0x0  }
0x14: {  	s2 =	sld [smem:$0x3F96];
	s0 =	simm.s32 @p1 $0x1  }
0x15: {  	[smem:$0x3FB3] =	sst s0;
	s0 =	simm.s32 @!p2 $0x0  }
0x16: {  	s3 =	sld [smem:$0x3FDB];
	s0 =	simm.s32 @p2 $0x1  }
0x17: {  	s4 =	simm.s32 $0x1BF5;
	[smem:$0x3FB5] =	sst s0  }
0x18: {  	s0 =	sld [smem:$0x3F98];
	_ =	swait.ge [sflag:s4], $0x0  }
0x19: {  	s7 =	sld [smem:$0x3F99]  }
0x1a: {  	s8 =	sadd.s32 $0xFFFFE003, lr  }
0x1b: {  	s9 =	sadd.s32 $0xFFFFFEF7, lr;
	s5 =	simm.s32 $0xFFFFFFFF;
	p2 =	slt.u32 s8, $0xFFFFF086  }
0x1c: {  	p1 =	slt.u32 s9, $0xF7A;
	s5 =	simm.s32 @!p2 $0x0  }
0x1d: {  	s5 =	simm.s32 @p1 $0x1;
	p0 =	seq.s32 s7, s2  }
0x1e: {  	s7 =	smul.u32 @!p0 $0xF7A, s2;
	p2 =	seq.s32 @!p0 s5, $0x0  }
0x1f: {  	s9 =	smul.u32 $0xF7A, s1;
	s8 =	simm.s32 @!p0 $0x1BF5;
	p2 =	por !p2, p0  }
0x20: {  	[sflag:s8] =	ssyncset.s32 @!p0 $0xFFFFF086;
	s6 =	sadd.s32 @!p0 s3, s7;
	s7 =	simm.s32 @!p0 $0x108  }
0x21: {  	s3 =	sadd.s32 s3, s9;
	s6 =	sadd.s32 @!p0 $0x88, s6;
	s7 =	simm.s32 @p2 $0x1082  }
0x22: {  	[simem:s7], [sflag:s8] =	dma.local @!p0 [hbm:s6], $0xF7A  }
0x23: {  	s9 =	sor.u32 $0xD0000000, s2;
	s6 =	simm.s32 $0x108;
	_ =	swait.ge @!p0 [sflag:s8], $0x0  }
0x24: {  	s3 =	sadd.s32 $0x88, s3;
	s6 =	simm.s32 @!p1 $0x1082;
	[sflag:s4] =	ssyncset.s32 $0xFFFFF086  }
0x25: {  	[simem:s6], [sflag:s4] =	dma.local [hbm:s3], $0xF7A  }
0x26: {  	[smem:$0x3F99] =	sst s1;
	(tag) =	ssettag s2;
	_ =	strace s9  }
0x27: {  	s1 =	sld [smem:$0x3FA9]  }
0x28: {  	s2 =	sld [smem:$0x3FAA]  }
0x29: {  	s4 =	sld [smem:$0x3FAC]  }
0x2a: {  	p0 =	seq.s32 s5, $0x0;
	s5 =	sld [smem:$0x3FAD]  }
0x2b: {  	s6 =	sld [smem:$0x3FAE]  }
0x2c: {  	s7 =	sld [smem:$0x3FAF]  }
0x2d: {  	s3 =	simm.s32 $0x108;
	s8 =	sld [smem:$0x3FB0]  }
0x2e: {  	s3 =	simm.s32 @!p0 $0x1082;
	s9 =	sld [smem:$0x3FB1]  }
0x2f: {  	lr =	sadd.s32 s0, s3;
	s0 =	sld [smem:$0x3FA8]  }
0x30: {  	s3 =	sld [smem:$0x3FAB]  }
0x31: {  	[smem:$0x3FB4] =	sst s10  }
0x32: {  	s10 =	sld [smem:$0x3FB2];
	_ =	sdelay $0x3  }
0x33: {  	p0 =	seq.s32 s10, $0x1;
	s10 =	sld [smem:$0x3FB4];
	_ =	sdelay $0x3  }
0x34: {  	[smem:$0x3FB4] =	sst s10  }
0x35: {  	s10 =	sld [smem:$0x3FB3];
	_ =	sdelay $0x3  }
0x36: {  	p1 =	seq.s32 s10, $0x1;
	s10 =	sld [smem:$0x3FB4];
	_ =	sdelay $0x3  }
0x37: {  	[smem:$0x3FB4] =	sst s10  }
0x38: {  	s10 =	sld [smem:$0x3FB5]  }
0x39: {  	_ = 	snop;
	(pc) =	sbr.ind lr, $3  }
0x3a: {  	_ = 	snop  }
0x3b: {  	_ = 	snop  }
0x3c: {  	p2 =	seq.s32 s10, $0x1;
	s10 =	sld [smem:$0x3FB4]  }
0x3d: {  	_ =	shalt  }
0x3e: {  	_ =	shalt  }
0x3f: {  	_ =	shalt  }
0x40: {  	_ =	shalt  }
0x41: {  	_ =	shalt  }
0x42: {  	_ =	shalt  }
0x43: {  	_ =	shalt  }
0x44: {  	_ =	shalt  }
0x45: {  	_ =	shalt  }
0x46: {  	_ =	shalt  }
0x47: {  	_ =	shalt  }
0x48: {  	_ =	shalt  }
0x49: {  	_ =	shalt  }
0x4a: {  	_ =	shalt  }
0x4b: {  	_ =	shalt  }
0x4c: {  	_ =	shalt  }
0x4d: {  	_ =	shalt  }
0x4e: {  	_ =	shalt  }
0x4f: {  	_ =	shalt  }
0x50: {  	_ =	shalt  }
0x51: {  	_ =	shalt  }
0x52: {  	_ =	shalt  }
0x53: {  	_ =	shalt  }
0x54: {  	_ =	shalt  }
0x55: {  	_ =	shalt  }
0x56: {  	_ =	shalt  }
0x57: {  	_ =	shalt  }
0x58: {  	_ =	shalt  }
0x59: {  	_ =	shalt  }
0x5a: {  	_ =	shalt  }
0x5b: {  	_ =	shalt  }
0x5c: {  	_ =	shalt  }
0x5d: {  	_ =	shalt  }
0x5e: {  	_ =	shalt  }
0x5f: {  	_ =	shalt  }
0x60: {  	_ =	shalt  }
0x61: {  	_ =	shalt  }
0x62: {  	_ =	shalt  }
0x63: {  	_ =	shalt  }
0x64: {  	_ =	shalt  }
0x65: {  	_ =	shalt  }
0x66: {  	_ =	shalt  }
0x67: {  	_ =	shalt  }
0x68: {  	_ =	shalt  }
0x69: {  	_ =	shalt  }
0x6a: {  	_ =	shalt  }
0x6b: {  	_ =	shalt  }
0x6c: {  	_ =	shalt  }
0x6d: {  	_ =	shalt  }
0x6e: {  	_ =	shalt  }
0x6f: {  	_ =	shalt  }
0x70: {  	_ =	shalt  }
0x71: {  	_ =	shalt  }
0x72: {  	_ =	shalt  }
0x73: {  	_ =	shalt  }
0x74: {  	_ =	shalt  }
0x75: {  	_ =	shalt  }
0x76: {  	_ =	shalt  }
0x77: {  	_ =	shalt  }
0x78: {  	_ =	shalt  }
0x79: {  	_ =	shalt  }
0x7a: {  	_ =	shalt  }
0x7b: {  	_ =	shalt  }
0x7c: {  	_ =	shalt  }
0x7d: {  	_ =	shalt  }
0x7e: {  	_ =	shalt  }
0x7f: {  	_ =	shalt  }
0x80: {  	_ =	shalt  }
0x81: {  	_ =	shalt  }
0x82: {  	_ =	shalt  }
0x83: {  	_ =	shalt  }
0x84: {  	_ =	shalt  }
0x85: {  	_ =	shalt  }
0x86: {  	_ =	shalt  }
0x87: {  	_ =	shalt  }
.Lfunc_end0:
.L_simem_size_0:
called_computation.3_lowered:
.L_overlay_start_0:
0x88: {  	s2 =	sld [smem:$0x3FD9]  }
0x89: {  	s3 =	sld [smem:$0x3FFE];
	_ =	sdelay $0x1  }
0x8a: {  	s1 =	srdreg.scid  }
0x8b: {  	s0 =	sand.u32 $0x1, s1  }
0x8c: {  	s17 =	sshll.u32 s0, $0xA;
	s2 =	sadd.s32 s3, s2  }
0x8d: {  	s2 =	sadd.s32 s2, s17  }
0x8e: {  	[smem:$0x3FC0] =	sst s2  }
0x8f: {  	_ = 	snop  }
0x90: {  	s2 =	sld [smem:$0x3FD0];
	(tm) =	ssettm $0x1  }
0x91: {  	s18 =	sld [smem:$0x3FFB];
	_ =	sdelay $0x3  }
0x92: {  	_ =	strace s18  }
0x93: {  	s3 =	sld [smem:$0x3FFC];
	_ =	sdelay $0x3  }
0x94: {  	_ =	strace s3  }
0x95: {  	s3 =	sld [smem:$0x3FFD];
	_ =	sdelay $0x3  }
0x96: {  	_ =	strace s3  }
0x97: {  	_ =	strace $0x8FFFFFFF  }
0x98: {  	s19 =	sld [smem:$0x3FDB];
	_ =	sdelay $0x1  }
0x99: {  	s4 =	simm.s32 $_scs_section_size  }
0x9a: {  	s5 =	simm.s32 $_size__tile_overlayer_lowered;
	s6 =	simm.s32 $_tile_overlayer_lowered  }
0x9b: {  	s22 =	simm.s32 $0x1BFF;
	s21 =	sshll.u32 s6, $0x1;
	s3 =	sadd.s32 s4, s19  }
0x9c: {  	s7 =	simm.s32 $0x0;
	s20 =	sshll.u32 s5, $0x1;
	s5 =	sadd.s32 s21, s3  }
0x9d: {  	[timem:s7], [sflag:s22] =	dma.local [hbm:s5], s20  }
0x9e: {  	_ =	swait.ge [sflag:s22], s20  }
0x9f: {  	s4 =	ssub.s32 $0x0, s20;
	[sflag:s22] =	ssyncset.done $0x0  }
0xa0: {  	[sflag:s22] =	ssyncadd.s32 s4;
	_ =	sdelay $0x1  }
0xa1: {  	s23 =	simm.s32 $0x1B8B  }
0xa2: {  	_ =	swait.ge [sflag:s23], $0x1  }
0xa3: {  	[sflag:s23] =	ssyncset.done $0x0  }
0xa4: {  	s25 =	simm.s32 $0x1B8E;
	s24 =	sld [smem:$0x3FFE];
	[sflag:s23] =	ssyncadd.s32 $0xFFFFFFFF  }
0xa5: {  	s26 =	simm.s32 $execute0_lowered;
	[smem:$0x3FD2] =	sst s25  }
0xa6: {  	s5 =	sshll.u32 s26, $0x1;
	_ =	strace $0x8000004F;
	[dreg:$0x1] =	wrdreg $0xFFFFFFFF  }
0xa7: {  	s28 =	simm.s32 $_size_execute0_lowered;
	s3 =	sadd.s32 s3, s5;
	[dreg:$0x0] =	wrdreg $0x0  }
0xa8: {  	s5 =	sshll.u32 s28, $0x1;
	[dreg:$0x2] =	wrdreg s3  }
0xa9: {  	[dreg:$0x3] =	wrdreg s5  }
0xaa: {  	[dreg:$0x4] =	wrdreg $0xC0  }
0xab: {  	_ =	task [dreg:s7], $0x5FFFF  }
0xac: {  	[dreg:$0x1] =	wrdreg $0xFFFFFFFF  }
0xad: {  	[dreg:$0x0] =	wrdreg $0x60  }
0xae: {  	[dreg:$0x2] =	wrdreg s24  }
0xaf: {  	[dreg:$0x3] =	wrdreg s2  }
0xb0: {  	[dreg:$0x4] =	wrdreg $0xBA000  }
0xb1: {  	[dreg:$0x5] =	wrdreg $0x9  }
0xb2: {  	_ =	task.clear_ibuf [dreg:s7], $0x6FFFF;
	_ =	strace $0x9000004F  }
0xb3: {  	s29 =	simm.s32 $0x9;
	_ =	strace $0x80000051  }
0xb4: {  	_ =	swait.ge [sflag:s29], $0x1  }
0xb5: {  	[sflag:s29] =	ssyncadd.s32 $0xFFFFFFFF  }
0xb6: {  	_ =	strace $0x90000051  }
0xb7: {  	_ =	sfence  }
0xb8: {  	s30 =	sld [smem:$0x0];
	_ =	sdelay $0x2  }
0xb9: {  	s31 =	sshll.u32 s1, $0xD;
	s1 =	sshrl.u32 s1, $0x2  }
0xba: {  	s3 =	sand.u32 $0x4000, s31;
	s1 =	sadd.s32 s1, s30  }
0xbb: {  	s0 =	sor.u32 s3, s0;
	s1 =	sshll.u32 s1, $0x11  }
0xbc: {  	s0 =	sor.u32 s1, s0  }
0xbd: {  	s0 =	sadd.s32 $0x8F2B, s0  }
0xbe: {  	[sflag:s0] =	ssyncadd.remote.s32 $0x1  }
0xbf: {  	_ =	sfence.sel $0xFFFF  }
0xc0: {  	[dreg:$0x0] =	wrdreg $0xFFFFFFFF;
	(pc) =	sbr.abs _section_cstart, $3  }
0xc1: {  	[dreg:$0x1] =	wrdreg $0xFFFFFFFF  }
0xc2: {  	_ =	task.clear_ibuf [dreg:s7], $0x2FFFF;
	_ =	strace $0x9FFFFFFF  }
0xc3: {  	(tm) =	ssettm $0x7FFFFFFF  }
tec
execute0_lowered:
.L_overlay_start_1:
0x0: {  	(tag) =	ssettag $0x1  }
0x1: {  	s0 =	rddreg [dreg:$0x0];
	s11 =	stileid.u32  }
0x2: {  	s2 =	rddreg [dreg:$0x2];
	s6 =	smul.u32 $0x13C00, s11  }
0x3: {  	s1 =	srdreg.scid;
	s8 =	smul.u32 $0x4F000, s11  }
0x4: {  	s4 =	simm.s32 $0x0;
	s28 =	simm.s32 $0xB;
	s14 =	smul.u32 $0x9100, s11  }
0x5: {  	s29 =	simm.s32 $0x48;
	s31 =	simm.s32 $0xC;
	s15 =	smul.u32 $0x1220, s11  }
0x6: {  	s1 =	sand.u32 $0x1, s1;
	[smem:$0x7FF] =	sst s4;
	s17 =	smul.u32 $0x8500, s11  }
0x7: {  	s5 =	sadd.s32 $0x39C00, s0;
	s9 =	sadd.s32 $0x17000, s0;
	s18 =	smul.u32 $0x10A0, s11  }
0x8: {  	s3 =	smul.u32 $0x13C000, s1;
	_ =	strace $0x80000050;
	s26 =	ssub.s32 $0x2, s1  }
0x9: {  	p0 =	seq.s32 s1, $0x1;
	s12 =	sshrl.u32 s8, $0x2;
	s16 =	sshrl.u32 s14, $0x3  }
0xa: {  	s10 =	sadd.s32 s12, s2;
	s12 =	sadd.s32 s9, s15;
	s1 =	sadd.s32 s9, s16  }
0xb: {  	s7 =	sshrl.u32 s26, $0x1;
	s19 =	sadd.s32 $0x20, s1;
	[dreg:$0x4] =	wrdreg s12  }
0xc: {  	s8 =	sshrl.u32 s17, $0x3;
	s20 =	sadd.s32 $0x40, s1;
	[dreg:$0x5] =	wrdreg s19  }
0xd: {  	s30 =	ssub.s32 s26, s7;
	s21 =	sadd.s32 $0x60, s1;
	[dreg:$0x6] =	wrdreg s20  }
0xe: {  	s7 =	sadd.s32 s9, s18;
	s1 =	sadd.s32 $0x80, s1;
	[dreg:$0x7] =	wrdreg s21  }
0xf: {  	s8 =	sadd.s32 s9, s8;
	s22 =	sadd.s32 $0x12200, s7;
	[dreg:$0x8] =	wrdreg s1  }
0x10: {  	s13 =	sshll.u32 s11, $0x6;
	s23 =	sadd.s32 $0x12220, s8;
	[dreg:$0x9] =	wrdreg s22  }
0x11: {  	s3 =	sadd.s32 s6, s3;
	s24 =	sadd.s32 $0x12240, s8;
	[dreg:$0xa] =	wrdreg s23  }
0x12: {  	s6 =	sor.u32 $0x1C11, s13;
	s25 =	sadd.s32 $0x12260, s8;
	[dreg:$0xb] =	wrdreg s24  }
0x13: {  	s3 =	sshrl.u32 s3, $0x3;
	s26 =	sadd.s32 $0x12280, s8;
	[dreg:$0xc] =	wrdreg s25  }
.Ltmp0:
0x14: {  	s30 =	smax.u32 s30, $0x1;
	[dreg:$0xd] =	wrdreg s26;
	(pc) =	sbr.rel .LBB2_1-.Ltmp0, $4  }
0x15: {  	s8 =	simm.s32 $0xE;
	s0 =	sadd.s32 s3, s0;
	[dreg:$0xf] =	wrdreg s30  }
0x16: {  	s23 =	sadd.s32 $0xA0, s12;
	s20 =	sadd.s32 $0x122A0, s7;
	s21 =	sshrl.u32 s10, $0x3  }
0x17: {  	s22 =	simm.s32 $0x11;
	s26 =	simm.s32 $0x400;
	s0 =	sadd.s32 $0x61400, s0  }
0x18: {  	s3 =	simm.s32 $0xD;
	s10 =	simm.s32 $0xF;
	[dreg:$0xe] =	wrdreg s0  }
.LBB2_4:
0x19: {  	s0 =	sshrl.u32 @!p1 s0, $0xA  }
0x1a: {  	_ =	swait.ge [sflag:s30], $0x2400;
	s0 =	smul.u32 @!p1 $0x5, s0  }
0x1b: {  	s9 =	ssub.s32 @!p4 s9, s17;
	[sflag:s30] =	ssyncset.done $0x0  }
0x1c: {  	s11 =	sadd.s32 $0x600, s11;
	[sflag:s30] =	ssyncadd.s32 $0xFFFFDC00;
	s0 =	ssub.s32 @!p1 s13, s0  }
0x1d: {  	[spmem:s2] =	stream.indirect.scatter.add.f32 [tilespmem:s11], [sflag:s7], $0x80, s24, s29, $0xb8;
	[tilespmem:$0x1F600] =	vst v63  }
0x1e: {  	s7 =	sand.u32 @!p4 $0xFF, s9;
	s0 =	sand.u32 @!p1 $0xFF, s0  }
0x1f: {  	s9 =	sshll.u32 @!p4 s7, $0x8;
	s7 =	sadd.s32 @!p4 $0xB, s7;
	s11 =	smul.u32 @!p1 $0x9000, s0  }
0x20: {  	[tilespmem:s9], [sflag:s7] =	stream.linear.gather @!p4 [hbm4b:s14+s1], $0x100, $0x38;
	[tilespmem:$0x1F600] =	vst v63  }
0x21: {  	_ =	swait.ge @!p1 [sflag:s15], $0x100  }
0x22: {  	s1 =	simm.s32 @!p1 $0x48;
	s7 =	sshrl.u32 @!p1 s11, $0x2;
	[sflag:s15] =	ssyncset.done @!p1 $0x0  }
0x23: {  	s0 =	sadd.s32 @!p1 $0x1, s0;
	s7 =	sadd.s32 @!p1 $0x600, s7;
	[sflag:s15] =	ssyncadd.s32 @!p1 $0xFFFFFF00  }
0x24: {  	[tilespmem:s7], [sflag:s0] =	stream.indirect.gather @!p1 [hbm4b:s5+s1], $0x80, s16, s1, $0xb8;
	[tilespmem:$0x1F600] =	vst v63  }
0x25: {  	s0 =	simm.s32 $0xA  }
.LBB2_8:
0x26: {  	_ =	swait.ge [sflag:s0], $0x2400  }
0x27: {  	[sflag:s0] =	ssyncset.done $0x0  }
0x28: {  	[sflag:s0] =	ssyncadd.s32 $0xFFFFDC00  }
0x29: {  	[bflag:$0x0] =	sbarrier.arrive $0xFFFF  }
0x2a: {  	s25 =	rddreg [dreg:$0xe]  }
0x2b: {  	[hbm:s25], [sflag:s6] =	dma.local [spmem:s21], $0x2780  }
0x2c: {  	_ =	swait.ge [sflag:s22], $0x2780  }
0x2d: {  	s4 =	sadd.s32 $0x1, s4;
	s30 =	rddreg [dreg:$0xf]  }
0x2e: {  	p1 =	sne.s32 s4, s30  }
.Ltmp1:
0x2f: {  	_ = 	snop;
	(pc) =	sbr.rel @!p1 .LBB2_9-.Ltmp1, $3  }
0x30: {  	_ =	sdelay $0x1  }
0x31: {  	[sflag:s22] =	ssyncset.done $0x0  }
0x32: {  	[sflag:s22] =	ssyncadd.s32 $0xFFFFD880  }
.LBB2_1:
0x33: {  	s0 =	rddreg [dreg:$0x1]  }
0x34: {  	[spmem:s21], [sflag:s6] =	dma.local [hbm:s0], $0x2780  }
.Ltmp2:
0x35: {  	_ =	swait.ge [sflag:s22], $0x2780;
	(pc) =	sbr.rel @!p0 .LBB2_2-.Ltmp2, $4  }
0x36: {  	[sflag:s22] =	ssyncset.done $0x0  }
0x37: {  	[sflag:s22] =	ssyncadd.s32 $0xFFFFD880  }
0x38: {  	[bflag:$0x0] =	sbarrier.arrive $0xFFFF  }
0x39: {  	s0 =	simm.s32 $0x0  }
0x3a: {  	s1 =	rddreg [dreg:$0x9]  }
0x3b: {  	s19 =	rddreg [dreg:$0xa]  }
0x3c: {  	[tilespmem:s0], [sflag:$0xB] =	stream.linear.gather [hbm4b:s1+s0], $0x100, $0x38;
	[tilespmem:$0x1F600] =	vst v63  }
0x3d: {  	s7 =	simm.s32 $0x100;
	s24 =	rddreg [dreg:$0xb]  }
0x3e: {  	[tilespmem:s7], [sflag:$0xC] =	stream.linear.gather [hbm4b:s19+s0], $0x100, $0x38;
	[tilespmem:$0x1F600] =	vst v63  }
0x3f: {  	s9 =	simm.s32 $0x200;
	s25 =	rddreg [dreg:$0xc];
	p3 =	por $0x1, $0x1  }
0x40: {  	[tilespmem:s9], [sflag:$0xD] =	stream.linear.gather [hbm4b:s24+s0], $0x100, $0x38;
	[tilespmem:$0x1F600] =	vst v63  }
0x41: {  	s11 =	simm.s32 $0x300;
	s12 =	rddreg [dreg:$0xd];
	s1 =	simm.s32 @!p3 $0x4  }
0x42: {  	[tilespmem:s11], [sflag:$0xE] =	stream.linear.gather [hbm4b:s25+s0], $0x100, $0x38;
	[tilespmem:$0x1F600] =	vst v63  }
0x43: {  	s13 =	simm.s32 $0x600;
	s14 =	simm.s32 $0x2A00;
	s1 =	sand.u32 @!p3 $0xFF, s1  }
0x44: {  	[tilespmem:s26], [sflag:$0xF] =	stream.linear.gather [hbm4b:s12+s0], $0x100, $0x38;
	[tilespmem:$0x1F600] =	vst v63  }
0x45: {  	s15 =	simm.s32 $0x4E00;
	s1 =	smul.u32 @!p3 $0xCD, s1;
	_ =	swait.ge [sflag:s28], $0x100  }
0x46: {  	s16 =	simm.s32 $0x7200;
	s17 =	smul.u32 $0xCD, s0;
	[sflag:s28] =	ssyncset.done $0x0  }
0x47: {  	s18 =	simm.s32 $0x9600;
	s1 =	sshrl.u32 @!p3 s1, $0xA;
	[sflag:s28] =	ssyncadd.s32 $0xFFFFFF00  }
0x48: {  	[tilespmem:s13], [sflag:$0x1] =	stream.indirect.gather [hbm4b:s5+s29], $0x80, s0, s29, $0xb8;
	[tilespmem:$0x1F600] =	vst v63  }
0x49: {  	p2 =	por $0x0, $0x0;
	s1 =	smul.u32 @!p3 $0x5, s1;
	_ =	swait.ge [sflag:s31], $0x100  }
0x4a: {  	p1 =	por $0x1, $0x1;
	p4 =	por p2, p2;
	[sflag:s31] =	ssyncset.done $0x0  }
0x4b: {  	s19 =	smul.u32 $0xAB, s0;
	s1 =	ssub.s32 @!p3 $0x4, s1;
	[sflag:s31] =	ssyncadd.s32 $0xFFFFFF00  }
0x4c: {  	[tilespmem:s14], [sflag:$0x2] =	stream.indirect.gather [hbm4b:s5+s29], $0x80, s7, s29, $0xb8;
	[tilespmem:$0x1F600] =	vst v63  }
0x4d: {  	s12 =	simm.s32 $0x1;
	s0 =	sshrl.u32 s19, $0xA;
	_ =	swait.ge [sflag:s3], $0x100  }
0x4e: {  	s1 =	sand.u32 @!p3 $0xFF, s1;
	s0 =	sand.u32 $0x3F, s0;
	[sflag:s3] =	ssyncset.done $0x0  }
0x4f: {  	s1 =	sadd.s32 @!p3 $0x6, s1;
	s0 =	smul.u32 $0x6, s0;
	[sflag:s3] =	ssyncadd.s32 $0xFFFFFF00  }
0x50: {  	[tilespmem:s15], [sflag:$0x3] =	stream.indirect.gather [hbm4b:s5+s29], $0x80, s9, s29, $0xb8;
	[tilespmem:$0x1F600] =	vst v63  }
0x51: {  	s13 =	simm.s32 @!p1 $0x4;
	s7 =	sshrl.u32 s17, $0xA;
	_ =	swait.ge [sflag:s8], $0x100  }
0x52: {  	s0 =	ssub.s32 $0x0, s0;
	s7 =	sand.u32 $0x3F, s7;
	[sflag:s8] =	ssyncset.done $0x0  }
0x53: {  	s0 =	sand.u32 $0xFF, s0;
	s7 =	smul.u32 $0x5, s7;
	[sflag:s8] =	ssyncadd.s32 $0xFFFFFF00  }
0x54: {  	[tilespmem:s16], [sflag:$0x4] =	stream.indirect.gather [hbm4b:s5+s29], $0x80, s11, s29, $0xb8;
	[tilespmem:$0x1F600] =	vst v63  }
0x55: {  	s14 =	sand.u32 @!p1 $0xFF, s13;
	s25 =	sshll.u32 s0, $0x8;
	_ =	swait.ge [sflag:s10], $0x100  }
0x56: {  	s0 =	smul.u32 @!p1 $0xCD, s14;
	s7 =	ssub.s32 $0x0, s7;
	[sflag:s10] =	ssyncset.done $0x0  }
0x57: {  	s9 =	smul.u32 @!p1 $0xAB, s14;
	s7 =	sand.u32 $0xFF, s7;
	[sflag:s10] =	ssyncadd.s32 $0xFFFFFF00  }
0x58: {  	[tilespmem:s18], [sflag:$0x5] =	stream.indirect.gather [hbm4b:s5+s29], $0x80, s26, s29, $0xb8;
	[tilespmem:$0x1F600] =	vst v63  }
0x59: {  	s24 =	smul.u32 $0x9000, s7;
	s9 =	sshrl.u32 @!p1 s9, $0xA;
	_ =	swait.ge @!p3 [sflag:s1], $0x2400  }
0x5a: {  	s19 =	smov.u32 s20;
	s15 =	smul.u32 @!p1 $0x6, s9;
	[sflag:s1] =	ssyncset.done @!p3 $0x0  }
0x5b: {  	s9 =	simm.s32 @!p2 $0x5;
	[sflag:s1] =	ssyncadd.s32 @!p3 $0xFFFFDC00;
	p3 =	por $0x1, $0x1  }
.Ltmp3:
0x5c: {  	s14 =	smov.u32 s20;
	s16 =	sand.u32 @!p2 $0xFF, s9;
	(pc) =	sbr.rel @!p3 .LBB2_7-.Ltmp3, $4  }
0x5d: {  	s30 =	sadd.s32 $0x1, s7;
	s15 =	ssub.s32 @!p1 $0x4, s15;
	s18 =	smul.u32 @!p2 $0xAB, s16  }
0x5e: {  	s7 =	sadd.s32 $0x6, s7;
	s11 =	sshrl.u32 s24, $0x2;
	s17 =	sand.u32 @!p1 $0xFF, s15  }
0x5f: {  	s24 =	sor.u32 $0x80, s25;
	s15 =	sadd.s32 @!p1 $0xB, s17;
	s18 =	sshrl.u32 @!p2 s18, $0xA  }
0x60: {  	s16 =	sshll.u32 @!p1 s17, $0x8;
	s1 =	simm.s32 @!p2 $0x0;
	s17 =	smul.u32 @!p2 $0x6, s18  }
.LBB2_6:
0x61: {  	s18 =	sshrl.u32 @!p1 s0, $0xA  }
0x62: {  	s25 =	simm.s32 @!p1 $0x48;
	s19 =	sadd.s32 $0x20, s19;
	s0 =	smov.u32 s12  }
0x63: {  	_ =	swait.ge [sflag:s30], $0x2400;
	s9 =	ssub.s32 @!p4 s9, s17;
	s17 =	smul.u32 @!p1 $0x5, s18  }
0x64: {  	s11 =	sadd.s32 $0x600, s11;
	[sflag:s30] =	ssyncset.done $0x0;
	s9 =	sand.u32 @!p4 $0xFF, s9  }
0x65: {  	[sflag:s30] =	ssyncadd.s32 $0xFFFFDC00;
	s18 =	sshll.u32 @!p4 s9, $0x8;
	s13 =	ssub.s32 @!p1 s13, s17  }
0x66: {  	[spmem:s2] =	stream.indirect.scatter.add.f32 [tilespmem:s11], [sflag:s7], $0x80, s24, s29, $0xb8;
	[tilespmem:$0x1F600] =	vst v63  }
0x67: {  	p3 =	seq.s32 s12, $0x0;
	s7 =	sadd.s32 @!p4 $0xB, s9;
	s9 =	sand.u32 @!p1 $0xFF, s13  }
0x68: {  	p2 =	sgt.u32 s12, $0x7F;
	s11 =	sadd.s32 @!p3 $0x4, s12;
	s13 =	smul.u32 @!p1 $0x9000, s9  }
0x69: {  	[tilespmem:s18], [sflag:s7] =	stream.linear.gather @!p4 [hbm4b:s14+s1], $0x100, $0x38;
	[tilespmem:$0x1F600] =	vst v63  }
0x6a: {  	s1 =	sand.u32 @!p3 $0xFF, s11;
	s7 =	sshrl.u32 @!p1 s13, $0x2;
	_ =	swait.ge @!p1 [sflag:s15], $0x100  }
0x6b: {  	s1 =	smul.u32 @!p3 $0xCD, s1;
	s7 =	sadd.s32 @!p1 $0x600, s7;
	[sflag:s15] =	ssyncset.done @!p1 $0x0  }
0x6c: {  	s9 =	sadd.s32 @!p1 $0x1, s9;
	s13 =	smul.u32 $0xCD, s12;
	[sflag:s15] =	ssyncadd.s32 @!p1 $0xFFFFFF00  }
0x6d: {  	[tilespmem:s7], [sflag:s9] =	stream.indirect.gather @!p1 [hbm4b:s5+s25], $0x80, s16, s25, $0xb8;
	[tilespmem:$0x1F600] =	vst v63  }
0x6e: {  	s1 =	sshrl.u32 @!p3 s1, $0xA;
	s7 =	sshrl.u32 s13, $0xA;
	s9 =	sadd.s32 $0xFFFFFFFF, s12  }
0x6f: {  	s1 =	smul.u32 @!p3 $0x5, s1;
	s7 =	sand.u32 $0x3F, s7;
	p1 =	sgt.u32 s9, $0x7F  }
0x70: {  	s12 =	sadd.s32 $0x2, s9;
	s7 =	smul.u32 $0x5, s7;
	s13 =	sadd.s32 @!p1 $0x4, s0  }
0x71: {  	s9 =	smul.u32 $0xAB, s0;
	s1 =	ssub.s32 @!p3 s11, s1;
	s17 =	sand.u32 @!p1 $0xFF, s13  }
0x72: {  	s1 =	sand.u32 @!p3 $0xFF, s1;
	s7 =	ssub.s32 s0, s7;
	s11 =	smul.u32 @!p1 $0xAB, s17  }
0x73: {  	s14 =	sshrl.u32 s9, $0xA;
	s1 =	sadd.s32 @!p3 $0x6, s1;
	s7 =	sand.u32 $0xFF, s7  }
0x74: {  	s9 =	sadd.s32 @!p2 $0x5, s0;
	s30 =	sadd.s32 $0x1, s7;
	_ =	swait.ge @!p3 [sflag:s1], $0x2400  }
0x75: {  	s15 =	smul.u32 $0x9000, s7;
	s11 =	sshrl.u32 @!p1 s11, $0xA;
	[sflag:s1] =	ssyncset.done @!p3 $0x0  }
0x76: {  	s14 =	sand.u32 $0x3F, s14;
	s16 =	smul.u32 @!p1 $0x6, s11;
	[sflag:s1] =	ssyncadd.s32 @!p3 $0xFFFFDC00  }
0x77: {  	s14 =	smul.u32 $0x6, s14;
	s11 =	sshrl.u32 s15, $0x2;
	p3 =	sne.s32 s12, $0x85  }
0x78: {  	s15 =	sand.u32 @!p2 $0xFF, s9;
	s1 =	simm.s32 @!p2 $0x0;
	s16 =	ssub.s32 @!p1 s13, s16  }
.Ltmp4:
0x79: {  	s7 =	sadd.s32 $0x6, s7;
	s16 =	sand.u32 @!p1 $0xFF, s16;
	(pc) =	sbr.rel @p3 .LBB2_6-.Ltmp4, $4  }
0x7a: {  	s0 =	ssub.s32 s0, s14;
	s18 =	smul.u32 @!p2 $0xAB, s15;
	s15 =	sadd.s32 @!p1 $0xB, s16  }
0x7b: {  	s14 =	smov.u32 s19;
	s0 =	sand.u32 $0xFF, s0;
	s16 =	sshll.u32 @!p1 s16, $0x8  }
0x7c: {  	s24 =	sshll.u32 s0, $0x8;
	s0 =	smul.u32 @!p1 $0xCD, s17;
	s18 =	sshrl.u32 @!p2 s18, $0xA  }
0x7d: {  	p4 =	por p2, p2;
	s24 =	sor.u32 $0x80, s24;
	s17 =	smul.u32 @!p2 $0x6, s18  }
.LBB2_7:
0x7e: {  	s0 =	sshrl.u32 @!p1 s0, $0xA  }
0x7f: {  	_ =	swait.ge [sflag:s30], $0x2400;
	s0 =	smul.u32 @!p1 $0x5, s0  }
0x80: {  	s11 =	sadd.s32 $0x600, s11;
	[sflag:s30] =	ssyncset.done $0x0  }
0x81: {  	s9 =	ssub.s32 @!p4 s9, s17;
	[sflag:s30] =	ssyncadd.s32 $0xFFFFDC00;
	s0 =	ssub.s32 @!p1 s13, s0  }
0x82: {  	[spmem:s2] =	stream.indirect.scatter.add.f32 [tilespmem:s11], [sflag:s7], $0x80, s24, s29, $0xb8;
	[tilespmem:$0x1F600] =	vst v63  }
0x83: {  	s7 =	sand.u32 @!p4 $0xFF, s9;
	s0 =	sand.u32 @!p1 $0xFF, s0  }
0x84: {  	s9 =	sshll.u32 @!p4 s7, $0x8;
	s7 =	sadd.s32 @!p4 $0xB, s7;
	s11 =	smul.u32 @!p1 $0x9000, s0  }
0x85: {  	[tilespmem:s9], [sflag:s7] =	stream.linear.gather @!p4 [hbm4b:s14+s1], $0x100, $0x38;
	[tilespmem:$0x1F600] =	vst v63  }
.Ltmp5:
0x86: {  	_ =	swait.ge @!p1 [sflag:s15], $0x100;
	(pc) =	sbr.rel .LBB2_8-.Ltmp5, $4  }
0x87: {  	s1 =	simm.s32 @!p1 $0x48;
	s7 =	sshrl.u32 @!p1 s11, $0x2;
	[sflag:s15] =	ssyncset.done @!p1 $0x0  }
0x88: {  	s0 =	sadd.s32 @!p1 $0x1, s0;
	s7 =	sadd.s32 @!p1 $0x600, s7;
	[sflag:s15] =	ssyncadd.s32 @!p1 $0xFFFFFF00  }
0x89: {  	[tilespmem:s7], [sflag:s0] =	stream.indirect.gather @!p1 [hbm4b:s5+s1], $0x80, s16, s1, $0xb8;
	[tilespmem:$0x1F600] =	vst v63  }
0x8a: {  	s0 =	simm.s32 $0x8  }
.LBB2_2:
0x8b: {  	s1 =	rddreg [dreg:$0x4]  }
0x8c: {  	s19 =	rddreg [dreg:$0x5]  }
0x8d: {  	[tilespmem:s0], [sflag:$0xB] =	stream.linear.gather [hbm4b:s1+s0], $0x100, $0x38;
	[tilespmem:$0x1F600] =	vst v63  }
0x8e: {  	s7 =	simm.s32 $0x100;
	s24 =	rddreg [dreg:$0x6]  }
0x8f: {  	[tilespmem:s7], [sflag:$0xC] =	stream.linear.gather [hbm4b:s19+s0], $0x100, $0x38;
	[tilespmem:$0x1F600] =	vst v63  }
0x90: {  	s9 =	simm.s32 $0x200;
	s25 =	rddreg [dreg:$0x7];
	p3 =	por $0x1, $0x1  }
0x91: {  	[tilespmem:s9], [sflag:$0xD] =	stream.linear.gather [hbm4b:s24+s0], $0x100, $0x38;
	[tilespmem:$0x1F600] =	vst v63  }
0x92: {  	s11 =	simm.s32 $0x300;
	s12 =	rddreg [dreg:$0x8];
	s1 =	simm.s32 @!p3 $0x4  }
0x93: {  	[tilespmem:s11], [sflag:$0xE] =	stream.linear.gather [hbm4b:s25+s0], $0x100, $0x38;
	[tilespmem:$0x1F600] =	vst v63  }
0x94: {  	s13 =	simm.s32 $0x600;
	s14 =	simm.s32 $0x2A00;
	s1 =	sand.u32 @!p3 $0xFF, s1  }
0x95: {  	[tilespmem:s26], [sflag:$0xF] =	stream.linear.gather [hbm4b:s12+s0], $0x100, $0x38;
	[tilespmem:$0x1F600] =	vst v63  }
0x96: {  	s15 =	simm.s32 $0x4E00;
	s1 =	smul.u32 @!p3 $0xCD, s1;
	_ =	swait.ge [sflag:s28], $0x100  }
0x97: {  	s16 =	simm.s32 $0x7200;
	s17 =	smul.u32 $0xCD, s0;
	[sflag:s28] =	ssyncset.done $0x0  }
0x98: {  	s18 =	simm.s32 $0x9600;
	s1 =	sshrl.u32 @!p3 s1, $0xA;
	[sflag:s28] =	ssyncadd.s32 $0xFFFFFF00  }
0x99: {  	[tilespmem:s13], [sflag:$0x1] =	stream.indirect.gather [hbm4b:s5+s29], $0x80, s0, s29, $0xb8;
	[tilespmem:$0x1F600] =	vst v63  }
0x9a: {  	p2 =	por $0x0, $0x0;
	s1 =	smul.u32 @!p3 $0x5, s1;
	_ =	swait.ge [sflag:s31], $0x100  }
0x9b: {  	p1 =	por $0x1, $0x1;
	p4 =	por p2, p2;
	[sflag:s31] =	ssyncset.done $0x0  }
0x9c: {  	s19 =	smul.u32 $0xAB, s0;
	s1 =	ssub.s32 @!p3 $0x4, s1;
	[sflag:s31] =	ssyncadd.s32 $0xFFFFFF00  }
0x9d: {  	[tilespmem:s14], [sflag:$0x2] =	stream.indirect.gather [hbm4b:s5+s29], $0x80, s7, s29, $0xb8;
	[tilespmem:$0x1F600] =	vst v63  }
0x9e: {  	s12 =	simm.s32 $0x1;
	s0 =	sshrl.u32 s19, $0xA;
	_ =	swait.ge [sflag:s3], $0x100  }
0x9f: {  	s1 =	sand.u32 @!p3 $0xFF, s1;
	s0 =	sand.u32 $0x3F, s0;
	[sflag:s3] =	ssyncset.done $0x0  }
0xa0: {  	s1 =	sadd.s32 @!p3 $0x6, s1;
	s0 =	smul.u32 $0x6, s0;
	[sflag:s3] =	ssyncadd.s32 $0xFFFFFF00  }
0xa1: {  	[tilespmem:s15], [sflag:$0x3] =	stream.indirect.gather [hbm4b:s5+s29], $0x80, s9, s29, $0xb8;
	[tilespmem:$0x1F600] =	vst v63  }
0xa2: {  	s13 =	simm.s32 @!p1 $0x4;
	s7 =	sshrl.u32 s17, $0xA;
	_ =	swait.ge [sflag:s8], $0x100  }
0xa3: {  	s0 =	ssub.s32 $0x0, s0;
	s7 =	sand.u32 $0x3F, s7;
	[sflag:s8] =	ssyncset.done $0x0  }
0xa4: {  	s0 =	sand.u32 $0xFF, s0;
	s7 =	smul.u32 $0x5, s7;
	[sflag:s8] =	ssyncadd.s32 $0xFFFFFF00  }
0xa5: {  	[tilespmem:s16], [sflag:$0x4] =	stream.indirect.gather [hbm4b:s5+s29], $0x80, s11, s29, $0xb8;
	[tilespmem:$0x1F600] =	vst v63  }
0xa6: {  	s14 =	sand.u32 @!p1 $0xFF, s13;
	s25 =	sshll.u32 s0, $0x8;
	_ =	swait.ge [sflag:s10], $0x100  }
0xa7: {  	s0 =	smul.u32 @!p1 $0xCD, s14;
	s7 =	ssub.s32 $0x0, s7;
	[sflag:s10] =	ssyncset.done $0x0  }
0xa8: {  	s9 =	smul.u32 @!p1 $0xAB, s14;
	s7 =	sand.u32 $0xFF, s7;
	[sflag:s10] =	ssyncadd.s32 $0xFFFFFF00  }
0xa9: {  	[tilespmem:s18], [sflag:$0x5] =	stream.indirect.gather [hbm4b:s5+s29], $0x80, s26, s29, $0xb8;
	[tilespmem:$0x1F600] =	vst v63  }
0xaa: {  	s24 =	smul.u32 $0x9000, s7;
	s9 =	sshrl.u32 @!p1 s9, $0xA;
	_ =	swait.ge @!p3 [sflag:s1], $0x2400  }
0xab: {  	s14 =	smov.u32 s23;
	s15 =	smul.u32 @!p1 $0x6, s9;
	[sflag:s1] =	ssyncset.done @!p3 $0x0  }
0xac: {  	s9 =	simm.s32 @!p2 $0x5;
	[sflag:s1] =	ssyncadd.s32 @!p3 $0xFFFFDC00;
	p3 =	por $0x0, $0x0  }
.Ltmp6:
0xad: {  	s30 =	sadd.s32 $0x1, s7;
	s16 =	sand.u32 @!p2 $0xFF, s9;
	(pc) =	sbr.rel @p3 .LBB2_4-.Ltmp6, $4  }
0xae: {  	s7 =	sadd.s32 $0x6, s7;
	s15 =	ssub.s32 @!p1 $0x4, s15;
	s19 =	smul.u32 @!p2 $0xAB, s16  }
0xaf: {  	s11 =	sshrl.u32 s24, $0x2;
	s24 =	sor.u32 $0x80, s25;
	s17 =	sand.u32 @!p1 $0xFF, s15  }
0xb0: {  	s15 =	sadd.s32 @!p1 $0xB, s17;
	s16 =	sshll.u32 @!p1 s17, $0x8;
	s19 =	sshrl.u32 @!p2 s19, $0xA  }
0xb1: {  	s17 =	smul.u32 @!p2 $0x6, s19;
	s19 =	smov.u32 s23;
	s1 =	simm.s32 @!p2 $0x0  }
.LBB2_3:
0xb2: {  	s25 =	sshrl.u32 @!p1 s0, $0xA  }
0xb3: {  	s18 =	simm.s32 @!p1 $0x48;
	s19 =	sadd.s32 $0x20, s19;
	s0 =	smov.u32 s12  }
0xb4: {  	s9 =	ssub.s32 @!p4 s9, s17;
	_ =	swait.ge [sflag:s30], $0x2400;
	s17 =	smul.u32 @!p1 $0x5, s25  }
0xb5: {  	s11 =	sadd.s32 $0x600, s11;
	s9 =	sand.u32 @!p4 $0xFF, s9;
	[sflag:s30] =	ssyncset.done $0x0  }
0xb6: {  	s25 =	sshll.u32 @!p4 s9, $0x8;
	[sflag:s30] =	ssyncadd.s32 $0xFFFFDC00;
	s13 =	ssub.s32 @!p1 s13, s17  }
0xb7: {  	[spmem:s2] =	stream.indirect.scatter.add.f32 [tilespmem:s11], [sflag:s7], $0x80, s24, s29, $0xb8;
	[tilespmem:$0x1F600] =	vst v63  }
0xb8: {  	p3 =	seq.s32 s12, $0x0;
	s7 =	sadd.s32 @!p4 $0xB, s9;
	s9 =	sand.u32 @!p1 $0xFF, s13  }
0xb9: {  	p2 =	sgt.u32 s12, $0x8B;
	s11 =	sadd.s32 @!p3 $0x4, s12;
	s13 =	smul.u32 @!p1 $0x9000, s9  }
0xba: {  	[tilespmem:s25], [sflag:s7] =	stream.linear.gather @!p4 [hbm4b:s14+s1], $0x100, $0x38;
	[tilespmem:$0x1F600] =	vst v63  }
0xbb: {  	s1 =	sand.u32 @!p3 $0xFF, s11;
	s7 =	sshrl.u32 @!p1 s13, $0x2;
	_ =	swait.ge @!p1 [sflag:s15], $0x100  }
0xbc: {  	s1 =	smul.u32 @!p3 $0xCD, s1;
	s7 =	sadd.s32 @!p1 $0x600, s7;
	[sflag:s15] =	ssyncset.done @!p1 $0x0  }
0xbd: {  	s9 =	sadd.s32 @!p1 $0x1, s9;
	s13 =	smul.u32 $0xCD, s12;
	[sflag:s15] =	ssyncadd.s32 @!p1 $0xFFFFFF00  }
0xbe: {  	[tilespmem:s7], [sflag:s9] =	stream.indirect.gather @!p1 [hbm4b:s5+s18], $0x80, s16, s18, $0xb8;
	[tilespmem:$0x1F600] =	vst v63  }
0xbf: {  	s1 =	sshrl.u32 @!p3 s1, $0xA;
	s7 =	sshrl.u32 s13, $0xA;
	s9 =	sadd.s32 $0xFFFFFFFF, s12  }
0xc0: {  	s1 =	smul.u32 @!p3 $0x5, s1;
	s7 =	sand.u32 $0x3F, s7;
	p1 =	sgt.u32 s9, $0x8B  }
0xc1: {  	s12 =	sadd.s32 $0x2, s9;
	s7 =	smul.u32 $0x5, s7;
	s13 =	sadd.s32 @!p1 $0x4, s0  }
0xc2: {  	s9 =	smul.u32 $0xAB, s0;
	s1 =	ssub.s32 @!p3 s11, s1;
	s17 =	sand.u32 @!p1 $0xFF, s13  }
0xc3: {  	s1 =	sand.u32 @!p3 $0xFF, s1;
	s7 =	ssub.s32 s0, s7;
	s11 =	smul.u32 @!p1 $0xAB, s17  }
0xc4: {  	s14 =	sshrl.u32 s9, $0xA;
	s1 =	sadd.s32 @!p3 $0x6, s1;
	s7 =	sand.u32 $0xFF, s7  }
0xc5: {  	s9 =	sadd.s32 @!p2 $0x5, s0;
	s30 =	sadd.s32 $0x1, s7;
	_ =	swait.ge @!p3 [sflag:s1], $0x2400  }
0xc6: {  	s15 =	smul.u32 $0x9000, s7;
	s11 =	sshrl.u32 @!p1 s11, $0xA;
	[sflag:s1] =	ssyncset.done @!p3 $0x0  }
0xc7: {  	s14 =	sand.u32 $0x3F, s14;
	s16 =	smul.u32 @!p1 $0x6, s11;
	[sflag:s1] =	ssyncadd.s32 @!p3 $0xFFFFDC00  }
0xc8: {  	s14 =	smul.u32 $0x6, s14;
	s11 =	sshrl.u32 s15, $0x2;
	p3 =	seq.s32 s12, $0x91  }
0xc9: {  	s15 =	sand.u32 @!p2 $0xFF, s9;
	s1 =	simm.s32 @!p2 $0x0;
	s16 =	ssub.s32 @!p1 s13, s16  }
.Ltmp7:
0xca: {  	s7 =	sadd.s32 $0x6, s7;
	s16 =	sand.u32 @!p1 $0xFF, s16;
	(pc) =	sbr.rel @!p3 .LBB2_3-.Ltmp7, $4  }
0xcb: {  	s0 =	ssub.s32 s0, s14;
	s18 =	smul.u32 @!p2 $0xAB, s15;
	s15 =	sadd.s32 @!p1 $0xB, s16  }
0xcc: {  	s14 =	smov.u32 s19;
	s0 =	sand.u32 $0xFF, s0;
	s16 =	sshll.u32 @!p1 s16, $0x8  }
0xcd: {  	s24 =	sshll.u32 s0, $0x8;
	s0 =	smul.u32 @!p1 $0xCD, s17;
	s18 =	sshrl.u32 @!p2 s18, $0xA  }
0xce: {  	p4 =	por p2, p2;
	s24 =	sor.u32 $0x80, s24;
	s17 =	smul.u32 @!p2 $0x6, s18  }
.Ltmp8:
0xcf: {  	_ = 	snop;
	(pc) =	sbr.rel .LBB2_4-.Ltmp8, $1  }
0xd0: {  	_ =	sdelay $0x3  }
.LBB2_9:
0xd1: {  	_ =	sfence.sel $0x180000  }
0xd2: {  	[bflag:$0x0] =	sbarrier.arrive $0xFFFF  }
0xd3: {  	_ =	strace $0x90000050  }
0xd4: {  	s0 =	stileid.u32;
	[bflag:$0x2] =	sbarrier.arrive $0xFFFF  }
0xd5: {  	p0 =	sne.s32 s0, $0x0;
	s0 =	rddreg [dreg:$0x3]  }
0xd6: {  	s0 =	sadd.s32 @!p0 $0x100000, s0  }
0xd7: {  	[sflag:s0] =	ssyncadd.tile.s32 @!p0 $0x1;
	_ =	shalt  }
.Lfunc_end2:
_tile_overlayer_lowered:
.L_overlay_start_2:
0xd8: {  	(tag) =	ssettag $0x2  }
0xd9: {  	s0 =	rddreg [dreg:$0x0];
	s2 =	stileid.u32  }
0xda: {  	s1 =	rddreg [dreg:$0x1];
	p0 =	sne.s32 s2, $0x0  }
0xdb: {  	s3 =	rddreg [dreg:$0x2];
	[bflag:$0x3] =	sbarrier.arrive $0xFFFF;
	s2 =	simm.s32 @!p0 $0x1C11  }
0xdc: {  	[timem:s3], [sflag:s2] =	dma.local @!p0 [hbm:s0], s1  }
0xdd: {  	s0 =	simm.s32 @!p0 $0x11  }
0xde: {  	_ =	swait.ge @!p0 [sflag:s0], s1  }
0xdf: {  	s1 =	ssub.s32 @!p0 $0x0, s1;
	[sflag:s0] =	ssyncset.done @!p0 $0x0  }
0xe0: {  	[sflag:s0] =	ssyncadd.s32 @!p0 s1  }
0xe1: {  	[bflag:$0x3] =	sbarrier.arrive $0xFFFF  }
0xe2: {  	_ =	shalt  }

</sc_bundles>
